<compile_context>
chip_gen: v7x
topology: tpu7x:2x2x1
jax: 0.10.2.dev20260603
libtpu: 0.0.44.dev20260713+nightly
codegen_flags: <defaults>
</compile_context>

<pallas_src>
import functools

import jax
import jax.numpy as jnp
from jax import lax
from jax.experimental import pallas as pl
from jax.experimental.pallas import tpu as pltpu
from jax.experimental.pallas import tpu_sc as plsc

NA = 10000
NP = 320000
F = 128
PF = 16

NC = 2
NS = 16
NW = NC * NS
PER_TILE = NP // NW
CH = 80
NCHUNK = PER_TILE // CH

OCH = 80
N_OCH = NA // OCH


def _atoms_body(af, w1, w2, bap, waa, baa, t1, aa):
    x = af[...]
    u = jnp.dot(x, w1[...], preferred_element_type=jnp.float32)
    v = jnp.dot(x, w2[...], preferred_element_type=jnp.float32) + bap[...]
    ub = lax.bitcast_convert_type(u.astype(jnp.bfloat16),
                                  jnp.uint16).astype(jnp.uint32)
    vb = lax.bitcast_convert_type(v.astype(jnp.bfloat16),
                                  jnp.uint16).astype(jnp.uint32)
    t1[...] = (ub | (vb << 16)).astype(jnp.int32)
    aa[...] = jnp.maximum(
        jnp.dot(x, waa[...], preferred_element_type=jnp.float32) + baa[...], 0.0)


def _atoms_stage(atom_features, w1, w2, bap, waa, baa):
    blk = 2000
    return pl.pallas_call(
        _atoms_body,
        grid=(NA // blk,),
        in_specs=[
            pl.BlockSpec((blk, F), lambda i: (i, 0)),
            pl.BlockSpec((F, F), lambda i: (0, 0)),
            pl.BlockSpec((F, F), lambda i: (0, 0)),
            pl.BlockSpec((1, F), lambda i: (0, 0)),
            pl.BlockSpec((F, F), lambda i: (0, 0)),
            pl.BlockSpec((1, F), lambda i: (0, 0)),
        ],
        out_specs=[
            pl.BlockSpec((blk, F), lambda i: (i, 0)),
            pl.BlockSpec((blk, F), lambda i: (i, 0)),
        ],
        out_shape=[
            jax.ShapeDtypeStruct((NA, F), jnp.int32),
            jax.ShapeDtypeStruct((NA, F), jnp.float32),
        ],
    )(atom_features, w1, w2, bap, waa, baa)


_DN_T = (((0,), (0,)), ((), ()))


def _pa_body(pft, wpa, bpa, pa):
    pa[...] = jnp.maximum(
        lax.dot_general(pft[...], wpa[...], _DN_T,
                        preferred_element_type=jnp.float32)
        + bpa[...], 0.0)


def _pa_stage(pair_features_t, wpa, bpa):
    blk = 2560
    return pl.pallas_call(
        _pa_body,
        grid=(NP // blk,),
        in_specs=[
            pl.BlockSpec((PF, blk), lambda i: (0, i)),
            pl.BlockSpec((PF, F), lambda i: (0, 0)),
            pl.BlockSpec((1, F), lambda i: (0, 0)),
        ],
        out_specs=pl.BlockSpec((blk, F), lambda i: (i, 0)),
        out_shape=jax.ShapeDtypeStruct((NP, F), jnp.float32),
    )(pair_features_t, wpa, bpa)


def _sc_gather_body(uv1_hbm, ij_hbm, g_hbm,
                    iiall_v, jjall_v,
                    wi0, wj0, out0, wi1, wj1, out1,
                    gsem0, gsem1, osem0, osem1):
    cid = lax.axis_index("c")
    sid = lax.axis_index("s")
    wid = sid * NC + cid
    base = wid * PER_TILE

    pltpu.sync_copy(ij_hbm.at[pl.ds(base, PER_TILE)], iiall_v)
    pltpu.sync_copy(ij_hbm.at[pl.ds(NP + base, PER_TILE)], jjall_v)

    bufs = ((wi0, wj0, out0, gsem0, osem0), (wi1, wj1, out1, gsem1, osem1))

    def issue(k, b):
        wi, wj, _, gsem, _ = b
        c0 = k * CH
        pltpu.async_copy(uv1_hbm.at[iiall_v.at[pl.ds(c0, CH)]], wi, gsem)
        pltpu.async_copy(uv1_hbm.at[jjall_v.at[pl.ds(c0, CH)]], wj, gsem)

    def compute(k, b):
        wi, wj, out, gsem, osem = b
        c0 = k * CH
        off = base + c0
        pltpu.make_async_copy(uv1_hbm.at[iiall_v.at[pl.ds(c0, CH)]], wi,
                              gsem).wait()
        pltpu.make_async_copy(uv1_hbm.at[jjall_v.at[pl.ds(c0, CH)]], wj,
                              gsem).wait()

        @pl.when(k >= 2)
        def _():
            pltpu.make_async_copy(out, g_hbm.at[pl.ds(off, CH)], osem).wait()

        @plsc.parallel_loop(0, CH, 1, unroll=2)
        def pair(p):
            for h in range(F // 16):
                s = h * 16
                a = wi[p, pl.ds(s, 16)]
                bv = wj[p, pl.ds(s, 16)]
                ui = lax.bitcast_convert_type(a << 16, jnp.float32)
                vpi = lax.bitcast_convert_type(a & jnp.int32(-65536),
                                               jnp.float32)
                uj = lax.bitcast_convert_type(bv << 16, jnp.float32)
                vpj = lax.bitcast_convert_type(bv & jnp.int32(-65536),
                                               jnp.float32)
                out[p, pl.ds(s, 16)] = (jnp.maximum(ui + vpj, 0.0)
                                        + jnp.maximum(uj + vpi, 0.0))
        pltpu.async_copy(out, g_hbm.at[pl.ds(off, CH)], osem)

    issue(0, bufs[0])

    def body(m, carry):
        k0 = 2 * m
        issue(k0 + 1, bufs[1])
        compute(k0, bufs[0])
        issue(k0 + 2, bufs[0])
        compute(k0 + 1, bufs[1])
        return carry

    lax.fori_loop(0, (NCHUNK - 1) // 2, body, 0, unroll=False)
    compute(NCHUNK - 1, bufs[0])

    pltpu.make_async_copy(out0, g_hbm.at[pl.ds(base, CH)], osem0).wait()
    pltpu.make_async_copy(out1, g_hbm.at[pl.ds(base, CH)], osem1).wait()


_sc_gather = functools.partial(
    pl.kernel,
    out_type=jax.ShapeDtypeStruct((NP, F), jnp.float32),
    mesh=plsc.VectorSubcoreMesh(core_axis_name="c", subcore_axis_name="s"),
    scratch_types=[
        pltpu.VMEM((PER_TILE,), jnp.int32),
        pltpu.VMEM((PER_TILE,), jnp.int32),
        pltpu.VMEM((CH, F), jnp.int32),
        pltpu.VMEM((CH, F), jnp.int32),
        pltpu.VMEM((CH, F), jnp.float32),
        pltpu.VMEM((CH, F), jnp.int32),
        pltpu.VMEM((CH, F), jnp.int32),
        pltpu.VMEM((CH, F), jnp.float32),
        pltpu.SemaphoreType.DMA,
        pltpu.SemaphoreType.DMA,
        pltpu.SemaphoreType.DMA,
        pltpu.SemaphoreType.DMA,
    ],
)(_sc_gather_body)


def _sc_segsum_body(pa_hbm, split_hbm, out_hbm, acc_sh,
                    rows0_v, seg0_v, rows1_v, seg1_v, zbuf_v, lsem0, lsem1):
    cid = lax.axis_index("c")
    sid = lax.axis_index("s")
    wid = sid * NC + cid

    def zrow(p, c):
        for h in range(F // 16):
            zbuf_v[p, pl.ds(h * 16, 16)] = jnp.zeros((16,), jnp.float32)
        return c

    lax.fori_loop(0, OCH, zrow, 0, unroll=False)
    for z in range((N_OCH + NS - 1) // NS):
        cidx = sid + NS * z
        @pl.when(cidx < N_OCH)
        def _():
            pltpu.sync_copy(zbuf_v, acc_sh.at[pl.ds(cidx * OCH, OCH)])
    plsc.subcore_barrier()

    base = wid * PER_TILE
    bufs = ((rows0_v, seg0_v, lsem0), (rows1_v, seg1_v, lsem1))

    def issue(k, b):
        rows, seg, lsem = b
        off = base + k * CH
        pltpu.async_copy(pa_hbm.at[pl.ds(off, CH)], rows, lsem)
        pltpu.async_copy(split_hbm.at[pl.ds(off, CH)], seg, lsem)

    def scatter(k, b):
        rows, seg, lsem = b
        off = base + k * CH
        pltpu.make_async_copy(pa_hbm.at[pl.ds(off, CH)], rows, lsem).wait()
        pltpu.make_async_copy(split_hbm.at[pl.ds(off, CH)], seg, lsem).wait()
        pltpu.sync_copy(rows, acc_sh.at[seg], add=True)

    issue(0, bufs[0])

    def chunk2(m, carry):
        k0 = 2 * m
        issue(k0 + 1, bufs[1])
        scatter(k0, bufs[0])
        issue(k0 + 2, bufs[0])
        scatter(k0 + 1, bufs[1])
        return carry

    lax.fori_loop(0, (NCHUNK - 1) // 2, chunk2, 0, unroll=False)
    scatter(NCHUNK - 1, bufs[0])
    plsc.subcore_barrier()

    for z in range((N_OCH + NS - 1) // NS):
        cidx = sid + NS * z
        @pl.when(cidx < N_OCH)
        def _():
            r0 = cidx * OCH
            pltpu.sync_copy(acc_sh.at[pl.ds(r0, OCH)], zbuf_v)
            pltpu.sync_copy(zbuf_v, out_hbm.at[cid, pl.ds(r0, OCH)])


_sc_segsum = functools.partial(
    pl.kernel,
    out_type=jax.ShapeDtypeStruct((NC, NA, F), jnp.float32),
    mesh=plsc.VectorSubcoreMesh(core_axis_name="c", subcore_axis_name="s"),
    scratch_types=[
        pltpu.VMEM_SHARED((NA, F), jnp.float32),
        pltpu.VMEM((CH, F), jnp.float32),
        pltpu.VMEM((CH,), jnp.int32),
        pltpu.VMEM((CH, F), jnp.float32),
        pltpu.VMEM((CH,), jnp.int32),
        pltpu.VMEM((OCH, F), jnp.float32),
        pltpu.SemaphoreType.DMA,
        pltpu.SemaphoreType.DMA,
    ],
)(_sc_segsum_body)


def _pairout_body(g, pft, wpp, bpp, wp1, wp2, bp, p_out):
    pp = jnp.maximum(
        lax.dot_general(pft[...], wpp[...], _DN_T,
                        preferred_element_type=jnp.float32)
        + bpp[...], 0.0)
    acc = jnp.dot(g[...].astype(jnp.bfloat16), wp1[...],
                  preferred_element_type=jnp.float32)
    acc = acc + jnp.dot(pp.astype(jnp.bfloat16), wp2[...],
                        preferred_element_type=jnp.float32)
    p_out[...] = jnp.maximum(acc + bp[...], 0.0)


def _pairout_stage(g, pair_features_t, wpp, bpp, wp1, wp2, bp):
    blk = 3200
    return pl.pallas_call(
        _pairout_body,
        grid=(NP // blk,),
        in_specs=[
            pl.BlockSpec((blk, F), lambda i: (i, 0)),
            pl.BlockSpec((PF, blk), lambda i: (0, i)),
            pl.BlockSpec((PF, F), lambda i: (0, 0)),
            pl.BlockSpec((1, F), lambda i: (0, 0)),
            pl.BlockSpec((F, F), lambda i: (0, 0)),
            pl.BlockSpec((F, F), lambda i: (0, 0)),
            pl.BlockSpec((1, F), lambda i: (0, 0)),
        ],
        out_specs=pl.BlockSpec((blk, F), lambda i: (i, 0)),
        out_shape=jax.ShapeDtypeStruct((NP, F), jnp.float32),
    )(g, pair_features_t, wpp, bpp, wp1, wp2, bp)


def _atomout_body(aa, parts, wa, ba, a_out):
    pa = parts[0] + parts[1]
    acc = jnp.dot(aa[...], wa[0:F, :], preferred_element_type=jnp.float32)
    acc = acc + jnp.dot(pa, wa[F:2 * F, :], preferred_element_type=jnp.float32)
    a_out[...] = jnp.maximum(acc + ba[...], 0.0)


def _atomout_stage(aa, parts, wa, ba):
    blk = 2000
    return pl.pallas_call(
        _atomout_body,
        grid=(NA // blk,),
        in_specs=[
            pl.BlockSpec((blk, F), lambda i: (i, 0)),
            pl.BlockSpec((NC, blk, F), lambda i: (0, i, 0)),
            pl.BlockSpec((2 * F, F), lambda i: (0, 0)),
            pl.BlockSpec((1, F), lambda i: (0, 0)),
        ],
        out_specs=pl.BlockSpec((blk, F), lambda i: (i, 0)),
        out_shape=jax.ShapeDtypeStruct((NA, F), jnp.float32),
    )(aa, parts, wa, ba)


def kernel(atom_features, pair_features, pair_split, atom_to_pair,
           W_AA, b_AA, W_PA, b_PA, W_A, b_A, W_AP, b_AP, W_PP, b_PP,
           W_P, b_P):
    t1, aa = _atoms_stage(atom_features, W_AP[:F, :], W_AP[F:, :],
                          b_AP.reshape(1, F), W_AA, b_AA.reshape(1, F))
    pft = pair_features.T
    pa = _pa_stage(pft, W_PA, b_PA.reshape(1, F))
    g = _sc_gather(t1, atom_to_pair.T.reshape(-1))
    pa, g = lax.optimization_barrier((pa, g))
    parts = _sc_segsum(pa, pair_split)
    p_out = _pairout_stage(g, pft, W_PP, b_PP.reshape(1, F),
                           W_P[:F, :].astype(jnp.bfloat16),
                           W_P[F:, :].astype(jnp.bfloat16),
                           b_P.reshape(1, F))
    a_out = _atomout_stage(aa, parts, W_A, b_A.reshape(1, F))
    return (a_out, p_out)

# --- scband reference (transcript-rebuilt; emitter-appended) ---
"""Pipeline reference for scband-weave-layer-8890582303108 (READ-ONLY COPY).

The authoritative reference and input builder live on the scoring server;
editing this copy changes nothing except your own understanding.
"""

import jax, jax.numpy as jnp
import numpy as np

N_ATOMS = 10000
N_PAIRS = 320000
N_ATOM_FEAT = 128
N_PAIR_FEAT = 16
H = 128  # all hidden dims
N_ATOM_OUT = 128
N_PAIR_OUT = 128


def _glorot(key, shape):
    fan_in, fan_out = shape
    limit = float(np.sqrt(6.0 / (fan_in + fan_out)))
    return jax.random.uniform(key, shape, jnp.float32, -limit, limit)


def setup_inputs(seed: int = 0) -> dict:
    key = jax.random.key(seed)
    ks = jax.random.split(key, 12)
    atom_features = jax.random.normal(ks[0], (N_ATOMS, N_ATOM_FEAT), dtype=jnp.float32)
    pair_features = jax.random.normal(ks[1], (N_PAIRS, N_PAIR_FEAT), dtype=jnp.float32)
    pair_split = jnp.sort(jax.random.randint(ks[2], (N_PAIRS,), 0, N_ATOMS, dtype=jnp.int32))
    atom_to_pair = jax.random.randint(ks[3], (N_PAIRS, 2), 0, N_ATOMS, dtype=jnp.int32)
    # Learned parameters (built in WeaveLayer.build)
    W_AA = _glorot(ks[4], (N_ATOM_FEAT, H)); b_AA = jnp.zeros((H,), jnp.float32)
    W_PA = _glorot(ks[5], (N_PAIR_FEAT, H)); b_PA = jnp.zeros((H,), jnp.float32)
    W_A = _glorot(ks[6], (2 * H, N_ATOM_OUT)); b_A = jnp.zeros((N_ATOM_OUT,), jnp.float32)
    W_AP = _glorot(ks[7], (2 * N_ATOM_FEAT, H)); b_AP = jnp.zeros((H,), jnp.float32)
    W_PP = _glorot(ks[8], (N_PAIR_FEAT, H)); b_PP = jnp.zeros((H,), jnp.float32)
    W_P = _glorot(ks[9], (2 * H, N_PAIR_OUT)); b_P = jnp.zeros((N_PAIR_OUT,), jnp.float32)
    return {
        'atom_features': atom_features,
        'pair_features': pair_features,
        'pair_split': pair_split,
        'atom_to_pair': atom_to_pair,
        'W_AA': W_AA, 'b_AA': b_AA,
        'W_PA': W_PA, 'b_PA': b_PA,
        'W_A': W_A, 'b_A': b_A,
        'W_AP': W_AP, 'b_AP': b_AP,
        'W_PP': W_PP, 'b_PP': b_PP,
        'W_P': W_P, 'b_P': b_P,
    }


def reference(atom_features, pair_features, pair_split, atom_to_pair,
              W_AA, b_AA, W_PA, b_PA, W_A, b_A, W_AP, b_AP, W_PP, b_PP, W_P, b_P):
    act = jax.nn.relu
    # atom -> atom
    AA = act(atom_features @ W_AA + b_AA)
    # pair -> atom (per-pair transform then segment-sum onto atoms)
    PA = act(pair_features @ W_PA + b_PA)
    PA = jax.ops.segment_sum(PA, pair_split, num_segments=N_ATOMS)
    A = act(jnp.concatenate([AA, PA], axis=1) @ W_A + b_A)
    # atom -> pair (both orderings share W_AP)
    gathered_ij = jnp.take(atom_features, atom_to_pair, axis=0).reshape(-1, 2 * N_ATOM_FEAT)
    AP_ij = act(gathered_ij @ W_AP + b_AP)
    gathered_ji = jnp.take(atom_features, atom_to_pair[:, ::-1], axis=0).reshape(-1, 2 * N_ATOM_FEAT)
    AP_ji = act(gathered_ji @ W_AP + b_AP)
    # pair -> pair
    PP = act(pair_features @ W_PP + b_PP)
    P = act(jnp.concatenate([AP_ij + AP_ji, PP], axis=1) @ W_P + b_P)
    return (A, P)

if __name__ == "__main__":
    import jax
    _d = setup_inputs()
    print(jax.jit(kernel)(*tuple(_d.values())))

</pallas_src>

<mosaic_0001>
#map = affine_map<(d0, d1) -> (0, 0)>
#map1 = affine_map<(d0, d1) -> (0)>
module attributes {stable_mosaic.version = 14 : i64} {
  func.func @_sc_gather_body(%arg0: i32, %arg1: i32, %arg2: memref<10000x128xi32, #tpu.memory_space<hbm>>, %arg3: memref<640000xi32, #tpu.memory_space<hbm>>, %arg4: memref<320000x128xf32, #tpu.memory_space<hbm>>, %arg5: memref<10000xi32, #tpu.memory_space<vmem>>, %arg6: memref<10000xi32, #tpu.memory_space<vmem>>, %arg7: memref<80x128xi32, #tpu.memory_space<vmem>>, %arg8: memref<80x128xi32, #tpu.memory_space<vmem>>, %arg9: memref<80x128xf32, #tpu.memory_space<vmem>>, %arg10: memref<80x128xi32, #tpu.memory_space<vmem>>, %arg11: memref<80x128xi32, #tpu.memory_space<vmem>>, %arg12: memref<80x128xf32, #tpu.memory_space<vmem>>, %arg13: memref<!tpu.dma_semaphore, #tpu.memory_space<semaphore_mem>>, %arg14: memref<!tpu.dma_semaphore, #tpu.memory_space<semaphore_mem>>, %arg15: memref<!tpu.dma_semaphore, #tpu.memory_space<semaphore_mem>>, %arg16: memref<!tpu.dma_semaphore, #tpu.memory_space<semaphore_mem>>) attributes {dimension_semantics = [#tpu.dimension_semantics<core_parallel>, #tpu.dimension_semantics<subcore_parallel>], iteration_bounds = array<i64: 2, 16>, scalar_prefetch = 0 : i64, scratch_operands = 12 : i64, tpu.core_type = #tpu.core_type<sc_vector_subcore>, window_params = [{transform_indices = #map}, {transform_indices = #map1}, {transform_indices = #map}]} {
    %mul3A = arith.constant 2 : i32
    %mul3A_0 = arith.muli %arg1, %mul3A : i32
    %add3A = arith.addi %mul3A_0, %arg0 : i32
    %mul3A_1 = arith.constant 10000 : i32
    %mul3A_2 = arith.muli %add3A, %mul3A_1 : i32
    "tpu.region"() ({
      %run_scoped3A = tpu.sem_alloc : memref<!tpu.dma_semaphore, #tpu.memory_space<semaphore_mem>>
      %dma_start3A_48 = tpu.memref_slice %arg3[%mul3A_2] : memref<640000xi32, #tpu.memory_space<hbm>> -> memref<10000xi32, #tpu.memory_space<hbm>>
      %dma_start3A_49 = tpu.memref_slice %arg3[%mul3A_2] : memref<640000xi32, #tpu.memory_space<hbm>> -> memref<10000xi32, #tpu.memory_space<hbm>>
      tpu.enqueue_dma source(%dma_start3A_49 : memref<10000xi32, #tpu.memory_space<hbm>>) target(%arg5 : memref<10000xi32, #tpu.memory_space<vmem>>) target_semaphore(%run_scoped3A : memref<!tpu.dma_semaphore, #tpu.memory_space<semaphore_mem>>)
      %dma_wait3A_50 = tpu.memref_slice %arg3[%mul3A_2] : memref<640000xi32, #tpu.memory_space<hbm>> -> memref<10000xi32, #tpu.memory_space<hbm>>
      %dma_wait3A_51 = tpu.memref_slice %arg3[%mul3A_2] : memref<640000xi32, #tpu.memory_space<hbm>> -> memref<10000xi32, #tpu.memory_space<hbm>>
      tpu.wait_dma2 semaphore(%run_scoped3A : memref<!tpu.dma_semaphore, #tpu.memory_space<semaphore_mem>>) src(%dma_wait3A_51 : memref<10000xi32, #tpu.memory_space<hbm>>) dst(%arg5 : memref<10000xi32, #tpu.memory_space<vmem>>)
      tpu.yield
    }) : () -> ()
    %add3A_3 = arith.constant 320000 : i32
    %add3A_4 = arith.addi %add3A_3, %mul3A_2 : i32
    "tpu.region"() ({
      %run_scoped3A = tpu.sem_alloc : memref<!tpu.dma_semaphore, #tpu.memory_space<semaphore_mem>>
      %dma_start3A_48 = tpu.memref_slice %arg3[%add3A_4] : memref<640000xi32, #tpu.memory_space<hbm>> -> memref<10000xi32, #tpu.memory_space<hbm>>
      %dma_start3A_49 = tpu.memref_slice %arg3[%add3A_4] : memref<640000xi32, #tpu.memory_space<hbm>> -> memref<10000xi32, #tpu.memory_space<hbm>>
      tpu.enqueue_dma source(%dma_start3A_49 : memref<10000xi32, #tpu.memory_space<hbm>>) target(%arg6 : memref<10000xi32, #tpu.memory_space<vmem>>) target_semaphore(%run_scoped3A : memref<!tpu.dma_semaphore, #tpu.memory_space<semaphore_mem>>)
      %dma_wait3A_50 = tpu.memref_slice %arg3[%add3A_4] : memref<640000xi32, #tpu.memory_space<hbm>> -> memref<10000xi32, #tpu.memory_space<hbm>>
      %dma_wait3A_51 = tpu.memref_slice %arg3[%add3A_4] : memref<640000xi32, #tpu.memory_space<hbm>> -> memref<10000xi32, #tpu.memory_space<hbm>>
      tpu.wait_dma2 semaphore(%run_scoped3A : memref<!tpu.dma_semaphore, #tpu.memory_space<semaphore_mem>>) src(%dma_wait3A_51 : memref<10000xi32, #tpu.memory_space<hbm>>) dst(%arg6 : memref<10000xi32, #tpu.memory_space<vmem>>)
      tpu.yield
    }) : () -> ()
    %dma_start3A = arith.constant 0 : i32
    %dma_start3A_5 = tpu.memref_slice %arg5[%dma_start3A] : memref<10000xi32, #tpu.memory_space<vmem>> -> memref<80xi32, #tpu.memory_space<vmem>>
    %dma_start3A_6 = arith.constant 0 : i32
    %dma_start3A_7 = arith.constant 0 : i32
    %dma_start3A_8 = tpu.memref_slice %arg2[%dma_start3A_6, %dma_start3A_7] : memref<10000x128xi32, #tpu.memory_space<hbm>> -> memref<10000x128xi32, #tpu.memory_space<hbm>>
    tpu.enqueue_indirect_dma source(%dma_start3A_8 : memref<10000x128xi32, #tpu.memory_space<hbm>>) target(%arg7 : memref<80x128xi32, #tpu.memory_space<vmem>>) offsets(%dma_start3A_5 : memref<80xi32, #tpu.memory_space<vmem>>) semaphore(%arg13 : memref<!tpu.dma_semaphore, #tpu.memory_space<semaphore_mem>>)
    %dma_start3A_9 = arith.constant 0 : i32
    %dma_start3A_10 = tpu.memref_slice %arg6[%dma_start3A_9] : memref<10000xi32, #tpu.memory_space<vmem>> -> memref<80xi32, #tpu.memory_space<vmem>>
    %dma_start3A_11 = arith.constant 0 : i32
    %dma_start3A_12 = arith.constant 0 : i32
    %dma_start3A_13 = tpu.memref_slice %arg2[%dma_start3A_11, %dma_start3A_12] : memref<10000x128xi32, #tpu.memory_space<hbm>> -> memref<10000x128xi32, #tpu.memory_space<hbm>>
    tpu.enqueue_indirect_dma source(%dma_start3A_13 : memref<10000x128xi32, #tpu.memory_space<hbm>>) target(%arg8 : memref<80x128xi32, #tpu.memory_space<vmem>>) offsets(%dma_start3A_10 : memref<80xi32, #tpu.memory_space<vmem>>) semaphore(%arg13 : memref<!tpu.dma_semaphore, #tpu.memory_space<semaphore_mem>>)
    %scan3A = arith.constant 0 : i32
    %scan3A_14 = arith.constant 0 : i32
    %scan3A_15 = arith.constant 62 : i32
    %scan3A_16 = arith.addi %scan3A_14, %scan3A_15 : i32
    %scan3A_17 = arith.constant 1 : i32
    scf.for %scan3A_48 = %scan3A_14 to %scan3A_16 step %scan3A_17  : i32 {
      %mul3A_49 = arith.constant 2 : i32
      %mul3A_50 = arith.muli %mul3A_49, %scan3A_48 : i32
      %add3A_51 = arith.constant 1 : i32
      %add3A_52 = arith.addi %mul3A_50, %add3A_51 : i32
      %mul3A_53 = arith.constant 80 : i32
      %mul3A_54 = arith.muli %add3A_52, %mul3A_53 : i32
      %dma_start3A_55 = tpu.memref_slice %arg5[%mul3A_54] : memref<10000xi32, #tpu.memory_space<vmem>> -> memref<80xi32, #tpu.memory_space<vmem>>
      %dma_start3A_56 = arith.constant 0 : i32
      %dma_start3A_57 = arith.constant 0 : i32
      %dma_start3A_58 = tpu.memref_slice %arg2[%dma_start3A_56, %dma_start3A_57] : memref<10000x128xi32, #tpu.memory_space<hbm>> -> memref<10000x128xi32, #tpu.memory_space<hbm>>
      tpu.enqueue_indirect_dma source(%dma_start3A_58 : memref<10000x128xi32, #tpu.memory_space<hbm>>) target(%arg10 : memref<80x128xi32, #tpu.memory_space<vmem>>) offsets(%dma_start3A_55 : memref<80xi32, #tpu.memory_space<vmem>>) semaphore(%arg14 : memref<!tpu.dma_semaphore, #tpu.memory_space<semaphore_mem>>)
      %dma_start3A_59 = tpu.memref_slice %arg6[%mul3A_54] : memref<10000xi32, #tpu.memory_space<vmem>> -> memref<80xi32, #tpu.memory_space<vmem>>
      %dma_start3A_60 = arith.constant 0 : i32
      %dma_start3A_61 = arith.constant 0 : i32
      %dma_start3A_62 = tpu.memref_slice %arg2[%dma_start3A_60, %dma_start3A_61] : memref<10000x128xi32, #tpu.memory_space<hbm>> -> memref<10000x128xi32, #tpu.memory_space<hbm>>
      tpu.enqueue_indirect_dma source(%dma_start3A_62 : memref<10000x128xi32, #tpu.memory_space<hbm>>) target(%arg11 : memref<80x128xi32, #tpu.memory_space<vmem>>) offsets(%dma_start3A_59 : memref<80xi32, #tpu.memory_space<vmem>>) semaphore(%arg14 : memref<!tpu.dma_semaphore, #tpu.memory_space<semaphore_mem>>)
      %mul3A_63 = arith.constant 80 : i32
      %mul3A_64 = arith.muli %mul3A_50, %mul3A_63 : i32
      %add3A_65 = arith.addi %mul3A_2, %mul3A_64 : i32
      %dma_wait3A_66 = tpu.memref_slice %arg5[%mul3A_64] : memref<10000xi32, #tpu.memory_space<vmem>> -> memref<80xi32, #tpu.memory_space<vmem>>
      %dma_wait3A_67 = arith.constant 0 : i32
      %dma_wait3A_68 = arith.constant 0 : i32
      %dma_wait3A_69 = tpu.memref_slice %arg2[%dma_wait3A_67, %dma_wait3A_68] : memref<10000x128xi32, #tpu.memory_space<hbm>> -> memref<10000x128xi32, #tpu.memory_space<hbm>>
      tpu.wait_indirect_dma semaphore(%arg13 : memref<!tpu.dma_semaphore, #tpu.memory_space<semaphore_mem>>) src(%dma_wait3A_69 : memref<10000x128xi32, #tpu.memory_space<hbm>>) dst(%arg7 : memref<80x128xi32, #tpu.memory_space<vmem>>)
      %dma_wait3A_70 = tpu.memref_slice %arg6[%mul3A_64] : memref<10000xi32, #tpu.memory_space<vmem>> -> memref<80xi32, #tpu.memory_space<vmem>>
      %dma_wait3A_71 = arith.constant 0 : i32
      %dma_wait3A_72 = arith.constant 0 : i32
      %dma_wait3A_73 = tpu.memref_slice %arg2[%dma_wait3A_71, %dma_wait3A_72] : memref<10000x128xi32, #tpu.memory_space<hbm>> -> memref<10000x128xi32, #tpu.memory_space<hbm>>
      tpu.wait_indirect_dma semaphore(%arg13 : memref<!tpu.dma_semaphore, #tpu.memory_space<semaphore_mem>>) src(%dma_wait3A_73 : memref<10000x128xi32, #tpu.memory_space<hbm>>) dst(%arg8 : memref<80x128xi32, #tpu.memory_space<vmem>>)
      %ge3A = arith.constant 2 : i32
      %ge3A_74 = arith.cmpi sge, %mul3A_50, %ge3A : i32
      %convert_element_type3A = arith.extui %ge3A_74 : i1 to i32
      %cond3A = arith.constant 0 : i32
      %cond3A_75 = arith.cmpi ne, %convert_element_type3A, %cond3A : i32
      scf.if %cond3A_75 {
        %dma_wait3A_120 = arith.constant 0 : i32
        %dma_wait3A_121 = tpu.memref_slice %arg4[%add3A_65, %dma_wait3A_120] : memref<320000x128xf32, #tpu.memory_space<hbm>> -> memref<80x128xf32, #tpu.memory_space<hbm>>
        %dma_wait3A_122 = arith.constant 0 : i32
        %dma_wait3A_123 = tpu.memref_slice %arg4[%add3A_65, %dma_wait3A_122] : memref<320000x128xf32, #tpu.memory_space<hbm>> -> memref<80x128xf32, #tpu.memory_space<hbm>>
        tpu.wait_dma2 semaphore(%arg15 : memref<!tpu.dma_semaphore, #tpu.memory_space<semaphore_mem>>) src(%arg9 : memref<80x128xf32, #tpu.memory_space<vmem>>) dst(%dma_wait3A_123 : memref<80x128xf32, #tpu.memory_space<hbm>>)
      } else {
      }
      %parallel_loop3A_76 = arith.constant 0 : i32
      %parallel_loop3A_77 = arith.constant 80 : i32
      %parallel_loop3A_78 = arith.constant 1 : i32
      scf.for %parallel_loop3A_120 = %parallel_loop3A_76 to %parallel_loop3A_77 step %parallel_loop3A_78  : i32 {
        %parallel_loop3A_121 = arith.index_cast %parallel_loop3A_120 : i32 to index
        %parallel_loop3A_122 = arith.constant 0 : index
        %parallel_loop3A_123 = tpu.vector_load %arg7[%parallel_loop3A_121, %parallel_loop3A_122] {strides = array<i32>} : memref<80x128xi32, #tpu.memory_space<vmem>>, vector<1x16xi32>,
        %parallel_loop3A_124 = vector.shape_cast %parallel_loop3A_123 : vector<1x16xi32> to vector<16xi32>
        %parallel_loop3A_125 = arith.index_cast %parallel_loop3A_120 : i32 to index
        %parallel_loop3A_126 = arith.constant 0 : index
        %parallel_loop3A_127 = tpu.vector_load %arg8[%parallel_loop3A_125, %parallel_loop3A_126] {strides = array<i32>} : memref<80x128xi32, #tpu.memory_space<vmem>>, vector<1x16xi32>,
        %parallel_loop3A_128 = vector.shape_cast %parallel_loop3A_127 : vector<1x16xi32> to vector<16xi32>
        %parallel_loop3A_129 = arith.constant 16 : i32
        %parallel_loop3A_130 = vector.broadcast %parallel_loop3A_129 : i32 to vector<16xi32>
        %parallel_loop3A_131 = arith.shli %parallel_loop3A_124, %parallel_loop3A_130 : vector<16xi32>
        %parallel_loop3A_132 = tpu.bitcast %parallel_loop3A_131 : vector<16xi32> -> vector<16xf32>
        %parallel_loop3A_133 = arith.constant -65536 : i32
        %parallel_loop3A_134 = vector.broadcast %parallel_loop3A_133 : i32 to vector<16xi32>
        %parallel_loop3A_135 = arith.andi %parallel_loop3A_124, %parallel_loop3A_134 : vector<16xi32>
        %parallel_loop3A_136 = tpu.bitcast %parallel_loop3A_135 : vector<16xi32> -> vector<16xf32>
        %parallel_loop3A_137 = arith.constant 16 : i32
        %parallel_loop3A_138 = vector.broadcast %parallel_loop3A_137 : i32 to vector<16xi32>
        %parallel_loop3A_139 = arith.shli %parallel_loop3A_128, %parallel_loop3A_138 : vector<16xi32>
        %parallel_loop3A_140 = tpu.bitcast %parallel_loop3A_139 : vector<16xi32> -> vector<16xf32>
        %parallel_loop3A_141 = arith.constant -65536 : i32
        %parallel_loop3A_142 = vector.broadcast %parallel_loop3A_141 : i32 to vector<16xi32>
        %parallel_loop3A_143 = arith.andi %parallel_loop3A_128, %parallel_loop3A_142 : vector<16xi32>
        %parallel_loop3A_144 = tpu.bitcast %parallel_loop3A_143 : vector<16xi32> -> vector<16xf32>
        %parallel_loop3A_145 = arith.addf %parallel_loop3A_132, %parallel_loop3A_144 : vector<16xf32>
        %parallel_loop3A_146 = arith.constant 0.000000e+00 : f32
        %parallel_loop3A_147 = vector.broadcast %parallel_loop3A_146 : f32 to vector<16xf32>
        %parallel_loop3A_148 = arith.maximumf %parallel_loop3A_145, %parallel_loop3A_147 : vector<16xf32>
        %parallel_loop3A_149 = arith.addf %parallel_loop3A_140, %parallel_loop3A_136 : vector<16xf32>
        %parallel_loop3A_150 = arith.constant 0.000000e+00 : f32
        %parallel_loop3A_151 = vector.broadcast %parallel_loop3A_150 : f32 to vector<16xf32>
        %parallel_loop3A_152 = arith.maximumf %parallel_loop3A_149, %parallel_loop3A_151 : vector<16xf32>
        %parallel_loop3A_153 = arith.addf %parallel_loop3A_148, %parallel_loop3A_152 : vector<16xf32>
        %parallel_loop3A_154 = arith.index_cast %parallel_loop3A_120 : i32 to index
        %parallel_loop3A_155 = arith.constant 0 : index
        %parallel_loop3A_156 = tpu.vector_load %arg9[%parallel_loop3A_154, %parallel_loop3A_155] {strides = array<i32>} : memref<80x128xf32, #tpu.memory_space<vmem>>, vector<1x16xf32>,
        %parallel_loop3A_157 = vector.shape_cast %parallel_loop3A_156 : vector<1x16xf32> to vector<16xf32>
        %parallel_loop3A_158 = vector.shape_cast %parallel_loop3A_153 : vector<16xf32> to vector<1x16xf32>
        tpu.vector_store %arg9[%parallel_loop3A_154, %parallel_loop3A_155], %parallel_loop3A_158 {strides = array<i32>} : memref<80x128xf32, #tpu.memory_space<vmem>>, vector<1x16xf32>,
        %parallel_loop3A_159 = arith.index_cast %parallel_loop3A_120 : i32 to index
        %parallel_loop3A_160 = arith.constant 16 : index
        %parallel_loop3A_161 = tpu.vector_load %arg7[%parallel_loop3A_159, %parallel_loop3A_160] {strides = array<i32>} : memref<80x128xi32, #tpu.memory_space<vmem>>, vector<1x16xi32>,
        %parallel_loop3A_162 = vector.shape_cast %parallel_loop3A_161 : vector<1x16xi32> to vector<16xi32>
        %parallel_loop3A_163 = arith.index_cast %parallel_loop3A_120 : i32 to index
        %parallel_loop3A_164 = arith.constant 16 : index
        %parallel_loop3A_165 = tpu.vector_load %arg8[%parallel_loop3A_163, %parallel_loop3A_164] {strides = array<i32>} : memref<80x128xi32, #tpu.memory_space<vmem>>, vector<1x16xi32>,
        %parallel_loop3A_166 = vector.shape_cast %parallel_loop3A_165 : vector<1x16xi32> to vector<16xi32>
        %parallel_loop3A_167 = arith.constant 16 : i32
        %parallel_loop3A_168 = vector.broadcast %parallel_loop3A_167 : i32 to vector<16xi32>
        %parallel_loop3A_169 = arith.shli %parallel_loop3A_162, %parallel_loop3A_168 : vector<16xi32>
        %parallel_loop3A_170 = tpu.bitcast %parallel_loop3A_169 : vector<16xi32> -> vector<16xf32>
        %parallel_loop3A_171 = arith.constant -65536 : i32
        %parallel_loop3A_172 = vector.broadcast %parallel_loop3A_171 : i32 to vector<16xi32>
        %parallel_loop3A_173 = arith.andi %parallel_loop3A_162, %parallel_loop3A_172 : vector<16xi32>
        %parallel_loop3A_174 = tpu.bitcast %parallel_loop3A_173 : vector<16xi32> -> vector<16xf32>
        %parallel_loop3A_175 = arith.constant 16 : i32
        %parallel_loop3A_176 = vector.broadcast %parallel_loop3A_175 : i32 to vector<16xi32>
        %parallel_loop3A_177 = arith.shli %parallel_loop3A_166, %parallel_loop3A_176 : vector<16xi32>
        %parallel_loop3A_178 = tpu.bitcast %parallel_loop3A_177 : vector<16xi32> -> vector<16xf32>
        %parallel_loop3A_179 = arith.constant -65536 : i32
        %parallel_loop3A_180 = vector.broadcast %parallel_loop3A_179 : i32 to vector<16xi32>
        %parallel_loop3A_181 = arith.andi %parallel_loop3A_166, %parallel_loop3A_180 : vector<16xi32>
        %parallel_loop3A_182 = tpu.bitcast %parallel_loop3A_181 : vector<16xi32> -> vector<16xf32>
        %parallel_loop3A_183 = arith.addf %parallel_loop3A_170, %parallel_loop3A_182 : vector<16xf32>
        %parallel_loop3A_184 = arith.constant 0.000000e+00 : f32
        %parallel_loop3A_185 = vector.broadcast %parallel_loop3A_184 : f32 to vector<16xf32>
        %parallel_loop3A_186 = arith.maximumf %parallel_loop3A_183, %parallel_loop3A_185 : vector<16xf32>
        %parallel_loop3A_187 = arith.addf %parallel_loop3A_178, %parallel_loop3A_174 : vector<16xf32>
        %parallel_loop3A_188 = arith.constant 0.000000e+00 : f32
        %parallel_loop3A_189 = vector.broadcast %parallel_loop3A_188 : f32 to vector<16xf32>
        %parallel_loop3A_190 = arith.maximumf %parallel_loop3A_187, %parallel_loop3A_189 : vector<16xf32>
        %parallel_loop3A_191 = arith.addf %parallel_loop3A_186, %parallel_loop3A_190 : vector<16xf32>
        %parallel_loop3A_192 = arith.index_cast %parallel_loop3A_120 : i32 to index
        %parallel_loop3A_193 = arith.constant 16 : index
        %parallel_loop3A_194 = tpu.vector_load %arg9[%parallel_loop3A_192, %parallel_loop3A_193] {strides = array<i32>} : memref<80x128xf32, #tpu.memory_space<vmem>>, vector<1x16xf32>,
        %parallel_loop3A_195 = vector.shape_cast %parallel_loop3A_194 : vector<1x16xf32> to vector<16xf32>
        %parallel_loop3A_196 = vector.shape_cast %parallel_loop3A_191 : vector<16xf32> to vector<1x16xf32>
        tpu.vector_store %arg9[%parallel_loop3A_192, %parallel_loop3A_193], %parallel_loop3A_196 {strides = array<i32>} : memref<80x128xf32, #tpu.memory_space<vmem>>, vector<1x16xf32>,
        %parallel_loop3A_197 = arith.index_cast %parallel_loop3A_120 : i32 to index
        %parallel_loop3A_198 = arith.constant 32 : index
        %parallel_loop3A_199 = tpu.vector_load %arg7[%parallel_loop3A_197, %parallel_loop3A_198] {strides = array<i32>} : memref<80x128xi32, #tpu.memory_space<vmem>>, vector<1x16xi32>,
        %parallel_loop3A_200 = vector.shape_cast %parallel_loop3A_199 : vector<1x16xi32> to vector<16xi32>
        %parallel_loop3A_201 = arith.index_cast %parallel_loop3A_120 : i32 to index
        %parallel_loop3A_202 = arith.constant 32 : index
        %parallel_loop3A_203 = tpu.vector_load %arg8[%parallel_loop3A_201, %parallel_loop3A_202] {strides = array<i32>} : memref<80x128xi32, #tpu.memory_space<vmem>>, vector<1x16xi32>,
        %parallel_loop3A_204 = vector.shape_cast %parallel_loop3A_203 : vector<1x16xi32> to vector<16xi32>
        %parallel_loop3A_205 = arith.constant 16 : i32
        %parallel_loop3A_206 = vector.broadcast %parallel_loop3A_205 : i32 to vector<16xi32>
        %parallel_loop3A_207 = arith.shli %parallel_loop3A_200, %parallel_loop3A_206 : vector<16xi32>
        %parallel_loop3A_208 = tpu.bitcast %parallel_loop3A_207 : vector<16xi32> -> vector<16xf32>
        %parallel_loop3A_209 = arith.constant -65536 : i32
        %parallel_loop3A_210 = vector.broadcast %parallel_loop3A_209 : i32 to vector<16xi32>
        %parallel_loop3A_211 = arith.andi %parallel_loop3A_200, %parallel_loop3A_210 : vector<16xi32>
        %parallel_loop3A_212 = tpu.bitcast %parallel_loop3A_211 : vector<16xi32> -> vector<16xf32>
        %parallel_loop3A_213 = arith.constant 16 : i32
        %parallel_loop3A_214 = vector.broadcast %parallel_loop3A_213 : i32 to vector<16xi32>
        %parallel_loop3A_215 = arith.shli %parallel_loop3A_204, %parallel_loop3A_214 : vector<16xi32>
        %parallel_loop3A_216 = tpu.bitcast %parallel_loop3A_215 : vector<16xi32> -> vector<16xf32>
        %parallel_loop3A_217 = arith.constant -65536 : i32
        %parallel_loop3A_218 = vector.broadcast %parallel_loop3A_217 : i32 to vector<16xi32>
        %parallel_loop3A_219 = arith.andi %parallel_loop3A_204, %parallel_loop3A_218 : vector<16xi32>
        %parallel_loop3A_220 = tpu.bitcast %parallel_loop3A_219 : vector<16xi32> -> vector<16xf32>
        %parallel_loop3A_221 = arith.addf %parallel_loop3A_208, %parallel_loop3A_220 : vector<16xf32>
        %parallel_loop3A_222 = arith.constant 0.000000e+00 : f32
        %parallel_loop3A_223 = vector.broadcast %parallel_loop3A_222 : f32 to vector<16xf32>
        %parallel_loop3A_224 = arith.maximumf %parallel_loop3A_221, %parallel_loop3A_223 : vector<16xf32>
        %parallel_loop3A_225 = arith.addf %parallel_loop3A_216, %parallel_loop3A_212 : vector<16xf32>
        %parallel_loop3A_226 = arith.constant 0.000000e+00 : f32
        %parallel_loop3A_227 = vector.broadcast %parallel_loop3A_226 : f32 to vector<16xf32>
        %parallel_loop3A_228 = arith.maximumf %parallel_loop3A_225, %parallel_loop3A_227 : vector<16xf32>
        %parallel_loop3A_229 = arith.addf %parallel_loop3A_224, %parallel_loop3A_228 : vector<16xf32>
        %parallel_loop3A_230 = arith.index_cast %parallel_loop3A_120 : i32 to index
        %parallel_loop3A_231 = arith.constant 32 : index
        %parallel_loop3A_232 = tpu.vector_load %arg9[%parallel_loop3A_230, %parallel_loop3A_231] {strides = array<i32>} : memref<80x128xf32, #tpu.memory_space<vmem>>, vector<1x16xf32>,
        %parallel_loop3A_233 = vector.shape_cast %parallel_loop3A_232 : vector<1x16xf32> to vector<16xf32>
        %parallel_loop3A_234 = vector.shape_cast %parallel_loop3A_229 : vector<16xf32> to vector<1x16xf32>
        tpu.vector_store %arg9[%parallel_loop3A_230, %parallel_loop3A_231], %parallel_loop3A_234 {strides = array<i32>} : memref<80x128xf32, #tpu.memory_space<vmem>>, vector<1x16xf32>,
        %parallel_loop3A_235 = arith.index_cast %parallel_loop3A_120 : i32 to index
        %parallel_loop3A_236 = arith.constant 48 : index
        %parallel_loop3A_237 = tpu.vector_load %arg7[%parallel_loop3A_235, %parallel_loop3A_236] {strides = array<i32>} : memref<80x128xi32, #tpu.memory_space<vmem>>, vector<1x16xi32>,
        %parallel_loop3A_238 = vector.shape_cast %parallel_loop3A_237 : vector<1x16xi32> to vector<16xi32>
        %parallel_loop3A_239 = arith.index_cast %parallel_loop3A_120 : i32 to index
        %parallel_loop3A_240 = arith.constant 48 : index
        %parallel_loop3A_241 = tpu.vector_load %arg8[%parallel_loop3A_239, %parallel_loop3A_240] {strides = array<i32>} : memref<80x128xi32, #tpu.memory_space<vmem>>, vector<1x16xi32>,
        %parallel_loop3A_242 = vector.shape_cast %parallel_loop3A_241 : vector<1x16xi32> to vector<16xi32>
        %parallel_loop3A_243 = arith.constant 16 : i32
        %parallel_loop3A_244 = vector.broadcast %parallel_loop3A_243 : i32 to vector<16xi32>
        %parallel_loop3A_245 = arith.shli %parallel_loop3A_238, %parallel_loop3A_244 : vector<16xi32>
        %parallel_loop3A_246 = tpu.bitcast %parallel_loop3A_245 : vector<16xi32> -> vector<16xf32>
        %parallel_loop3A_247 = arith.constant -65536 : i32
        %parallel_loop3A_248 = vector.broadcast %parallel_loop3A_247 : i32 to vector<16xi32>
        %parallel_loop3A_249 = arith.andi %parallel_loop3A_238, %parallel_loop3A_248 : vector<16xi32>
        %parallel_loop3A_250 = tpu.bitcast %parallel_loop3A_249 : vector<16xi32> -> vector<16xf32>
        %parallel_loop3A_251 = arith.constant 16 : i32
        %parallel_loop3A_252 = vector.broadcast %parallel_loop3A_251 : i32 to vector<16xi32>
        %parallel_loop3A_253 = arith.shli %parallel_loop3A_242, %parallel_loop3A_252 : vector<16xi32>
        %parallel_loop3A_254 = tpu.bitcast %parallel_loop3A_253 : vector<16xi32> -> vector<16xf32>
        %parallel_loop3A_255 = arith.constant -65536 : i32
        %parallel_loop3A_256 = vector.broadcast %parallel_loop3A_255 : i32 to vector<16xi32>
        %parallel_loop3A_257 = arith.andi %parallel_loop3A_242, %parallel_loop3A_256 : vector<16xi32>
        %parallel_loop3A_258 = tpu.bitcast %parallel_loop3A_257 : vector<16xi32> -> vector<16xf32>
        %parallel_loop3A_259 = arith.addf %parallel_loop3A_246, %parallel_loop3A_258 : vector<16xf32>
        %parallel_loop3A_260 = arith.constant 0.000000e+00 : f32
        %parallel_loop3A_261 = vector.broadcast %parallel_loop3A_260 : f32 to vector<16xf32>
        %parallel_loop3A_262 = arith.maximumf %parallel_loop3A_259, %parallel_loop3A_261 : vector<16xf32>
        %parallel_loop3A_263 = arith.addf %parallel_loop3A_254, %parallel_loop3A_250 : vector<16xf32>
        %parallel_loop3A_264 = arith.constant 0.000000e+00 : f32
        %parallel_loop3A_265 = vector.broadcast %parallel_loop3A_264 : f32 to vector<16xf32>
        %parallel_loop3A_266 = arith.maximumf %parallel_loop3A_263, %parallel_loop3A_265 : vector<16xf32>
        %parallel_loop3A_267 = arith.addf %parallel_loop3A_262, %parallel_loop3A_266 : vector<16xf32>
        %parallel_loop3A_268 = arith.index_cast %parallel_loop3A_120 : i32 to index
        %parallel_loop3A_269 = arith.constant 48 : index
        %parallel_loop3A_270 = tpu.vector_load %arg9[%parallel_loop3A_268, %parallel_loop3A_269] {strides = array<i32>} : memref<80x128xf32, #tpu.memory_space<vmem>>, vector<1x16xf32>,
        %parallel_loop3A_271 = vector.shape_cast %parallel_loop3A_270 : vector<1x16xf32> to vector<16xf32>
        %parallel_loop3A_272 = vector.shape_cast %parallel_loop3A_267 : vector<16xf32> to vector<1x16xf32>
        tpu.vector_store %arg9[%parallel_loop3A_268, %parallel_loop3A_269], %parallel_loop3A_272 {strides = array<i32>} : memref<80x128xf32, #tpu.memory_space<vmem>>, vector<1x16xf32>,
        %parallel_loop3A_273 = arith.index_cast %parallel_loop3A_120 : i32 to index
        %parallel_loop3A_274 = arith.constant 64 : index
        %parallel_loop3A_275 = tpu.vector_load %arg7[%parallel_loop3A_273, %parallel_loop3A_274] {strides = array<i32>} : memref<80x128xi32, #tpu.memory_space<vmem>>, vector<1x16xi32>,
        %parallel_loop3A_276 = vector.shape_cast %parallel_loop3A_275 : vector<1x16xi32> to vector<16xi32>
        %parallel_loop3A_277 = arith.index_cast %parallel_loop3A_120 : i32 to index
        %parallel_loop3A_278 = arith.constant 64 : index
        %parallel_loop3A_279 = tpu.vector_load %arg8[%parallel_loop3A_277, %parallel_loop3A_278] {strides = array<i32>} : memref<80x128xi32, #tpu.memory_space<vmem>>, vector<1x16xi32>,
        %parallel_loop3A_280 = vector.shape_cast %parallel_loop3A_279 : vector<1x16xi32> to vector<16xi32>
        %parallel_loop3A_281 = arith.constant 16 : i32
        %parallel_loop3A_282 = vector.broadcast %parallel_loop3A_281 : i32 to vector<16xi32>
        %parallel_loop3A_283 = arith.shli %parallel_loop3A_276, %parallel_loop3A_282 : vector<16xi32>
        %parallel_loop3A_284 = tpu.bitcast %parallel_loop3A_283 : vector<16xi32> -> vector<16xf32>
        %parallel_loop3A_285 = arith.constant -65536 : i32
        %parallel_loop3A_286 = vector.broadcast %parallel_loop3A_285 : i32 to vector<16xi32>
        %parallel_loop3A_287 = arith.andi %parallel_loop3A_276, %parallel_loop3A_286 : vector<16xi32>
        %parallel_loop3A_288 = tpu.bitcast %parallel_loop3A_287 : vector<16xi32> -> vector<16xf32>
        %parallel_loop3A_289 = arith.constant 16 : i32
        %parallel_loop3A_290 = vector.broadcast %parallel_loop3A_289 : i32 to vector<16xi32>
        %parallel_loop3A_291 = arith.shli %parallel_loop3A_280, %parallel_loop3A_290 : vector<16xi32>
        %parallel_loop3A_292 = tpu.bitcast %parallel_loop3A_291 : vector<16xi32> -> vector<16xf32>
        %parallel_loop3A_293 = arith.constant -65536 : i32
        %parallel_loop3A_294 = vector.broadcast %parallel_loop3A_293 : i32 to vector<16xi32>
        %parallel_loop3A_295 = arith.andi %parallel_loop3A_280, %parallel_loop3A_294 : vector<16xi32>
        %parallel_loop3A_296 = tpu.bitcast %parallel_loop3A_295 : vector<16xi32> -> vector<16xf32>
        %parallel_loop3A_297 = arith.addf %parallel_loop3A_284, %parallel_loop3A_296 : vector<16xf32>
        %parallel_loop3A_298 = arith.constant 0.000000e+00 : f32
        %parallel_loop3A_299 = vector.broadcast %parallel_loop3A_298 : f32 to vector<16xf32>
        %parallel_loop3A_300 = arith.maximumf %parallel_loop3A_297, %parallel_loop3A_299 : vector<16xf32>
        %parallel_loop3A_301 = arith.addf %parallel_loop3A_292, %parallel_loop3A_288 : vector<16xf32>
        %parallel_loop3A_302 = arith.constant 0.000000e+00 : f32
        %parallel_loop3A_303 = vector.broadcast %parallel_loop3A_302 : f32 to vector<16xf32>
        %parallel_loop3A_304 = arith.maximumf %parallel_loop3A_301, %parallel_loop3A_303 : vector<16xf32>
        %parallel_loop3A_305 = arith.addf %parallel_loop3A_300, %parallel_loop3A_304 : vector<16xf32>
        %parallel_loop3A_306 = arith.index_cast %parallel_loop3A_120 : i32 to index
        %parallel_loop3A_307 = arith.constant 64 : index
        %parallel_loop3A_308 = tpu.vector_load %arg9[%parallel_loop3A_306, %parallel_loop3A_307] {strides = array<i32>} : memref<80x128xf32, #tpu.memory_space<vmem>>, vector<1x16xf32>,
        %parallel_loop3A_309 = vector.shape_cast %parallel_loop3A_308 : vector<1x16xf32> to vector<16xf32>
        %parallel_loop3A_310 = vector.shape_cast %parallel_loop3A_305 : vector<16xf32> to vector<1x16xf32>
        tpu.vector_store %arg9[%parallel_loop3A_306, %parallel_loop3A_307], %parallel_loop3A_310 {strides = array<i32>} : memref<80x128xf32, #tpu.memory_space<vmem>>, vector<1x16xf32>,
        %parallel_loop3A_311 = arith.index_cast %parallel_loop3A_120 : i32 to index
        %parallel_loop3A_312 = arith.constant 80 : index
        %parallel_loop3A_313 = tpu.vector_load %arg7[%parallel_loop3A_311, %parallel_loop3A_312] {strides = array<i32>} : memref<80x128xi32, #tpu.memory_space<vmem>>, vector<1x16xi32>,
        %parallel_loop3A_314 = vector.shape_cast %parallel_loop3A_313 : vector<1x16xi32> to vector<16xi32>
        %parallel_loop3A_315 = arith.index_cast %parallel_loop3A_120 : i32 to index
        %parallel_loop3A_316 = arith.constant 80 : index
        %parallel_loop3A_317 = tpu.vector_load %arg8[%parallel_loop3A_315, %parallel_loop3A_316] {strides = array<i32>} : memref<80x128xi32, #tpu.memory_space<vmem>>, vector<1x16xi32>,
        %parallel_loop3A_318 = vector.shape_cast %parallel_loop3A_317 : vector<1x16xi32> to vector<16xi32>
        %parallel_loop3A_319 = arith.constant 16 : i32
        %parallel_loop3A_320 = vector.broadcast %parallel_loop3A_319 : i32 to vector<16xi32>
        %parallel_loop3A_321 = arith.shli %parallel_loop3A_314, %parallel_loop3A_320 : vector<16xi32>
        %parallel_loop3A_322 = tpu.bitcast %parallel_loop3A_321 : vector<16xi32> -> vector<16xf32>
        %parallel_loop3A_323 = arith.constant -65536 : i32
        %parallel_loop3A_324 = vector.broadcast %parallel_loop3A_323 : i32 to vector<16xi32>
        %parallel_loop3A_325 = arith.andi %parallel_loop3A_314, %parallel_loop3A_324 : vector<16xi32>
        %parallel_loop3A_326 = tpu.bitcast %parallel_loop3A_325 : vector<16xi32> -> vector<16xf32>
        %parallel_loop3A_327 = arith.constant 16 : i32
        %parallel_loop3A_328 = vector.broadcast %parallel_loop3A_327 : i32 to vector<16xi32>
        %parallel_loop3A_329 = arith.shli %parallel_loop3A_318, %parallel_loop3A_328 : vector<16xi32>
        %parallel_loop3A_330 = tpu.bitcast %parallel_loop3A_329 : vector<16xi32> -> vector<16xf32>
        %parallel_loop3A_331 = arith.constant -65536 : i32
        %parallel_loop3A_332 = vector.broadcast %parallel_loop3A_331 : i32 to vector<16xi32>
        %parallel_loop3A_333 = arith.andi %parallel_loop3A_318, %parallel_loop3A_332 : vector<16xi32>
        %parallel_loop3A_334 = tpu.bitcast %parallel_loop3A_333 : vector<16xi32> -> vector<16xf32>
        %parallel_loop3A_335 = arith.addf %parallel_loop3A_322, %parallel_loop3A_334 : vector<16xf32>
        %parallel_loop3A_336 = arith.constant 0.000000e+00 : f32
        %parallel_loop3A_337 = vector.broadcast %parallel_loop3A_336 : f32 to vector<16xf32>
        %parallel_loop3A_338 = arith.maximumf %parallel_loop3A_335, %parallel_loop3A_337 : vector<16xf32>
        %parallel_loop3A_339 = arith.addf %parallel_loop3A_330, %parallel_loop3A_326 : vector<16xf32>
        %parallel_loop3A_340 = arith.constant 0.000000e+00 : f32
        %parallel_loop3A_341 = vector.broadcast %parallel_loop3A_340 : f32 to vector<16xf32>
        %parallel_loop3A_342 = arith.maximumf %parallel_loop3A_339, %parallel_loop3A_341 : vector<16xf32>
        %parallel_loop3A_343 = arith.addf %parallel_loop3A_338, %parallel_loop3A_342 : vector<16xf32>
        %parallel_loop3A_344 = arith.index_cast %parallel_loop3A_120 : i32 to index
        %parallel_loop3A_345 = arith.constant 80 : index
        %parallel_loop3A_346 = tpu.vector_load %arg9[%parallel_loop3A_344, %parallel_loop3A_345] {strides = array<i32>} : memref<80x128xf32, #tpu.memory_space<vmem>>, vector<1x16xf32>,
        %parallel_loop3A_347 = vector.shape_cast %parallel_loop3A_346 : vector<1x16xf32> to vector<16xf32>
        %parallel_loop3A_348 = vector.shape_cast %parallel_loop3A_343 : vector<16xf32> to vector<1x16xf32>
        tpu.vector_store %arg9[%parallel_loop3A_344, %parallel_loop3A_345], %parallel_loop3A_348 {strides = array<i32>} : memref<80x128xf32, #tpu.memory_space<vmem>>, vector<1x16xf32>,
        %parallel_loop3A_349 = arith.index_cast %parallel_loop3A_120 : i32 to index
        %parallel_loop3A_350 = arith.constant 96 : index
        %parallel_loop3A_351 = tpu.vector_load %arg7[%parallel_loop3A_349, %parallel_loop3A_350] {strides = array<i32>} : memref<80x128xi32, #tpu.memory_space<vmem>>, vector<1x16xi32>,
        %parallel_loop3A_352 = vector.shape_cast %parallel_loop3A_351 : vector<1x16xi32> to vector<16xi32>
        %parallel_loop3A_353 = arith.index_cast %parallel_loop3A_120 : i32 to index
        %parallel_loop3A_354 = arith.constant 96 : index
        %parallel_loop3A_355 = tpu.vector_load %arg8[%parallel_loop3A_353, %parallel_loop3A_354] {strides = array<i32>} : memref<80x128xi32, #tpu.memory_space<vmem>>, vector<1x16xi32>,
        %parallel_loop3A_356 = vector.shape_cast %parallel_loop3A_355 : vector<1x16xi32> to vector<16xi32>
        %parallel_loop3A_357 = arith.constant 16 : i32
        %parallel_loop3A_358 = vector.broadcast %parallel_loop3A_357 : i32 to vector<16xi32>
        %parallel_loop3A_359 = arith.shli %parallel_loop3A_352, %parallel_loop3A_358 : vector<16xi32>
        %parallel_loop3A_360 = tpu.bitcast %parallel_loop3A_359 : vector<16xi32> -> vector<16xf32>
        %parallel_loop3A_361 = arith.constant -65536 : i32
        %parallel_loop3A_362 = vector.broadcast %parallel_loop3A_361 : i32 to vector<16xi32>
        %parallel_loop3A_363 = arith.andi %parallel_loop3A_352, %parallel_loop3A_362 : vector<16xi32>
        %parallel_loop3A_364 = tpu.bitcast %parallel_loop3A_363 : vector<16xi32> -> vector<16xf32>
        %parallel_loop3A_365 = arith.constant 16 : i32
        %parallel_loop3A_366 = vector.broadcast %parallel_loop3A_365 : i32 to vector<16xi32>
        %parallel_loop3A_367 = arith.shli %parallel_loop3A_356, %parallel_loop3A_366 : vector<16xi32>
        %parallel_loop3A_368 = tpu.bitcast %parallel_loop3A_367 : vector<16xi32> -> vector<16xf32>
        %parallel_loop3A_369 = arith.constant -65536 : i32
        %parallel_loop3A_370 = vector.broadcast %parallel_loop3A_369 : i32 to vector<16xi32>
        %parallel_loop3A_371 = arith.andi %parallel_loop3A_356, %parallel_loop3A_370 : vector<16xi32>
        %parallel_loop3A_372 = tpu.bitcast %parallel_loop3A_371 : vector<16xi32> -> vector<16xf32>
        %parallel_loop3A_373 = arith.addf %parallel_loop3A_360, %parallel_loop3A_372 : vector<16xf32>
        %parallel_loop3A_374 = arith.constant 0.000000e+00 : f32
        %parallel_loop3A_375 = vector.broadcast %parallel_loop3A_374 : f32 to vector<16xf32>
        %parallel_loop3A_376 = arith.maximumf %parallel_loop3A_373, %parallel_loop3A_375 : vector<16xf32>
        %parallel_loop3A_377 = arith.addf %parallel_loop3A_368, %parallel_loop3A_364 : vector<16xf32>
        %parallel_loop3A_378 = arith.constant 0.000000e+00 : f32
        %parallel_loop3A_379 = vector.broadcast %parallel_loop3A_378 : f32 to vector<16xf32>
        %parallel_loop3A_380 = arith.maximumf %parallel_loop3A_377, %parallel_loop3A_379 : vector<16xf32>
        %parallel_loop3A_381 = arith.addf %parallel_loop3A_376, %parallel_loop3A_380 : vector<16xf32>
        %parallel_loop3A_382 = arith.index_cast %parallel_loop3A_120 : i32 to index
        %parallel_loop3A_383 = arith.constant 96 : index
        %parallel_loop3A_384 = tpu.vector_load %arg9[%parallel_loop3A_382, %parallel_loop3A_383] {strides = array<i32>} : memref<80x128xf32, #tpu.memory_space<vmem>>, vector<1x16xf32>,
        %parallel_loop3A_385 = vector.shape_cast %parallel_loop3A_384 : vector<1x16xf32> to vector<16xf32>
        %parallel_loop3A_386 = vector.shape_cast %parallel_loop3A_381 : vector<16xf32> to vector<1x16xf32>
        tpu.vector_store %arg9[%parallel_loop3A_382, %parallel_loop3A_383], %parallel_loop3A_386 {strides = array<i32>} : memref<80x128xf32, #tpu.memory_space<vmem>>, vector<1x16xf32>,
        %parallel_loop3A_387 = arith.index_cast %parallel_loop3A_120 : i32 to index
        %parallel_loop3A_388 = arith.constant 112 : index
        %parallel_loop3A_389 = tpu.vector_load %arg7[%parallel_loop3A_387, %parallel_loop3A_388] {strides = array<i32>} : memref<80x128xi32, #tpu.memory_space<vmem>>, vector<1x16xi32>,
        %parallel_loop3A_390 = vector.shape_cast %parallel_loop3A_389 : vector<1x16xi32> to vector<16xi32>
        %parallel_loop3A_391 = arith.index_cast %parallel_loop3A_120 : i32 to index
        %parallel_loop3A_392 = arith.constant 112 : index
        %parallel_loop3A_393 = tpu.vector_load %arg8[%parallel_loop3A_391, %parallel_loop3A_392] {strides = array<i32>} : memref<80x128xi32, #tpu.memory_space<vmem>>, vector<1x16xi32>,
        %parallel_loop3A_394 = vector.shape_cast %parallel_loop3A_393 : vector<1x16xi32> to vector<16xi32>
        %parallel_loop3A_395 = arith.constant 16 : i32
        %parallel_loop3A_396 = vector.broadcast %parallel_loop3A_395 : i32 to vector<16xi32>
        %parallel_loop3A_397 = arith.shli %parallel_loop3A_390, %parallel_loop3A_396 : vector<16xi32>
        %parallel_loop3A_398 = tpu.bitcast %parallel_loop3A_397 : vector<16xi32> -> vector<16xf32>
        %parallel_loop3A_399 = arith.constant -65536 : i32
        %parallel_loop3A_400 = vector.broadcast %parallel_loop3A_399 : i32 to vector<16xi32>
        %parallel_loop3A_401 = arith.andi %parallel_loop3A_390, %parallel_loop3A_400 : vector<16xi32>
        %parallel_loop3A_402 = tpu.bitcast %parallel_loop3A_401 : vector<16xi32> -> vector<16xf32>
        %parallel_loop3A_403 = arith.constant 16 : i32
        %parallel_loop3A_404 = vector.broadcast %parallel_loop3A_403 : i32 to vector<16xi32>
        %parallel_loop3A_405 = arith.shli %parallel_loop3A_394, %parallel_loop3A_404 : vector<16xi32>
        %parallel_loop3A_406 = tpu.bitcast %parallel_loop3A_405 : vector<16xi32> -> vector<16xf32>
        %parallel_loop3A_407 = arith.constant -65536 : i32
        %parallel_loop3A_408 = vector.broadcast %parallel_loop3A_407 : i32 to vector<16xi32>
        %parallel_loop3A_409 = arith.andi %parallel_loop3A_394, %parallel_loop3A_408 : vector<16xi32>
        %parallel_loop3A_410 = tpu.bitcast %parallel_loop3A_409 : vector<16xi32> -> vector<16xf32>
        %parallel_loop3A_411 = arith.addf %parallel_loop3A_398, %parallel_loop3A_410 : vector<16xf32>
        %parallel_loop3A_412 = arith.constant 0.000000e+00 : f32
        %parallel_loop3A_413 = vector.broadcast %parallel_loop3A_412 : f32 to vector<16xf32>
        %parallel_loop3A_414 = arith.maximumf %parallel_loop3A_411, %parallel_loop3A_413 : vector<16xf32>
        %parallel_loop3A_415 = arith.addf %parallel_loop3A_406, %parallel_loop3A_402 : vector<16xf32>
        %parallel_loop3A_416 = arith.constant 0.000000e+00 : f32
        %parallel_loop3A_417 = vector.broadcast %parallel_loop3A_416 : f32 to vector<16xf32>
        %parallel_loop3A_418 = arith.maximumf %parallel_loop3A_415, %parallel_loop3A_417 : vector<16xf32>
        %parallel_loop3A_419 = arith.addf %parallel_loop3A_414, %parallel_loop3A_418 : vector<16xf32>
        %parallel_loop3A_420 = arith.index_cast %parallel_loop3A_120 : i32 to index
        %parallel_loop3A_421 = arith.constant 112 : index
        %parallel_loop3A_422 = tpu.vector_load %arg9[%parallel_loop3A_420, %parallel_loop3A_421] {strides = array<i32>} : memref<80x128xf32, #tpu.memory_space<vmem>>, vector<1x16xf32>,
        %parallel_loop3A_423 = vector.shape_cast %parallel_loop3A_422 : vector<1x16xf32> to vector<16xf32>
        %parallel_loop3A_424 = vector.shape_cast %parallel_loop3A_419 : vector<16xf32> to vector<1x16xf32>
        tpu.vector_store %arg9[%parallel_loop3A_420, %parallel_loop3A_421], %parallel_loop3A_424 {strides = array<i32>} : memref<80x128xf32, #tpu.memory_space<vmem>>, vector<1x16xf32>,
      } {sc.loop_unroll_factor = 2 : i64, sc.parallel_access}
      %dma_start3A_79 = arith.constant 0 : i32
      %dma_start3A_80 = tpu.memref_slice %arg4[%add3A_65, %dma_start3A_79] : memref<320000x128xf32, #tpu.memory_space<hbm>> -> memref<80x128xf32, #tpu.memory_space<hbm>>
      %dma_start3A_81 = arith.constant 0 : i32
      %dma_start3A_82 = tpu.memref_slice %arg4[%add3A_65, %dma_start3A_81] : memref<320000x128xf32, #tpu.memory_space<hbm>> -> memref<80x128xf32, #tpu.memory_space<hbm>>
      tpu.enqueue_dma source(%arg9 : memref<80x128xf32, #tpu.memory_space<vmem>>) target(%dma_start3A_82 : memref<80x128xf32, #tpu.memory_space<hbm>>) target_semaphore(%arg15 : memref<!tpu.dma_semaphore, #tpu.memory_space<semaphore_mem>>)
      %add3A_83 = arith.constant 2 : i32
      %add3A_84 = arith.addi %mul3A_50, %add3A_83 : i32
      %mul3A_85 = arith.constant 80 : i32
      %mul3A_86 = arith.muli %add3A_84, %mul3A_85 : i32
      %dma_start3A_87 = tpu.memref_slice %arg5[%mul3A_86] : memref<10000xi32, #tpu.memory_space<vmem>> -> memref<80xi32, #tpu.memory_space<vmem>>
      %dma_start3A_88 = arith.constant 0 : i32
      %dma_start3A_89 = arith.constant 0 : i32
      %dma_start3A_90 = tpu.memref_slice %arg2[%dma_start3A_88, %dma_start3A_89] : memref<10000x128xi32, #tpu.memory_space<hbm>> -> memref<10000x128xi32, #tpu.memory_space<hbm>>
      tpu.enqueue_indirect_dma source(%dma_start3A_90 : memref<10000x128xi32, #tpu.memory_space<hbm>>) target(%arg7 : memref<80x128xi32, #tpu.memory_space<vmem>>) offsets(%dma_start3A_87 : memref<80xi32, #tpu.memory_space<vmem>>) semaphore(%arg13 : memref<!tpu.dma_semaphore, #tpu.memory_space<semaphore_mem>>)
      %dma_start3A_91 = tpu.memref_slice %arg6[%mul3A_86] : memref<10000xi32, #tpu.memory_space<vmem>> -> memref<80xi32, #tpu.memory_space<vmem>>
      %dma_start3A_92 = arith.constant 0 : i32
      %dma_start3A_93 = arith.constant 0 : i32
      %dma_start3A_94 = tpu.memref_slice %arg2[%dma_start3A_92, %dma_start3A_93] : memref<10000x128xi32, #tpu.memory_space<hbm>> -> memref<10000x128xi32, #tpu.memory_space<hbm>>
      tpu.enqueue_indirect_dma source(%dma_start3A_94 : memref<10000x128xi32, #tpu.memory_space<hbm>>) target(%arg8 : memref<80x128xi32, #tpu.memory_space<vmem>>) offsets(%dma_start3A_91 : memref<80xi32, #tpu.memory_space<vmem>>) semaphore(%arg13 : memref<!tpu.dma_semaphore, #tpu.memory_space<semaphore_mem>>)
      %add3A_95 = arith.constant 1 : i32
      %add3A_96 = arith.addi %mul3A_50, %add3A_95 : i32
      %mul3A_97 = arith.constant 80 : i32
      %mul3A_98 = arith.muli %add3A_96, %mul3A_97 : i32
      %add3A_99 = arith.addi %mul3A_2, %mul3A_98 : i32
      %dma_wait3A_100 = tpu.memref_slice %arg5[%mul3A_98] : memref<10000xi32, #tpu.memory_space<vmem>> -> memref<80xi32, #tpu.memory_space<vmem>>
      %dma_wait3A_101 = arith.constant 0 : i32
      %dma_wait3A_102 = arith.constant 0 : i32
      %dma_wait3A_103 = tpu.memref_slice %arg2[%dma_wait3A_101, %dma_wait3A_102] : memref<10000x128xi32, #tpu.memory_space<hbm>> -> memref<10000x128xi32, #tpu.memory_space<hbm>>
      tpu.wait_indirect_dma semaphore(%arg14 : memref<!tpu.dma_semaphore, #tpu.memory_space<semaphore_mem>>) src(%dma_wait3A_103 : memref<10000x128xi32, #tpu.memory_space<hbm>>) dst(%arg10 : memref<80x128xi32, #tpu.memory_space<vmem>>)
      %dma_wait3A_104 = tpu.memref_slice %arg6[%mul3A_98] : memref<10000xi32, #tpu.memory_space<vmem>> -> memref<80xi32, #tpu.memory_space<vmem>>
      %dma_wait3A_105 = arith.constant 0 : i32
      %dma_wait3A_106 = arith.constant 0 : i32
      %dma_wait3A_107 = tpu.memref_slice %arg2[%dma_wait3A_105, %dma_wait3A_106] : memref<10000x128xi32, #tpu.memory_space<hbm>> -> memref<10000x128xi32, #tpu.memory_space<hbm>>
      tpu.wait_indirect_dma semaphore(%arg14 : memref<!tpu.dma_semaphore, #tpu.memory_space<semaphore_mem>>) src(%dma_wait3A_107 : memref<10000x128xi32, #tpu.memory_space<hbm>>) dst(%arg11 : memref<80x128xi32, #tpu.memory_space<vmem>>)
      %ge3A_108 = arith.constant 2 : i32
      %ge3A_109 = arith.cmpi sge, %add3A_96, %ge3A_108 : i32
      %convert_element_type3A_110 = arith.extui %ge3A_109 : i1 to i32
      %cond3A_111 = arith.constant 0 : i32
      %cond3A_112 = arith.cmpi ne, %convert_element_type3A_110, %cond3A_111 : i32
      scf.if %cond3A_112 {
        %dma_wait3A_120 = arith.constant 0 : i32
        %dma_wait3A_121 = tpu.memref_slice %arg4[%add3A_99, %dma_wait3A_120] : memref<320000x128xf32, #tpu.memory_space<hbm>> -> memref<80x128xf32, #tpu.memory_space<hbm>>
        %dma_wait3A_122 = arith.constant 0 : i32
        %dma_wait3A_123 = tpu.memref_slice %arg4[%add3A_99, %dma_wait3A_122] : memref<320000x128xf32, #tpu.memory_space<hbm>> -> memref<80x128xf32, #tpu.memory_space<hbm>>
        tpu.wait_dma2 semaphore(%arg16 : memref<!tpu.dma_semaphore, #tpu.memory_space<semaphore_mem>>) src(%arg12 : memref<80x128xf32, #tpu.memory_space<vmem>>) dst(%dma_wait3A_123 : memref<80x128xf32, #tpu.memory_space<hbm>>)
      } else {
      }
      %parallel_loop3A_113 = arith.constant 0 : i32
      %parallel_loop3A_114 = arith.constant 80 : i32
      %parallel_loop3A_115 = arith.constant 1 : i32
      scf.for %parallel_loop3A_120 = %parallel_loop3A_113 to %parallel_loop3A_114 step %parallel_loop3A_115  : i32 {
        %parallel_loop3A_121 = arith.index_cast %parallel_loop3A_120 : i32 to index
        %parallel_loop3A_122 = arith.constant 0 : index
        %parallel_loop3A_123 = tpu.vector_load %arg10[%parallel_loop3A_121, %parallel_loop3A_122] {strides = array<i32>} : memref<80x128xi32, #tpu.memory_space<vmem>>, vector<1x16xi32>,
        %parallel_loop3A_124 = vector.shape_cast %parallel_loop3A_123 : vector<1x16xi32> to vector<16xi32>
        %parallel_loop3A_125 = arith.index_cast %parallel_loop3A_120 : i32 to index
        %parallel_loop3A_126 = arith.constant 0 : index
        %parallel_loop3A_127 = tpu.vector_load %arg11[%parallel_loop3A_125, %parallel_loop3A_126] {strides = array<i32>} : memref<80x128xi32, #tpu.memory_space<vmem>>, vector<1x16xi32>,
        %parallel_loop3A_128 = vector.shape_cast %parallel_loop3A_127 : vector<1x16xi32> to vector<16xi32>
        %parallel_loop3A_129 = arith.constant 16 : i32
        %parallel_loop3A_130 = vector.broadcast %parallel_loop3A_129 : i32 to vector<16xi32>
        %parallel_loop3A_131 = arith.shli %parallel_loop3A_124, %parallel_loop3A_130 : vector<16xi32>
        %parallel_loop3A_132 = tpu.bitcast %parallel_loop3A_131 : vector<16xi32> -> vector<16xf32>
        %parallel_loop3A_133 = arith.constant -65536 : i32
        %parallel_loop3A_134 = vector.broadcast %parallel_loop3A_133 : i32 to vector<16xi32>
        %parallel_loop3A_135 = arith.andi %parallel_loop3A_124, %parallel_loop3A_134 : vector<16xi32>
        %parallel_loop3A_136 = tpu.bitcast %parallel_loop3A_135 : vector<16xi32> -> vector<16xf32>
        %parallel_loop3A_137 = arith.constant 16 : i32
        %parallel_loop3A_138 = vector.broadcast %parallel_loop3A_137 : i32 to vector<16xi32>
        %parallel_loop3A_139 = arith.shli %parallel_loop3A_128, %parallel_loop3A_138 : vector<16xi32>
        %parallel_loop3A_140 = tpu.bitcast %parallel_loop3A_139 : vector<16xi32> -> vector<16xf32>
        %parallel_loop3A_141 = arith.constant -65536 : i32
        %parallel_loop3A_142 = vector.broadcast %parallel_loop3A_141 : i32 to vector<16xi32>
        %parallel_loop3A_143 = arith.andi %parallel_loop3A_128, %parallel_loop3A_142 : vector<16xi32>
        %parallel_loop3A_144 = tpu.bitcast %parallel_loop3A_143 : vector<16xi32> -> vector<16xf32>
        %parallel_loop3A_145 = arith.addf %parallel_loop3A_132, %parallel_loop3A_144 : vector<16xf32>
        %parallel_loop3A_146 = arith.constant 0.000000e+00 : f32
        %parallel_loop3A_147 = vector.broadcast %parallel_loop3A_146 : f32 to vector<16xf32>
        %parallel_loop3A_148 = arith.maximumf %parallel_loop3A_145, %parallel_loop3A_147 : vector<16xf32>
        %parallel_loop3A_149 = arith.addf %parallel_loop3A_140, %parallel_loop3A_136 : vector<16xf32>
        %parallel_loop3A_150 = arith.constant 0.000000e+00 : f32
        %parallel_loop3A_151 = vector.broadcast %parallel_loop3A_150 : f32 to vector<16xf32>
        %parallel_loop3A_152 = arith.maximumf %parallel_loop3A_149, %parallel_loop3A_151 : vector<16xf32>
        %parallel_loop3A_153 = arith.addf %parallel_loop3A_148, %parallel_loop3A_152 : vector<16xf32>
        %parallel_loop3A_154 = arith.index_cast %parallel_loop3A_120 : i32 to index
        %parallel_loop3A_155 = arith.constant 0 : index
        %parallel_loop3A_156 = tpu.vector_load %arg12[%parallel_loop3A_154, %parallel_loop3A_155] {strides = array<i32>} : memref<80x128xf32, #tpu.memory_space<vmem>>, vector<1x16xf32>,
        %parallel_loop3A_157 = vector.shape_cast %parallel_loop3A_156 : vector<1x16xf32> to vector<16xf32>
        %parallel_loop3A_158 = vector.shape_cast %parallel_loop3A_153 : vector<16xf32> to vector<1x16xf32>
        tpu.vector_store %arg12[%parallel_loop3A_154, %parallel_loop3A_155], %parallel_loop3A_158 {strides = array<i32>} : memref<80x128xf32, #tpu.memory_space<vmem>>, vector<1x16xf32>,
        %parallel_loop3A_159 = arith.index_cast %parallel_loop3A_120 : i32 to index
        %parallel_loop3A_160 = arith.constant 16 : index
        %parallel_loop3A_161 = tpu.vector_load %arg10[%parallel_loop3A_159, %parallel_loop3A_160] {strides = array<i32>} : memref<80x128xi32, #tpu.memory_space<vmem>>, vector<1x16xi32>,
        %parallel_loop3A_162 = vector.shape_cast %parallel_loop3A_161 : vector<1x16xi32> to vector<16xi32>
        %parallel_loop3A_163 = arith.index_cast %parallel_loop3A_120 : i32 to index
        %parallel_loop3A_164 = arith.constant 16 : index
        %parallel_loop3A_165 = tpu.vector_load %arg11[%parallel_loop3A_163, %parallel_loop3A_164] {strides = array<i32>} : memref<80x128xi32, #tpu.memory_space<vmem>>, vector<1x16xi32>,
        %parallel_loop3A_166 = vector.shape_cast %parallel_loop3A_165 : vector<1x16xi32> to vector<16xi32>
        %parallel_loop3A_167 = arith.constant 16 : i32
        %parallel_loop3A_168 = vector.broadcast %parallel_loop3A_167 : i32 to vector<16xi32>
        %parallel_loop3A_169 = arith.shli %parallel_loop3A_162, %parallel_loop3A_168 : vector<16xi32>
        %parallel_loop3A_170 = tpu.bitcast %parallel_loop3A_169 : vector<16xi32> -> vector<16xf32>
        %parallel_loop3A_171 = arith.constant -65536 : i32
        %parallel_loop3A_172 = vector.broadcast %parallel_loop3A_171 : i32 to vector<16xi32>
        %parallel_loop3A_173 = arith.andi %parallel_loop3A_162, %parallel_loop3A_172 : vector<16xi32>
        %parallel_loop3A_174 = tpu.bitcast %parallel_loop3A_173 : vector<16xi32> -> vector<16xf32>
        %parallel_loop3A_175 = arith.constant 16 : i32
        %parallel_loop3A_176 = vector.broadcast %parallel_loop3A_175 : i32 to vector<16xi32>
        %parallel_loop3A_177 = arith.shli %parallel_loop3A_166, %parallel_loop3A_176 : vector<16xi32>
        %parallel_loop3A_178 = tpu.bitcast %parallel_loop3A_177 : vector<16xi32> -> vector<16xf32>
        %parallel_loop3A_179 = arith.constant -65536 : i32
        %parallel_loop3A_180 = vector.broadcast %parallel_loop3A_179 : i32 to vector<16xi32>
        %parallel_loop3A_181 = arith.andi %parallel_loop3A_166, %parallel_loop3A_180 : vector<16xi32>
        %parallel_loop3A_182 = tpu.bitcast %parallel_loop3A_181 : vector<16xi32> -> vector<16xf32>
        %parallel_loop3A_183 = arith.addf %parallel_loop3A_170, %parallel_loop3A_182 : vector<16xf32>
        %parallel_loop3A_184 = arith.constant 0.000000e+00 : f32
        %parallel_loop3A_185 = vector.broadcast %parallel_loop3A_184 : f32 to vector<16xf32>
        %parallel_loop3A_186 = arith.maximumf %parallel_loop3A_183, %parallel_loop3A_185 : vector<16xf32>
        %parallel_loop3A_187 = arith.addf %parallel_loop3A_178, %parallel_loop3A_174 : vector<16xf32>
        %parallel_loop3A_188 = arith.constant 0.000000e+00 : f32
        %parallel_loop3A_189 = vector.broadcast %parallel_loop3A_188 : f32 to vector<16xf32>
        %parallel_loop3A_190 = arith.maximumf %parallel_loop3A_187, %parallel_loop3A_189 : vector<16xf32>
        %parallel_loop3A_191 = arith.addf %parallel_loop3A_186, %parallel_loop3A_190 : vector<16xf32>
        %parallel_loop3A_192 = arith.index_cast %parallel_loop3A_120 : i32 to index
        %parallel_loop3A_193 = arith.constant 16 : index
        %parallel_loop3A_194 = tpu.vector_load %arg12[%parallel_loop3A_192, %parallel_loop3A_193] {strides = array<i32>} : memref<80x128xf32, #tpu.memory_space<vmem>>, vector<1x16xf32>,
        %parallel_loop3A_195 = vector.shape_cast %parallel_loop3A_194 : vector<1x16xf32> to vector<16xf32>
        %parallel_loop3A_196 = vector.shape_cast %parallel_loop3A_191 : vector<16xf32> to vector<1x16xf32>
        tpu.vector_store %arg12[%parallel_loop3A_192, %parallel_loop3A_193], %parallel_loop3A_196 {strides = array<i32>} : memref<80x128xf32, #tpu.memory_space<vmem>>, vector<1x16xf32>,
        %parallel_loop3A_197 = arith.index_cast %parallel_loop3A_120 : i32 to index
        %parallel_loop3A_198 = arith.constant 32 : index
        %parallel_loop3A_199 = tpu.vector_load %arg10[%parallel_loop3A_197, %parallel_loop3A_198] {strides = array<i32>} : memref<80x128xi32, #tpu.memory_space<vmem>>, vector<1x16xi32>,
        %parallel_loop3A_200 = vector.shape_cast %parallel_loop3A_199 : vector<1x16xi32> to vector<16xi32>
        %parallel_loop3A_201 = arith.index_cast %parallel_loop3A_120 : i32 to index
        %parallel_loop3A_202 = arith.constant 32 : index
        %parallel_loop3A_203 = tpu.vector_load %arg11[%parallel_loop3A_201, %parallel_loop3A_202] {strides = array<i32>} : memref<80x128xi32, #tpu.memory_space<vmem>>, vector<1x16xi32>,
        %parallel_loop3A_204 = vector.shape_cast %parallel_loop3A_203 : vector<1x16xi32> to vector<16xi32>
        %parallel_loop3A_205 = arith.constant 16 : i32
        %parallel_loop3A_206 = vector.broadcast %parallel_loop3A_205 : i32 to vector<16xi32>
        %parallel_loop3A_207 = arith.shli %parallel_loop3A_200, %parallel_loop3A_206 : vector<16xi32>
        %parallel_loop3A_208 = tpu.bitcast %parallel_loop3A_207 : vector<16xi32> -> vector<16xf32>
        %parallel_loop3A_209 = arith.constant -65536 : i32
        %parallel_loop3A_210 = vector.broadcast %parallel_loop3A_209 : i32 to vector<16xi32>
        %parallel_loop3A_211 = arith.andi %parallel_loop3A_200, %parallel_loop3A_210 : vector<16xi32>
        %parallel_loop3A_212 = tpu.bitcast %parallel_loop3A_211 : vector<16xi32> -> vector<16xf32>
        %parallel_loop3A_213 = arith.constant 16 : i32
        %parallel_loop3A_214 = vector.broadcast %parallel_loop3A_213 : i32 to vector<16xi32>
        %parallel_loop3A_215 = arith.shli %parallel_loop3A_204, %parallel_loop3A_214 : vector<16xi32>
        %parallel_loop3A_216 = tpu.bitcast %parallel_loop3A_215 : vector<16xi32> -> vector<16xf32>
        %parallel_loop3A_217 = arith.constant -65536 : i32
        %parallel_loop3A_218 = vector.broadcast %parallel_loop3A_217 : i32 to vector<16xi32>
        %parallel_loop3A_219 = arith.andi %parallel_loop3A_204, %parallel_loop3A_218 : vector<16xi32>
        %parallel_loop3A_220 = tpu.bitcast %parallel_loop3A_219 : vector<16xi32> -> vector<16xf32>
        %parallel_loop3A_221 = arith.addf %parallel_loop3A_208, %parallel_loop3A_220 : vector<16xf32>
        %parallel_loop3A_222 = arith.constant 0.000000e+00 : f32
        %parallel_loop3A_223 = vector.broadcast %parallel_loop3A_222 : f32 to vector<16xf32>
        %parallel_loop3A_224 = arith.maximumf %parallel_loop3A_221, %parallel_loop3A_223 : vector<16xf32>
        %parallel_loop3A_225 = arith.addf %parallel_loop3A_216, %parallel_loop3A_212 : vector<16xf32>
        %parallel_loop3A_226 = arith.constant 0.000000e+00 : f32
        %parallel_loop3A_227 = vector.broadcast %parallel_loop3A_226 : f32 to vector<16xf32>
        %parallel_loop3A_228 = arith.maximumf %parallel_loop3A_225, %parallel_loop3A_227 : vector<16xf32>
        %parallel_loop3A_229 = arith.addf %parallel_loop3A_224, %parallel_loop3A_228 : vector<16xf32>
        %parallel_loop3A_230 = arith.index_cast %parallel_loop3A_120 : i32 to index
        %parallel_loop3A_231 = arith.constant 32 : index
        %parallel_loop3A_232 = tpu.vector_load %arg12[%parallel_loop3A_230, %parallel_loop3A_231] {strides = array<i32>} : memref<80x128xf32, #tpu.memory_space<vmem>>, vector<1x16xf32>,
        %parallel_loop3A_233 = vector.shape_cast %parallel_loop3A_232 : vector<1x16xf32> to vector<16xf32>
        %parallel_loop3A_234 = vector.shape_cast %parallel_loop3A_229 : vector<16xf32> to vector<1x16xf32>
        tpu.vector_store %arg12[%parallel_loop3A_230, %parallel_loop3A_231], %parallel_loop3A_234 {strides = array<i32>} : memref<80x128xf32, #tpu.memory_space<vmem>>, vector<1x16xf32>,
        %parallel_loop3A_235 = arith.index_cast %parallel_loop3A_120 : i32 to index
        %parallel_loop3A_236 = arith.constant 48 : index
        %parallel_loop3A_237 = tpu.vector_load %arg10[%parallel_loop3A_235, %parallel_loop3A_236] {strides = array<i32>} : memref<80x128xi32, #tpu.memory_space<vmem>>, vector<1x16xi32>,
        %parallel_loop3A_238 = vector.shape_cast %parallel_loop3A_237 : vector<1x16xi32> to vector<16xi32>
        %parallel_loop3A_239 = arith.index_cast %parallel_loop3A_120 : i32 to index
        %parallel_loop3A_240 = arith.constant 48 : index
        %parallel_loop3A_241 = tpu.vector_load %arg11[%parallel_loop3A_239, %parallel_loop3A_240] {strides = array<i32>} : memref<80x128xi32, #tpu.memory_space<vmem>>, vector<1x16xi32>,
        %parallel_loop3A_242 = vector.shape_cast %parallel_loop3A_241 : vector<1x16xi32> to vector<16xi32>
        %parallel_loop3A_243 = arith.constant 16 : i32
        %parallel_loop3A_244 = vector.broadcast %parallel_loop3A_243 : i32 to vector<16xi32>
        %parallel_loop3A_245 = arith.shli %parallel_loop3A_238, %parallel_loop3A_244 : vector<16xi32>
        %parallel_loop3A_246 = tpu.bitcast %parallel_loop3A_245 : vector<16xi32> -> vector<16xf32>
        %parallel_loop3A_247 = arith.constant -65536 : i32
        %parallel_loop3A_248 = vector.broadcast %parallel_loop3A_247 : i32 to vector<16xi32>
        %parallel_loop3A_249 = arith.andi %parallel_loop3A_238, %parallel_loop3A_248 : vector<16xi32>
        %parallel_loop3A_250 = tpu.bitcast %parallel_loop3A_249 : vector<16xi32> -> vector<16xf32>
        %parallel_loop3A_251 = arith.constant 16 : i32
        %parallel_loop3A_252 = vector.broadcast %parallel_loop3A_251 : i32 to vector<16xi32>
        %parallel_loop3A_253 = arith.shli %parallel_loop3A_242, %parallel_loop3A_252 : vector<16xi32>
        %parallel_loop3A_254 = tpu.bitcast %parallel_loop3A_253 : vector<16xi32> -> vector<16xf32>
        %parallel_loop3A_255 = arith.constant -65536 : i32
        %parallel_loop3A_256 = vector.broadcast %parallel_loop3A_255 : i32 to vector<16xi32>
        %parallel_loop3A_257 = arith.andi %parallel_loop3A_242, %parallel_loop3A_256 : vector<16xi32>
        %parallel_loop3A_258 = tpu.bitcast %parallel_loop3A_257 : vector<16xi32> -> vector<16xf32>
        %parallel_loop3A_259 = arith.addf %parallel_loop3A_246, %parallel_loop3A_258 : vector<16xf32>
        %parallel_loop3A_260 = arith.constant 0.000000e+00 : f32
        %parallel_loop3A_261 = vector.broadcast %parallel_loop3A_260 : f32 to vector<16xf32>
        %parallel_loop3A_262 = arith.maximumf %parallel_loop3A_259, %parallel_loop3A_261 : vector<16xf32>
        %parallel_loop3A_263 = arith.addf %parallel_loop3A_254, %parallel_loop3A_250 : vector<16xf32>
        %parallel_loop3A_264 = arith.constant 0.000000e+00 : f32
        %parallel_loop3A_265 = vector.broadcast %parallel_loop3A_264 : f32 to vector<16xf32>
        %parallel_loop3A_266 = arith.maximumf %parallel_loop3A_263, %parallel_loop3A_265 : vector<16xf32>
        %parallel_loop3A_267 = arith.addf %parallel_loop3A_262, %parallel_loop3A_266 : vector<16xf32>
        %parallel_loop3A_268 = arith.index_cast %parallel_loop3A_120 : i32 to index
        %parallel_loop3A_269 = arith.constant 48 : index
        %parallel_loop3A_270 = tpu.vector_load %arg12[%parallel_loop3A_268, %parallel_loop3A_269] {strides = array<i32>} : memref<80x128xf32, #tpu.memory_space<vmem>>, vector<1x16xf32>,
        %parallel_loop3A_271 = vector.shape_cast %parallel_loop3A_270 : vector<1x16xf32> to vector<16xf32>
        %parallel_loop3A_272 = vector.shape_cast %parallel_loop3A_267 : vector<16xf32> to vector<1x16xf32>
        tpu.vector_store %arg12[%parallel_loop3A_268, %parallel_loop3A_269], %parallel_loop3A_272 {strides = array<i32>} : memref<80x128xf32, #tpu.memory_space<vmem>>, vector<1x16xf32>,
        %parallel_loop3A_273 = arith.index_cast %parallel_loop3A_120 : i32 to index
        %parallel_loop3A_274 = arith.constant 64 : index
        %parallel_loop3A_275 = tpu.vector_load %arg10[%parallel_loop3A_273, %parallel_loop3A_274] {strides = array<i32>} : memref<80x128xi32, #tpu.memory_space<vmem>>, vector<1x16xi32>,
        %parallel_loop3A_276 = vector.shape_cast %parallel_loop3A_275 : vector<1x16xi32> to vector<16xi32>
        %parallel_loop3A_277 = arith.index_cast %parallel_loop3A_120 : i32 to index
        %parallel_loop3A_278 = arith.constant 64 : index
        %parallel_loop3A_279 = tpu.vector_load %arg11[%parallel_loop3A_277, %parallel_loop3A_278] {strides = array<i32>} : memref<80x128xi32, #tpu.memory_space<vmem>>, vector<1x16xi32>,
        %parallel_loop3A_280 = vector.shape_cast %parallel_loop3A_279 : vector<1x16xi32> to vector<16xi32>
        %parallel_loop3A_281 = arith.constant 16 : i32
        %parallel_loop3A_282 = vector.broadcast %parallel_loop3A_281 : i32 to vector<16xi32>
        %parallel_loop3A_283 = arith.shli %parallel_loop3A_276, %parallel_loop3A_282 : vector<16xi32>
        %parallel_loop3A_284 = tpu.bitcast %parallel_loop3A_283 : vector<16xi32> -> vector<16xf32>
        %parallel_loop3A_285 = arith.constant -65536 : i32
        %parallel_loop3A_286 = vector.broadcast %parallel_loop3A_285 : i32 to vector<16xi32>
        %parallel_loop3A_287 = arith.andi %parallel_loop3A_276, %parallel_loop3A_286 : vector<16xi32>
        %parallel_loop3A_288 = tpu.bitcast %parallel_loop3A_287 : vector<16xi32> -> vector<16xf32>
        %parallel_loop3A_289 = arith.constant 16 : i32
        %parallel_loop3A_290 = vector.broadcast %parallel_loop3A_289 : i32 to vector<16xi32>
        %parallel_loop3A_291 = arith.shli %parallel_loop3A_280, %parallel_loop3A_290 : vector<16xi32>
        %parallel_loop3A_292 = tpu.bitcast %parallel_loop3A_291 : vector<16xi32> -> vector<16xf32>
        %parallel_loop3A_293 = arith.constant -65536 : i32
        %parallel_loop3A_294 = vector.broadcast %parallel_loop3A_293 : i32 to vector<16xi32>
        %parallel_loop3A_295 = arith.andi %parallel_loop3A_280, %parallel_loop3A_294 : vector<16xi32>
        %parallel_loop3A_296 = tpu.bitcast %parallel_loop3A_295 : vector<16xi32> -> vector<16xf32>
        %parallel_loop3A_297 = arith.addf %parallel_loop3A_284, %parallel_loop3A_296 : vector<16xf32>
        %parallel_loop3A_298 = arith.constant 0.000000e+00 : f32
        %parallel_loop3A_299 = vector.broadcast %parallel_loop3A_298 : f32 to vector<16xf32>
        %parallel_loop3A_300 = arith.maximumf %parallel_loop3A_297, %parallel_loop3A_299 : vector<16xf32>
        %parallel_loop3A_301 = arith.addf %parallel_loop3A_292, %parallel_loop3A_288 : vector<16xf32>
        %parallel_loop3A_302 = arith.constant 0.000000e+00 : f32
        %parallel_loop3A_303 = vector.broadcast %parallel_loop3A_302 : f32 to vector<16xf32>
        %parallel_loop3A_304 = arith.maximumf %parallel_loop3A_301, %parallel_loop3A_303 : vector<16xf32>
        %parallel_loop3A_305 = arith.addf %parallel_loop3A_300, %parallel_loop3A_304 : vector<16xf32>
        %parallel_loop3A_306 = arith.index_cast %parallel_loop3A_120 : i32 to index
        %parallel_loop3A_307 = arith.constant 64 : index
        %parallel_loop3A_308 = tpu.vector_load %arg12[%parallel_loop3A_306, %parallel_loop3A_307] {strides = array<i32>} : memref<80x128xf32, #tpu.memory_space<vmem>>, vector<1x16xf32>,
        %parallel_loop3A_309 = vector.shape_cast %parallel_loop3A_308 : vector<1x16xf32> to vector<16xf32>
        %parallel_loop3A_310 = vector.shape_cast %parallel_loop3A_305 : vector<16xf32> to vector<1x16xf32>
        tpu.vector_store %arg12[%parallel_loop3A_306, %parallel_loop3A_307], %parallel_loop3A_310 {strides = array<i32>} : memref<80x128xf32, #tpu.memory_space<vmem>>, vector<1x16xf32>,
        %parallel_loop3A_311 = arith.index_cast %parallel_loop3A_120 : i32 to index
        %parallel_loop3A_312 = arith.constant 80 : index
        %parallel_loop3A_313 = tpu.vector_load %arg10[%parallel_loop3A_311, %parallel_loop3A_312] {strides = array<i32>} : memref<80x128xi32, #tpu.memory_space<vmem>>, vector<1x16xi32>,
        %parallel_loop3A_314 = vector.shape_cast %parallel_loop3A_313 : vector<1x16xi32> to vector<16xi32>
        %parallel_loop3A_315 = arith.index_cast %parallel_loop3A_120 : i32 to index
        %parallel_loop3A_316 = arith.constant 80 : index
        %parallel_loop3A_317 = tpu.vector_load %arg11[%parallel_loop3A_315, %parallel_loop3A_316] {strides = array<i32>} : memref<80x128xi32, #tpu.memory_space<vmem>>, vector<1x16xi32>,
        %parallel_loop3A_318 = vector.shape_cast %parallel_loop3A_317 : vector<1x16xi32> to vector<16xi32>
        %parallel_loop3A_319 = arith.constant 16 : i32
        %parallel_loop3A_320 = vector.broadcast %parallel_loop3A_319 : i32 to vector<16xi32>
        %parallel_loop3A_321 = arith.shli %parallel_loop3A_314, %parallel_loop3A_320 : vector<16xi32>
        %parallel_loop3A_322 = tpu.bitcast %parallel_loop3A_321 : vector<16xi32> -> vector<16xf32>
        %parallel_loop3A_323 = arith.constant -65536 : i32
        %parallel_loop3A_324 = vector.broadcast %parallel_loop3A_323 : i32 to vector<16xi32>
        %parallel_loop3A_325 = arith.andi %parallel_loop3A_314, %parallel_loop3A_324 : vector<16xi32>
        %parallel_loop3A_326 = tpu.bitcast %parallel_loop3A_325 : vector<16xi32> -> vector<16xf32>
        %parallel_loop3A_327 = arith.constant 16 : i32
        %parallel_loop3A_328 = vector.broadcast %parallel_loop3A_327 : i32 to vector<16xi32>
        %parallel_loop3A_329 = arith.shli %parallel_loop3A_318, %parallel_loop3A_328 : vector<16xi32>
        %parallel_loop3A_330 = tpu.bitcast %parallel_loop3A_329 : vector<16xi32> -> vector<16xf32>
        %parallel_loop3A_331 = arith.constant -65536 : i32
        %parallel_loop3A_332 = vector.broadcast %parallel_loop3A_331 : i32 to vector<16xi32>
        %parallel_loop3A_333 = arith.andi %parallel_loop3A_318, %parallel_loop3A_332 : vector<16xi32>
        %parallel_loop3A_334 = tpu.bitcast %parallel_loop3A_333 : vector<16xi32> -> vector<16xf32>
        %parallel_loop3A_335 = arith.addf %parallel_loop3A_322, %parallel_loop3A_334 : vector<16xf32>
        %parallel_loop3A_336 = arith.constant 0.000000e+00 : f32
        %parallel_loop3A_337 = vector.broadcast %parallel_loop3A_336 : f32 to vector<16xf32>
        %parallel_loop3A_338 = arith.maximumf %parallel_loop3A_335, %parallel_loop3A_337 : vector<16xf32>
        %parallel_loop3A_339 = arith.addf %parallel_loop3A_330, %parallel_loop3A_326 : vector<16xf32>
        %parallel_loop3A_340 = arith.constant 0.000000e+00 : f32
        %parallel_loop3A_341 = vector.broadcast %parallel_loop3A_340 : f32 to vector<16xf32>
        %parallel_loop3A_342 = arith.maximumf %parallel_loop3A_339, %parallel_loop3A_341 : vector<16xf32>
        %parallel_loop3A_343 = arith.addf %parallel_loop3A_338, %parallel_loop3A_342 : vector<16xf32>
        %parallel_loop3A_344 = arith.index_cast %parallel_loop3A_120 : i32 to index
        %parallel_loop3A_345 = arith.constant 80 : index
        %parallel_loop3A_346 = tpu.vector_load %arg12[%parallel_loop3A_344, %parallel_loop3A_345] {strides = array<i32>} : memref<80x128xf32, #tpu.memory_space<vmem>>, vector<1x16xf32>,
        %parallel_loop3A_347 = vector.shape_cast %parallel_loop3A_346 : vector<1x16xf32> to vector<16xf32>
        %parallel_loop3A_348 = vector.shape_cast %parallel_loop3A_343 : vector<16xf32> to vector<1x16xf32>
        tpu.vector_store %arg12[%parallel_loop3A_344, %parallel_loop3A_345], %parallel_loop3A_348 {strides = array<i32>} : memref<80x128xf32, #tpu.memory_space<vmem>>, vector<1x16xf32>,
        %parallel_loop3A_349 = arith.index_cast %parallel_loop3A_120 : i32 to index
        %parallel_loop3A_350 = arith.constant 96 : index
        %parallel_loop3A_351 = tpu.vector_load %arg10[%parallel_loop3A_349, %parallel_loop3A_350] {strides = array<i32>} : memref<80x128xi32, #tpu.memory_space<vmem>>, vector<1x16xi32>,
        %parallel_loop3A_352 = vector.shape_cast %parallel_loop3A_351 : vector<1x16xi32> to vector<16xi32>
        %parallel_loop3A_353 = arith.index_cast %parallel_loop3A_120 : i32 to index
        %parallel_loop3A_354 = arith.constant 96 : index
        %parallel_loop3A_355 = tpu.vector_load %arg11[%parallel_loop3A_353, %parallel_loop3A_354] {strides = array<i32>} : memref<80x128xi32, #tpu.memory_space<vmem>>, vector<1x16xi32>,
        %parallel_loop3A_356 = vector.shape_cast %parallel_loop3A_355 : vector<1x16xi32> to vector<16xi32>
        %parallel_loop3A_357 = arith.constant 16 : i32
        %parallel_loop3A_358 = vector.broadcast %parallel_loop3A_357 : i32 to vector<16xi32>
        %parallel_loop3A_359 = arith.shli %parallel_loop3A_352, %parallel_loop3A_358 : vector<16xi32>
        %parallel_loop3A_360 = tpu.bitcast %parallel_loop3A_359 : vector<16xi32> -> vector<16xf32>
        %parallel_loop3A_361 = arith.constant -65536 : i32
        %parallel_loop3A_362 = vector.broadcast %parallel_loop3A_361 : i32 to vector<16xi32>
        %parallel_loop3A_363 = arith.andi %parallel_loop3A_352, %parallel_loop3A_362 : vector<16xi32>
        %parallel_loop3A_364 = tpu.bitcast %parallel_loop3A_363 : vector<16xi32> -> vector<16xf32>
        %parallel_loop3A_365 = arith.constant 16 : i32
        %parallel_loop3A_366 = vector.broadcast %parallel_loop3A_365 : i32 to vector<16xi32>
        %parallel_loop3A_367 = arith.shli %parallel_loop3A_356, %parallel_loop3A_366 : vector<16xi32>
        %parallel_loop3A_368 = tpu.bitcast %parallel_loop3A_367 : vector<16xi32> -> vector<16xf32>
        %parallel_loop3A_369 = arith.constant -65536 : i32
        %parallel_loop3A_370 = vector.broadcast %parallel_loop3A_369 : i32 to vector<16xi32>
        %parallel_loop3A_371 = arith.andi %parallel_loop3A_356, %parallel_loop3A_370 : vector<16xi32>
        %parallel_loop3A_372 = tpu.bitcast %parallel_loop3A_371 : vector<16xi32> -> vector<16xf32>
        %parallel_loop3A_373 = arith.addf %parallel_loop3A_360, %parallel_loop3A_372 : vector<16xf32>
        %parallel_loop3A_374 = arith.constant 0.000000e+00 : f32
        %parallel_loop3A_375 = vector.broadcast %parallel_loop3A_374 : f32 to vector<16xf32>
        %parallel_loop3A_376 = arith.maximumf %parallel_loop3A_373, %parallel_loop3A_375 : vector<16xf32>
        %parallel_loop3A_377 = arith.addf %parallel_loop3A_368, %parallel_loop3A_364 : vector<16xf32>
        %parallel_loop3A_378 = arith.constant 0.000000e+00 : f32
        %parallel_loop3A_379 = vector.broadcast %parallel_loop3A_378 : f32 to vector<16xf32>
        %parallel_loop3A_380 = arith.maximumf %parallel_loop3A_377, %parallel_loop3A_379 : vector<16xf32>
        %parallel_loop3A_381 = arith.addf %parallel_loop3A_376, %parallel_loop3A_380 : vector<16xf32>
        %parallel_loop3A_382 = arith.index_cast %parallel_loop3A_120 : i32 to index
        %parallel_loop3A_383 = arith.constant 96 : index
        %parallel_loop3A_384 = tpu.vector_load %arg12[%parallel_loop3A_382, %parallel_loop3A_383] {strides = array<i32>} : memref<80x128xf32, #tpu.memory_space<vmem>>, vector<1x16xf32>,
        %parallel_loop3A_385 = vector.shape_cast %parallel_loop3A_384 : vector<1x16xf32> to vector<16xf32>
        %parallel_loop3A_386 = vector.shape_cast %parallel_loop3A_381 : vector<16xf32> to vector<1x16xf32>
        tpu.vector_store %arg12[%parallel_loop3A_382, %parallel_loop3A_383], %parallel_loop3A_386 {strides = array<i32>} : memref<80x128xf32, #tpu.memory_space<vmem>>, vector<1x16xf32>,
        %parallel_loop3A_387 = arith.index_cast %parallel_loop3A_120 : i32 to index
        %parallel_loop3A_388 = arith.constant 112 : index
        %parallel_loop3A_389 = tpu.vector_load %arg10[%parallel_loop3A_387, %parallel_loop3A_388] {strides = array<i32>} : memref<80x128xi32, #tpu.memory_space<vmem>>, vector<1x16xi32>,
        %parallel_loop3A_390 = vector.shape_cast %parallel_loop3A_389 : vector<1x16xi32> to vector<16xi32>
        %parallel_loop3A_391 = arith.index_cast %parallel_loop3A_120 : i32 to index
        %parallel_loop3A_392 = arith.constant 112 : index
        %parallel_loop3A_393 = tpu.vector_load %arg11[%parallel_loop3A_391, %parallel_loop3A_392] {strides = array<i32>} : memref<80x128xi32, #tpu.memory_space<vmem>>, vector<1x16xi32>,
        %parallel_loop3A_394 = vector.shape_cast %parallel_loop3A_393 : vector<1x16xi32> to vector<16xi32>
        %parallel_loop3A_395 = arith.constant 16 : i32
        %parallel_loop3A_396 = vector.broadcast %parallel_loop3A_395 : i32 to vector<16xi32>
        %parallel_loop3A_397 = arith.shli %parallel_loop3A_390, %parallel_loop3A_396 : vector<16xi32>
        %parallel_loop3A_398 = tpu.bitcast %parallel_loop3A_397 : vector<16xi32> -> vector<16xf32>
        %parallel_loop3A_399 = arith.constant -65536 : i32
        %parallel_loop3A_400 = vector.broadcast %parallel_loop3A_399 : i32 to vector<16xi32>
        %parallel_loop3A_401 = arith.andi %parallel_loop3A_390, %parallel_loop3A_400 : vector<16xi32>
        %parallel_loop3A_402 = tpu.bitcast %parallel_loop3A_401 : vector<16xi32> -> vector<16xf32>
        %parallel_loop3A_403 = arith.constant 16 : i32
        %parallel_loop3A_404 = vector.broadcast %parallel_loop3A_403 : i32 to vector<16xi32>
        %parallel_loop3A_405 = arith.shli %parallel_loop3A_394, %parallel_loop3A_404 : vector<16xi32>
        %parallel_loop3A_406 = tpu.bitcast %parallel_loop3A_405 : vector<16xi32> -> vector<16xf32>
        %parallel_loop3A_407 = arith.constant -65536 : i32
        %parallel_loop3A_408 = vector.broadcast %parallel_loop3A_407 : i32 to vector<16xi32>
        %parallel_loop3A_409 = arith.andi %parallel_loop3A_394, %parallel_loop3A_408 : vector<16xi32>
        %parallel_loop3A_410 = tpu.bitcast %parallel_loop3A_409 : vector<16xi32> -> vector<16xf32>
        %parallel_loop3A_411 = arith.addf %parallel_loop3A_398, %parallel_loop3A_410 : vector<16xf32>
        %parallel_loop3A_412 = arith.constant 0.000000e+00 : f32
        %parallel_loop3A_413 = vector.broadcast %parallel_loop3A_412 : f32 to vector<16xf32>
        %parallel_loop3A_414 = arith.maximumf %parallel_loop3A_411, %parallel_loop3A_413 : vector<16xf32>
        %parallel_loop3A_415 = arith.addf %parallel_loop3A_406, %parallel_loop3A_402 : vector<16xf32>
        %parallel_loop3A_416 = arith.constant 0.000000e+00 : f32
        %parallel_loop3A_417 = vector.broadcast %parallel_loop3A_416 : f32 to vector<16xf32>
        %parallel_loop3A_418 = arith.maximumf %parallel_loop3A_415, %parallel_loop3A_417 : vector<16xf32>
        %parallel_loop3A_419 = arith.addf %parallel_loop3A_414, %parallel_loop3A_418 : vector<16xf32>
        %parallel_loop3A_420 = arith.index_cast %parallel_loop3A_120 : i32 to index
        %parallel_loop3A_421 = arith.constant 112 : index
        %parallel_loop3A_422 = tpu.vector_load %arg12[%parallel_loop3A_420, %parallel_loop3A_421] {strides = array<i32>} : memref<80x128xf32, #tpu.memory_space<vmem>>, vector<1x16xf32>,
        %parallel_loop3A_423 = vector.shape_cast %parallel_loop3A_422 : vector<1x16xf32> to vector<16xf32>
        %parallel_loop3A_424 = vector.shape_cast %parallel_loop3A_419 : vector<16xf32> to vector<1x16xf32>
        tpu.vector_store %arg12[%parallel_loop3A_420, %parallel_loop3A_421], %parallel_loop3A_424 {strides = array<i32>} : memref<80x128xf32, #tpu.memory_space<vmem>>, vector<1x16xf32>,
      } {sc.loop_unroll_factor = 2 : i64, sc.parallel_access}
      %dma_start3A_116 = arith.constant 0 : i32
      %dma_start3A_117 = tpu.memref_slice %arg4[%add3A_99, %dma_start3A_116] : memref<320000x128xf32, #tpu.memory_space<hbm>> -> memref<80x128xf32, #tpu.memory_space<hbm>>
      %dma_start3A_118 = arith.constant 0 : i32
      %dma_start3A_119 = tpu.memref_slice %arg4[%add3A_99, %dma_start3A_118] : memref<320000x128xf32, #tpu.memory_space<hbm>> -> memref<80x128xf32, #tpu.memory_space<hbm>>
      tpu.enqueue_dma source(%arg12 : memref<80x128xf32, #tpu.memory_space<vmem>>) target(%dma_start3A_119 : memref<80x128xf32, #tpu.memory_space<hbm>>) target_semaphore(%arg16 : memref<!tpu.dma_semaphore, #tpu.memory_space<semaphore_mem>>)
    }
    %scan3A_18 = arith.constant 62 : i32
    %add3A_19 = arith.constant 9920 : i32
    %add3A_20 = arith.addi %mul3A_2, %add3A_19 : i32
    %dma_wait3A = arith.constant 9920 : i32
    %dma_wait3A_21 = tpu.memref_slice %arg5[%dma_wait3A] : memref<10000xi32, #tpu.memory_space<vmem>> -> memref<80xi32, #tpu.memory_space<vmem>>
    %dma_wait3A_22 = arith.constant 0 : i32
    %dma_wait3A_23 = arith.constant 0 : i32
    %dma_wait3A_24 = tpu.memref_slice %arg2[%dma_wait3A_22, %dma_wait3A_23] : memref<10000x128xi32, #tpu.memory_space<hbm>> -> memref<10000x128xi32, #tpu.memory_space<hbm>>
    tpu.wait_indirect_dma semaphore(%arg13 : memref<!tpu.dma_semaphore, #tpu.memory_space<semaphore_mem>>) src(%dma_wait3A_24 : memref<10000x128xi32, #tpu.memory_space<hbm>>) dst(%arg7 : memref<80x128xi32, #tpu.memory_space<vmem>>)
    %dma_wait3A_25 = arith.constant 9920 : i32
    %dma_wait3A_26 = tpu.memref_slice %arg6[%dma_wait3A_25] : memref<10000xi32, #tpu.memory_space<vmem>> -> memref<80xi32, #tpu.memory_space<vmem>>
    %dma_wait3A_27 = arith.constant 0 : i32
    %dma_wait3A_28 = arith.constant 0 : i32
    %dma_wait3A_29 = tpu.memref_slice %arg2[%dma_wait3A_27, %dma_wait3A_28] : memref<10000x128xi32, #tpu.memory_space<hbm>> -> memref<10000x128xi32, #tpu.memory_space<hbm>>
    tpu.wait_indirect_dma semaphore(%arg13 : memref<!tpu.dma_semaphore, #tpu.memory_space<semaphore_mem>>) src(%dma_wait3A_29 : memref<10000x128xi32, #tpu.memory_space<hbm>>) dst(%arg8 : memref<80x128xi32, #tpu.memory_space<vmem>>)
    %dma_wait3A_30 = arith.constant 0 : i32
    %dma_wait3A_31 = tpu.memref_slice %arg4[%add3A_20, %dma_wait3A_30] : memref<320000x128xf32, #tpu.memory_space<hbm>> -> memref<80x128xf32, #tpu.memory_space<hbm>>
    %dma_wait3A_32 = arith.constant 0 : i32
    %dma_wait3A_33 = tpu.memref_slice %arg4[%add3A_20, %dma_wait3A_32] : memref<320000x128xf32, #tpu.memory_space<hbm>> -> memref<80x128xf32, #tpu.memory_space<hbm>>
    tpu.wait_dma2 semaphore(%arg15 : memref<!tpu.dma_semaphore, #tpu.memory_space<semaphore_mem>>) src(%arg9 : memref<80x128xf32, #tpu.memory_space<vmem>>) dst(%dma_wait3A_33 : memref<80x128xf32, #tpu.memory_space<hbm>>)
    %parallel_loop3A = arith.constant 0 : i32
    %parallel_loop3A_34 = arith.constant 80 : i32
    %parallel_loop3A_35 = arith.constant 1 : i32
    scf.for %parallel_loop3A_48 = %parallel_loop3A to %parallel_loop3A_34 step %parallel_loop3A_35  : i32 {
      %parallel_loop3A_49 = arith.index_cast %parallel_loop3A_48 : i32 to index
      %parallel_loop3A_50 = arith.constant 0 : index
      %parallel_loop3A_51 = tpu.vector_load %arg7[%parallel_loop3A_49, %parallel_loop3A_50] {strides = array<i32>} : memref<80x128xi32, #tpu.memory_space<vmem>>, vector<1x16xi32>,
      %parallel_loop3A_52 = vector.shape_cast %parallel_loop3A_51 : vector<1x16xi32> to vector<16xi32>
      %parallel_loop3A_53 = arith.index_cast %parallel_loop3A_48 : i32 to index
      %parallel_loop3A_54 = arith.constant 0 : index
      %parallel_loop3A_55 = tpu.vector_load %arg8[%parallel_loop3A_53, %parallel_loop3A_54] {strides = array<i32>} : memref<80x128xi32, #tpu.memory_space<vmem>>, vector<1x16xi32>,
      %parallel_loop3A_56 = vector.shape_cast %parallel_loop3A_55 : vector<1x16xi32> to vector<16xi32>
      %parallel_loop3A_57 = arith.constant 16 : i32
      %parallel_loop3A_58 = vector.broadcast %parallel_loop3A_57 : i32 to vector<16xi32>
      %parallel_loop3A_59 = arith.shli %parallel_loop3A_52, %parallel_loop3A_58 : vector<16xi32>
      %parallel_loop3A_60 = tpu.bitcast %parallel_loop3A_59 : vector<16xi32> -> vector<16xf32>
      %parallel_loop3A_61 = arith.constant -65536 : i32
      %parallel_loop3A_62 = vector.broadcast %parallel_loop3A_61 : i32 to vector<16xi32>
      %parallel_loop3A_63 = arith.andi %parallel_loop3A_52, %parallel_loop3A_62 : vector<16xi32>
      %parallel_loop3A_64 = tpu.bitcast %parallel_loop3A_63 : vector<16xi32> -> vector<16xf32>
      %parallel_loop3A_65 = arith.constant 16 : i32
      %parallel_loop3A_66 = vector.broadcast %parallel_loop3A_65 : i32 to vector<16xi32>
      %parallel_loop3A_67 = arith.shli %parallel_loop3A_56, %parallel_loop3A_66 : vector<16xi32>
      %parallel_loop3A_68 = tpu.bitcast %parallel_loop3A_67 : vector<16xi32> -> vector<16xf32>
      %parallel_loop3A_69 = arith.constant -65536 : i32
      %parallel_loop3A_70 = vector.broadcast %parallel_loop3A_69 : i32 to vector<16xi32>
      %parallel_loop3A_71 = arith.andi %parallel_loop3A_56, %parallel_loop3A_70 : vector<16xi32>
      %parallel_loop3A_72 = tpu.bitcast %parallel_loop3A_71 : vector<16xi32> -> vector<16xf32>
      %parallel_loop3A_73 = arith.addf %parallel_loop3A_60, %parallel_loop3A_72 : vector<16xf32>
      %parallel_loop3A_74 = arith.constant 0.000000e+00 : f32
      %parallel_loop3A_75 = vector.broadcast %parallel_loop3A_74 : f32 to vector<16xf32>
      %parallel_loop3A_76 = arith.maximumf %parallel_loop3A_73, %parallel_loop3A_75 : vector<16xf32>
      %parallel_loop3A_77 = arith.addf %parallel_loop3A_68, %parallel_loop3A_64 : vector<16xf32>
      %parallel_loop3A_78 = arith.constant 0.000000e+00 : f32
      %parallel_loop3A_79 = vector.broadcast %parallel_loop3A_78 : f32 to vector<16xf32>
      %parallel_loop3A_80 = arith.maximumf %parallel_loop3A_77, %parallel_loop3A_79 : vector<16xf32>
      %parallel_loop3A_81 = arith.addf %parallel_loop3A_76, %parallel_loop3A_80 : vector<16xf32>
      %parallel_loop3A_82 = arith.index_cast %parallel_loop3A_48 : i32 to index
      %parallel_loop3A_83 = arith.constant 0 : index
      %parallel_loop3A_84 = tpu.vector_load %arg9[%parallel_loop3A_82, %parallel_loop3A_83] {strides = array<i32>} : memref<80x128xf32, #tpu.memory_space<vmem>>, vector<1x16xf32>,
      %parallel_loop3A_85 = vector.shape_cast %parallel_loop3A_84 : vector<1x16xf32> to vector<16xf32>
      %parallel_loop3A_86 = vector.shape_cast %parallel_loop3A_81 : vector<16xf32> to vector<1x16xf32>
      tpu.vector_store %arg9[%parallel_loop3A_82, %parallel_loop3A_83], %parallel_loop3A_86 {strides = array<i32>} : memref<80x128xf32, #tpu.memory_space<vmem>>, vector<1x16xf32>,
      %parallel_loop3A_87 = arith.index_cast %parallel_loop3A_48 : i32 to index
      %parallel_loop3A_88 = arith.constant 16 : index
      %parallel_loop3A_89 = tpu.vector_load %arg7[%parallel_loop3A_87, %parallel_loop3A_88] {strides = array<i32>} : memref<80x128xi32, #tpu.memory_space<vmem>>, vector<1x16xi32>,
      %parallel_loop3A_90 = vector.shape_cast %parallel_loop3A_89 : vector<1x16xi32> to vector<16xi32>
      %parallel_loop3A_91 = arith.index_cast %parallel_loop3A_48 : i32 to index
      %parallel_loop3A_92 = arith.constant 16 : index
      %parallel_loop3A_93 = tpu.vector_load %arg8[%parallel_loop3A_91, %parallel_loop3A_92] {strides = array<i32>} : memref<80x128xi32, #tpu.memory_space<vmem>>, vector<1x16xi32>,
      %parallel_loop3A_94 = vector.shape_cast %parallel_loop3A_93 : vector<1x16xi32> to vector<16xi32>
      %parallel_loop3A_95 = arith.constant 16 : i32
      %parallel_loop3A_96 = vector.broadcast %parallel_loop3A_95 : i32 to vector<16xi32>
      %parallel_loop3A_97 = arith.shli %parallel_loop3A_90, %parallel_loop3A_96 : vector<16xi32>
      %parallel_loop3A_98 = tpu.bitcast %parallel_loop3A_97 : vector<16xi32> -> vector<16xf32>
      %parallel_loop3A_99 = arith.constant -65536 : i32
      %parallel_loop3A_100 = vector.broadcast %parallel_loop3A_99 : i32 to vector<16xi32>
      %parallel_loop3A_101 = arith.andi %parallel_loop3A_90, %parallel_loop3A_100 : vector<16xi32>
      %parallel_loop3A_102 = tpu.bitcast %parallel_loop3A_101 : vector<16xi32> -> vector<16xf32>
      %parallel_loop3A_103 = arith.constant 16 : i32
      %parallel_loop3A_104 = vector.broadcast %parallel_loop3A_103 : i32 to vector<16xi32>
      %parallel_loop3A_105 = arith.shli %parallel_loop3A_94, %parallel_loop3A_104 : vector<16xi32>
      %parallel_loop3A_106 = tpu.bitcast %parallel_loop3A_105 : vector<16xi32> -> vector<16xf32>
      %parallel_loop3A_107 = arith.constant -65536 : i32
      %parallel_loop3A_108 = vector.broadcast %parallel_loop3A_107 : i32 to vector<16xi32>
      %parallel_loop3A_109 = arith.andi %parallel_loop3A_94, %parallel_loop3A_108 : vector<16xi32>
      %parallel_loop3A_110 = tpu.bitcast %parallel_loop3A_109 : vector<16xi32> -> vector<16xf32>
      %parallel_loop3A_111 = arith.addf %parallel_loop3A_98, %parallel_loop3A_110 : vector<16xf32>
      %parallel_loop3A_112 = arith.constant 0.000000e+00 : f32
      %parallel_loop3A_113 = vector.broadcast %parallel_loop3A_112 : f32 to vector<16xf32>
      %parallel_loop3A_114 = arith.maximumf %parallel_loop3A_111, %parallel_loop3A_113 : vector<16xf32>
      %parallel_loop3A_115 = arith.addf %parallel_loop3A_106, %parallel_loop3A_102 : vector<16xf32>
      %parallel_loop3A_116 = arith.constant 0.000000e+00 : f32
      %parallel_loop3A_117 = vector.broadcast %parallel_loop3A_116 : f32 to vector<16xf32>
      %parallel_loop3A_118 = arith.maximumf %parallel_loop3A_115, %parallel_loop3A_117 : vector<16xf32>
      %parallel_loop3A_119 = arith.addf %parallel_loop3A_114, %parallel_loop3A_118 : vector<16xf32>
      %parallel_loop3A_120 = arith.index_cast %parallel_loop3A_48 : i32 to index
      %parallel_loop3A_121 = arith.constant 16 : index
      %parallel_loop3A_122 = tpu.vector_load %arg9[%parallel_loop3A_120, %parallel_loop3A_121] {strides = array<i32>} : memref<80x128xf32, #tpu.memory_space<vmem>>, vector<1x16xf32>,
      %parallel_loop3A_123 = vector.shape_cast %parallel_loop3A_122 : vector<1x16xf32> to vector<16xf32>
      %parallel_loop3A_124 = vector.shape_cast %parallel_loop3A_119 : vector<16xf32> to vector<1x16xf32>
      tpu.vector_store %arg9[%parallel_loop3A_120, %parallel_loop3A_121], %parallel_loop3A_124 {strides = array<i32>} : memref<80x128xf32, #tpu.memory_space<vmem>>, vector<1x16xf32>,
      %parallel_loop3A_125 = arith.index_cast %parallel_loop3A_48 : i32 to index
      %parallel_loop3A_126 = arith.constant 32 : index
      %parallel_loop3A_127 = tpu.vector_load %arg7[%parallel_loop3A_125, %parallel_loop3A_126] {strides = array<i32>} : memref<80x128xi32, #tpu.memory_space<vmem>>, vector<1x16xi32>,
      %parallel_loop3A_128 = vector.shape_cast %parallel_loop3A_127 : vector<1x16xi32> to vector<16xi32>
      %parallel_loop3A_129 = arith.index_cast %parallel_loop3A_48 : i32 to index
      %parallel_loop3A_130 = arith.constant 32 : index
      %parallel_loop3A_131 = tpu.vector_load %arg8[%parallel_loop3A_129, %parallel_loop3A_130] {strides = array<i32>} : memref<80x128xi32, #tpu.memory_space<vmem>>, vector<1x16xi32>,
      %parallel_loop3A_132 = vector.shape_cast %parallel_loop3A_131 : vector<1x16xi32> to vector<16xi32>
      %parallel_loop3A_133 = arith.constant 16 : i32
      %parallel_loop3A_134 = vector.broadcast %parallel_loop3A_133 : i32 to vector<16xi32>
      %parallel_loop3A_135 = arith.shli %parallel_loop3A_128, %parallel_loop3A_134 : vector<16xi32>
      %parallel_loop3A_136 = tpu.bitcast %parallel_loop3A_135 : vector<16xi32> -> vector<16xf32>
      %parallel_loop3A_137 = arith.constant -65536 : i32
      %parallel_loop3A_138 = vector.broadcast %parallel_loop3A_137 : i32 to vector<16xi32>
      %parallel_loop3A_139 = arith.andi %parallel_loop3A_128, %parallel_loop3A_138 : vector<16xi32>
      %parallel_loop3A_140 = tpu.bitcast %parallel_loop3A_139 : vector<16xi32> -> vector<16xf32>
      %parallel_loop3A_141 = arith.constant 16 : i32
      %parallel_loop3A_142 = vector.broadcast %parallel_loop3A_141 : i32 to vector<16xi32>
      %parallel_loop3A_143 = arith.shli %parallel_loop3A_132, %parallel_loop3A_142 : vector<16xi32>
      %parallel_loop3A_144 = tpu.bitcast %parallel_loop3A_143 : vector<16xi32> -> vector<16xf32>
      %parallel_loop3A_145 = arith.constant -65536 : i32
      %parallel_loop3A_146 = vector.broadcast %parallel_loop3A_145 : i32 to vector<16xi32>
      %parallel_loop3A_147 = arith.andi %parallel_loop3A_132, %parallel_loop3A_146 : vector<16xi32>
      %parallel_loop3A_148 = tpu.bitcast %parallel_loop3A_147 : vector<16xi32> -> vector<16xf32>
      %parallel_loop3A_149 = arith.addf %parallel_loop3A_136, %parallel_loop3A_148 : vector<16xf32>
      %parallel_loop3A_150 = arith.constant 0.000000e+00 : f32
      %parallel_loop3A_151 = vector.broadcast %parallel_loop3A_150 : f32 to vector<16xf32>
      %parallel_loop3A_152 = arith.maximumf %parallel_loop3A_149, %parallel_loop3A_151 : vector<16xf32>
      %parallel_loop3A_153 = arith.addf %parallel_loop3A_144, %parallel_loop3A_140 : vector<16xf32>
      %parallel_loop3A_154 = arith.constant 0.000000e+00 : f32
      %parallel_loop3A_155 = vector.broadcast %parallel_loop3A_154 : f32 to vector<16xf32>
      %parallel_loop3A_156 = arith.maximumf %parallel_loop3A_153, %parallel_loop3A_155 : vector<16xf32>
      %parallel_loop3A_157 = arith.addf %parallel_loop3A_152, %parallel_loop3A_156 : vector<16xf32>
      %parallel_loop3A_158 = arith.index_cast %parallel_loop3A_48 : i32 to index
      %parallel_loop3A_159 = arith.constant 32 : index
      %parallel_loop3A_160 = tpu.vector_load %arg9[%parallel_loop3A_158, %parallel_loop3A_159] {strides = array<i32>} : memref<80x128xf32, #tpu.memory_space<vmem>>, vector<1x16xf32>,
      %parallel_loop3A_161 = vector.shape_cast %parallel_loop3A_160 : vector<1x16xf32> to vector<16xf32>
      %parallel_loop3A_162 = vector.shape_cast %parallel_loop3A_157 : vector<16xf32> to vector<1x16xf32>
      tpu.vector_store %arg9[%parallel_loop3A_158, %parallel_loop3A_159], %parallel_loop3A_162 {strides = array<i32>} : memref<80x128xf32, #tpu.memory_space<vmem>>, vector<1x16xf32>,
      %parallel_loop3A_163 = arith.index_cast %parallel_loop3A_48 : i32 to index
      %parallel_loop3A_164 = arith.constant 48 : index
      %parallel_loop3A_165 = tpu.vector_load %arg7[%parallel_loop3A_163, %parallel_loop3A_164] {strides = array<i32>} : memref<80x128xi32, #tpu.memory_space<vmem>>, vector<1x16xi32>,
      %parallel_loop3A_166 = vector.shape_cast %parallel_loop3A_165 : vector<1x16xi32> to vector<16xi32>
      %parallel_loop3A_167 = arith.index_cast %parallel_loop3A_48 : i32 to index
      %parallel_loop3A_168 = arith.constant 48 : index
      %parallel_loop3A_169 = tpu.vector_load %arg8[%parallel_loop3A_167, %parallel_loop3A_168] {strides = array<i32>} : memref<80x128xi32, #tpu.memory_space<vmem>>, vector<1x16xi32>,
      %parallel_loop3A_170 = vector.shape_cast %parallel_loop3A_169 : vector<1x16xi32> to vector<16xi32>
      %parallel_loop3A_171 = arith.constant 16 : i32
      %parallel_loop3A_172 = vector.broadcast %parallel_loop3A_171 : i32 to vector<16xi32>
      %parallel_loop3A_173 = arith.shli %parallel_loop3A_166, %parallel_loop3A_172 : vector<16xi32>
      %parallel_loop3A_174 = tpu.bitcast %parallel_loop3A_173 : vector<16xi32> -> vector<16xf32>
      %parallel_loop3A_175 = arith.constant -65536 : i32
      %parallel_loop3A_176 = vector.broadcast %parallel_loop3A_175 : i32 to vector<16xi32>
      %parallel_loop3A_177 = arith.andi %parallel_loop3A_166, %parallel_loop3A_176 : vector<16xi32>
      %parallel_loop3A_178 = tpu.bitcast %parallel_loop3A_177 : vector<16xi32> -> vector<16xf32>
      %parallel_loop3A_179 = arith.constant 16 : i32
      %parallel_loop3A_180 = vector.broadcast %parallel_loop3A_179 : i32 to vector<16xi32>
      %parallel_loop3A_181 = arith.shli %parallel_loop3A_170, %parallel_loop3A_180 : vector<16xi32>
      %parallel_loop3A_182 = tpu.bitcast %parallel_loop3A_181 : vector<16xi32> -> vector<16xf32>
      %parallel_loop3A_183 = arith.constant -65536 : i32
      %parallel_loop3A_184 = vector.broadcast %parallel_loop3A_183 : i32 to vector<16xi32>
      %parallel_loop3A_185 = arith.andi %parallel_loop3A_170, %parallel_loop3A_184 : vector<16xi32>
      %parallel_loop3A_186 = tpu.bitcast %parallel_loop3A_185 : vector<16xi32> -> vector<16xf32>
      %parallel_loop3A_187 = arith.addf %parallel_loop3A_174, %parallel_loop3A_186 : vector<16xf32>
      %parallel_loop3A_188 = arith.constant 0.000000e+00 : f32
      %parallel_loop3A_189 = vector.broadcast %parallel_loop3A_188 : f32 to vector<16xf32>
      %parallel_loop3A_190 = arith.maximumf %parallel_loop3A_187, %parallel_loop3A_189 : vector<16xf32>
      %parallel_loop3A_191 = arith.addf %parallel_loop3A_182, %parallel_loop3A_178 : vector<16xf32>
      %parallel_loop3A_192 = arith.constant 0.000000e+00 : f32
      %parallel_loop3A_193 = vector.broadcast %parallel_loop3A_192 : f32 to vector<16xf32>
      %parallel_loop3A_194 = arith.maximumf %parallel_loop3A_191, %parallel_loop3A_193 : vector<16xf32>
      %parallel_loop3A_195 = arith.addf %parallel_loop3A_190, %parallel_loop3A_194 : vector<16xf32>
      %parallel_loop3A_196 = arith.index_cast %parallel_loop3A_48 : i32 to index
      %parallel_loop3A_197 = arith.constant 48 : index
      %parallel_loop3A_198 = tpu.vector_load %arg9[%parallel_loop3A_196, %parallel_loop3A_197] {strides = array<i32>} : memref<80x128xf32, #tpu.memory_space<vmem>>, vector<1x16xf32>,
      %parallel_loop3A_199 = vector.shape_cast %parallel_loop3A_198 : vector<1x16xf32> to vector<16xf32>
      %parallel_loop3A_200 = vector.shape_cast %parallel_loop3A_195 : vector<16xf32> to vector<1x16xf32>
      tpu.vector_store %arg9[%parallel_loop3A_196, %parallel_loop3A_197], %parallel_loop3A_200 {strides = array<i32>} : memref<80x128xf32, #tpu.memory_space<vmem>>, vector<1x16xf32>,
      %parallel_loop3A_201 = arith.index_cast %parallel_loop3A_48 : i32 to index
      %parallel_loop3A_202 = arith.constant 64 : index
      %parallel_loop3A_203 = tpu.vector_load %arg7[%parallel_loop3A_201, %parallel_loop3A_202] {strides = array<i32>} : memref<80x128xi32, #tpu.memory_space<vmem>>, vector<1x16xi32>,
      %parallel_loop3A_204 = vector.shape_cast %parallel_loop3A_203 : vector<1x16xi32> to vector<16xi32>
      %parallel_loop3A_205 = arith.index_cast %parallel_loop3A_48 : i32 to index
      %parallel_loop3A_206 = arith.constant 64 : index
      %parallel_loop3A_207 = tpu.vector_load %arg8[%parallel_loop3A_205, %parallel_loop3A_206] {strides = array<i32>} : memref<80x128xi32, #tpu.memory_space<vmem>>, vector<1x16xi32>,
      %parallel_loop3A_208 = vector.shape_cast %parallel_loop3A_207 : vector<1x16xi32> to vector<16xi32>
      %parallel_loop3A_209 = arith.constant 16 : i32
      %parallel_loop3A_210 = vector.broadcast %parallel_loop3A_209 : i32 to vector<16xi32>
      %parallel_loop3A_211 = arith.shli %parallel_loop3A_204, %parallel_loop3A_210 : vector<16xi32>
      %parallel_loop3A_212 = tpu.bitcast %parallel_loop3A_211 : vector<16xi32> -> vector<16xf32>
      %parallel_loop3A_213 = arith.constant -65536 : i32
      %parallel_loop3A_214 = vector.broadcast %parallel_loop3A_213 : i32 to vector<16xi32>
      %parallel_loop3A_215 = arith.andi %parallel_loop3A_204, %parallel_loop3A_214 : vector<16xi32>
      %parallel_loop3A_216 = tpu.bitcast %parallel_loop3A_215 : vector<16xi32> -> vector<16xf32>
      %parallel_loop3A_217 = arith.constant 16 : i32
      %parallel_loop3A_218 = vector.broadcast %parallel_loop3A_217 : i32 to vector<16xi32>
      %parallel_loop3A_219 = arith.shli %parallel_loop3A_208, %parallel_loop3A_218 : vector<16xi32>
      %parallel_loop3A_220 = tpu.bitcast %parallel_loop3A_219 : vector<16xi32> -> vector<16xf32>
      %parallel_loop3A_221 = arith.constant -65536 : i32
      %parallel_loop3A_222 = vector.broadcast %parallel_loop3A_221 : i32 to vector<16xi32>
      %parallel_loop3A_223 = arith.andi %parallel_loop3A_208, %parallel_loop3A_222 : vector<16xi32>
      %parallel_loop3A_224 = tpu.bitcast %parallel_loop3A_223 : vector<16xi32> -> vector<16xf32>
      %parallel_loop3A_225 = arith.addf %parallel_loop3A_212, %parallel_loop3A_224 : vector<16xf32>
      %parallel_loop3A_226 = arith.constant 0.000000e+00 : f32
      %parallel_loop3A_227 = vector.broadcast %parallel_loop3A_226 : f32 to vector<16xf32>
      %parallel_loop3A_228 = arith.maximumf %parallel_loop3A_225, %parallel_loop3A_227 : vector<16xf32>
      %parallel_loop3A_229 = arith.addf %parallel_loop3A_220, %parallel_loop3A_216 : vector<16xf32>
      %parallel_loop3A_230 = arith.constant 0.000000e+00 : f32
      %parallel_loop3A_231 = vector.broadcast %parallel_loop3A_230 : f32 to vector<16xf32>
      %parallel_loop3A_232 = arith.maximumf %parallel_loop3A_229, %parallel_loop3A_231 : vector<16xf32>
      %parallel_loop3A_233 = arith.addf %parallel_loop3A_228, %parallel_loop3A_232 : vector<16xf32>
      %parallel_loop3A_234 = arith.index_cast %parallel_loop3A_48 : i32 to index
      %parallel_loop3A_235 = arith.constant 64 : index
      %parallel_loop3A_236 = tpu.vector_load %arg9[%parallel_loop3A_234, %parallel_loop3A_235] {strides = array<i32>} : memref<80x128xf32, #tpu.memory_space<vmem>>, vector<1x16xf32>,
      %parallel_loop3A_237 = vector.shape_cast %parallel_loop3A_236 : vector<1x16xf32> to vector<16xf32>
      %parallel_loop3A_238 = vector.shape_cast %parallel_loop3A_233 : vector<16xf32> to vector<1x16xf32>
      tpu.vector_store %arg9[%parallel_loop3A_234, %parallel_loop3A_235], %parallel_loop3A_238 {strides = array<i32>} : memref<80x128xf32, #tpu.memory_space<vmem>>, vector<1x16xf32>,
      %parallel_loop3A_239 = arith.index_cast %parallel_loop3A_48 : i32 to index
      %parallel_loop3A_240 = arith.constant 80 : index
      %parallel_loop3A_241 = tpu.vector_load %arg7[%parallel_loop3A_239, %parallel_loop3A_240] {strides = array<i32>} : memref<80x128xi32, #tpu.memory_space<vmem>>, vector<1x16xi32>,
      %parallel_loop3A_242 = vector.shape_cast %parallel_loop3A_241 : vector<1x16xi32> to vector<16xi32>
      %parallel_loop3A_243 = arith.index_cast %parallel_loop3A_48 : i32 to index
      %parallel_loop3A_244 = arith.constant 80 : index
      %parallel_loop3A_245 = tpu.vector_load %arg8[%parallel_loop3A_243, %parallel_loop3A_244] {strides = array<i32>} : memref<80x128xi32, #tpu.memory_space<vmem>>, vector<1x16xi32>,
      %parallel_loop3A_246 = vector.shape_cast %parallel_loop3A_245 : vector<1x16xi32> to vector<16xi32>
      %parallel_loop3A_247 = arith.constant 16 : i32
      %parallel_loop3A_248 = vector.broadcast %parallel_loop3A_247 : i32 to vector<16xi32>
      %parallel_loop3A_249 = arith.shli %parallel_loop3A_242, %parallel_loop3A_248 : vector<16xi32>
      %parallel_loop3A_250 = tpu.bitcast %parallel_loop3A_249 : vector<16xi32> -> vector<16xf32>
      %parallel_loop3A_251 = arith.constant -65536 : i32
      %parallel_loop3A_252 = vector.broadcast %parallel_loop3A_251 : i32 to vector<16xi32>
      %parallel_loop3A_253 = arith.andi %parallel_loop3A_242, %parallel_loop3A_252 : vector<16xi32>
      %parallel_loop3A_254 = tpu.bitcast %parallel_loop3A_253 : vector<16xi32> -> vector<16xf32>
      %parallel_loop3A_255 = arith.constant 16 : i32
      %parallel_loop3A_256 = vector.broadcast %parallel_loop3A_255 : i32 to vector<16xi32>
      %parallel_loop3A_257 = arith.shli %parallel_loop3A_246, %parallel_loop3A_256 : vector<16xi32>
      %parallel_loop3A_258 = tpu.bitcast %parallel_loop3A_257 : vector<16xi32> -> vector<16xf32>
      %parallel_loop3A_259 = arith.constant -65536 : i32
      %parallel_loop3A_260 = vector.broadcast %parallel_loop3A_259 : i32 to vector<16xi32>
      %parallel_loop3A_261 = arith.andi %parallel_loop3A_246, %parallel_loop3A_260 : vector<16xi32>
      %parallel_loop3A_262 = tpu.bitcast %parallel_loop3A_261 : vector<16xi32> -> vector<16xf32>
      %parallel_loop3A_263 = arith.addf %parallel_loop3A_250, %parallel_loop3A_262 : vector<16xf32>
      %parallel_loop3A_264 = arith.constant 0.000000e+00 : f32
      %parallel_loop3A_265 = vector.broadcast %parallel_loop3A_264 : f32 to vector<16xf32>
      %parallel_loop3A_266 = arith.maximumf %parallel_loop3A_263, %parallel_loop3A_265 : vector<16xf32>
      %parallel_loop3A_267 = arith.addf %parallel_loop3A_258, %parallel_loop3A_254 : vector<16xf32>
      %parallel_loop3A_268 = arith.constant 0.000000e+00 : f32
      %parallel_loop3A_269 = vector.broadcast %parallel_loop3A_268 : f32 to vector<16xf32>
      %parallel_loop3A_270 = arith.maximumf %parallel_loop3A_267, %parallel_loop3A_269 : vector<16xf32>
      %parallel_loop3A_271 = arith.addf %parallel_loop3A_266, %parallel_loop3A_270 : vector<16xf32>
      %parallel_loop3A_272 = arith.index_cast %parallel_loop3A_48 : i32 to index
      %parallel_loop3A_273 = arith.constant 80 : index
      %parallel_loop3A_274 = tpu.vector_load %arg9[%parallel_loop3A_272, %parallel_loop3A_273] {strides = array<i32>} : memref<80x128xf32, #tpu.memory_space<vmem>>, vector<1x16xf32>,
      %parallel_loop3A_275 = vector.shape_cast %parallel_loop3A_274 : vector<1x16xf32> to vector<16xf32>
      %parallel_loop3A_276 = vector.shape_cast %parallel_loop3A_271 : vector<16xf32> to vector<1x16xf32>
      tpu.vector_store %arg9[%parallel_loop3A_272, %parallel_loop3A_273], %parallel_loop3A_276 {strides = array<i32>} : memref<80x128xf32, #tpu.memory_space<vmem>>, vector<1x16xf32>,
      %parallel_loop3A_277 = arith.index_cast %parallel_loop3A_48 : i32 to index
      %parallel_loop3A_278 = arith.constant 96 : index
      %parallel_loop3A_279 = tpu.vector_load %arg7[%parallel_loop3A_277, %parallel_loop3A_278] {strides = array<i32>} : memref<80x128xi32, #tpu.memory_space<vmem>>, vector<1x16xi32>,
      %parallel_loop3A_280 = vector.shape_cast %parallel_loop3A_279 : vector<1x16xi32> to vector<16xi32>
      %parallel_loop3A_281 = arith.index_cast %parallel_loop3A_48 : i32 to index
      %parallel_loop3A_282 = arith.constant 96 : index
      %parallel_loop3A_283 = tpu.vector_load %arg8[%parallel_loop3A_281, %parallel_loop3A_282] {strides = array<i32>} : memref<80x128xi32, #tpu.memory_space<vmem>>, vector<1x16xi32>,
      %parallel_loop3A_284 = vector.shape_cast %parallel_loop3A_283 : vector<1x16xi32> to vector<16xi32>
      %parallel_loop3A_285 = arith.constant 16 : i32
      %parallel_loop3A_286 = vector.broadcast %parallel_loop3A_285 : i32 to vector<16xi32>
      %parallel_loop3A_287 = arith.shli %parallel_loop3A_280, %parallel_loop3A_286 : vector<16xi32>
      %parallel_loop3A_288 = tpu.bitcast %parallel_loop3A_287 : vector<16xi32> -> vector<16xf32>
      %parallel_loop3A_289 = arith.constant -65536 : i32
      %parallel_loop3A_290 = vector.broadcast %parallel_loop3A_289 : i32 to vector<16xi32>
      %parallel_loop3A_291 = arith.andi %parallel_loop3A_280, %parallel_loop3A_290 : vector<16xi32>
      %parallel_loop3A_292 = tpu.bitcast %parallel_loop3A_291 : vector<16xi32> -> vector<16xf32>
      %parallel_loop3A_293 = arith.constant 16 : i32
      %parallel_loop3A_294 = vector.broadcast %parallel_loop3A_293 : i32 to vector<16xi32>
      %parallel_loop3A_295 = arith.shli %parallel_loop3A_284, %parallel_loop3A_294 : vector<16xi32>
      %parallel_loop3A_296 = tpu.bitcast %parallel_loop3A_295 : vector<16xi32> -> vector<16xf32>
      %parallel_loop3A_297 = arith.constant -65536 : i32
      %parallel_loop3A_298 = vector.broadcast %parallel_loop3A_297 : i32 to vector<16xi32>
      %parallel_loop3A_299 = arith.andi %parallel_loop3A_284, %parallel_loop3A_298 : vector<16xi32>
      %parallel_loop3A_300 = tpu.bitcast %parallel_loop3A_299 : vector<16xi32> -> vector<16xf32>
      %parallel_loop3A_301 = arith.addf %parallel_loop3A_288, %parallel_loop3A_300 : vector<16xf32>
      %parallel_loop3A_302 = arith.constant 0.000000e+00 : f32
      %parallel_loop3A_303 = vector.broadcast %parallel_loop3A_302 : f32 to vector<16xf32>
      %parallel_loop3A_304 = arith.maximumf %parallel_loop3A_301, %parallel_loop3A_303 : vector<16xf32>
      %parallel_loop3A_305 = arith.addf %parallel_loop3A_296, %parallel_loop3A_292 : vector<16xf32>
      %parallel_loop3A_306 = arith.constant 0.000000e+00 : f32
      %parallel_loop3A_307 = vector.broadcast %parallel_loop3A_306 : f32 to vector<16xf32>
      %parallel_loop3A_308 = arith.maximumf %parallel_loop3A_305, %parallel_loop3A_307 : vector<16xf32>
      %parallel_loop3A_309 = arith.addf %parallel_loop3A_304, %parallel_loop3A_308 : vector<16xf32>
      %parallel_loop3A_310 = arith.index_cast %parallel_loop3A_48 : i32 to index
      %parallel_loop3A_311 = arith.constant 96 : index
      %parallel_loop3A_312 = tpu.vector_load %arg9[%parallel_loop3A_310, %parallel_loop3A_311] {strides = array<i32>} : memref<80x128xf32, #tpu.memory_space<vmem>>, vector<1x16xf32>,
      %parallel_loop3A_313 = vector.shape_cast %parallel_loop3A_312 : vector<1x16xf32> to vector<16xf32>
      %parallel_loop3A_314 = vector.shape_cast %parallel_loop3A_309 : vector<16xf32> to vector<1x16xf32>
      tpu.vector_store %arg9[%parallel_loop3A_310, %parallel_loop3A_311], %parallel_loop3A_314 {strides = array<i32>} : memref<80x128xf32, #tpu.memory_space<vmem>>, vector<1x16xf32>,
      %parallel_loop3A_315 = arith.index_cast %parallel_loop3A_48 : i32 to index
      %parallel_loop3A_316 = arith.constant 112 : index
      %parallel_loop3A_317 = tpu.vector_load %arg7[%parallel_loop3A_315, %parallel_loop3A_316] {strides = array<i32>} : memref<80x128xi32, #tpu.memory_space<vmem>>, vector<1x16xi32>,
      %parallel_loop3A_318 = vector.shape_cast %parallel_loop3A_317 : vector<1x16xi32> to vector<16xi32>
      %parallel_loop3A_319 = arith.index_cast %parallel_loop3A_48 : i32 to index
      %parallel_loop3A_320 = arith.constant 112 : index
      %parallel_loop3A_321 = tpu.vector_load %arg8[%parallel_loop3A_319, %parallel_loop3A_320] {strides = array<i32>} : memref<80x128xi32, #tpu.memory_space<vmem>>, vector<1x16xi32>,
      %parallel_loop3A_322 = vector.shape_cast %parallel_loop3A_321 : vector<1x16xi32> to vector<16xi32>
      %parallel_loop3A_323 = arith.constant 16 : i32
      %parallel_loop3A_324 = vector.broadcast %parallel_loop3A_323 : i32 to vector<16xi32>
      %parallel_loop3A_325 = arith.shli %parallel_loop3A_318, %parallel_loop3A_324 : vector<16xi32>
      %parallel_loop3A_326 = tpu.bitcast %parallel_loop3A_325 : vector<16xi32> -> vector<16xf32>
      %parallel_loop3A_327 = arith.constant -65536 : i32
      %parallel_loop3A_328 = vector.broadcast %parallel_loop3A_327 : i32 to vector<16xi32>
      %parallel_loop3A_329 = arith.andi %parallel_loop3A_318, %parallel_loop3A_328 : vector<16xi32>
      %parallel_loop3A_330 = tpu.bitcast %parallel_loop3A_329 : vector<16xi32> -> vector<16xf32>
      %parallel_loop3A_331 = arith.constant 16 : i32
      %parallel_loop3A_332 = vector.broadcast %parallel_loop3A_331 : i32 to vector<16xi32>
      %parallel_loop3A_333 = arith.shli %parallel_loop3A_322, %parallel_loop3A_332 : vector<16xi32>
      %parallel_loop3A_334 = tpu.bitcast %parallel_loop3A_333 : vector<16xi32> -> vector<16xf32>
      %parallel_loop3A_335 = arith.constant -65536 : i32
      %parallel_loop3A_336 = vector.broadcast %parallel_loop3A_335 : i32 to vector<16xi32>
      %parallel_loop3A_337 = arith.andi %parallel_loop3A_322, %parallel_loop3A_336 : vector<16xi32>
      %parallel_loop3A_338 = tpu.bitcast %parallel_loop3A_337 : vector<16xi32> -> vector<16xf32>
      %parallel_loop3A_339 = arith.addf %parallel_loop3A_326, %parallel_loop3A_338 : vector<16xf32>
      %parallel_loop3A_340 = arith.constant 0.000000e+00 : f32
      %parallel_loop3A_341 = vector.broadcast %parallel_loop3A_340 : f32 to vector<16xf32>
      %parallel_loop3A_342 = arith.maximumf %parallel_loop3A_339, %parallel_loop3A_341 : vector<16xf32>
      %parallel_loop3A_343 = arith.addf %parallel_loop3A_334, %parallel_loop3A_330 : vector<16xf32>
      %parallel_loop3A_344 = arith.constant 0.000000e+00 : f32
      %parallel_loop3A_345 = vector.broadcast %parallel_loop3A_344 : f32 to vector<16xf32>
      %parallel_loop3A_346 = arith.maximumf %parallel_loop3A_343, %parallel_loop3A_345 : vector<16xf32>
      %parallel_loop3A_347 = arith.addf %parallel_loop3A_342, %parallel_loop3A_346 : vector<16xf32>
      %parallel_loop3A_348 = arith.index_cast %parallel_loop3A_48 : i32 to index
      %parallel_loop3A_349 = arith.constant 112 : index
      %parallel_loop3A_350 = tpu.vector_load %arg9[%parallel_loop3A_348, %parallel_loop3A_349] {strides = array<i32>} : memref<80x128xf32, #tpu.memory_space<vmem>>, vector<1x16xf32>,
      %parallel_loop3A_351 = vector.shape_cast %parallel_loop3A_350 : vector<1x16xf32> to vector<16xf32>
      %parallel_loop3A_352 = vector.shape_cast %parallel_loop3A_347 : vector<16xf32> to vector<1x16xf32>
      tpu.vector_store %arg9[%parallel_loop3A_348, %parallel_loop3A_349], %parallel_loop3A_352 {strides = array<i32>} : memref<80x128xf32, #tpu.memory_space<vmem>>, vector<1x16xf32>,
    } {sc.loop_unroll_factor = 2 : i64, sc.parallel_access}
    %dma_start3A_36 = arith.constant 0 : i32
    %dma_start3A_37 = tpu.memref_slice %arg4[%add3A_20, %dma_start3A_36] : memref<320000x128xf32, #tpu.memory_space<hbm>> -> memref<80x128xf32, #tpu.memory_space<hbm>>
    %dma_start3A_38 = arith.constant 0 : i32
    %dma_start3A_39 = tpu.memref_slice %arg4[%add3A_20, %dma_start3A_38] : memref<320000x128xf32, #tpu.memory_space<hbm>> -> memref<80x128xf32, #tpu.memory_space<hbm>>
    tpu.enqueue_dma source(%arg9 : memref<80x128xf32, #tpu.memory_space<vmem>>) target(%dma_start3A_39 : memref<80x128xf32, #tpu.memory_space<hbm>>) target_semaphore(%arg15 : memref<!tpu.dma_semaphore, #tpu.memory_space<semaphore_mem>>)
    %dma_wait3A_40 = arith.constant 0 : i32
    %dma_wait3A_41 = tpu.memref_slice %arg4[%mul3A_2, %dma_wait3A_40] : memref<320000x128xf32, #tpu.memory_space<hbm>> -> memref<80x128xf32, #tpu.memory_space<hbm>>
    %dma_wait3A_42 = arith.constant 0 : i32
    %dma_wait3A_43 = tpu.memref_slice %arg4[%mul3A_2, %dma_wait3A_42] : memref<320000x128xf32, #tpu.memory_space<hbm>> -> memref<80x128xf32, #tpu.memory_space<hbm>>
    tpu.wait_dma2 semaphore(%arg15 : memref<!tpu.dma_semaphore, #tpu.memory_space<semaphore_mem>>) src(%arg9 : memref<80x128xf32, #tpu.memory_space<vmem>>) dst(%dma_wait3A_43 : memref<80x128xf32, #tpu.memory_space<hbm>>)
    %dma_wait3A_44 = arith.constant 0 : i32
    %dma_wait3A_45 = tpu.memref_slice %arg4[%mul3A_2, %dma_wait3A_44] : memref<320000x128xf32, #tpu.memory_space<hbm>> -> memref<80x128xf32, #tpu.memory_space<hbm>>
    %dma_wait3A_46 = arith.constant 0 : i32
    %dma_wait3A_47 = tpu.memref_slice %arg4[%mul3A_2, %dma_wait3A_46] : memref<320000x128xf32, #tpu.memory_space<hbm>> -> memref<80x128xf32, #tpu.memory_space<hbm>>
    tpu.wait_dma2 semaphore(%arg16 : memref<!tpu.dma_semaphore, #tpu.memory_space<semaphore_mem>>) src(%arg12 : memref<80x128xf32, #tpu.memory_space<vmem>>) dst(%dma_wait3A_47 : memref<80x128xf32, #tpu.memory_space<hbm>>)
    return
  }
}

#map = affine_map<(d0, d1) -> (0, 0)>
#map1 = affine_map<(d0, d1) -> (0)>
#map2 = affine_map<(d0, d1) -> (0, 0, 0)>
module attributes {stable_mosaic.version = 14 : i64} {
  func.func @_sc_segsum_body(%arg0: i32, %arg1: i32, %arg2: memref<320000x128xf32, #tpu.memory_space<hbm>>, %arg3: memref<320000xi32, #tpu.memory_space<hbm>>, %arg4: memref<2x10000x128xf32, #tpu.memory_space<hbm>>, %arg5: memref<10000x128xf32, #tpu.memory_space<vmem_shared>>, %arg6: memref<80x128xf32, #tpu.memory_space<vmem>>, %arg7: memref<80xi32, #tpu.memory_space<vmem>>, %arg8: memref<80x128xf32, #tpu.memory_space<vmem>>, %arg9: memref<80xi32, #tpu.memory_space<vmem>>, %arg10: memref<80x128xf32, #tpu.memory_space<vmem>>, %arg11: memref<!tpu.dma_semaphore, #tpu.memory_space<semaphore_mem>>, %arg12: memref<!tpu.dma_semaphore, #tpu.memory_space<semaphore_mem>>) attributes {dimension_semantics = [#tpu.dimension_semantics<core_parallel>, #tpu.dimension_semantics<subcore_parallel>], iteration_bounds = array<i64: 2, 16>, scalar_prefetch = 0 : i64, scratch_operands = 8 : i64, tpu.core_type = #tpu.core_type<sc_vector_subcore>, window_params = [{transform_indices = #map}, {transform_indices = #map1}, {transform_indices = #map2}]} {
    %mul3A = arith.constant 2 : i32
    %mul3A_0 = arith.muli %arg1, %mul3A : i32
    %add3A = arith.addi %mul3A_0, %arg0 : i32
    %scan3A = arith.constant 0 : i32
    %scan3A_1 = arith.constant 0 : i32
    %scan3A_2 = arith.constant 80 : i32
    %scan3A_3 = arith.addi %scan3A_1, %scan3A_2 : i32
    %scan3A_4 = arith.constant 1 : i32
    scf.for %scan3A_138 = %scan3A_1 to %scan3A_3 step %scan3A_4  : i32 {
      %broadcast_in_dim3A = arith.constant 0.000000e+00 : f32
      %broadcast_in_dim3A_139 = vector.broadcast %broadcast_in_dim3A : f32 to vector<16xf32>
      %swap3A = arith.index_cast %scan3A_138 : i32 to index
      %swap3A_140 = arith.constant 0 : index
      %swap3A_141 = tpu.vector_load %arg10[%swap3A, %swap3A_140] {strides = array<i32>} : memref<80x128xf32, #tpu.memory_space<vmem>>, vector<1x16xf32>,
      %swap3A_142 = vector.shape_cast %swap3A_141 : vector<1x16xf32> to vector<16xf32>
      %swap3A_143 = vector.shape_cast %broadcast_in_dim3A_139 : vector<16xf32> to vector<1x16xf32>
      tpu.vector_store %arg10[%swap3A, %swap3A_140], %swap3A_143 {strides = array<i32>} : memref<80x128xf32, #tpu.memory_space<vmem>>, vector<1x16xf32>,
      %broadcast_in_dim3A_144 = arith.constant 0.000000e+00 : f32
      %broadcast_in_dim3A_145 = vector.broadcast %broadcast_in_dim3A_144 : f32 to vector<16xf32>
      %swap3A_146 = arith.index_cast %scan3A_138 : i32 to index
      %swap3A_147 = arith.constant 16 : index
      %swap3A_148 = tpu.vector_load %arg10[%swap3A_146, %swap3A_147] {strides = array<i32>} : memref<80x128xf32, #tpu.memory_space<vmem>>, vector<1x16xf32>,
      %swap3A_149 = vector.shape_cast %swap3A_148 : vector<1x16xf32> to vector<16xf32>
      %swap3A_150 = vector.shape_cast %broadcast_in_dim3A_145 : vector<16xf32> to vector<1x16xf32>
      tpu.vector_store %arg10[%swap3A_146, %swap3A_147], %swap3A_150 {strides = array<i32>} : memref<80x128xf32, #tpu.memory_space<vmem>>, vector<1x16xf32>,
      %broadcast_in_dim3A_151 = arith.constant 0.000000e+00 : f32
      %broadcast_in_dim3A_152 = vector.broadcast %broadcast_in_dim3A_151 : f32 to vector<16xf32>
      %swap3A_153 = arith.index_cast %scan3A_138 : i32 to index
      %swap3A_154 = arith.constant 32 : index
      %swap3A_155 = tpu.vector_load %arg10[%swap3A_153, %swap3A_154] {strides = array<i32>} : memref<80x128xf32, #tpu.memory_space<vmem>>, vector<1x16xf32>,
      %swap3A_156 = vector.shape_cast %swap3A_155 : vector<1x16xf32> to vector<16xf32>
      %swap3A_157 = vector.shape_cast %broadcast_in_dim3A_152 : vector<16xf32> to vector<1x16xf32>
      tpu.vector_store %arg10[%swap3A_153, %swap3A_154], %swap3A_157 {strides = array<i32>} : memref<80x128xf32, #tpu.memory_space<vmem>>, vector<1x16xf32>,
      %broadcast_in_dim3A_158 = arith.constant 0.000000e+00 : f32
      %broadcast_in_dim3A_159 = vector.broadcast %broadcast_in_dim3A_158 : f32 to vector<16xf32>
      %swap3A_160 = arith.index_cast %scan3A_138 : i32 to index
      %swap3A_161 = arith.constant 48 : index
      %swap3A_162 = tpu.vector_load %arg10[%swap3A_160, %swap3A_161] {strides = array<i32>} : memref<80x128xf32, #tpu.memory_space<vmem>>, vector<1x16xf32>,
      %swap3A_163 = vector.shape_cast %swap3A_162 : vector<1x16xf32> to vector<16xf32>
      %swap3A_164 = vector.shape_cast %broadcast_in_dim3A_159 : vector<16xf32> to vector<1x16xf32>
      tpu.vector_store %arg10[%swap3A_160, %swap3A_161], %swap3A_164 {strides = array<i32>} : memref<80x128xf32, #tpu.memory_space<vmem>>, vector<1x16xf32>,
      %broadcast_in_dim3A_165 = arith.constant 0.000000e+00 : f32
      %broadcast_in_dim3A_166 = vector.broadcast %broadcast_in_dim3A_165 : f32 to vector<16xf32>
      %swap3A_167 = arith.index_cast %scan3A_138 : i32 to index
      %swap3A_168 = arith.constant 64 : index
      %swap3A_169 = tpu.vector_load %arg10[%swap3A_167, %swap3A_168] {strides = array<i32>} : memref<80x128xf32, #tpu.memory_space<vmem>>, vector<1x16xf32>,
      %swap3A_170 = vector.shape_cast %swap3A_169 : vector<1x16xf32> to vector<16xf32>
      %swap3A_171 = vector.shape_cast %broadcast_in_dim3A_166 : vector<16xf32> to vector<1x16xf32>
      tpu.vector_store %arg10[%swap3A_167, %swap3A_168], %swap3A_171 {strides = array<i32>} : memref<80x128xf32, #tpu.memory_space<vmem>>, vector<1x16xf32>,
      %broadcast_in_dim3A_172 = arith.constant 0.000000e+00 : f32
      %broadcast_in_dim3A_173 = vector.broadcast %broadcast_in_dim3A_172 : f32 to vector<16xf32>
      %swap3A_174 = arith.index_cast %scan3A_138 : i32 to index
      %swap3A_175 = arith.constant 80 : index
      %swap3A_176 = tpu.vector_load %arg10[%swap3A_174, %swap3A_175] {strides = array<i32>} : memref<80x128xf32, #tpu.memory_space<vmem>>, vector<1x16xf32>,
      %swap3A_177 = vector.shape_cast %swap3A_176 : vector<1x16xf32> to vector<16xf32>
      %swap3A_178 = vector.shape_cast %broadcast_in_dim3A_173 : vector<16xf32> to vector<1x16xf32>
      tpu.vector_store %arg10[%swap3A_174, %swap3A_175], %swap3A_178 {strides = array<i32>} : memref<80x128xf32, #tpu.memory_space<vmem>>, vector<1x16xf32>,
      %broadcast_in_dim3A_179 = arith.constant 0.000000e+00 : f32
      %broadcast_in_dim3A_180 = vector.broadcast %broadcast_in_dim3A_179 : f32 to vector<16xf32>
      %swap3A_181 = arith.index_cast %scan3A_138 : i32 to index
      %swap3A_182 = arith.constant 96 : index
      %swap3A_183 = tpu.vector_load %arg10[%swap3A_181, %swap3A_182] {strides = array<i32>} : memref<80x128xf32, #tpu.memory_space<vmem>>, vector<1x16xf32>,
      %swap3A_184 = vector.shape_cast %swap3A_183 : vector<1x16xf32> to vector<16xf32>
      %swap3A_185 = vector.shape_cast %broadcast_in_dim3A_180 : vector<16xf32> to vector<1x16xf32>
      tpu.vector_store %arg10[%swap3A_181, %swap3A_182], %swap3A_185 {strides = array<i32>} : memref<80x128xf32, #tpu.memory_space<vmem>>, vector<1x16xf32>,
      %broadcast_in_dim3A_186 = arith.constant 0.000000e+00 : f32
      %broadcast_in_dim3A_187 = vector.broadcast %broadcast_in_dim3A_186 : f32 to vector<16xf32>
      %swap3A_188 = arith.index_cast %scan3A_138 : i32 to index
      %swap3A_189 = arith.constant 112 : index
      %swap3A_190 = tpu.vector_load %arg10[%swap3A_188, %swap3A_189] {strides = array<i32>} : memref<80x128xf32, #tpu.memory_space<vmem>>, vector<1x16xf32>,
      %swap3A_191 = vector.shape_cast %swap3A_190 : vector<1x16xf32> to vector<16xf32>
      %swap3A_192 = vector.shape_cast %broadcast_in_dim3A_187 : vector<16xf32> to vector<1x16xf32>
      tpu.vector_store %arg10[%swap3A_188, %swap3A_189], %swap3A_192 {strides = array<i32>} : memref<80x128xf32, #tpu.memory_space<vmem>>, vector<1x16xf32>,
    }
    %scan3A_5 = arith.constant 80 : i32
    %add3A_6 = arith.constant 0 : i32
    %add3A_7 = arith.addi %arg1, %add3A_6 : i32
    %lt3A = arith.constant 125 : i32
    %lt3A_8 = arith.cmpi slt, %add3A_7, %lt3A : i32
    %convert_element_type3A = arith.extui %lt3A_8 : i1 to i32
    %cond3A = arith.constant 0 : i32
    %cond3A_9 = arith.cmpi ne, %convert_element_type3A, %cond3A : i32
    scf.if %cond3A_9 {
      %mul3A_138 = arith.constant 80 : i32
      %mul3A_139 = arith.muli %add3A_7, %mul3A_138 : i32
      "tpu.region"() ({
        %run_scoped3A = tpu.sem_alloc : memref<!tpu.dma_semaphore, #tpu.memory_space<semaphore_mem>>
        %dma_start3A_140 = arith.constant 0 : i32
        %dma_start3A_141 = tpu.memref_slice %arg5[%mul3A_139, %dma_start3A_140] : memref<10000x128xf32, #tpu.memory_space<vmem_shared>> -> memref<80x128xf32, #tpu.memory_space<vmem_shared>>
        %dma_start3A_142 = arith.constant 0 : i32
        %dma_start3A_143 = tpu.memref_slice %arg5[%mul3A_139, %dma_start3A_142] : memref<10000x128xf32, #tpu.memory_space<vmem_shared>> -> memref<80x128xf32, #tpu.memory_space<vmem_shared>>
        tpu.enqueue_dma source(%arg10 : memref<80x128xf32, #tpu.memory_space<vmem>>) target(%dma_start3A_143 : memref<80x128xf32, #tpu.memory_space<vmem_shared>>) target_semaphore(%run_scoped3A : memref<!tpu.dma_semaphore, #tpu.memory_space<semaphore_mem>>)
        %dma_wait3A_144 = arith.constant 0 : i32
        %dma_wait3A_145 = tpu.memref_slice %arg5[%mul3A_139, %dma_wait3A_144] : memref<10000x128xf32, #tpu.memory_space<vmem_shared>> -> memref<80x128xf32, #tpu.memory_space<vmem_shared>>
        %dma_wait3A_146 = arith.constant 0 : i32
        %dma_wait3A_147 = tpu.memref_slice %arg5[%mul3A_139, %dma_wait3A_146] : memref<10000x128xf32, #tpu.memory_space<vmem_shared>> -> memref<80x128xf32, #tpu.memory_space<vmem_shared>>
        tpu.wait_dma2 semaphore(%run_scoped3A : memref<!tpu.dma_semaphore, #tpu.memory_space<semaphore_mem>>) src(%arg10 : memref<80x128xf32, #tpu.memory_space<vmem>>) dst(%dma_wait3A_147 : memref<80x128xf32, #tpu.memory_space<vmem_shared>>)
        tpu.yield
      }) : () -> ()
    } else {
    }
    %add3A_10 = arith.constant 16 : i32
    %add3A_11 = arith.addi %arg1, %add3A_10 : i32
    %lt3A_12 = arith.constant 125 : i32
    %lt3A_13 = arith.cmpi slt, %add3A_11, %lt3A_12 : i32
    %convert_element_type3A_14 = arith.extui %lt3A_13 : i1 to i32
    %cond3A_15 = arith.constant 0 : i32
    %cond3A_16 = arith.cmpi ne, %convert_element_type3A_14, %cond3A_15 : i32
    scf.if %cond3A_16 {
      %mul3A_138 = arith.constant 80 : i32
      %mul3A_139 = arith.muli %add3A_11, %mul3A_138 : i32
      "tpu.region"() ({
        %run_scoped3A = tpu.sem_alloc : memref<!tpu.dma_semaphore, #tpu.memory_space<semaphore_mem>>
        %dma_start3A_140 = arith.constant 0 : i32
        %dma_start3A_141 = tpu.memref_slice %arg5[%mul3A_139, %dma_start3A_140] : memref<10000x128xf32, #tpu.memory_space<vmem_shared>> -> memref<80x128xf32, #tpu.memory_space<vmem_shared>>
        %dma_start3A_142 = arith.constant 0 : i32
        %dma_start3A_143 = tpu.memref_slice %arg5[%mul3A_139, %dma_start3A_142] : memref<10000x128xf32, #tpu.memory_space<vmem_shared>> -> memref<80x128xf32, #tpu.memory_space<vmem_shared>>
        tpu.enqueue_dma source(%arg10 : memref<80x128xf32, #tpu.memory_space<vmem>>) target(%dma_start3A_143 : memref<80x128xf32, #tpu.memory_space<vmem_shared>>) target_semaphore(%run_scoped3A : memref<!tpu.dma_semaphore, #tpu.memory_space<semaphore_mem>>)
        %dma_wait3A_144 = arith.constant 0 : i32
        %dma_wait3A_145 = tpu.memref_slice %arg5[%mul3A_139, %dma_wait3A_144] : memref<10000x128xf32, #tpu.memory_space<vmem_shared>> -> memref<80x128xf32, #tpu.memory_space<vmem_shared>>
        %dma_wait3A_146 = arith.constant 0 : i32
        %dma_wait3A_147 = tpu.memref_slice %arg5[%mul3A_139, %dma_wait3A_146] : memref<10000x128xf32, #tpu.memory_space<vmem_shared>> -> memref<80x128xf32, #tpu.memory_space<vmem_shared>>
        tpu.wait_dma2 semaphore(%run_scoped3A : memref<!tpu.dma_semaphore, #tpu.memory_space<semaphore_mem>>) src(%arg10 : memref<80x128xf32, #tpu.memory_space<vmem>>) dst(%dma_wait3A_147 : memref<80x128xf32, #tpu.memory_space<vmem_shared>>)
        tpu.yield
      }) : () -> ()
    } else {
    }
    %add3A_17 = arith.constant 32 : i32
    %add3A_18 = arith.addi %arg1, %add3A_17 : i32
    %lt3A_19 = arith.constant 125 : i32
    %lt3A_20 = arith.cmpi slt, %add3A_18, %lt3A_19 : i32
    %convert_element_type3A_21 = arith.extui %lt3A_20 : i1 to i32
    %cond3A_22 = arith.constant 0 : i32
    %cond3A_23 = arith.cmpi ne, %convert_element_type3A_21, %cond3A_22 : i32
    scf.if %cond3A_23 {
      %mul3A_138 = arith.constant 80 : i32
      %mul3A_139 = arith.muli %add3A_18, %mul3A_138 : i32
      "tpu.region"() ({
        %run_scoped3A = tpu.sem_alloc : memref<!tpu.dma_semaphore, #tpu.memory_space<semaphore_mem>>
        %dma_start3A_140 = arith.constant 0 : i32
        %dma_start3A_141 = tpu.memref_slice %arg5[%mul3A_139, %dma_start3A_140] : memref<10000x128xf32, #tpu.memory_space<vmem_shared>> -> memref<80x128xf32, #tpu.memory_space<vmem_shared>>
        %dma_start3A_142 = arith.constant 0 : i32
        %dma_start3A_143 = tpu.memref_slice %arg5[%mul3A_139, %dma_start3A_142] : memref<10000x128xf32, #tpu.memory_space<vmem_shared>> -> memref<80x128xf32, #tpu.memory_space<vmem_shared>>
        tpu.enqueue_dma source(%arg10 : memref<80x128xf32, #tpu.memory_space<vmem>>) target(%dma_start3A_143 : memref<80x128xf32, #tpu.memory_space<vmem_shared>>) target_semaphore(%run_scoped3A : memref<!tpu.dma_semaphore, #tpu.memory_space<semaphore_mem>>)
        %dma_wait3A_144 = arith.constant 0 : i32
        %dma_wait3A_145 = tpu.memref_slice %arg5[%mul3A_139, %dma_wait3A_144] : memref<10000x128xf32, #tpu.memory_space<vmem_shared>> -> memref<80x128xf32, #tpu.memory_space<vmem_shared>>
        %dma_wait3A_146 = arith.constant 0 : i32
        %dma_wait3A_147 = tpu.memref_slice %arg5[%mul3A_139, %dma_wait3A_146] : memref<10000x128xf32, #tpu.memory_space<vmem_shared>> -> memref<80x128xf32, #tpu.memory_space<vmem_shared>>
        tpu.wait_dma2 semaphore(%run_scoped3A : memref<!tpu.dma_semaphore, #tpu.memory_space<semaphore_mem>>) src(%arg10 : memref<80x128xf32, #tpu.memory_space<vmem>>) dst(%dma_wait3A_147 : memref<80x128xf32, #tpu.memory_space<vmem_shared>>)
        tpu.yield
      }) : () -> ()
    } else {
    }
    %add3A_24 = arith.constant 48 : i32
    %add3A_25 = arith.addi %arg1, %add3A_24 : i32
    %lt3A_26 = arith.constant 125 : i32
    %lt3A_27 = arith.cmpi slt, %add3A_25, %lt3A_26 : i32
    %convert_element_type3A_28 = arith.extui %lt3A_27 : i1 to i32
    %cond3A_29 = arith.constant 0 : i32
    %cond3A_30 = arith.cmpi ne, %convert_element_type3A_28, %cond3A_29 : i32
    scf.if %cond3A_30 {
      %mul3A_138 = arith.constant 80 : i32
      %mul3A_139 = arith.muli %add3A_25, %mul3A_138 : i32
      "tpu.region"() ({
        %run_scoped3A = tpu.sem_alloc : memref<!tpu.dma_semaphore, #tpu.memory_space<semaphore_mem>>
        %dma_start3A_140 = arith.constant 0 : i32
        %dma_start3A_141 = tpu.memref_slice %arg5[%mul3A_139, %dma_start3A_140] : memref<10000x128xf32, #tpu.memory_space<vmem_shared>> -> memref<80x128xf32, #tpu.memory_space<vmem_shared>>
        %dma_start3A_142 = arith.constant 0 : i32
        %dma_start3A_143 = tpu.memref_slice %arg5[%mul3A_139, %dma_start3A_142] : memref<10000x128xf32, #tpu.memory_space<vmem_shared>> -> memref<80x128xf32, #tpu.memory_space<vmem_shared>>
        tpu.enqueue_dma source(%arg10 : memref<80x128xf32, #tpu.memory_space<vmem>>) target(%dma_start3A_143 : memref<80x128xf32, #tpu.memory_space<vmem_shared>>) target_semaphore(%run_scoped3A : memref<!tpu.dma_semaphore, #tpu.memory_space<semaphore_mem>>)
        %dma_wait3A_144 = arith.constant 0 : i32
        %dma_wait3A_145 = tpu.memref_slice %arg5[%mul3A_139, %dma_wait3A_144] : memref<10000x128xf32, #tpu.memory_space<vmem_shared>> -> memref<80x128xf32, #tpu.memory_space<vmem_shared>>
        %dma_wait3A_146 = arith.constant 0 : i32
        %dma_wait3A_147 = tpu.memref_slice %arg5[%mul3A_139, %dma_wait3A_146] : memref<10000x128xf32, #tpu.memory_space<vmem_shared>> -> memref<80x128xf32, #tpu.memory_space<vmem_shared>>
        tpu.wait_dma2 semaphore(%run_scoped3A : memref<!tpu.dma_semaphore, #tpu.memory_space<semaphore_mem>>) src(%arg10 : memref<80x128xf32, #tpu.memory_space<vmem>>) dst(%dma_wait3A_147 : memref<80x128xf32, #tpu.memory_space<vmem_shared>>)
        tpu.yield
      }) : () -> ()
    } else {
    }
    %add3A_31 = arith.constant 64 : i32
    %add3A_32 = arith.addi %arg1, %add3A_31 : i32
    %lt3A_33 = arith.constant 125 : i32
    %lt3A_34 = arith.cmpi slt, %add3A_32, %lt3A_33 : i32
    %convert_element_type3A_35 = arith.extui %lt3A_34 : i1 to i32
    %cond3A_36 = arith.constant 0 : i32
    %cond3A_37 = arith.cmpi ne, %convert_element_type3A_35, %cond3A_36 : i32
    scf.if %cond3A_37 {
      %mul3A_138 = arith.constant 80 : i32
      %mul3A_139 = arith.muli %add3A_32, %mul3A_138 : i32
      "tpu.region"() ({
        %run_scoped3A = tpu.sem_alloc : memref<!tpu.dma_semaphore, #tpu.memory_space<semaphore_mem>>
        %dma_start3A_140 = arith.constant 0 : i32
        %dma_start3A_141 = tpu.memref_slice %arg5[%mul3A_139, %dma_start3A_140] : memref<10000x128xf32, #tpu.memory_space<vmem_shared>> -> memref<80x128xf32, #tpu.memory_space<vmem_shared>>
        %dma_start3A_142 = arith.constant 0 : i32
        %dma_start3A_143 = tpu.memref_slice %arg5[%mul3A_139, %dma_start3A_142] : memref<10000x128xf32, #tpu.memory_space<vmem_shared>> -> memref<80x128xf32, #tpu.memory_space<vmem_shared>>
        tpu.enqueue_dma source(%arg10 : memref<80x128xf32, #tpu.memory_space<vmem>>) target(%dma_start3A_143 : memref<80x128xf32, #tpu.memory_space<vmem_shared>>) target_semaphore(%run_scoped3A : memref<!tpu.dma_semaphore, #tpu.memory_space<semaphore_mem>>)
        %dma_wait3A_144 = arith.constant 0 : i32
        %dma_wait3A_145 = tpu.memref_slice %arg5[%mul3A_139, %dma_wait3A_144] : memref<10000x128xf32, #tpu.memory_space<vmem_shared>> -> memref<80x128xf32, #tpu.memory_space<vmem_shared>>
        %dma_wait3A_146 = arith.constant 0 : i32
        %dma_wait3A_147 = tpu.memref_slice %arg5[%mul3A_139, %dma_wait3A_146] : memref<10000x128xf32, #tpu.memory_space<vmem_shared>> -> memref<80x128xf32, #tpu.memory_space<vmem_shared>>
        tpu.wait_dma2 semaphore(%run_scoped3A : memref<!tpu.dma_semaphore, #tpu.memory_space<semaphore_mem>>) src(%arg10 : memref<80x128xf32, #tpu.memory_space<vmem>>) dst(%dma_wait3A_147 : memref<80x128xf32, #tpu.memory_space<vmem_shared>>)
        tpu.yield
      }) : () -> ()
    } else {
    }
    %add3A_38 = arith.constant 80 : i32
    %add3A_39 = arith.addi %arg1, %add3A_38 : i32
    %lt3A_40 = arith.constant 125 : i32
    %lt3A_41 = arith.cmpi slt, %add3A_39, %lt3A_40 : i32
    %convert_element_type3A_42 = arith.extui %lt3A_41 : i1 to i32
    %cond3A_43 = arith.constant 0 : i32
    %cond3A_44 = arith.cmpi ne, %convert_element_type3A_42, %cond3A_43 : i32
    scf.if %cond3A_44 {
      %mul3A_138 = arith.constant 80 : i32
      %mul3A_139 = arith.muli %add3A_39, %mul3A_138 : i32
      "tpu.region"() ({
        %run_scoped3A = tpu.sem_alloc : memref<!tpu.dma_semaphore, #tpu.memory_space<semaphore_mem>>
        %dma_start3A_140 = arith.constant 0 : i32
        %dma_start3A_141 = tpu.memref_slice %arg5[%mul3A_139, %dma_start3A_140] : memref<10000x128xf32, #tpu.memory_space<vmem_shared>> -> memref<80x128xf32, #tpu.memory_space<vmem_shared>>
        %dma_start3A_142 = arith.constant 0 : i32
        %dma_start3A_143 = tpu.memref_slice %arg5[%mul3A_139, %dma_start3A_142] : memref<10000x128xf32, #tpu.memory_space<vmem_shared>> -> memref<80x128xf32, #tpu.memory_space<vmem_shared>>
        tpu.enqueue_dma source(%arg10 : memref<80x128xf32, #tpu.memory_space<vmem>>) target(%dma_start3A_143 : memref<80x128xf32, #tpu.memory_space<vmem_shared>>) target_semaphore(%run_scoped3A : memref<!tpu.dma_semaphore, #tpu.memory_space<semaphore_mem>>)
        %dma_wait3A_144 = arith.constant 0 : i32
        %dma_wait3A_145 = tpu.memref_slice %arg5[%mul3A_139, %dma_wait3A_144] : memref<10000x128xf32, #tpu.memory_space<vmem_shared>> -> memref<80x128xf32, #tpu.memory_space<vmem_shared>>
        %dma_wait3A_146 = arith.constant 0 : i32
        %dma_wait3A_147 = tpu.memref_slice %arg5[%mul3A_139, %dma_wait3A_146] : memref<10000x128xf32, #tpu.memory_space<vmem_shared>> -> memref<80x128xf32, #tpu.memory_space<vmem_shared>>
        tpu.wait_dma2 semaphore(%run_scoped3A : memref<!tpu.dma_semaphore, #tpu.memory_space<semaphore_mem>>) src(%arg10 : memref<80x128xf32, #tpu.memory_space<vmem>>) dst(%dma_wait3A_147 : memref<80x128xf32, #tpu.memory_space<vmem_shared>>)
        tpu.yield
      }) : () -> ()
    } else {
    }
    %add3A_45 = arith.constant 96 : i32
    %add3A_46 = arith.addi %arg1, %add3A_45 : i32
    %lt3A_47 = arith.constant 125 : i32
    %lt3A_48 = arith.cmpi slt, %add3A_46, %lt3A_47 : i32
    %convert_element_type3A_49 = arith.extui %lt3A_48 : i1 to i32
    %cond3A_50 = arith.constant 0 : i32
    %cond3A_51 = arith.cmpi ne, %convert_element_type3A_49, %cond3A_50 : i32
    scf.if %cond3A_51 {
      %mul3A_138 = arith.constant 80 : i32
      %mul3A_139 = arith.muli %add3A_46, %mul3A_138 : i32
      "tpu.region"() ({
        %run_scoped3A = tpu.sem_alloc : memref<!tpu.dma_semaphore, #tpu.memory_space<semaphore_mem>>
        %dma_start3A_140 = arith.constant 0 : i32
        %dma_start3A_141 = tpu.memref_slice %arg5[%mul3A_139, %dma_start3A_140] : memref<10000x128xf32, #tpu.memory_space<vmem_shared>> -> memref<80x128xf32, #tpu.memory_space<vmem_shared>>
        %dma_start3A_142 = arith.constant 0 : i32
        %dma_start3A_143 = tpu.memref_slice %arg5[%mul3A_139, %dma_start3A_142] : memref<10000x128xf32, #tpu.memory_space<vmem_shared>> -> memref<80x128xf32, #tpu.memory_space<vmem_shared>>
        tpu.enqueue_dma source(%arg10 : memref<80x128xf32, #tpu.memory_space<vmem>>) target(%dma_start3A_143 : memref<80x128xf32, #tpu.memory_space<vmem_shared>>) target_semaphore(%run_scoped3A : memref<!tpu.dma_semaphore, #tpu.memory_space<semaphore_mem>>)
        %dma_wait3A_144 = arith.constant 0 : i32
        %dma_wait3A_145 = tpu.memref_slice %arg5[%mul3A_139, %dma_wait3A_144] : memref<10000x128xf32, #tpu.memory_space<vmem_shared>> -> memref<80x128xf32, #tpu.memory_space<vmem_shared>>
        %dma_wait3A_146 = arith.constant 0 : i32
        %dma_wait3A_147 = tpu.memref_slice %arg5[%mul3A_139, %dma_wait3A_146] : memref<10000x128xf32, #tpu.memory_space<vmem_shared>> -> memref<80x128xf32, #tpu.memory_space<vmem_shared>>
        tpu.wait_dma2 semaphore(%run_scoped3A : memref<!tpu.dma_semaphore, #tpu.memory_space<semaphore_mem>>) src(%arg10 : memref<80x128xf32, #tpu.memory_space<vmem>>) dst(%dma_wait3A_147 : memref<80x128xf32, #tpu.memory_space<vmem_shared>>)
        tpu.yield
      }) : () -> ()
    } else {
    }
    %add3A_52 = arith.constant 112 : i32
    %add3A_53 = arith.addi %arg1, %add3A_52 : i32
    %lt3A_54 = arith.constant 125 : i32
    %lt3A_55 = arith.cmpi slt, %add3A_53, %lt3A_54 : i32
    %convert_element_type3A_56 = arith.extui %lt3A_55 : i1 to i32
    %cond3A_57 = arith.constant 0 : i32
    %cond3A_58 = arith.cmpi ne, %convert_element_type3A_56, %cond3A_57 : i32
    scf.if %cond3A_58 {
      %mul3A_138 = arith.constant 80 : i32
      %mul3A_139 = arith.muli %add3A_53, %mul3A_138 : i32
      "tpu.region"() ({
        %run_scoped3A = tpu.sem_alloc : memref<!tpu.dma_semaphore, #tpu.memory_space<semaphore_mem>>
        %dma_start3A_140 = arith.constant 0 : i32
        %dma_start3A_141 = tpu.memref_slice %arg5[%mul3A_139, %dma_start3A_140] : memref<10000x128xf32, #tpu.memory_space<vmem_shared>> -> memref<80x128xf32, #tpu.memory_space<vmem_shared>>
        %dma_start3A_142 = arith.constant 0 : i32
        %dma_start3A_143 = tpu.memref_slice %arg5[%mul3A_139, %dma_start3A_142] : memref<10000x128xf32, #tpu.memory_space<vmem_shared>> -> memref<80x128xf32, #tpu.memory_space<vmem_shared>>
        tpu.enqueue_dma source(%arg10 : memref<80x128xf32, #tpu.memory_space<vmem>>) target(%dma_start3A_143 : memref<80x128xf32, #tpu.memory_space<vmem_shared>>) target_semaphore(%run_scoped3A : memref<!tpu.dma_semaphore, #tpu.memory_space<semaphore_mem>>)
        %dma_wait3A_144 = arith.constant 0 : i32
        %dma_wait3A_145 = tpu.memref_slice %arg5[%mul3A_139, %dma_wait3A_144] : memref<10000x128xf32, #tpu.memory_space<vmem_shared>> -> memref<80x128xf32, #tpu.memory_space<vmem_shared>>
        %dma_wait3A_146 = arith.constant 0 : i32
        %dma_wait3A_147 = tpu.memref_slice %arg5[%mul3A_139, %dma_wait3A_146] : memref<10000x128xf32, #tpu.memory_space<vmem_shared>> -> memref<80x128xf32, #tpu.memory_space<vmem_shared>>
        tpu.wait_dma2 semaphore(%run_scoped3A : memref<!tpu.dma_semaphore, #tpu.memory_space<semaphore_mem>>) src(%arg10 : memref<80x128xf32, #tpu.memory_space<vmem>>) dst(%dma_wait3A_147 : memref<80x128xf32, #tpu.memory_space<vmem_shared>>)
        tpu.yield
      }) : () -> ()
    } else {
    }
    %barrier3A = arith.constant 0 : index
    tpu.barrier barrier_id(%barrier3A)
    %mul3A_59 = arith.constant 10000 : i32
    %mul3A_60 = arith.muli %add3A, %mul3A_59 : i32
    %add3A_61 = arith.constant 0 : i32
    %add3A_62 = arith.addi %mul3A_60, %add3A_61 : i32
    %dma_start3A = arith.constant 0 : i32
    %dma_start3A_63 = tpu.memref_slice %arg2[%add3A_62, %dma_start3A] : memref<320000x128xf32, #tpu.memory_space<hbm>> -> memref<80x128xf32, #tpu.memory_space<hbm>>
    %dma_start3A_64 = arith.constant 0 : i32
    %dma_start3A_65 = tpu.memref_slice %arg2[%add3A_62, %dma_start3A_64] : memref<320000x128xf32, #tpu.memory_space<hbm>> -> memref<80x128xf32, #tpu.memory_space<hbm>>
    tpu.enqueue_dma source(%dma_start3A_65 : memref<80x128xf32, #tpu.memory_space<hbm>>) target(%arg6 : memref<80x128xf32, #tpu.memory_space<vmem>>) target_semaphore(%arg11 : memref<!tpu.dma_semaphore, #tpu.memory_space<semaphore_mem>>)
    %dma_start3A_66 = tpu.memref_slice %arg3[%add3A_62] : memref<320000xi32, #tpu.memory_space<hbm>> -> memref<80xi32, #tpu.memory_space<hbm>>
    %dma_start3A_67 = tpu.memref_slice %arg3[%add3A_62] : memref<320000xi32, #tpu.memory_space<hbm>> -> memref<80xi32, #tpu.memory_space<hbm>>
    tpu.enqueue_dma source(%dma_start3A_67 : memref<80xi32, #tpu.memory_space<hbm>>) target(%arg7 : memref<80xi32, #tpu.memory_space<vmem>>) target_semaphore(%arg11 : memref<!tpu.dma_semaphore, #tpu.memory_space<semaphore_mem>>)
    %scan3A_68 = arith.constant 0 : i32
    %scan3A_69 = arith.constant 0 : i32
    %scan3A_70 = arith.constant 62 : i32
    %scan3A_71 = arith.addi %scan3A_69, %scan3A_70 : i32
    %scan3A_72 = arith.constant 1 : i32
    scf.for %scan3A_138 = %scan3A_69 to %scan3A_71 step %scan3A_72  : i32 {
      %mul3A_139 = arith.constant 2 : i32
      %mul3A_140 = arith.muli %mul3A_139, %scan3A_138 : i32
      %add3A_141 = arith.constant 1 : i32
      %add3A_142 = arith.addi %mul3A_140, %add3A_141 : i32
      %mul3A_143 = arith.constant 80 : i32
      %mul3A_144 = arith.muli %add3A_142, %mul3A_143 : i32
      %add3A_145 = arith.addi %mul3A_60, %mul3A_144 : i32
      %dma_start3A_146 = arith.constant 0 : i32
      %dma_start3A_147 = tpu.memref_slice %arg2[%add3A_145, %dma_start3A_146] : memref<320000x128xf32, #tpu.memory_space<hbm>> -> memref<80x128xf32, #tpu.memory_space<hbm>>
      %dma_start3A_148 = arith.constant 0 : i32
      %dma_start3A_149 = tpu.memref_slice %arg2[%add3A_145, %dma_start3A_148] : memref<320000x128xf32, #tpu.memory_space<hbm>> -> memref<80x128xf32, #tpu.memory_space<hbm>>
      tpu.enqueue_dma source(%dma_start3A_149 : memref<80x128xf32, #tpu.memory_space<hbm>>) target(%arg8 : memref<80x128xf32, #tpu.memory_space<vmem>>) target_semaphore(%arg12 : memref<!tpu.dma_semaphore, #tpu.memory_space<semaphore_mem>>)
      %dma_start3A_150 = tpu.memref_slice %arg3[%add3A_145] : memref<320000xi32, #tpu.memory_space<hbm>> -> memref<80xi32, #tpu.memory_space<hbm>>
      %dma_start3A_151 = tpu.memref_slice %arg3[%add3A_145] : memref<320000xi32, #tpu.memory_space<hbm>> -> memref<80xi32, #tpu.memory_space<hbm>>
      tpu.enqueue_dma source(%dma_start3A_151 : memref<80xi32, #tpu.memory_space<hbm>>) target(%arg9 : memref<80xi32, #tpu.memory_space<vmem>>) target_semaphore(%arg12 : memref<!tpu.dma_semaphore, #tpu.memory_space<semaphore_mem>>)
      %mul3A_152 = arith.constant 80 : i32
      %mul3A_153 = arith.muli %mul3A_140, %mul3A_152 : i32
      %add3A_154 = arith.addi %mul3A_60, %mul3A_153 : i32
      %dma_wait3A_155 = arith.constant 0 : i32
      %dma_wait3A_156 = tpu.memref_slice %arg2[%add3A_154, %dma_wait3A_155] : memref<320000x128xf32, #tpu.memory_space<hbm>> -> memref<80x128xf32, #tpu.memory_space<hbm>>
      %dma_wait3A_157 = arith.constant 0 : i32
      %dma_wait3A_158 = tpu.memref_slice %arg2[%add3A_154, %dma_wait3A_157] : memref<320000x128xf32, #tpu.memory_space<hbm>> -> memref<80x128xf32, #tpu.memory_space<hbm>>
      tpu.wait_dma2 semaphore(%arg11 : memref<!tpu.dma_semaphore, #tpu.memory_space<semaphore_mem>>) src(%dma_wait3A_158 : memref<80x128xf32, #tpu.memory_space<hbm>>) dst(%arg6 : memref<80x128xf32, #tpu.memory_space<vmem>>)
      %dma_wait3A_159 = tpu.memref_slice %arg3[%add3A_154] : memref<320000xi32, #tpu.memory_space<hbm>> -> memref<80xi32, #tpu.memory_space<hbm>>
      %dma_wait3A_160 = tpu.memref_slice %arg3[%add3A_154] : memref<320000xi32, #tpu.memory_space<hbm>> -> memref<80xi32, #tpu.memory_space<hbm>>
      tpu.wait_dma2 semaphore(%arg11 : memref<!tpu.dma_semaphore, #tpu.memory_space<semaphore_mem>>) src(%dma_wait3A_160 : memref<80xi32, #tpu.memory_space<hbm>>) dst(%arg7 : memref<80xi32, #tpu.memory_space<vmem>>)
      "tpu.region"() ({
        %run_scoped3A = tpu.sem_alloc : memref<!tpu.dma_semaphore, #tpu.memory_space<semaphore_mem>>
        %dma_start3A_183 = arith.constant 0 : i32
        %dma_start3A_184 = arith.constant 0 : i32
        %dma_start3A_185 = tpu.memref_slice %arg5[%dma_start3A_183, %dma_start3A_184] : memref<10000x128xf32, #tpu.memory_space<vmem_shared>> -> memref<10000x128xf32, #tpu.memory_space<vmem_shared>>
        tpu.enqueue_indirect_dma source(%arg6 : memref<80x128xf32, #tpu.memory_space<vmem>>) target(%dma_start3A_185 : memref<10000x128xf32, #tpu.memory_space<vmem_shared>>) offsets(%arg7 : memref<80xi32, #tpu.memory_space<vmem>>) semaphore(%run_scoped3A : memref<!tpu.dma_semaphore, #tpu.memory_space<semaphore_mem>>) {add = true}
        %dma_wait3A_186 = arith.constant 0 : i32
        %dma_wait3A_187 = arith.constant 0 : i32
        %dma_wait3A_188 = tpu.memref_slice %arg5[%dma_wait3A_186, %dma_wait3A_187] : memref<10000x128xf32, #tpu.memory_space<vmem_shared>> -> memref<10000x128xf32, #tpu.memory_space<vmem_shared>>
        tpu.wait_indirect_dma semaphore(%run_scoped3A : memref<!tpu.dma_semaphore, #tpu.memory_space<semaphore_mem>>) src(%arg6 : memref<80x128xf32, #tpu.memory_space<vmem>>) dst(%dma_wait3A_188 : memref<10000x128xf32, #tpu.memory_space<vmem_shared>>)
        tpu.yield
      }) : () -> ()
      %add3A_161 = arith.constant 2 : i32
      %add3A_162 = arith.addi %mul3A_140, %add3A_161 : i32
      %mul3A_163 = arith.constant 80 : i32
      %mul3A_164 = arith.muli %add3A_162, %mul3A_163 : i32
      %add3A_165 = arith.addi %mul3A_60, %mul3A_164 : i32
      %dma_start3A_166 = arith.constant 0 : i32
      %dma_start3A_167 = tpu.memref_slice %arg2[%add3A_165, %dma_start3A_166] : memref<320000x128xf32, #tpu.memory_space<hbm>> -> memref<80x128xf32, #tpu.memory_space<hbm>>
      %dma_start3A_168 = arith.constant 0 : i32
      %dma_start3A_169 = tpu.memref_slice %arg2[%add3A_165, %dma_start3A_168] : memref<320000x128xf32, #tpu.memory_space<hbm>> -> memref<80x128xf32, #tpu.memory_space<hbm>>
      tpu.enqueue_dma source(%dma_start3A_169 : memref<80x128xf32, #tpu.memory_space<hbm>>) target(%arg6 : memref<80x128xf32, #tpu.memory_space<vmem>>) target_semaphore(%arg11 : memref<!tpu.dma_semaphore, #tpu.memory_space<semaphore_mem>>)
      %dma_start3A_170 = tpu.memref_slice %arg3[%add3A_165] : memref<320000xi32, #tpu.memory_space<hbm>> -> memref<80xi32, #tpu.memory_space<hbm>>
      %dma_start3A_171 = tpu.memref_slice %arg3[%add3A_165] : memref<320000xi32, #tpu.memory_space<hbm>> -> memref<80xi32, #tpu.memory_space<hbm>>
      tpu.enqueue_dma source(%dma_start3A_171 : memref<80xi32, #tpu.memory_space<hbm>>) target(%arg7 : memref<80xi32, #tpu.memory_space<vmem>>) target_semaphore(%arg11 : memref<!tpu.dma_semaphore, #tpu.memory_space<semaphore_mem>>)
      %add3A_172 = arith.constant 1 : i32
      %add3A_173 = arith.addi %mul3A_140, %add3A_172 : i32
      %mul3A_174 = arith.constant 80 : i32
      %mul3A_175 = arith.muli %add3A_173, %mul3A_174 : i32
      %add3A_176 = arith.addi %mul3A_60, %mul3A_175 : i32
      %dma_wait3A_177 = arith.constant 0 : i32
      %dma_wait3A_178 = tpu.memref_slice %arg2[%add3A_176, %dma_wait3A_177] : memref<320000x128xf32, #tpu.memory_space<hbm>> -> memref<80x128xf32, #tpu.memory_space<hbm>>
      %dma_wait3A_179 = arith.constant 0 : i32
      %dma_wait3A_180 = tpu.memref_slice %arg2[%add3A_176, %dma_wait3A_179] : memref<320000x128xf32, #tpu.memory_space<hbm>> -> memref<80x128xf32, #tpu.memory_space<hbm>>
      tpu.wait_dma2 semaphore(%arg12 : memref<!tpu.dma_semaphore, #tpu.memory_space<semaphore_mem>>) src(%dma_wait3A_180 : memref<80x128xf32, #tpu.memory_space<hbm>>) dst(%arg8 : memref<80x128xf32, #tpu.memory_space<vmem>>)
      %dma_wait3A_181 = tpu.memref_slice %arg3[%add3A_176] : memref<320000xi32, #tpu.memory_space<hbm>> -> memref<80xi32, #tpu.memory_space<hbm>>
      %dma_wait3A_182 = tpu.memref_slice %arg3[%add3A_176] : memref<320000xi32, #tpu.memory_space<hbm>> -> memref<80xi32, #tpu.memory_space<hbm>>
      tpu.wait_dma2 semaphore(%arg12 : memref<!tpu.dma_semaphore, #tpu.memory_space<semaphore_mem>>) src(%dma_wait3A_182 : memref<80xi32, #tpu.memory_space<hbm>>) dst(%arg9 : memref<80xi32, #tpu.memory_space<vmem>>)
      "tpu.region"() ({
        %run_scoped3A = tpu.sem_alloc : memref<!tpu.dma_semaphore, #tpu.memory_space<semaphore_mem>>
        %dma_start3A_183 = arith.constant 0 : i32
        %dma_start3A_184 = arith.constant 0 : i32
        %dma_start3A_185 = tpu.memref_slice %arg5[%dma_start3A_183, %dma_start3A_184] : memref<10000x128xf32, #tpu.memory_space<vmem_shared>> -> memref<10000x128xf32, #tpu.memory_space<vmem_shared>>
        tpu.enqueue_indirect_dma source(%arg8 : memref<80x128xf32, #tpu.memory_space<vmem>>) target(%dma_start3A_185 : memref<10000x128xf32, #tpu.memory_space<vmem_shared>>) offsets(%arg9 : memref<80xi32, #tpu.memory_space<vmem>>) semaphore(%run_scoped3A : memref<!tpu.dma_semaphore, #tpu.memory_space<semaphore_mem>>) {add = true}
        %dma_wait3A_186 = arith.constant 0 : i32
        %dma_wait3A_187 = arith.constant 0 : i32
        %dma_wait3A_188 = tpu.memref_slice %arg5[%dma_wait3A_186, %dma_wait3A_187] : memref<10000x128xf32, #tpu.memory_space<vmem_shared>> -> memref<10000x128xf32, #tpu.memory_space<vmem_shared>>
        tpu.wait_indirect_dma semaphore(%run_scoped3A : memref<!tpu.dma_semaphore, #tpu.memory_space<semaphore_mem>>) src(%arg8 : memref<80x128xf32, #tpu.memory_space<vmem>>) dst(%dma_wait3A_188 : memref<10000x128xf32, #tpu.memory_space<vmem_shared>>)
        tpu.yield
      }) : () -> ()
    }
    %scan3A_73 = arith.constant 62 : i32
    %add3A_74 = arith.constant 9920 : i32
    %add3A_75 = arith.addi %mul3A_60, %add3A_74 : i32
    %dma_wait3A = arith.constant 0 : i32
    %dma_wait3A_76 = tpu.memref_slice %arg2[%add3A_75, %dma_wait3A] : memref<320000x128xf32, #tpu.memory_space<hbm>> -> memref<80x128xf32, #tpu.memory_space<hbm>>
    %dma_wait3A_77 = arith.constant 0 : i32
    %dma_wait3A_78 = tpu.memref_slice %arg2[%add3A_75, %dma_wait3A_77] : memref<320000x128xf32, #tpu.memory_space<hbm>> -> memref<80x128xf32, #tpu.memory_space<hbm>>
    tpu.wait_dma2 semaphore(%arg11 : memref<!tpu.dma_semaphore, #tpu.memory_space<semaphore_mem>>) src(%dma_wait3A_78 : memref<80x128xf32, #tpu.memory_space<hbm>>) dst(%arg6 : memref<80x128xf32, #tpu.memory_space<vmem>>)
    %dma_wait3A_79 = tpu.memref_slice %arg3[%add3A_75] : memref<320000xi32, #tpu.memory_space<hbm>> -> memref<80xi32, #tpu.memory_space<hbm>>
    %dma_wait3A_80 = tpu.memref_slice %arg3[%add3A_75] : memref<320000xi32, #tpu.memory_space<hbm>> -> memref<80xi32, #tpu.memory_space<hbm>>
    tpu.wait_dma2 semaphore(%arg11 : memref<!tpu.dma_semaphore, #tpu.memory_space<semaphore_mem>>) src(%dma_wait3A_80 : memref<80xi32, #tpu.memory_space<hbm>>) dst(%arg7 : memref<80xi32, #tpu.memory_space<vmem>>)
    "tpu.region"() ({
      %run_scoped3A = tpu.sem_alloc : memref<!tpu.dma_semaphore, #tpu.memory_space<semaphore_mem>>
      %dma_start3A_138 = arith.constant 0 : i32
      %dma_start3A_139 = arith.constant 0 : i32
      %dma_start3A_140 = tpu.memref_slice %arg5[%dma_start3A_138, %dma_start3A_139] : memref<10000x128xf32, #tpu.memory_space<vmem_shared>> -> memref<10000x128xf32, #tpu.memory_space<vmem_shared>>
      tpu.enqueue_indirect_dma source(%arg6 : memref<80x128xf32, #tpu.memory_space<vmem>>) target(%dma_start3A_140 : memref<10000x128xf32, #tpu.memory_space<vmem_shared>>) offsets(%arg7 : memref<80xi32, #tpu.memory_space<vmem>>) semaphore(%run_scoped3A : memref<!tpu.dma_semaphore, #tpu.memory_space<semaphore_mem>>) {add = true}
      %dma_wait3A_141 = arith.constant 0 : i32
      %dma_wait3A_142 = arith.constant 0 : i32
      %dma_wait3A_143 = tpu.memref_slice %arg5[%dma_wait3A_141, %dma_wait3A_142] : memref<10000x128xf32, #tpu.memory_space<vmem_shared>> -> memref<10000x128xf32, #tpu.memory_space<vmem_shared>>
      tpu.wait_indirect_dma semaphore(%run_scoped3A : memref<!tpu.dma_semaphore, #tpu.memory_space<semaphore_mem>>) src(%arg6 : memref<80x128xf32, #tpu.memory_space<vmem>>) dst(%dma_wait3A_143 : memref<10000x128xf32, #tpu.memory_space<vmem_shared>>)
      tpu.yield
    }) : () -> ()
    %barrier3A_81 = arith.constant 0 : index
    tpu.barrier barrier_id(%barrier3A_81)
    %add3A_82 = arith.constant 0 : i32
    %add3A_83 = arith.addi %arg1, %add3A_82 : i32
    %lt3A_84 = arith.constant 125 : i32
    %lt3A_85 = arith.cmpi slt, %add3A_83, %lt3A_84 : i32
    %convert_element_type3A_86 = arith.extui %lt3A_85 : i1 to i32
    %cond3A_87 = arith.constant 0 : i32
    %cond3A_88 = arith.cmpi ne, %convert_element_type3A_86, %cond3A_87 : i32
    scf.if %cond3A_88 {
      %mul3A_138 = arith.constant 80 : i32
      %mul3A_139 = arith.muli %add3A_83, %mul3A_138 : i32
      "tpu.region"() ({
        %run_scoped3A = tpu.sem_alloc : memref<!tpu.dma_semaphore, #tpu.memory_space<semaphore_mem>>
        %dma_start3A_140 = arith.constant 0 : i32
        %dma_start3A_141 = tpu.memref_slice %arg5[%mul3A_139, %dma_start3A_140] : memref<10000x128xf32, #tpu.memory_space<vmem_shared>> -> memref<80x128xf32, #tpu.memory_space<vmem_shared>>
        %dma_start3A_142 = arith.constant 0 : i32
        %dma_start3A_143 = tpu.memref_slice %arg5[%mul3A_139, %dma_start3A_142] : memref<10000x128xf32, #tpu.memory_space<vmem_shared>> -> memref<80x128xf32, #tpu.memory_space<vmem_shared>>
        tpu.enqueue_dma source(%dma_start3A_143 : memref<80x128xf32, #tpu.memory_space<vmem_shared>>) target(%arg10 : memref<80x128xf32, #tpu.memory_space<vmem>>) target_semaphore(%run_scoped3A : memref<!tpu.dma_semaphore, #tpu.memory_space<semaphore_mem>>)
        %dma_wait3A_144 = arith.constant 0 : i32
        %dma_wait3A_145 = tpu.memref_slice %arg5[%mul3A_139, %dma_wait3A_144] : memref<10000x128xf32, #tpu.memory_space<vmem_shared>> -> memref<80x128xf32, #tpu.memory_space<vmem_shared>>
        %dma_wait3A_146 = arith.constant 0 : i32
        %dma_wait3A_147 = tpu.memref_slice %arg5[%mul3A_139, %dma_wait3A_146] : memref<10000x128xf32, #tpu.memory_space<vmem_shared>> -> memref<80x128xf32, #tpu.memory_space<vmem_shared>>
        tpu.wait_dma2 semaphore(%run_scoped3A : memref<!tpu.dma_semaphore, #tpu.memory_space<semaphore_mem>>) src(%dma_wait3A_147 : memref<80x128xf32, #tpu.memory_space<vmem_shared>>) dst(%arg10 : memref<80x128xf32, #tpu.memory_space<vmem>>)
        tpu.yield
      }) : () -> ()
      "tpu.region"() ({
        %run_scoped3A = tpu.sem_alloc : memref<!tpu.dma_semaphore, #tpu.memory_space<semaphore_mem>>
        %dma_start3A_140 = arith.constant 0 : i32
        %dma_start3A_141 = tpu.memref_slice %arg4[%arg0, %mul3A_139, %dma_start3A_140] : memref<2x10000x128xf32, #tpu.memory_space<hbm>> -> memref<1x80x128xf32, #tpu.memory_space<hbm>>
        %dma_start3A_142 = tpu.memref_squeeze %dma_start3A_141 : memref<1x80x128xf32, #tpu.memory_space<hbm>> -> memref<80x128xf32, #tpu.memory_space<hbm>>
        %dma_start3A_143 = arith.constant 0 : i32
        %dma_start3A_144 = tpu.memref_slice %arg4[%arg0, %mul3A_139, %dma_start3A_143] : memref<2x10000x128xf32, #tpu.memory_space<hbm>> -> memref<1x80x128xf32, #tpu.memory_space<hbm>>
        %dma_start3A_145 = tpu.memref_squeeze %dma_start3A_144 : memref<1x80x128xf32, #tpu.memory_space<hbm>> -> memref<80x128xf32, #tpu.memory_space<hbm>>
        tpu.enqueue_dma source(%arg10 : memref<80x128xf32, #tpu.memory_space<vmem>>) target(%dma_start3A_145 : memref<80x128xf32, #tpu.memory_space<hbm>>) target_semaphore(%run_scoped3A : memref<!tpu.dma_semaphore, #tpu.memory_space<semaphore_mem>>)
        %dma_wait3A_146 = arith.constant 0 : i32
        %dma_wait3A_147 = tpu.memref_slice %arg4[%arg0, %mul3A_139, %dma_wait3A_146] : memref<2x10000x128xf32, #tpu.memory_space<hbm>> -> memref<1x80x128xf32, #tpu.memory_space<hbm>>
        %dma_wait3A_148 = tpu.memref_squeeze %dma_wait3A_147 : memref<1x80x128xf32, #tpu.memory_space<hbm>> -> memref<80x128xf32, #tpu.memory_space<hbm>>
        %dma_wait3A_149 = arith.constant 0 : i32
        %dma_wait3A_150 = tpu.memref_slice %arg4[%arg0, %mul3A_139, %dma_wait3A_149] : memref<2x10000x128xf32, #tpu.memory_space<hbm>> -> memref<1x80x128xf32, #tpu.memory_space<hbm>>
        %dma_wait3A_151 = tpu.memref_squeeze %dma_wait3A_150 : memref<1x80x128xf32, #tpu.memory_space<hbm>> -> memref<80x128xf32, #tpu.memory_space<hbm>>
        tpu.wait_dma2 semaphore(%run_scoped3A : memref<!tpu.dma_semaphore, #tpu.memory_space<semaphore_mem>>) src(%arg10 : memref<80x128xf32, #tpu.memory_space<vmem>>) dst(%dma_wait3A_151 : memref<80x128xf32, #tpu.memory_space<hbm>>)
        tpu.yield
      }) : () -> ()
    } else {
    }
    %add3A_89 = arith.constant 16 : i32
    %add3A_90 = arith.addi %arg1, %add3A_89 : i32
    %lt3A_91 = arith.constant 125 : i32
    %lt3A_92 = arith.cmpi slt, %add3A_90, %lt3A_91 : i32
    %convert_element_type3A_93 = arith.extui %lt3A_92 : i1 to i32
    %cond3A_94 = arith.constant 0 : i32
    %cond3A_95 = arith.cmpi ne, %convert_element_type3A_93, %cond3A_94 : i32
    scf.if %cond3A_95 {
      %mul3A_138 = arith.constant 80 : i32
      %mul3A_139 = arith.muli %add3A_90, %mul3A_138 : i32
      "tpu.region"() ({
        %run_scoped3A = tpu.sem_alloc : memref<!tpu.dma_semaphore, #tpu.memory_space<semaphore_mem>>
        %dma_start3A_140 = arith.constant 0 : i32
        %dma_start3A_141 = tpu.memref_slice %arg5[%mul3A_139, %dma_start3A_140] : memref<10000x128xf32, #tpu.memory_space<vmem_shared>> -> memref<80x128xf32, #tpu.memory_space<vmem_shared>>
        %dma_start3A_142 = arith.constant 0 : i32
        %dma_start3A_143 = tpu.memref_slice %arg5[%mul3A_139, %dma_start3A_142] : memref<10000x128xf32, #tpu.memory_space<vmem_shared>> -> memref<80x128xf32, #tpu.memory_space<vmem_shared>>
        tpu.enqueue_dma source(%dma_start3A_143 : memref<80x128xf32, #tpu.memory_space<vmem_shared>>) target(%arg10 : memref<80x128xf32, #tpu.memory_space<vmem>>) target_semaphore(%run_scoped3A : memref<!tpu.dma_semaphore, #tpu.memory_space<semaphore_mem>>)
        %dma_wait3A_144 = arith.constant 0 : i32
        %dma_wait3A_145 = tpu.memref_slice %arg5[%mul3A_139, %dma_wait3A_144] : memref<10000x128xf32, #tpu.memory_space<vmem_shared>> -> memref<80x128xf32, #tpu.memory_space<vmem_shared>>
        %dma_wait3A_146 = arith.constant 0 : i32
        %dma_wait3A_147 = tpu.memref_slice %arg5[%mul3A_139, %dma_wait3A_146] : memref<10000x128xf32, #tpu.memory_space<vmem_shared>> -> memref<80x128xf32, #tpu.memory_space<vmem_shared>>
        tpu.wait_dma2 semaphore(%run_scoped3A : memref<!tpu.dma_semaphore, #tpu.memory_space<semaphore_mem>>) src(%dma_wait3A_147 : memref<80x128xf32, #tpu.memory_space<vmem_shared>>) dst(%arg10 : memref<80x128xf32, #tpu.memory_space<vmem>>)
        tpu.yield
      }) : () -> ()
      "tpu.region"() ({
        %run_scoped3A = tpu.sem_alloc : memref<!tpu.dma_semaphore, #tpu.memory_space<semaphore_mem>>
        %dma_start3A_140 = arith.constant 0 : i32
        %dma_start3A_141 = tpu.memref_slice %arg4[%arg0, %mul3A_139, %dma_start3A_140] : memref<2x10000x128xf32, #tpu.memory_space<hbm>> -> memref<1x80x128xf32, #tpu.memory_space<hbm>>
        %dma_start3A_142 = tpu.memref_squeeze %dma_start3A_141 : memref<1x80x128xf32, #tpu.memory_space<hbm>> -> memref<80x128xf32, #tpu.memory_space<hbm>>
        %dma_start3A_143 = arith.constant 0 : i32
        %dma_start3A_144 = tpu.memref_slice %arg4[%arg0, %mul3A_139, %dma_start3A_143] : memref<2x10000x128xf32, #tpu.memory_space<hbm>> -> memref<1x80x128xf32, #tpu.memory_space<hbm>>
        %dma_start3A_145 = tpu.memref_squeeze %dma_start3A_144 : memref<1x80x128xf32, #tpu.memory_space<hbm>> -> memref<80x128xf32, #tpu.memory_space<hbm>>
        tpu.enqueue_dma source(%arg10 : memref<80x128xf32, #tpu.memory_space<vmem>>) target(%dma_start3A_145 : memref<80x128xf32, #tpu.memory_space<hbm>>) target_semaphore(%run_scoped3A : memref<!tpu.dma_semaphore, #tpu.memory_space<semaphore_mem>>)
        %dma_wait3A_146 = arith.constant 0 : i32
        %dma_wait3A_147 = tpu.memref_slice %arg4[%arg0, %mul3A_139, %dma_wait3A_146] : memref<2x10000x128xf32, #tpu.memory_space<hbm>> -> memref<1x80x128xf32, #tpu.memory_space<hbm>>
        %dma_wait3A_148 = tpu.memref_squeeze %dma_wait3A_147 : memref<1x80x128xf32, #tpu.memory_space<hbm>> -> memref<80x128xf32, #tpu.memory_space<hbm>>
        %dma_wait3A_149 = arith.constant 0 : i32
        %dma_wait3A_150 = tpu.memref_slice %arg4[%arg0, %mul3A_139, %dma_wait3A_149] : memref<2x10000x128xf32, #tpu.memory_space<hbm>> -> memref<1x80x128xf32, #tpu.memory_space<hbm>>
        %dma_wait3A_151 = tpu.memref_squeeze %dma_wait3A_150 : memref<1x80x128xf32, #tpu.memory_space<hbm>> -> memref<80x128xf32, #tpu.memory_space<hbm>>
        tpu.wait_dma2 semaphore(%run_scoped3A : memref<!tpu.dma_semaphore, #tpu.memory_space<semaphore_mem>>) src(%arg10 : memref<80x128xf32, #tpu.memory_space<vmem>>) dst(%dma_wait3A_151 : memref<80x128xf32, #tpu.memory_space<hbm>>)
        tpu.yield
      }) : () -> ()
    } else {
    }
    %add3A_96 = arith.constant 32 : i32
    %add3A_97 = arith.addi %arg1, %add3A_96 : i32
    %lt3A_98 = arith.constant 125 : i32
    %lt3A_99 = arith.cmpi slt, %add3A_97, %lt3A_98 : i32
    %convert_element_type3A_100 = arith.extui %lt3A_99 : i1 to i32
    %cond3A_101 = arith.constant 0 : i32
    %cond3A_102 = arith.cmpi ne, %convert_element_type3A_100, %cond3A_101 : i32
    scf.if %cond3A_102 {
      %mul3A_138 = arith.constant 80 : i32
      %mul3A_139 = arith.muli %add3A_97, %mul3A_138 : i32
      "tpu.region"() ({
        %run_scoped3A = tpu.sem_alloc : memref<!tpu.dma_semaphore, #tpu.memory_space<semaphore_mem>>
        %dma_start3A_140 = arith.constant 0 : i32
        %dma_start3A_141 = tpu.memref_slice %arg5[%mul3A_139, %dma_start3A_140] : memref<10000x128xf32, #tpu.memory_space<vmem_shared>> -> memref<80x128xf32, #tpu.memory_space<vmem_shared>>
        %dma_start3A_142 = arith.constant 0 : i32
        %dma_start3A_143 = tpu.memref_slice %arg5[%mul3A_139, %dma_start3A_142] : memref<10000x128xf32, #tpu.memory_space<vmem_shared>> -> memref<80x128xf32, #tpu.memory_space<vmem_shared>>
        tpu.enqueue_dma source(%dma_start3A_143 : memref<80x128xf32, #tpu.memory_space<vmem_shared>>) target(%arg10 : memref<80x128xf32, #tpu.memory_space<vmem>>) target_semaphore(%run_scoped3A : memref<!tpu.dma_semaphore, #tpu.memory_space<semaphore_mem>>)
        %dma_wait3A_144 = arith.constant 0 : i32
        %dma_wait3A_145 = tpu.memref_slice %arg5[%mul3A_139, %dma_wait3A_144] : memref<10000x128xf32, #tpu.memory_space<vmem_shared>> -> memref<80x128xf32, #tpu.memory_space<vmem_shared>>
        %dma_wait3A_146 = arith.constant 0 : i32
        %dma_wait3A_147 = tpu.memref_slice %arg5[%mul3A_139, %dma_wait3A_146] : memref<10000x128xf32, #tpu.memory_space<vmem_shared>> -> memref<80x128xf32, #tpu.memory_space<vmem_shared>>
        tpu.wait_dma2 semaphore(%run_scoped3A : memref<!tpu.dma_semaphore, #tpu.memory_space<semaphore_mem>>) src(%dma_wait3A_147 : memref<80x128xf32, #tpu.memory_space<vmem_shared>>) dst(%arg10 : memref<80x128xf32, #tpu.memory_space<vmem>>)
        tpu.yield
      }) : () -> ()
      "tpu.region"() ({
        %run_scoped3A = tpu.sem_alloc : memref<!tpu.dma_semaphore, #tpu.memory_space<semaphore_mem>>
        %dma_start3A_140 = arith.constant 0 : i32
        %dma_start3A_141 = tpu.memref_slice %arg4[%arg0, %mul3A_139, %dma_start3A_140] : memref<2x10000x128xf32, #tpu.memory_space<hbm>> -> memref<1x80x128xf32, #tpu.memory_space<hbm>>
        %dma_start3A_142 = tpu.memref_squeeze %dma_start3A_141 : memref<1x80x128xf32, #tpu.memory_space<hbm>> -> memref<80x128xf32, #tpu.memory_space<hbm>>
        %dma_start3A_143 = arith.constant 0 : i32
        %dma_start3A_144 = tpu.memref_slice %arg4[%arg0, %mul3A_139, %dma_start3A_143] : memref<2x10000x128xf32, #tpu.memory_space<hbm>> -> memref<1x80x128xf32, #tpu.memory_space<hbm>>
        %dma_start3A_145 = tpu.memref_squeeze %dma_start3A_144 : memref<1x80x128xf32, #tpu.memory_space<hbm>> -> memref<80x128xf32, #tpu.memory_space<hbm>>
        tpu.enqueue_dma source(%arg10 : memref<80x128xf32, #tpu.memory_space<vmem>>) target(%dma_start3A_145 : memref<80x128xf32, #tpu.memory_space<hbm>>) target_semaphore(%run_scoped3A : memref<!tpu.dma_semaphore, #tpu.memory_space<semaphore_mem>>)
        %dma_wait3A_146 = arith.constant 0 : i32
        %dma_wait3A_147 = tpu.memref_slice %arg4[%arg0, %mul3A_139, %dma_wait3A_146] : memref<2x10000x128xf32, #tpu.memory_space<hbm>> -> memref<1x80x128xf32, #tpu.memory_space<hbm>>
        %dma_wait3A_148 = tpu.memref_squeeze %dma_wait3A_147 : memref<1x80x128xf32, #tpu.memory_space<hbm>> -> memref<80x128xf32, #tpu.memory_space<hbm>>
        %dma_wait3A_149 = arith.constant 0 : i32
        %dma_wait3A_150 = tpu.memref_slice %arg4[%arg0, %mul3A_139, %dma_wait3A_149] : memref<2x10000x128xf32, #tpu.memory_space<hbm>> -> memref<1x80x128xf32, #tpu.memory_space<hbm>>
        %dma_wait3A_151 = tpu.memref_squeeze %dma_wait3A_150 : memref<1x80x128xf32, #tpu.memory_space<hbm>> -> memref<80x128xf32, #tpu.memory_space<hbm>>
        tpu.wait_dma2 semaphore(%run_scoped3A : memref<!tpu.dma_semaphore, #tpu.memory_space<semaphore_mem>>) src(%arg10 : memref<80x128xf32, #tpu.memory_space<vmem>>) dst(%dma_wait3A_151 : memref<80x128xf32, #tpu.memory_space<hbm>>)
        tpu.yield
      }) : () -> ()
    } else {
    }
    %add3A_103 = arith.constant 48 : i32
    %add3A_104 = arith.addi %arg1, %add3A_103 : i32
    %lt3A_105 = arith.constant 125 : i32
    %lt3A_106 = arith.cmpi slt, %add3A_104, %lt3A_105 : i32
    %convert_element_type3A_107 = arith.extui %lt3A_106 : i1 to i32
    %cond3A_108 = arith.constant 0 : i32
    %cond3A_109 = arith.cmpi ne, %convert_element_type3A_107, %cond3A_108 : i32
    scf.if %cond3A_109 {
      %mul3A_138 = arith.constant 80 : i32
      %mul3A_139 = arith.muli %add3A_104, %mul3A_138 : i32
      "tpu.region"() ({
        %run_scoped3A = tpu.sem_alloc : memref<!tpu.dma_semaphore, #tpu.memory_space<semaphore_mem>>
        %dma_start3A_140 = arith.constant 0 : i32
        %dma_start3A_141 = tpu.memref_slice %arg5[%mul3A_139, %dma_start3A_140] : memref<10000x128xf32, #tpu.memory_space<vmem_shared>> -> memref<80x128xf32, #tpu.memory_space<vmem_shared>>
        %dma_start3A_142 = arith.constant 0 : i32
        %dma_start3A_143 = tpu.memref_slice %arg5[%mul3A_139, %dma_start3A_142] : memref<10000x128xf32, #tpu.memory_space<vmem_shared>> -> memref<80x128xf32, #tpu.memory_space<vmem_shared>>
        tpu.enqueue_dma source(%dma_start3A_143 : memref<80x128xf32, #tpu.memory_space<vmem_shared>>) target(%arg10 : memref<80x128xf32, #tpu.memory_space<vmem>>) target_semaphore(%run_scoped3A : memref<!tpu.dma_semaphore, #tpu.memory_space<semaphore_mem>>)
        %dma_wait3A_144 = arith.constant 0 : i32
        %dma_wait3A_145 = tpu.memref_slice %arg5[%mul3A_139, %dma_wait3A_144] : memref<10000x128xf32, #tpu.memory_space<vmem_shared>> -> memref<80x128xf32, #tpu.memory_space<vmem_shared>>
        %dma_wait3A_146 = arith.constant 0 : i32
        %dma_wait3A_147 = tpu.memref_slice %arg5[%mul3A_139, %dma_wait3A_146] : memref<10000x128xf32, #tpu.memory_space<vmem_shared>> -> memref<80x128xf32, #tpu.memory_space<vmem_shared>>
        tpu.wait_dma2 semaphore(%run_scoped3A : memref<!tpu.dma_semaphore, #tpu.memory_space<semaphore_mem>>) src(%dma_wait3A_147 : memref<80x128xf32, #tpu.memory_space<vmem_shared>>) dst(%arg10 : memref<80x128xf32, #tpu.memory_space<vmem>>)
        tpu.yield
      }) : () -> ()
      "tpu.region"() ({
        %run_scoped3A = tpu.sem_alloc : memref<!tpu.dma_semaphore, #tpu.memory_space<semaphore_mem>>
        %dma_start3A_140 = arith.constant 0 : i32
        %dma_start3A_141 = tpu.memref_slice %arg4[%arg0, %mul3A_139, %dma_start3A_140] : memref<2x10000x128xf32, #tpu.memory_space<hbm>> -> memref<1x80x128xf32, #tpu.memory_space<hbm>>
        %dma_start3A_142 = tpu.memref_squeeze %dma_start3A_141 : memref<1x80x128xf32, #tpu.memory_space<hbm>> -> memref<80x128xf32, #tpu.memory_space<hbm>>
        %dma_start3A_143 = arith.constant 0 : i32
        %dma_start3A_144 = tpu.memref_slice %arg4[%arg0, %mul3A_139, %dma_start3A_143] : memref<2x10000x128xf32, #tpu.memory_space<hbm>> -> memref<1x80x128xf32, #tpu.memory_space<hbm>>
        %dma_start3A_145 = tpu.memref_squeeze %dma_start3A_144 : memref<1x80x128xf32, #tpu.memory_space<hbm>> -> memref<80x128xf32, #tpu.memory_space<hbm>>
        tpu.enqueue_dma source(%arg10 : memref<80x128xf32, #tpu.memory_space<vmem>>) target(%dma_start3A_145 : memref<80x128xf32, #tpu.memory_space<hbm>>) target_semaphore(%run_scoped3A : memref<!tpu.dma_semaphore, #tpu.memory_space<semaphore_mem>>)
        %dma_wait3A_146 = arith.constant 0 : i32
        %dma_wait3A_147 = tpu.memref_slice %arg4[%arg0, %mul3A_139, %dma_wait3A_146] : memref<2x10000x128xf32, #tpu.memory_space<hbm>> -> memref<1x80x128xf32, #tpu.memory_space<hbm>>
        %dma_wait3A_148 = tpu.memref_squeeze %dma_wait3A_147 : memref<1x80x128xf32, #tpu.memory_space<hbm>> -> memref<80x128xf32, #tpu.memory_space<hbm>>
        %dma_wait3A_149 = arith.constant 0 : i32
        %dma_wait3A_150 = tpu.memref_slice %arg4[%arg0, %mul3A_139, %dma_wait3A_149] : memref<2x10000x128xf32, #tpu.memory_space<hbm>> -> memref<1x80x128xf32, #tpu.memory_space<hbm>>
        %dma_wait3A_151 = tpu.memref_squeeze %dma_wait3A_150 : memref<1x80x128xf32, #tpu.memory_space<hbm>> -> memref<80x128xf32, #tpu.memory_space<hbm>>
        tpu.wait_dma2 semaphore(%run_scoped3A : memref<!tpu.dma_semaphore, #tpu.memory_space<semaphore_mem>>) src(%arg10 : memref<80x128xf32, #tpu.memory_space<vmem>>) dst(%dma_wait3A_151 : memref<80x128xf32, #tpu.memory_space<hbm>>)
        tpu.yield
      }) : () -> ()
    } else {
    }
    %add3A_110 = arith.constant 64 : i32
    %add3A_111 = arith.addi %arg1, %add3A_110 : i32
    %lt3A_112 = arith.constant 125 : i32
    %lt3A_113 = arith.cmpi slt, %add3A_111, %lt3A_112 : i32
    %convert_element_type3A_114 = arith.extui %lt3A_113 : i1 to i32
    %cond3A_115 = arith.constant 0 : i32
    %cond3A_116 = arith.cmpi ne, %convert_element_type3A_114, %cond3A_115 : i32
    scf.if %cond3A_116 {
      %mul3A_138 = arith.constant 80 : i32
      %mul3A_139 = arith.muli %add3A_111, %mul3A_138 : i32
      "tpu.region"() ({
        %run_scoped3A = tpu.sem_alloc : memref<!tpu.dma_semaphore, #tpu.memory_space<semaphore_mem>>
        %dma_start3A_140 = arith.constant 0 : i32
        %dma_start3A_141 = tpu.memref_slice %arg5[%mul3A_139, %dma_start3A_140] : memref<10000x128xf32, #tpu.memory_space<vmem_shared>> -> memref<80x128xf32, #tpu.memory_space<vmem_shared>>
        %dma_start3A_142 = arith.constant 0 : i32
        %dma_start3A_143 = tpu.memref_slice %arg5[%mul3A_139, %dma_start3A_142] : memref<10000x128xf32, #tpu.memory_space<vmem_shared>> -> memref<80x128xf32, #tpu.memory_space<vmem_shared>>
        tpu.enqueue_dma source(%dma_start3A_143 : memref<80x128xf32, #tpu.memory_space<vmem_shared>>) target(%arg10 : memref<80x128xf32, #tpu.memory_space<vmem>>) target_semaphore(%run_scoped3A : memref<!tpu.dma_semaphore, #tpu.memory_space<semaphore_mem>>)
        %dma_wait3A_144 = arith.constant 0 : i32
        %dma_wait3A_145 = tpu.memref_slice %arg5[%mul3A_139, %dma_wait3A_144] : memref<10000x128xf32, #tpu.memory_space<vmem_shared>> -> memref<80x128xf32, #tpu.memory_space<vmem_shared>>
        %dma_wait3A_146 = arith.constant 0 : i32
        %dma_wait3A_147 = tpu.memref_slice %arg5[%mul3A_139, %dma_wait3A_146] : memref<10000x128xf32, #tpu.memory_space<vmem_shared>> -> memref<80x128xf32, #tpu.memory_space<vmem_shared>>
        tpu.wait_dma2 semaphore(%run_scoped3A : memref<!tpu.dma_semaphore, #tpu.memory_space<semaphore_mem>>) src(%dma_wait3A_147 : memref<80x128xf32, #tpu.memory_space<vmem_shared>>) dst(%arg10 : memref<80x128xf32, #tpu.memory_space<vmem>>)
        tpu.yield
      }) : () -> ()
      "tpu.region"() ({
        %run_scoped3A = tpu.sem_alloc : memref<!tpu.dma_semaphore, #tpu.memory_space<semaphore_mem>>
        %dma_start3A_140 = arith.constant 0 : i32
        %dma_start3A_141 = tpu.memref_slice %arg4[%arg0, %mul3A_139, %dma_start3A_140] : memref<2x10000x128xf32, #tpu.memory_space<hbm>> -> memref<1x80x128xf32, #tpu.memory_space<hbm>>
        %dma_start3A_142 = tpu.memref_squeeze %dma_start3A_141 : memref<1x80x128xf32, #tpu.memory_space<hbm>> -> memref<80x128xf32, #tpu.memory_space<hbm>>
        %dma_start3A_143 = arith.constant 0 : i32
        %dma_start3A_144 = tpu.memref_slice %arg4[%arg0, %mul3A_139, %dma_start3A_143] : memref<2x10000x128xf32, #tpu.memory_space<hbm>> -> memref<1x80x128xf32, #tpu.memory_space<hbm>>
        %dma_start3A_145 = tpu.memref_squeeze %dma_start3A_144 : memref<1x80x128xf32, #tpu.memory_space<hbm>> -> memref<80x128xf32, #tpu.memory_space<hbm>>
        tpu.enqueue_dma source(%arg10 : memref<80x128xf32, #tpu.memory_space<vmem>>) target(%dma_start3A_145 : memref<80x128xf32, #tpu.memory_space<hbm>>) target_semaphore(%run_scoped3A : memref<!tpu.dma_semaphore, #tpu.memory_space<semaphore_mem>>)
        %dma_wait3A_146 = arith.constant 0 : i32
        %dma_wait3A_147 = tpu.memref_slice %arg4[%arg0, %mul3A_139, %dma_wait3A_146] : memref<2x10000x128xf32, #tpu.memory_space<hbm>> -> memref<1x80x128xf32, #tpu.memory_space<hbm>>
        %dma_wait3A_148 = tpu.memref_squeeze %dma_wait3A_147 : memref<1x80x128xf32, #tpu.memory_space<hbm>> -> memref<80x128xf32, #tpu.memory_space<hbm>>
        %dma_wait3A_149 = arith.constant 0 : i32
        %dma_wait3A_150 = tpu.memref_slice %arg4[%arg0, %mul3A_139, %dma_wait3A_149] : memref<2x10000x128xf32, #tpu.memory_space<hbm>> -> memref<1x80x128xf32, #tpu.memory_space<hbm>>
        %dma_wait3A_151 = tpu.memref_squeeze %dma_wait3A_150 : memref<1x80x128xf32, #tpu.memory_space<hbm>> -> memref<80x128xf32, #tpu.memory_space<hbm>>
        tpu.wait_dma2 semaphore(%run_scoped3A : memref<!tpu.dma_semaphore, #tpu.memory_space<semaphore_mem>>) src(%arg10 : memref<80x128xf32, #tpu.memory_space<vmem>>) dst(%dma_wait3A_151 : memref<80x128xf32, #tpu.memory_space<hbm>>)
        tpu.yield
      }) : () -> ()
    } else {
    }
    %add3A_117 = arith.constant 80 : i32
    %add3A_118 = arith.addi %arg1, %add3A_117 : i32
    %lt3A_119 = arith.constant 125 : i32
    %lt3A_120 = arith.cmpi slt, %add3A_118, %lt3A_119 : i32
    %convert_element_type3A_121 = arith.extui %lt3A_120 : i1 to i32
    %cond3A_122 = arith.constant 0 : i32
    %cond3A_123 = arith.cmpi ne, %convert_element_type3A_121, %cond3A_122 : i32
    scf.if %cond3A_123 {
      %mul3A_138 = arith.constant 80 : i32
      %mul3A_139 = arith.muli %add3A_118, %mul3A_138 : i32
      "tpu.region"() ({
        %run_scoped3A = tpu.sem_alloc : memref<!tpu.dma_semaphore, #tpu.memory_space<semaphore_mem>>
        %dma_start3A_140 = arith.constant 0 : i32
        %dma_start3A_141 = tpu.memref_slice %arg5[%mul3A_139, %dma_start3A_140] : memref<10000x128xf32, #tpu.memory_space<vmem_shared>> -> memref<80x128xf32, #tpu.memory_space<vmem_shared>>
        %dma_start3A_142 = arith.constant 0 : i32
        %dma_start3A_143 = tpu.memref_slice %arg5[%mul3A_139, %dma_start3A_142] : memref<10000x128xf32, #tpu.memory_space<vmem_shared>> -> memref<80x128xf32, #tpu.memory_space<vmem_shared>>
        tpu.enqueue_dma source(%dma_start3A_143 : memref<80x128xf32, #tpu.memory_space<vmem_shared>>) target(%arg10 : memref<80x128xf32, #tpu.memory_space<vmem>>) target_semaphore(%run_scoped3A : memref<!tpu.dma_semaphore, #tpu.memory_space<semaphore_mem>>)
        %dma_wait3A_144 = arith.constant 0 : i32
        %dma_wait3A_145 = tpu.memref_slice %arg5[%mul3A_139, %dma_wait3A_144] : memref<10000x128xf32, #tpu.memory_space<vmem_shared>> -> memref<80x128xf32, #tpu.memory_space<vmem_shared>>
        %dma_wait3A_146 = arith.constant 0 : i32
        %dma_wait3A_147 = tpu.memref_slice %arg5[%mul3A_139, %dma_wait3A_146] : memref<10000x128xf32, #tpu.memory_space<vmem_shared>> -> memref<80x128xf32, #tpu.memory_space<vmem_shared>>
        tpu.wait_dma2 semaphore(%run_scoped3A : memref<!tpu.dma_semaphore, #tpu.memory_space<semaphore_mem>>) src(%dma_wait3A_147 : memref<80x128xf32, #tpu.memory_space<vmem_shared>>) dst(%arg10 : memref<80x128xf32, #tpu.memory_space<vmem>>)
        tpu.yield
      }) : () -> ()
      "tpu.region"() ({
        %run_scoped3A = tpu.sem_alloc : memref<!tpu.dma_semaphore, #tpu.memory_space<semaphore_mem>>
        %dma_start3A_140 = arith.constant 0 : i32
        %dma_start3A_141 = tpu.memref_slice %arg4[%arg0, %mul3A_139, %dma_start3A_140] : memref<2x10000x128xf32, #tpu.memory_space<hbm>> -> memref<1x80x128xf32, #tpu.memory_space<hbm>>
        %dma_start3A_142 = tpu.memref_squeeze %dma_start3A_141 : memref<1x80x128xf32, #tpu.memory_space<hbm>> -> memref<80x128xf32, #tpu.memory_space<hbm>>
        %dma_start3A_143 = arith.constant 0 : i32
        %dma_start3A_144 = tpu.memref_slice %arg4[%arg0, %mul3A_139, %dma_start3A_143] : memref<2x10000x128xf32, #tpu.memory_space<hbm>> -> memref<1x80x128xf32, #tpu.memory_space<hbm>>
        %dma_start3A_145 = tpu.memref_squeeze %dma_start3A_144 : memref<1x80x128xf32, #tpu.memory_space<hbm>> -> memref<80x128xf32, #tpu.memory_space<hbm>>
        tpu.enqueue_dma source(%arg10 : memref<80x128xf32, #tpu.memory_space<vmem>>) target(%dma_start3A_145 : memref<80x128xf32, #tpu.memory_space<hbm>>) target_semaphore(%run_scoped3A : memref<!tpu.dma_semaphore, #tpu.memory_space<semaphore_mem>>)
        %dma_wait3A_146 = arith.constant 0 : i32
        %dma_wait3A_147 = tpu.memref_slice %arg4[%arg0, %mul3A_139, %dma_wait3A_146] : memref<2x10000x128xf32, #tpu.memory_space<hbm>> -> memref<1x80x128xf32, #tpu.memory_space<hbm>>
        %dma_wait3A_148 = tpu.memref_squeeze %dma_wait3A_147 : memref<1x80x128xf32, #tpu.memory_space<hbm>> -> memref<80x128xf32, #tpu.memory_space<hbm>>
        %dma_wait3A_149 = arith.constant 0 : i32
        %dma_wait3A_150 = tpu.memref_slice %arg4[%arg0, %mul3A_139, %dma_wait3A_149] : memref<2x10000x128xf32, #tpu.memory_space<hbm>> -> memref<1x80x128xf32, #tpu.memory_space<hbm>>
        %dma_wait3A_151 = tpu.memref_squeeze %dma_wait3A_150 : memref<1x80x128xf32, #tpu.memory_space<hbm>> -> memref<80x128xf32, #tpu.memory_space<hbm>>
        tpu.wait_dma2 semaphore(%run_scoped3A : memref<!tpu.dma_semaphore, #tpu.memory_space<semaphore_mem>>) src(%arg10 : memref<80x128xf32, #tpu.memory_space<vmem>>) dst(%dma_wait3A_151 : memref<80x128xf32, #tpu.memory_space<hbm>>)
        tpu.yield
      }) : () -> ()
    } else {
    }
    %add3A_124 = arith.constant 96 : i32
    %add3A_125 = arith.addi %arg1, %add3A_124 : i32
    %lt3A_126 = arith.constant 125 : i32
    %lt3A_127 = arith.cmpi slt, %add3A_125, %lt3A_126 : i32
    %convert_element_type3A_128 = arith.extui %lt3A_127 : i1 to i32
    %cond3A_129 = arith.constant 0 : i32
    %cond3A_130 = arith.cmpi ne, %convert_element_type3A_128, %cond3A_129 : i32
    scf.if %cond3A_130 {
      %mul3A_138 = arith.constant 80 : i32
      %mul3A_139 = arith.muli %add3A_125, %mul3A_138 : i32
      "tpu.region"() ({
        %run_scoped3A = tpu.sem_alloc : memref<!tpu.dma_semaphore, #tpu.memory_space<semaphore_mem>>
        %dma_start3A_140 = arith.constant 0 : i32
        %dma_start3A_141 = tpu.memref_slice %arg5[%mul3A_139, %dma_start3A_140] : memref<10000x128xf32, #tpu.memory_space<vmem_shared>> -> memref<80x128xf32, #tpu.memory_space<vmem_shared>>
        %dma_start3A_142 = arith.constant 0 : i32
        %dma_start3A_143 = tpu.memref_slice %arg5[%mul3A_139, %dma_start3A_142] : memref<10000x128xf32, #tpu.memory_space<vmem_shared>> -> memref<80x128xf32, #tpu.memory_space<vmem_shared>>
        tpu.enqueue_dma source(%dma_start3A_143 : memref<80x128xf32, #tpu.memory_space<vmem_shared>>) target(%arg10 : memref<80x128xf32, #tpu.memory_space<vmem>>) target_semaphore(%run_scoped3A : memref<!tpu.dma_semaphore, #tpu.memory_space<semaphore_mem>>)
        %dma_wait3A_144 = arith.constant 0 : i32
        %dma_wait3A_145 = tpu.memref_slice %arg5[%mul3A_139, %dma_wait3A_144] : memref<10000x128xf32, #tpu.memory_space<vmem_shared>> -> memref<80x128xf32, #tpu.memory_space<vmem_shared>>
        %dma_wait3A_146 = arith.constant 0 : i32
        %dma_wait3A_147 = tpu.memref_slice %arg5[%mul3A_139, %dma_wait3A_146] : memref<10000x128xf32, #tpu.memory_space<vmem_shared>> -> memref<80x128xf32, #tpu.memory_space<vmem_shared>>
        tpu.wait_dma2 semaphore(%run_scoped3A : memref<!tpu.dma_semaphore, #tpu.memory_space<semaphore_mem>>) src(%dma_wait3A_147 : memref<80x128xf32, #tpu.memory_space<vmem_shared>>) dst(%arg10 : memref<80x128xf32, #tpu.memory_space<vmem>>)
        tpu.yield
      }) : () -> ()
      "tpu.region"() ({
        %run_scoped3A = tpu.sem_alloc : memref<!tpu.dma_semaphore, #tpu.memory_space<semaphore_mem>>
        %dma_start3A_140 = arith.constant 0 : i32
        %dma_start3A_141 = tpu.memref_slice %arg4[%arg0, %mul3A_139, %dma_start3A_140] : memref<2x10000x128xf32, #tpu.memory_space<hbm>> -> memref<1x80x128xf32, #tpu.memory_space<hbm>>
        %dma_start3A_142 = tpu.memref_squeeze %dma_start3A_141 : memref<1x80x128xf32, #tpu.memory_space<hbm>> -> memref<80x128xf32, #tpu.memory_space<hbm>>
        %dma_start3A_143 = arith.constant 0 : i32
        %dma_start3A_144 = tpu.memref_slice %arg4[%arg0, %mul3A_139, %dma_start3A_143] : memref<2x10000x128xf32, #tpu.memory_space<hbm>> -> memref<1x80x128xf32, #tpu.memory_space<hbm>>
        %dma_start3A_145 = tpu.memref_squeeze %dma_start3A_144 : memref<1x80x128xf32, #tpu.memory_space<hbm>> -> memref<80x128xf32, #tpu.memory_space<hbm>>
        tpu.enqueue_dma source(%arg10 : memref<80x128xf32, #tpu.memory_space<vmem>>) target(%dma_start3A_145 : memref<80x128xf32, #tpu.memory_space<hbm>>) target_semaphore(%run_scoped3A : memref<!tpu.dma_semaphore, #tpu.memory_space<semaphore_mem>>)
        %dma_wait3A_146 = arith.constant 0 : i32
        %dma_wait3A_147 = tpu.memref_slice %arg4[%arg0, %mul3A_139, %dma_wait3A_146] : memref<2x10000x128xf32, #tpu.memory_space<hbm>> -> memref<1x80x128xf32, #tpu.memory_space<hbm>>
        %dma_wait3A_148 = tpu.memref_squeeze %dma_wait3A_147 : memref<1x80x128xf32, #tpu.memory_space<hbm>> -> memref<80x128xf32, #tpu.memory_space<hbm>>
        %dma_wait3A_149 = arith.constant 0 : i32
        %dma_wait3A_150 = tpu.memref_slice %arg4[%arg0, %mul3A_139, %dma_wait3A_149] : memref<2x10000x128xf32, #tpu.memory_space<hbm>> -> memref<1x80x128xf32, #tpu.memory_space<hbm>>
        %dma_wait3A_151 = tpu.memref_squeeze %dma_wait3A_150 : memref<1x80x128xf32, #tpu.memory_space<hbm>> -> memref<80x128xf32, #tpu.memory_space<hbm>>
        tpu.wait_dma2 semaphore(%run_scoped3A : memref<!tpu.dma_semaphore, #tpu.memory_space<semaphore_mem>>) src(%arg10 : memref<80x128xf32, #tpu.memory_space<vmem>>) dst(%dma_wait3A_151 : memref<80x128xf32, #tpu.memory_space<hbm>>)
        tpu.yield
      }) : () -> ()
    } else {
    }
    %add3A_131 = arith.constant 112 : i32
    %add3A_132 = arith.addi %arg1, %add3A_131 : i32
    %lt3A_133 = arith.constant 125 : i32
    %lt3A_134 = arith.cmpi slt, %add3A_132, %lt3A_133 : i32
    %convert_element_type3A_135 = arith.extui %lt3A_134 : i1 to i32
    %cond3A_136 = arith.constant 0 : i32
    %cond3A_137 = arith.cmpi ne, %convert_element_type3A_135, %cond3A_136 : i32
    scf.if %cond3A_137 {
      %mul3A_138 = arith.constant 80 : i32
      %mul3A_139 = arith.muli %add3A_132, %mul3A_138 : i32
      "tpu.region"() ({
        %run_scoped3A = tpu.sem_alloc : memref<!tpu.dma_semaphore, #tpu.memory_space<semaphore_mem>>
        %dma_start3A_140 = arith.constant 0 : i32
        %dma_start3A_141 = tpu.memref_slice %arg5[%mul3A_139, %dma_start3A_140] : memref<10000x128xf32, #tpu.memory_space<vmem_shared>> -> memref<80x128xf32, #tpu.memory_space<vmem_shared>>
        %dma_start3A_142 = arith.constant 0 : i32
        %dma_start3A_143 = tpu.memref_slice %arg5[%mul3A_139, %dma_start3A_142] : memref<10000x128xf32, #tpu.memory_space<vmem_shared>> -> memref<80x128xf32, #tpu.memory_space<vmem_shared>>
        tpu.enqueue_dma source(%dma_start3A_143 : memref<80x128xf32, #tpu.memory_space<vmem_shared>>) target(%arg10 : memref<80x128xf32, #tpu.memory_space<vmem>>) target_semaphore(%run_scoped3A : memref<!tpu.dma_semaphore, #tpu.memory_space<semaphore_mem>>)
        %dma_wait3A_144 = arith.constant 0 : i32
        %dma_wait3A_145 = tpu.memref_slice %arg5[%mul3A_139, %dma_wait3A_144] : memref<10000x128xf32, #tpu.memory_space<vmem_shared>> -> memref<80x128xf32, #tpu.memory_space<vmem_shared>>
        %dma_wait3A_146 = arith.constant 0 : i32
        %dma_wait3A_147 = tpu.memref_slice %arg5[%mul3A_139, %dma_wait3A_146] : memref<10000x128xf32, #tpu.memory_space<vmem_shared>> -> memref<80x128xf32, #tpu.memory_space<vmem_shared>>
        tpu.wait_dma2 semaphore(%run_scoped3A : memref<!tpu.dma_semaphore, #tpu.memory_space<semaphore_mem>>) src(%dma_wait3A_147 : memref<80x128xf32, #tpu.memory_space<vmem_shared>>) dst(%arg10 : memref<80x128xf32, #tpu.memory_space<vmem>>)
        tpu.yield
      }) : () -> ()
      "tpu.region"() ({
        %run_scoped3A = tpu.sem_alloc : memref<!tpu.dma_semaphore, #tpu.memory_space<semaphore_mem>>
        %dma_start3A_140 = arith.constant 0 : i32
        %dma_start3A_141 = tpu.memref_slice %arg4[%arg0, %mul3A_139, %dma_start3A_140] : memref<2x10000x128xf32, #tpu.memory_space<hbm>> -> memref<1x80x128xf32, #tpu.memory_space<hbm>>
        %dma_start3A_142 = tpu.memref_squeeze %dma_start3A_141 : memref<1x80x128xf32, #tpu.memory_space<hbm>> -> memref<80x128xf32, #tpu.memory_space<hbm>>
        %dma_start3A_143 = arith.constant 0 : i32
        %dma_start3A_144 = tpu.memref_slice %arg4[%arg0, %mul3A_139, %dma_start3A_143] : memref<2x10000x128xf32, #tpu.memory_space<hbm>> -> memref<1x80x128xf32, #tpu.memory_space<hbm>>
        %dma_start3A_145 = tpu.memref_squeeze %dma_start3A_144 : memref<1x80x128xf32, #tpu.memory_space<hbm>> -> memref<80x128xf32, #tpu.memory_space<hbm>>
        tpu.enqueue_dma source(%arg10 : memref<80x128xf32, #tpu.memory_space<vmem>>) target(%dma_start3A_145 : memref<80x128xf32, #tpu.memory_space<hbm>>) target_semaphore(%run_scoped3A : memref<!tpu.dma_semaphore, #tpu.memory_space<semaphore_mem>>)
        %dma_wait3A_146 = arith.constant 0 : i32
        %dma_wait3A_147 = tpu.memref_slice %arg4[%arg0, %mul3A_139, %dma_wait3A_146] : memref<2x10000x128xf32, #tpu.memory_space<hbm>> -> memref<1x80x128xf32, #tpu.memory_space<hbm>>
        %dma_wait3A_148 = tpu.memref_squeeze %dma_wait3A_147 : memref<1x80x128xf32, #tpu.memory_space<hbm>> -> memref<80x128xf32, #tpu.memory_space<hbm>>
        %dma_wait3A_149 = arith.constant 0 : i32
        %dma_wait3A_150 = tpu.memref_slice %arg4[%arg0, %mul3A_139, %dma_wait3A_149] : memref<2x10000x128xf32, #tpu.memory_space<hbm>> -> memref<1x80x128xf32, #tpu.memory_space<hbm>>
        %dma_wait3A_151 = tpu.memref_squeeze %dma_wait3A_150 : memref<1x80x128xf32, #tpu.memory_space<hbm>> -> memref<80x128xf32, #tpu.memory_space<hbm>>
        tpu.wait_dma2 semaphore(%run_scoped3A : memref<!tpu.dma_semaphore, #tpu.memory_space<semaphore_mem>>) src(%arg10 : memref<80x128xf32, #tpu.memory_space<vmem>>) dst(%dma_wait3A_151 : memref<80x128xf32, #tpu.memory_space<hbm>>)
        tpu.yield
      }) : () -> ()
    } else {
    }
    return
  }
}

module attributes {stable_mosaic.version = 14 : i64} {
  func.func @_atoms_body(%arg0: i32, %arg1: memref<2000x128xf32, #tpu.memory_space<vmem>>, %arg2: memref<128x128xf32, #tpu.memory_space<vmem>>, %arg3: memref<128x128xf32, #tpu.memory_space<vmem>>, %arg4: memref<1x128xf32, #tpu.memory_space<vmem>>, %arg5: memref<128x128xf32, #tpu.memory_space<vmem>>, %arg6: memref<1x128xf32, #tpu.memory_space<vmem>>, %arg7: memref<2000x128xi32, #tpu.memory_space<vmem>>, %arg8: memref<2000x128xf32, #tpu.memory_space<vmem>>) attributes {dimension_semantics = [#tpu.dimension_semantics<arbitrary>], iteration_bounds = array<i64: 5>, scalar_prefetch = 0 : i64, scratch_operands = 0 : i64, tpu.core_type = #tpu.core_type<tc>, window_params = [{transform_indices = @transform_0, window_bounds = array<i64: 2000, 128>}, {pipeline_mode = #tpu.pipeline_mode<synchronous>, transform_indices = @transform_1, window_bounds = array<i64: 128, 128>}, {pipeline_mode = #tpu.pipeline_mode<synchronous>, transform_indices = @transform_2, window_bounds = array<i64: 128, 128>}, {pipeline_mode = #tpu.pipeline_mode<synchronous>, transform_indices = @transform_3, window_bounds = array<i64: 1, 128>}, {pipeline_mode = #tpu.pipeline_mode<synchronous>, transform_indices = @transform_4, window_bounds = array<i64: 128, 128>}, {pipeline_mode = #tpu.pipeline_mode<synchronous>, transform_indices = @transform_5, window_bounds = array<i64: 1, 128>}, {transform_indices = @transform_6, window_bounds = array<i64: 2000, 128>}, {transform_indices = @transform_7, window_bounds = array<i64: 2000, 128>}]} {
    %get3A = arith.constant 0 : index
    %get3A_0 = arith.constant 0 : index
    %get3A_1 = vector.load %arg1[%get3A, %get3A_0] : memref<2000x128xf32, #tpu.memory_space<vmem>>, vector<2000x128xf32>
    %get3A_2 = arith.constant 0 : index
    %get3A_3 = arith.constant 0 : index
    %get3A_4 = vector.load %arg2[%get3A_2, %get3A_3] : memref<128x128xf32, #tpu.memory_space<vmem>>, vector<128x128xf32>
    %dot_general3A = arith.constant dense<0.000000e+00> : vector<2000x128xf32>
    %dot_general3A_5 = tpu.matmul %get3A_1, %get3A_4, %dot_general3A {dimension_numbers = #tpu.dot_dimension_numbers<[1], [0], [0], [1], [0, 0, 1, 1], [], []>, transpose_lhs_hint = false} : vector<2000x128xf32>, vector<128x128xf32>, vector<2000x128xf32> -> vector<2000x128xf32>
    %get3A_6 = arith.constant 0 : index
    %get3A_7 = arith.constant 0 : index
    %get3A_8 = vector.load %arg3[%get3A_6, %get3A_7] : memref<128x128xf32, #tpu.memory_space<vmem>>, vector<128x128xf32>
    %dot_general3A_9 = arith.constant dense<0.000000e+00> : vector<2000x128xf32>
    %dot_general3A_10 = tpu.matmul %get3A_1, %get3A_8, %dot_general3A_9 {dimension_numbers = #tpu.dot_dimension_numbers<[1], [0], [0], [1], [0, 0, 1, 1], [], []>, transpose_lhs_hint = false} : vector<2000x128xf32>, vector<128x128xf32>, vector<2000x128xf32> -> vector<2000x128xf32>
    %get3A_11 = arith.constant 0 : index
    %get3A_12 = arith.constant 0 : index
    %get3A_13 = vector.load %arg4[%get3A_11, %get3A_12] : memref<1x128xf32, #tpu.memory_space<vmem>>, vector<1x128xf32>
    %add3A = vector.broadcast %get3A_13 : vector<1x128xf32> to vector<2000x128xf32>
    %add3A_14 = arith.addf %dot_general3A_10, %add3A : vector<2000x128xf32>
    %convert_element_type3A = arith.truncf %dot_general3A_5 : vector<2000x128xf32> to vector<2000x128xbf16>
    %bitcast_convert_type3A = tpu.bitcast %convert_element_type3A : vector<2000x128xbf16> -> vector<2000x128xi16>
    %convert_element_type3A_15 = arith.extui %bitcast_convert_type3A : vector<2000x128xi16> to vector<2000x128xi32>
    %convert_element_type3A_16 = arith.truncf %add3A_14 : vector<2000x128xf32> to vector<2000x128xbf16>
    %bitcast_convert_type3A_17 = tpu.bitcast %convert_element_type3A_16 : vector<2000x128xbf16> -> vector<2000x128xi16>
    %convert_element_type3A_18 = arith.extui %bitcast_convert_type3A_17 : vector<2000x128xi16> to vector<2000x128xi32>
    %shift_left3A = arith.constant 16 : i32
    %shift_left3A_19 = vector.broadcast %shift_left3A : i32 to vector<2000x128xi32>
    %shift_left3A_20 = arith.shli %convert_element_type3A_18, %shift_left3A_19 : vector<2000x128xi32>
    %or3A = arith.ori %convert_element_type3A_15, %shift_left3A_20 : vector<2000x128xi32>
    %swap3A = arith.constant 0 : index
    %swap3A_21 = arith.constant 0 : index
    %swap3A_22 = vector.load %arg7[%swap3A, %swap3A_21] : memref<2000x128xi32, #tpu.memory_space<vmem>>, vector<2000x128xi32>
    tpu.vector_store %arg7[%swap3A, %swap3A_21], %or3A {strides = array<i32>} : memref<2000x128xi32, #tpu.memory_space<vmem>>, vector<2000x128xi32>,
    %get3A_23 = arith.constant 0 : index
    %get3A_24 = arith.constant 0 : index
    %get3A_25 = vector.load %arg5[%get3A_23, %get3A_24] : memref<128x128xf32, #tpu.memory_space<vmem>>, vector<128x128xf32>
    %dot_general3A_26 = arith.constant dense<0.000000e+00> : vector<2000x128xf32>
    %dot_general3A_27 = tpu.matmul %get3A_1, %get3A_25, %dot_general3A_26 {dimension_numbers = #tpu.dot_dimension_numbers<[1], [0], [0], [1], [0, 0, 1, 1], [], []>, transpose_lhs_hint = false} : vector<2000x128xf32>, vector<128x128xf32>, vector<2000x128xf32> -> vector<2000x128xf32>
    %get3A_28 = arith.constant 0 : index
    %get3A_29 = arith.constant 0 : index
    %get3A_30 = vector.load %arg6[%get3A_28, %get3A_29] : memref<1x128xf32, #tpu.memory_space<vmem>>, vector<1x128xf32>
    %add3A_31 = vector.broadcast %get3A_30 : vector<1x128xf32> to vector<2000x128xf32>
    %add3A_32 = arith.addf %dot_general3A_27, %add3A_31 : vector<2000x128xf32>
    %max3A = arith.constant 0.000000e+00 : f32
    %max3A_33 = vector.broadcast %max3A : f32 to vector<2000x128xf32>
    %max3A_34 = arith.maximumf %add3A_32, %max3A_33 : vector<2000x128xf32>
    %swap3A_35 = arith.constant 0 : index
    %swap3A_36 = arith.constant 0 : index
    %swap3A_37 = vector.load %arg8[%swap3A_35, %swap3A_36] : memref<2000x128xf32, #tpu.memory_space<vmem>>, vector<2000x128xf32>
    tpu.vector_store %arg8[%swap3A_35, %swap3A_36], %max3A_34 {strides = array<i32>} : memref<2000x128xf32, #tpu.memory_space<vmem>>, vector<2000x128xf32>,
    return
  }
  func.func @transform_0(%arg0: i32) -> (i32, i32) {
    %c0_i32 = arith.constant 0 : i32
    %c0_i32_0 = arith.constant 0 : i32
    return %arg0, %c0_i32 : i32, i32
  }
  func.func @transform_1(%arg0: i32) -> (i32, i32) {
    %c0_i32 = arith.constant 0 : i32
    %c0_i32_0 = arith.constant 0 : i32
    %c0_i32_1 = arith.constant 0 : i32
    return %c0_i32, %c0_i32_0 : i32, i32
  }
  func.func @transform_2(%arg0: i32) -> (i32, i32) {
    %c0_i32 = arith.constant 0 : i32
    %c0_i32_0 = arith.constant 0 : i32
    %c0_i32_1 = arith.constant 0 : i32
    return %c0_i32, %c0_i32_0 : i32, i32
  }
  func.func @transform_3(%arg0: i32) -> (i32, i32) {
    %c0_i32 = arith.constant 0 : i32
    %c0_i32_0 = arith.constant 0 : i32
    %c0_i32_1 = arith.constant 0 : i32
    return %c0_i32, %c0_i32_0 : i32, i32
  }
  func.func @transform_4(%arg0: i32) -> (i32, i32) {
    %c0_i32 = arith.constant 0 : i32
    %c0_i32_0 = arith.constant 0 : i32
    %c0_i32_1 = arith.constant 0 : i32
    return %c0_i32, %c0_i32_0 : i32, i32
  }
  func.func @transform_5(%arg0: i32) -> (i32, i32) {
    %c0_i32 = arith.constant 0 : i32
    %c0_i32_0 = arith.constant 0 : i32
    %c0_i32_1 = arith.constant 0 : i32
    return %c0_i32, %c0_i32_0 : i32, i32
  }
  func.func @transform_6(%arg0: i32) -> (i32, i32) {
    %c0_i32 = arith.constant 0 : i32
    %c0_i32_0 = arith.constant 0 : i32
    return %arg0, %c0_i32 : i32, i32
  }
  func.func @transform_7(%arg0: i32) -> (i32, i32) {
    %c0_i32 = arith.constant 0 : i32
    %c0_i32_0 = arith.constant 0 : i32
    return %arg0, %c0_i32 : i32, i32
  }
}

module attributes {stable_mosaic.version = 14 : i64} {
  func.func @_pa_body(%arg0: i32, %arg1: memref<16x2560xf32, #tpu.memory_space<vmem>>, %arg2: memref<16x128xf32, #tpu.memory_space<vmem>>, %arg3: memref<1x128xf32, #tpu.memory_space<vmem>>, %arg4: memref<2560x128xf32, #tpu.memory_space<vmem>>) attributes {dimension_semantics = [#tpu.dimension_semantics<arbitrary>], iteration_bounds = array<i64: 125>, scalar_prefetch = 0 : i64, scratch_operands = 0 : i64, tpu.core_type = #tpu.core_type<tc>, window_params = [{transform_indices = @transform_0, window_bounds = array<i64: 16, 2560>}, {pipeline_mode = #tpu.pipeline_mode<synchronous>, transform_indices = @transform_1, window_bounds = array<i64: 16, 128>}, {pipeline_mode = #tpu.pipeline_mode<synchronous>, transform_indices = @transform_2, window_bounds = array<i64: 1, 128>}, {transform_indices = @transform_3, window_bounds = array<i64: 2560, 128>}]} {
    %get3A = arith.constant 0 : index
    %get3A_0 = arith.constant 0 : index
    %get3A_1 = vector.load %arg1[%get3A, %get3A_0] : memref<16x2560xf32, #tpu.memory_space<vmem>>, vector<16x2560xf32>
    %get3A_2 = arith.constant 0 : index
    %get3A_3 = arith.constant 0 : index
    %get3A_4 = vector.load %arg2[%get3A_2, %get3A_3] : memref<16x128xf32, #tpu.memory_space<vmem>>, vector<16x128xf32>
    %dot_general3A = arith.constant dense<0.000000e+00> : vector<2560x128xf32>
    %dot_general3A_5 = tpu.matmul %get3A_1, %get3A_4, %dot_general3A {dimension_numbers = #tpu.dot_dimension_numbers<[0], [0], [1], [1], [0, 1, 1, 1], [], []>, transpose_lhs_hint = false} : vector<16x2560xf32>, vector<16x128xf32>, vector<2560x128xf32> -> vector<2560x128xf32>
    %get3A_6 = arith.constant 0 : index
    %get3A_7 = arith.constant 0 : index
    %get3A_8 = vector.load %arg3[%get3A_6, %get3A_7] : memref<1x128xf32, #tpu.memory_space<vmem>>, vector<1x128xf32>
    %add3A = vector.broadcast %get3A_8 : vector<1x128xf32> to vector<2560x128xf32>
    %add3A_9 = arith.addf %dot_general3A_5, %add3A : vector<2560x128xf32>
    %max3A = arith.constant 0.000000e+00 : f32
    %max3A_10 = vector.broadcast %max3A : f32 to vector<2560x128xf32>
    %max3A_11 = arith.maximumf %add3A_9, %max3A_10 : vector<2560x128xf32>
    %swap3A = arith.constant 0 : index
    %swap3A_12 = arith.constant 0 : index
    %swap3A_13 = vector.load %arg4[%swap3A, %swap3A_12] : memref<2560x128xf32, #tpu.memory_space<vmem>>, vector<2560x128xf32>
    tpu.vector_store %arg4[%swap3A, %swap3A_12], %max3A_11 {strides = array<i32>} : memref<2560x128xf32, #tpu.memory_space<vmem>>, vector<2560x128xf32>,
    return
  }
  func.func @transform_0(%arg0: i32) -> (i32, i32) {
    %c0_i32 = arith.constant 0 : i32
    %c0_i32_0 = arith.constant 0 : i32
    return %c0_i32, %arg0 : i32, i32
  }
  func.func @transform_1(%arg0: i32) -> (i32, i32) {
    %c0_i32 = arith.constant 0 : i32
    %c0_i32_0 = arith.constant 0 : i32
    %c0_i32_1 = arith.constant 0 : i32
    return %c0_i32, %c0_i32_0 : i32, i32
  }
  func.func @transform_2(%arg0: i32) -> (i32, i32) {
    %c0_i32 = arith.constant 0 : i32
    %c0_i32_0 = arith.constant 0 : i32
    %c0_i32_1 = arith.constant 0 : i32
    return %c0_i32, %c0_i32_0 : i32, i32
  }
  func.func @transform_3(%arg0: i32) -> (i32, i32) {
    %c0_i32 = arith.constant 0 : i32
    %c0_i32_0 = arith.constant 0 : i32
    return %arg0, %c0_i32 : i32, i32
  }
}

module attributes {stable_mosaic.version = 14 : i64} {
  func.func @_pairout_body(%arg0: i32, %arg1: memref<3200x128xf32, #tpu.memory_space<vmem>>, %arg2: memref<16x3200xf32, #tpu.memory_space<vmem>>, %arg3: memref<16x128xf32, #tpu.memory_space<vmem>>, %arg4: memref<1x128xf32, #tpu.memory_space<vmem>>, %arg5: memref<128x128xbf16, #tpu.memory_space<vmem>>, %arg6: memref<128x128xbf16, #tpu.memory_space<vmem>>, %arg7: memref<1x128xf32, #tpu.memory_space<vmem>>, %arg8: memref<3200x128xf32, #tpu.memory_space<vmem>>) attributes {dimension_semantics = [#tpu.dimension_semantics<arbitrary>], iteration_bounds = array<i64: 100>, scalar_prefetch = 0 : i64, scratch_operands = 0 : i64, tpu.core_type = #tpu.core_type<tc>, window_params = [{transform_indices = @transform_0, window_bounds = array<i64: 3200, 128>}, {transform_indices = @transform_1, window_bounds = array<i64: 16, 3200>}, {pipeline_mode = #tpu.pipeline_mode<synchronous>, transform_indices = @transform_2, window_bounds = array<i64: 16, 128>}, {pipeline_mode = #tpu.pipeline_mode<synchronous>, transform_indices = @transform_3, window_bounds = array<i64: 1, 128>}, {pipeline_mode = #tpu.pipeline_mode<synchronous>, transform_indices = @transform_4, window_bounds = array<i64: 128, 128>}, {pipeline_mode = #tpu.pipeline_mode<synchronous>, transform_indices = @transform_5, window_bounds = array<i64: 128, 128>}, {pipeline_mode = #tpu.pipeline_mode<synchronous>, transform_indices = @transform_6, window_bounds = array<i64: 1, 128>}, {transform_indices = @transform_7, window_bounds = array<i64: 3200, 128>}]} {
    %get3A = arith.constant 0 : index
    %get3A_0 = arith.constant 0 : index
    %get3A_1 = vector.load %arg2[%get3A, %get3A_0] : memref<16x3200xf32, #tpu.memory_space<vmem>>, vector<16x3200xf32>
    %get3A_2 = arith.constant 0 : index
    %get3A_3 = arith.constant 0 : index
    %get3A_4 = vector.load %arg3[%get3A_2, %get3A_3] : memref<16x128xf32, #tpu.memory_space<vmem>>, vector<16x128xf32>
    %dot_general3A = arith.constant dense<0.000000e+00> : vector<3200x128xf32>
    %dot_general3A_5 = tpu.matmul %get3A_1, %get3A_4, %dot_general3A {dimension_numbers = #tpu.dot_dimension_numbers<[0], [0], [1], [1], [0, 1, 1, 1], [], []>, transpose_lhs_hint = false} : vector<16x3200xf32>, vector<16x128xf32>, vector<3200x128xf32> -> vector<3200x128xf32>
    %get3A_6 = arith.constant 0 : index
    %get3A_7 = arith.constant 0 : index
    %get3A_8 = vector.load %arg4[%get3A_6, %get3A_7] : memref<1x128xf32, #tpu.memory_space<vmem>>, vector<1x128xf32>
    %add3A = vector.broadcast %get3A_8 : vector<1x128xf32> to vector<3200x128xf32>
    %add3A_9 = arith.addf %dot_general3A_5, %add3A : vector<3200x128xf32>
    %max3A = arith.constant 0.000000e+00 : f32
    %max3A_10 = vector.broadcast %max3A : f32 to vector<3200x128xf32>
    %max3A_11 = arith.maximumf %add3A_9, %max3A_10 : vector<3200x128xf32>
    %get3A_12 = arith.constant 0 : index
    %get3A_13 = arith.constant 0 : index
    %get3A_14 = vector.load %arg1[%get3A_12, %get3A_13] : memref<3200x128xf32, #tpu.memory_space<vmem>>, vector<3200x128xf32>
    %convert_element_type3A = arith.truncf %get3A_14 : vector<3200x128xf32> to vector<3200x128xbf16>
    %get3A_15 = arith.constant 0 : index
    %get3A_16 = arith.constant 0 : index
    %get3A_17 = vector.load %arg5[%get3A_15, %get3A_16] : memref<128x128xbf16, #tpu.memory_space<vmem>>, vector<128x128xbf16>
    %dot_general3A_18 = arith.constant dense<0.000000e+00> : vector<3200x128xf32>
    %dot_general3A_19 = tpu.matmul %convert_element_type3A, %get3A_17, %dot_general3A_18 {dimension_numbers = #tpu.dot_dimension_numbers<[1], [0], [0], [1], [0, 0, 1, 1], [], []>, transpose_lhs_hint = false} : vector<3200x128xbf16>, vector<128x128xbf16>, vector<3200x128xf32> -> vector<3200x128xf32>
    %convert_element_type3A_20 = arith.truncf %max3A_11 : vector<3200x128xf32> to vector<3200x128xbf16>
    %get3A_21 = arith.constant 0 : index
    %get3A_22 = arith.constant 0 : index
    %get3A_23 = vector.load %arg6[%get3A_21, %get3A_22] : memref<128x128xbf16, #tpu.memory_space<vmem>>, vector<128x128xbf16>
    %dot_general3A_24 = arith.constant dense<0.000000e+00> : vector<3200x128xf32>
    %dot_general3A_25 = tpu.matmul %convert_element_type3A_20, %get3A_23, %dot_general3A_24 {dimension_numbers = #tpu.dot_dimension_numbers<[1], [0], [0], [1], [0, 0, 1, 1], [], []>, transpose_lhs_hint = false} : vector<3200x128xbf16>, vector<128x128xbf16>, vector<3200x128xf32> -> vector<3200x128xf32>
    %add3A_26 = arith.addf %dot_general3A_19, %dot_general3A_25 : vector<3200x128xf32>
    %get3A_27 = arith.constant 0 : index
    %get3A_28 = arith.constant 0 : index
    %get3A_29 = vector.load %arg7[%get3A_27, %get3A_28] : memref<1x128xf32, #tpu.memory_space<vmem>>, vector<1x128xf32>
    %add3A_30 = vector.broadcast %get3A_29 : vector<1x128xf32> to vector<3200x128xf32>
    %add3A_31 = arith.addf %add3A_26, %add3A_30 : vector<3200x128xf32>
    %max3A_32 = arith.constant 0.000000e+00 : f32
    %max3A_33 = vector.broadcast %max3A_32 : f32 to vector<3200x128xf32>
    %max3A_34 = arith.maximumf %add3A_31, %max3A_33 : vector<3200x128xf32>
    %swap3A = arith.constant 0 : index
    %swap3A_35 = arith.constant 0 : index
    %swap3A_36 = vector.load %arg8[%swap3A, %swap3A_35] : memref<3200x128xf32, #tpu.memory_space<vmem>>, vector<3200x128xf32>
    tpu.vector_store %arg8[%swap3A, %swap3A_35], %max3A_34 {strides = array<i32>} : memref<3200x128xf32, #tpu.memory_space<vmem>>, vector<3200x128xf32>,
    return
  }
  func.func @transform_0(%arg0: i32) -> (i32, i32) {
    %c0_i32 = arith.constant 0 : i32
    %c0_i32_0 = arith.constant 0 : i32
    return %arg0, %c0_i32 : i32, i32
  }
  func.func @transform_1(%arg0: i32) -> (i32, i32) {
    %c0_i32 = arith.constant 0 : i32
    %c0_i32_0 = arith.constant 0 : i32
    return %c0_i32, %arg0 : i32, i32
  }
  func.func @transform_2(%arg0: i32) -> (i32, i32) {
    %c0_i32 = arith.constant 0 : i32
    %c0_i32_0 = arith.constant 0 : i32
    %c0_i32_1 = arith.constant 0 : i32
    return %c0_i32, %c0_i32_0 : i32, i32
  }
  func.func @transform_3(%arg0: i32) -> (i32, i32) {
    %c0_i32 = arith.constant 0 : i32
    %c0_i32_0 = arith.constant 0 : i32
    %c0_i32_1 = arith.constant 0 : i32
    return %c0_i32, %c0_i32_0 : i32, i32
  }
  func.func @transform_4(%arg0: i32) -> (i32, i32) {
    %c0_i32 = arith.constant 0 : i32
    %c0_i32_0 = arith.constant 0 : i32
    %c0_i32_1 = arith.constant 0 : i32
    return %c0_i32, %c0_i32_0 : i32, i32
  }
  func.func @transform_5(%arg0: i32) -> (i32, i32) {
    %c0_i32 = arith.constant 0 : i32
    %c0_i32_0 = arith.constant 0 : i32
    %c0_i32_1 = arith.constant 0 : i32
    return %c0_i32, %c0_i32_0 : i32, i32
  }
  func.func @transform_6(%arg0: i32) -> (i32, i32) {
    %c0_i32 = arith.constant 0 : i32
    %c0_i32_0 = arith.constant 0 : i32
    %c0_i32_1 = arith.constant 0 : i32
    return %c0_i32, %c0_i32_0 : i32, i32
  }
  func.func @transform_7(%arg0: i32) -> (i32, i32) {
    %c0_i32 = arith.constant 0 : i32
    %c0_i32_0 = arith.constant 0 : i32
    return %arg0, %c0_i32 : i32, i32
  }
}

module attributes {stable_mosaic.version = 14 : i64} {
  func.func @_atomout_body(%arg0: i32, %arg1: memref<2000x128xf32, #tpu.memory_space<vmem>>, %arg2: memref<2x2000x128xf32, #tpu.memory_space<vmem>>, %arg3: memref<256x128xf32, #tpu.memory_space<vmem>>, %arg4: memref<1x128xf32, #tpu.memory_space<vmem>>, %arg5: memref<2000x128xf32, #tpu.memory_space<vmem>>) attributes {dimension_semantics = [#tpu.dimension_semantics<arbitrary>], iteration_bounds = array<i64: 5>, scalar_prefetch = 0 : i64, scratch_operands = 0 : i64, tpu.core_type = #tpu.core_type<tc>, window_params = [{transform_indices = @transform_0, window_bounds = array<i64: 2000, 128>}, {transform_indices = @transform_1, window_bounds = array<i64: 2, 2000, 128>}, {pipeline_mode = #tpu.pipeline_mode<synchronous>, transform_indices = @transform_2, window_bounds = array<i64: 256, 128>}, {pipeline_mode = #tpu.pipeline_mode<synchronous>, transform_indices = @transform_3, window_bounds = array<i64: 1, 128>}, {transform_indices = @transform_4, window_bounds = array<i64: 2000, 128>}]} {
    %get3A = arith.constant 0 : index
    %get3A_0 = arith.constant 0 : index
    %get3A_1 = arith.constant 0 : index
    %get3A_2 = vector.load %arg2[%get3A, %get3A_0, %get3A_1] : memref<2x2000x128xf32, #tpu.memory_space<vmem>>, vector<1x2000x128xf32>
    %get3A_3 = vector.shape_cast %get3A_2 : vector<1x2000x128xf32> to vector<2000x128xf32>
    %get3A_4 = arith.constant 1 : index
    %get3A_5 = arith.constant 0 : index
    %get3A_6 = arith.constant 0 : index
    %get3A_7 = vector.load %arg2[%get3A_4, %get3A_5, %get3A_6] : memref<2x2000x128xf32, #tpu.memory_space<vmem>>, vector<1x2000x128xf32>
    %get3A_8 = vector.shape_cast %get3A_7 : vector<1x2000x128xf32> to vector<2000x128xf32>
    %add3A = arith.addf %get3A_3, %get3A_8 : vector<2000x128xf32>
    %get3A_9 = arith.constant 0 : index
    %get3A_10 = arith.constant 0 : index
    %get3A_11 = vector.load %arg1[%get3A_9, %get3A_10] : memref<2000x128xf32, #tpu.memory_space<vmem>>, vector<2000x128xf32>
    %get3A_12 = arith.constant 0 : index
    %get3A_13 = arith.constant 0 : index
    %get3A_14 = vector.load %arg3[%get3A_12, %get3A_13] : memref<256x128xf32, #tpu.memory_space<vmem>>, vector<128x128xf32>
    %dot_general3A = arith.constant dense<0.000000e+00> : vector<2000x128xf32>
    %dot_general3A_15 = tpu.matmul %get3A_11, %get3A_14, %dot_general3A {dimension_numbers = #tpu.dot_dimension_numbers<[1], [0], [0], [1], [0, 0, 1, 1], [], []>, transpose_lhs_hint = false} : vector<2000x128xf32>, vector<128x128xf32>, vector<2000x128xf32> -> vector<2000x128xf32>
    %get3A_16 = arith.constant 128 : index
    %get3A_17 = arith.constant 0 : index
    %get3A_18 = vector.load %arg3[%get3A_16, %get3A_17] : memref<256x128xf32, #tpu.memory_space<vmem>>, vector<128x128xf32>
    %dot_general3A_19 = arith.constant dense<0.000000e+00> : vector<2000x128xf32>
    %dot_general3A_20 = tpu.matmul %add3A, %get3A_18, %dot_general3A_19 {dimension_numbers = #tpu.dot_dimension_numbers<[1], [0], [0], [1], [0, 0, 1, 1], [], []>, transpose_lhs_hint = false} : vector<2000x128xf32>, vector<128x128xf32>, vector<2000x128xf32> -> vector<2000x128xf32>
    %add3A_21 = arith.addf %dot_general3A_15, %dot_general3A_20 : vector<2000x128xf32>
    %get3A_22 = arith.constant 0 : index
    %get3A_23 = arith.constant 0 : index
    %get3A_24 = vector.load %arg4[%get3A_22, %get3A_23] : memref<1x128xf32, #tpu.memory_space<vmem>>, vector<1x128xf32>
    %add3A_25 = vector.broadcast %get3A_24 : vector<1x128xf32> to vector<2000x128xf32>
    %add3A_26 = arith.addf %add3A_21, %add3A_25 : vector<2000x128xf32>
    %max3A = arith.constant 0.000000e+00 : f32
    %max3A_27 = vector.broadcast %max3A : f32 to vector<2000x128xf32>
    %max3A_28 = arith.maximumf %add3A_26, %max3A_27 : vector<2000x128xf32>
    %swap3A = arith.constant 0 : index
    %swap3A_29 = arith.constant 0 : index
    %swap3A_30 = vector.load %arg5[%swap3A, %swap3A_29] : memref<2000x128xf32, #tpu.memory_space<vmem>>, vector<2000x128xf32>
    tpu.vector_store %arg5[%swap3A, %swap3A_29], %max3A_28 {strides = array<i32>} : memref<2000x128xf32, #tpu.memory_space<vmem>>, vector<2000x128xf32>,
    return
  }
  func.func @transform_0(%arg0: i32) -> (i32, i32) {
    %c0_i32 = arith.constant 0 : i32
    %c0_i32_0 = arith.constant 0 : i32
    return %arg0, %c0_i32 : i32, i32
  }
  func.func @transform_1(%arg0: i32) -> (i32, i32, i32) {
    %c0_i32 = arith.constant 0 : i32
    %c0_i32_0 = arith.constant 0 : i32
    %c0_i32_1 = arith.constant 0 : i32
    return %c0_i32, %arg0, %c0_i32_0 : i32, i32, i32
  }
  func.func @transform_2(%arg0: i32) -> (i32, i32) {
    %c0_i32 = arith.constant 0 : i32
    %c0_i32_0 = arith.constant 0 : i32
    %c0_i32_1 = arith.constant 0 : i32
    return %c0_i32, %c0_i32_0 : i32, i32
  }
  func.func @transform_3(%arg0: i32) -> (i32, i32) {
    %c0_i32 = arith.constant 0 : i32
    %c0_i32_0 = arith.constant 0 : i32
    %c0_i32_1 = arith.constant 0 : i32
    return %c0_i32, %c0_i32_0 : i32, i32
  }
  func.func @transform_4(%arg0: i32) -> (i32, i32) {
    %c0_i32 = arith.constant 0 : i32
    %c0_i32_0 = arith.constant 0 : i32
    return %arg0, %c0_i32 : i32, i32
  }
}

</mosaic_0001>

<sc_bundles>
// kernel: kernel.11.cloned.1.call-start
scs
__scs_entry_jumppad:
0x0: {  	(pc) =	sbr.rel $0x88, $3  }
0x1: {  	(tag) =	ssettag $0x0;
	lr =	simm.s32 $0x1  }
0x2: {  	[smem:$0x3F91] =	sst lr;
	_ =	strace $0xD0000000  }
0x3: {  	_ = 	snop  }
0x4: {  	_ = 	snop  }
0x5: {  	_ = 	snop  }
0x6: {  	_ = 	snop  }
0x7: {  	_ = 	snop  }
__scs_overlays_trampoline_lowered:
0x8: {  	[smem:$0x3FA0] =	sst s0  }
0x9: {  	[smem:$0x3FA1] =	sst s1  }
0xa: {  	[smem:$0x3FA2] =	sst s2  }
0xb: {  	[smem:$0x3FA3] =	sst s3  }
0xc: {  	[smem:$0x3FA4] =	sst s4  }
0xd: {  	[smem:$0x3FA5] =	sst s5  }
0xe: {  	[smem:$0x3FA6] =	sst s6  }
0xf: {  	[smem:$0x3FA7] =	sst s7  }
0x10: {  	[smem:$0x3FA8] =	sst s8  }
0x11: {  	[smem:$0x3FA9] =	sst s9;
	s0 =	simm.s32 @!p0 $0x0  }
0x12: {  	s1 =	sld [smem:$0x3F8F];
	s0 =	simm.s32 @p0 $0x1  }
0x13: {  	[smem:$0x3FAA] =	sst s0;
	s0 =	simm.s32 @!p1 $0x0  }
0x14: {  	s2 =	sld [smem:$0x3F8E];
	s0 =	simm.s32 @p1 $0x1  }
0x15: {  	[smem:$0x3FAB] =	sst s0;
	s0 =	simm.s32 @!p2 $0x0  }
0x16: {  	s3 =	sld [smem:$0x3FDB];
	s0 =	simm.s32 @p2 $0x1  }
0x17: {  	s4 =	simm.s32 $0x1BF5;
	[smem:$0x3FAD] =	sst s0  }
0x18: {  	s0 =	sld [smem:$0x3F90];
	_ =	swait.ge [sflag:s4], $0x0  }
0x19: {  	s7 =	sld [smem:$0x3F91]  }
0x1a: {  	s8 =	sadd.s32 $0xFFFFE003, lr  }
0x1b: {  	s9 =	sadd.s32 $0xFFFFFEF7, lr;
	s5 =	simm.s32 $0xFFFFFFFF;
	p2 =	slt.u32 s8, $0xFFFFF086  }
0x1c: {  	p1 =	slt.u32 s9, $0xF7A;
	s5 =	simm.s32 @!p2 $0x0  }
0x1d: {  	s5 =	simm.s32 @p1 $0x1;
	p0 =	seq.s32 s7, s2  }
0x1e: {  	s7 =	smul.u32 @!p0 $0xF7A, s2;
	p2 =	seq.s32 @!p0 s5, $0x0  }
0x1f: {  	s9 =	smul.u32 $0xF7A, s1;
	s8 =	simm.s32 @!p0 $0x1BF5;
	p2 =	por !p2, p0  }
0x20: {  	[sflag:s8] =	ssyncset.s32 @!p0 $0xFFFFF086;
	s6 =	sadd.s32 @!p0 s3, s7;
	s7 =	simm.s32 @!p0 $0x108  }
0x21: {  	s3 =	sadd.s32 s3, s9;
	s6 =	sadd.s32 @!p0 $0x88, s6;
	s7 =	simm.s32 @p2 $0x1082  }
0x22: {  	[simem:s7], [sflag:s8] =	dma.local @!p0 [hbm:s6], $0xF7A  }
0x23: {  	s9 =	sor.u32 $0xD0000000, s2;
	s6 =	simm.s32 $0x108;
	_ =	swait.ge @!p0 [sflag:s8], $0x0  }
0x24: {  	s3 =	sadd.s32 $0x88, s3;
	s6 =	simm.s32 @!p1 $0x1082;
	[sflag:s4] =	ssyncset.s32 $0xFFFFF086  }
0x25: {  	[simem:s6], [sflag:s4] =	dma.local [hbm:s3], $0xF7A  }
0x26: {  	[smem:$0x3F91] =	sst s1;
	(tag) =	ssettag s2;
	_ =	strace s9  }
0x27: {  	s1 =	sld [smem:$0x3FA1]  }
0x28: {  	s2 =	sld [smem:$0x3FA2]  }
0x29: {  	s4 =	sld [smem:$0x3FA4]  }
0x2a: {  	p0 =	seq.s32 s5, $0x0;
	s5 =	sld [smem:$0x3FA5]  }
0x2b: {  	s6 =	sld [smem:$0x3FA6]  }
0x2c: {  	s7 =	sld [smem:$0x3FA7]  }
0x2d: {  	s3 =	simm.s32 $0x108;
	s8 =	sld [smem:$0x3FA8]  }
0x2e: {  	s3 =	simm.s32 @!p0 $0x1082;
	s9 =	sld [smem:$0x3FA9]  }
0x2f: {  	lr =	sadd.s32 s0, s3;
	s0 =	sld [smem:$0x3FA0]  }
0x30: {  	s3 =	sld [smem:$0x3FA3]  }
0x31: {  	[smem:$0x3FAC] =	sst s10  }
0x32: {  	s10 =	sld [smem:$0x3FAA];
	_ =	sdelay $0x3  }
0x33: {  	p0 =	seq.s32 s10, $0x1;
	s10 =	sld [smem:$0x3FAC];
	_ =	sdelay $0x3  }
0x34: {  	[smem:$0x3FAC] =	sst s10  }
0x35: {  	s10 =	sld [smem:$0x3FAB];
	_ =	sdelay $0x3  }
0x36: {  	p1 =	seq.s32 s10, $0x1;
	s10 =	sld [smem:$0x3FAC];
	_ =	sdelay $0x3  }
0x37: {  	[smem:$0x3FAC] =	sst s10  }
0x38: {  	s10 =	sld [smem:$0x3FAD]  }
0x39: {  	_ = 	snop;
	(pc) =	sbr.ind lr, $3  }
0x3a: {  	_ = 	snop  }
0x3b: {  	_ = 	snop  }
0x3c: {  	p2 =	seq.s32 s10, $0x1;
	s10 =	sld [smem:$0x3FAC]  }
0x3d: {  	_ =	shalt  }
0x3e: {  	_ =	shalt  }
0x3f: {  	_ =	shalt  }
0x40: {  	_ =	shalt  }
0x41: {  	_ =	shalt  }
0x42: {  	_ =	shalt  }
0x43: {  	_ =	shalt  }
0x44: {  	_ =	shalt  }
0x45: {  	_ =	shalt  }
0x46: {  	_ =	shalt  }
0x47: {  	_ =	shalt  }
0x48: {  	_ =	shalt  }
0x49: {  	_ =	shalt  }
0x4a: {  	_ =	shalt  }
0x4b: {  	_ =	shalt  }
0x4c: {  	_ =	shalt  }
0x4d: {  	_ =	shalt  }
0x4e: {  	_ =	shalt  }
0x4f: {  	_ =	shalt  }
0x50: {  	_ =	shalt  }
0x51: {  	_ =	shalt  }
0x52: {  	_ =	shalt  }
0x53: {  	_ =	shalt  }
0x54: {  	_ =	shalt  }
0x55: {  	_ =	shalt  }
0x56: {  	_ =	shalt  }
0x57: {  	_ =	shalt  }
0x58: {  	_ =	shalt  }
0x59: {  	_ =	shalt  }
0x5a: {  	_ =	shalt  }
0x5b: {  	_ =	shalt  }
0x5c: {  	_ =	shalt  }
0x5d: {  	_ =	shalt  }
0x5e: {  	_ =	shalt  }
0x5f: {  	_ =	shalt  }
0x60: {  	_ =	shalt  }
0x61: {  	_ =	shalt  }
0x62: {  	_ =	shalt  }
0x63: {  	_ =	shalt  }
0x64: {  	_ =	shalt  }
0x65: {  	_ =	shalt  }
0x66: {  	_ =	shalt  }
0x67: {  	_ =	shalt  }
0x68: {  	_ =	shalt  }
0x69: {  	_ =	shalt  }
0x6a: {  	_ =	shalt  }
0x6b: {  	_ =	shalt  }
0x6c: {  	_ =	shalt  }
0x6d: {  	_ =	shalt  }
0x6e: {  	_ =	shalt  }
0x6f: {  	_ =	shalt  }
0x70: {  	_ =	shalt  }
0x71: {  	_ =	shalt  }
0x72: {  	_ =	shalt  }
0x73: {  	_ =	shalt  }
0x74: {  	_ =	shalt  }
0x75: {  	_ =	shalt  }
0x76: {  	_ =	shalt  }
0x77: {  	_ =	shalt  }
0x78: {  	_ =	shalt  }
0x79: {  	_ =	shalt  }
0x7a: {  	_ =	shalt  }
0x7b: {  	_ =	shalt  }
0x7c: {  	_ =	shalt  }
0x7d: {  	_ =	shalt  }
0x7e: {  	_ =	shalt  }
0x7f: {  	_ =	shalt  }
0x80: {  	_ =	shalt  }
0x81: {  	_ =	shalt  }
0x82: {  	_ =	shalt  }
0x83: {  	_ =	shalt  }
0x84: {  	_ =	shalt  }
0x85: {  	_ =	shalt  }
0x86: {  	_ =	shalt  }
0x87: {  	_ =	shalt  }
.Lfunc_end0:
.L_simem_size_0:
called_computation.1_lowered:
.L_overlay_start_0:
0x88: {  	s2 =	sld [smem:$0x3FD9]  }
0x89: {  	s3 =	sld [smem:$0x3FFE];
	_ =	sdelay $0x1  }
0x8a: {  	s1 =	srdreg.scid  }
0x8b: {  	s0 =	sand.u32 $0x1, s1  }
0x8c: {  	s17 =	sshll.u32 s0, $0xA;
	s2 =	sadd.s32 s3, s2  }
0x8d: {  	s2 =	sadd.s32 s2, s17  }
0x8e: {  	[smem:$0x3FB8] =	sst s2  }
0x8f: {  	_ = 	snop  }
0x90: {  	s2 =	sld [smem:$0x3FC7];
	(tm) =	ssettm $0x1  }
0x91: {  	s18 =	sld [smem:$0x3FFB];
	_ =	sdelay $0x3  }
0x92: {  	_ =	strace s18  }
0x93: {  	s3 =	sld [smem:$0x3FFC];
	_ =	sdelay $0x3  }
0x94: {  	_ =	strace s3  }
0x95: {  	s3 =	sld [smem:$0x3FFD];
	_ =	sdelay $0x3  }
0x96: {  	_ =	strace s3  }
0x97: {  	_ =	strace $0x8FFFFFFF  }
0x98: {  	s19 =	sld [smem:$0x3FDB];
	_ =	sdelay $0x1  }
0x99: {  	s4 =	simm.s32 $_scs_section_size  }
0x9a: {  	s5 =	simm.s32 $_size__tile_overlayer_lowered;
	s6 =	simm.s32 $_tile_overlayer_lowered  }
0x9b: {  	s22 =	simm.s32 $0x1BFF;
	s21 =	sshll.u32 s6, $0x1;
	s3 =	sadd.s32 s4, s19  }
0x9c: {  	s7 =	simm.s32 $0x0;
	s20 =	sshll.u32 s5, $0x1;
	s5 =	sadd.s32 s21, s3  }
0x9d: {  	[timem:s7], [sflag:s22] =	dma.local [hbm:s5], s20  }
0x9e: {  	_ =	swait.ge [sflag:s22], s20  }
0x9f: {  	s4 =	ssub.s32 $0x0, s20;
	[sflag:s22] =	ssyncset.done $0x0  }
0xa0: {  	[sflag:s22] =	ssyncadd.s32 s4;
	_ =	sdelay $0x1  }
0xa1: {  	s23 =	simm.s32 $0x1B8B  }
0xa2: {  	_ =	swait.ge [sflag:s23], $0x1  }
0xa3: {  	[sflag:s23] =	ssyncset.done $0x0  }
0xa4: {  	s25 =	simm.s32 $0x1B8E;
	s24 =	sld [smem:$0x3FFE];
	[sflag:s23] =	ssyncadd.s32 $0xFFFFFFFF  }
0xa5: {  	s26 =	simm.s32 $execute0_lowered;
	[smem:$0x3FD2] =	sst s25  }
0xa6: {  	s5 =	sshll.u32 s26, $0x1;
	_ =	strace $0x80000049;
	[dreg:$0x1] =	wrdreg $0xFFFFFFFF  }
0xa7: {  	s28 =	simm.s32 $_size_execute0_lowered;
	s3 =	sadd.s32 s3, s5;
	[dreg:$0x0] =	wrdreg $0x0  }
0xa8: {  	s5 =	sshll.u32 s28, $0x1;
	[dreg:$0x2] =	wrdreg s3  }
0xa9: {  	[dreg:$0x3] =	wrdreg s5  }
0xaa: {  	[dreg:$0x4] =	wrdreg $0xC0  }
0xab: {  	_ =	task [dreg:s7], $0x5FFFF  }
0xac: {  	[dreg:$0x1] =	wrdreg $0xFFFFFFFF  }
0xad: {  	[dreg:$0x0] =	wrdreg $0x60  }
0xae: {  	[dreg:$0x2] =	wrdreg s24  }
0xaf: {  	[dreg:$0x3] =	wrdreg s2  }
0xb0: {  	[dreg:$0x4] =	wrdreg $0x0  }
0xb1: {  	[dreg:$0x5] =	wrdreg $0x9  }
0xb2: {  	_ =	task.clear_ibuf [dreg:s7], $0x6FFFF;
	_ =	strace $0x90000049  }
0xb3: {  	s29 =	simm.s32 $0x9;
	_ =	strace $0x8000004B  }
0xb4: {  	_ =	swait.ge [sflag:s29], $0x1  }
0xb5: {  	[sflag:s29] =	ssyncadd.s32 $0xFFFFFFFF  }
0xb6: {  	_ =	strace $0x9000004B  }
0xb7: {  	_ =	sfence  }
0xb8: {  	s30 =	sld [smem:$0x0];
	_ =	sdelay $0x2  }
0xb9: {  	s31 =	sshll.u32 s1, $0xD;
	s1 =	sshrl.u32 s1, $0x2  }
0xba: {  	s3 =	sand.u32 $0x4000, s31;
	s1 =	sadd.s32 s1, s30  }
0xbb: {  	s0 =	sor.u32 s3, s0;
	s1 =	sshll.u32 s1, $0x11  }
0xbc: {  	s0 =	sor.u32 s1, s0  }
0xbd: {  	s0 =	sadd.s32 $0x8F2B, s0  }
0xbe: {  	[sflag:s0] =	ssyncadd.remote.s32 $0x1  }
0xbf: {  	_ =	sfence.sel $0xFFFF  }
0xc0: {  	[dreg:$0x0] =	wrdreg $0xFFFFFFFF;
	(pc) =	sbr.abs _section_cstart, $3  }
0xc1: {  	[dreg:$0x1] =	wrdreg $0xFFFFFFFF  }
0xc2: {  	_ =	task.clear_ibuf [dreg:s7], $0x2FFFF;
	_ =	strace $0x9FFFFFFF  }
0xc3: {  	(tm) =	ssettm $0x7FFFFFFF  }
tec
execute0_lowered:
.L_overlay_start_1:
0x0: {  	(tag) =	ssettag $0x1  }
0x1: {  	s1 =	rddreg [dreg:$0x0]  }
0x2: {  	s0 =	rddreg [dreg:$0x1];
	s3 =	srdreg.scid  }
0x3: {  	s2 =	rddreg [dreg:$0x2];
	s22 =	stileid.u32  }
0x4: {  	s28 =	simm.s32 $0x18980;
	s7 =	sor.u32 $0x10, s22;
	s12 =	smul.u32 $0x2800, s22  }
0x5: {  	s29 =	simm.s32 $0x3;
	s4 =	sand.u32 $0x1, s3;
	s8 =	smul.u32 $0xA000, s7  }
0x6: {  	s30 =	simm.s32 $0x13880;
	s31 =	simm.s32 $0x16080;
	s10 =	smul.u32 $0x138800, s4  }
0x7: {  	s5 =	sadd.s32 $0x4F8C00, s1;
	s9 =	sor.u32 $0x20, s22;
	s7 =	smul.u32 $0x2800, s7  }
0x8: {  	s6 =	sadd.s32 $0x9DAC00, s1;
	s11 =	sor.u32 $0x30, s22;
	s25 =	smul.u32 $0x2800, s9  }
0x9: {  	s24 =	sshll.u32 s22, $0x1;
	s15 =	sor.u32 $0x40, s22;
	s26 =	smul.u32 $0x2800, s11  }
0xa: {  	s16 =	sor.u32 $0x50, s22;
	s3 =	ssub.s32 $0x2, s4;
	s14 =	smul.u32 $0x2800, s15  }
0xb: {  	s17 =	sor.u32 $0x60, s22;
	s19 =	smul.u32 $0x2800, s16;
	s23 =	sshrl.u32 s3, $0x1  }
0xc: {  	s1 =	ssub.s32 s3, s23;
	s3 =	sor.u32 s4, s24;
	s24 =	smul.u32 $0x2800, s17  }
0xd: {  	s18 =	sor.u32 $0x70, s22;
	s21 =	sadd.s32 s10, s14;
	s14 =	smul.u32 $0x4E200, s22  }
0xe: {  	p0 =	sgt.u32 s22, $0xC;
	s23 =	sadd.s32 s10, s19;
	s19 =	smul.u32 $0x27100, s4  }
0xf: {  	s12 =	sadd.s32 s12, s10;
	s7 =	sadd.s32 s10, s7;
	s4 =	smul.u32 $0x2710, s4  }
0x10: {  	s13 =	smul.u32 $0x27100, s3;
	s12 =	sshrl.u32 s12, $0x3;
	s7 =	sshrl.u32 s7, $0x3  }
0x11: {  	s3 =	smul.u32 $0x2710, s3;
	s12 =	sadd.s32 s6, s12;
	s7 =	sadd.s32 s6, s7  }
0x12: {  	s13 =	sadd.s32 s5, s13;
	[dreg:$0x5] =	wrdreg s12;
	s12 =	sadd.s32 s10, s26  }
0x13: {  	[dreg:$0x6] =	wrdreg s7;
	s5 =	sadd.s32 s14, s5;
	s3 =	sshrl.u32 s3, $0x3  }
0x14: {  	[dreg:$0x4] =	wrdreg s13;
	s13 =	sadd.s32 s10, s25;
	s20 =	sshrl.u32 s12, $0x3  }
0x15: {  	s12 =	sshrl.u32 s21, $0x3;
	s25 =	smul.u32 $0x2800, s18;
	s5 =	sadd.s32 s19, s5  }
0x16: {  	s21 =	smul.u32 $0xA000, s22;
	s3 =	sadd.s32 s0, s3;
	s7 =	sadd.s32 s6, s20  }
0x17: {  	s13 =	sshrl.u32 s13, $0x3;
	s26 =	sadd.s32 s6, s12;
	[dreg:$0x8] =	wrdreg s7  }
0x18: {  	s20 =	smul.u32 $0x4E20, s22;
	s13 =	sadd.s32 s6, s13;
	[dreg:$0x9] =	wrdreg s26  }
0x19: {  	s26 =	smul.u32 $0xA000, s15;
	[dreg:$0x7] =	wrdreg s13;
	s13 =	sshrl.u32 s23, $0x3  }
0x1a: {  	s4 =	sadd.s32 s4, s20;
	s23 =	smul.u32 $0xA000, s9;
	s12 =	sadd.s32 s6, s13  }
0x1b: {  	s13 =	sadd.s32 s10, s24;
	s10 =	sadd.s32 s10, s25;
	s24 =	smul.u32 $0xA000, s11  }
0x1c: {  	s25 =	sshrl.u32 s8, $0x2;
	s20 =	sshrl.u32 s26, $0x2;
	s26 =	sadd.s32 $0x50, s4  }
0x1d: {  	s8 =	sadd.s32 $0xA0, s4;
	s4 =	simm.s32 $0x50;
	[dreg:$0xa] =	wrdreg s12  }
0x1e: {  	s7 =	sshrl.u32 s13, $0x3;
	s10 =	sshrl.u32 s10, $0x3;
	s13 =	simm.s32 $0x0  }
0x1f: {  	s15 =	sadd.s32 s25, s2;
	s7 =	sadd.s32 s6, s7;
	[smem:$0x7FF] =	sst s13  }
0x20: {  	s12 =	smul.u32 $0xA000, s17;
	s6 =	sadd.s32 s6, s10;
	[dreg:$0xb] =	wrdreg s7  }
0x21: {  	s10 =	smul.u32 $0xA000, s16;
	s11 =	sshrl.u32 s24, $0x2;
	[dreg:$0xc] =	wrdreg s6  }
0x22: {  	s7 =	sshrl.u32 s21, $0x2;
	s6 =	sshrl.u32 s23, $0x2;
	s17 =	sadd.s32 s11, s2  }
0x23: {  	s21 =	smul.u32 $0xA000, s18;
	s18 =	sadd.s32 s20, s2;
	s24 =	sshrl.u32 s12, $0x2  }
0x24: {  	_ =	strace $0x8000004A;
	s14 =	sadd.s32 s7, s2;
	s16 =	sadd.s32 s6, s2  }
0x25: {  	s23 =	sshrl.u32 s10, $0x2;
	s20 =	sadd.s32 s24, s2;
	[dreg:$0xd] =	wrdreg s3  }
0x26: {  	s24 =	sadd.s32 $0xA00, s5;
	s10 =	simm.s32 $0x16100;
	s3 =	simm.s32 $0x1  }
0x27: {  	s5 =	simm.s32 $0x2;
	s6 =	simm.s32 $0x0;
	s19 =	sadd.s32 s23, s2  }
0x28: {  	s25 =	sshrl.u32 s21, $0x2;
	s23 =	smax.u32 s1, $0x1;
	s1 =	sshrl.u32 s26, $0x3  }
0x29: {  	v0 =	vimm.f32 $0.0e+00;
	s21 =	sadd.s32 s25, s2;
	s26 =	sadd.s32 s1, s0;
	s1 =	simm.s32 $0x18900  }
.LBB2_1:
0x2a: {  	s7 =	simm.s32 $0x0;
	s9 =	simm.s32 $0x200  }
.LBB2_2:
0x2b: {  	p1 =	sne.s32 s9, $0x9E00;
	[tilespmem:s7+$0x189F0] =	vst v0  }
0x2c: {  	[tilespmem:s7+$0x18980] =	vst v0  }
0x2d: {  	[tilespmem:s7+$0x18990] =	vst v0  }
.Ltmp0:
0x2e: {  	[tilespmem:s7+$0x189A0] =	vst v0;
	(pc) =	sbr.rel @p1 .LBB2_2-.Ltmp0, $4  }
0x2f: {  	[tilespmem:s7+$0x189B0] =	vst v0  }
0x30: {  	[tilespmem:s7+$0x189C0] =	vst v0  }
0x31: {  	[tilespmem:s7+$0x189D0] =	vst v0  }
0x32: {  	[tilespmem:s7+$0x189E0] =	vst v0;
	s7 =	sshra.s32 s9, $0x2;
	s9 =	sadd.s32 $0x200, s9  }
0x33: {  	[tilespmem:s7+$0x189F0] =	vst v0  }
0x34: {  	[tilespmem:s7+$0x18980] =	vst v0  }
0x35: {  	[tilespmem:s7+$0x18990] =	vst v0  }
0x36: {  	[tilespmem:s7+$0x189A0] =	vst v0  }
0x37: {  	[tilespmem:s7+$0x189B0] =	vst v0  }
0x38: {  	[tilespmem:s7+$0x189C0] =	vst v0  }
0x39: {  	[tilespmem:s7+$0x189D0] =	vst v0  }
0x3a: {  	[tilespmem:s7+$0x189E0] =	vst v0  }
0x3b: {  	[spmem:s14] =	stream.linear.scatter [tilespmem:s28], [sflag:$0x3], $0x2800, $0x38;
	[tilespmem:$0x1B180] =	vst v63  }
0x3c: {  	_ =	swait.ge [sflag:s29], $0x2800  }
0x3d: {  	[sflag:s29] =	ssyncset.done $0x0  }
0x3e: {  	[sflag:s29] =	ssyncadd.s32 $0xFFFFD800  }
0x3f: {  	[spmem:s15] =	stream.linear.scatter [tilespmem:s28], [sflag:$0x3], $0x2800, $0x38;
	[tilespmem:$0x1B180] =	vst v63  }
0x40: {  	_ =	swait.ge [sflag:s29], $0x2800  }
0x41: {  	[sflag:s29] =	ssyncset.done $0x0  }
0x42: {  	[sflag:s29] =	ssyncadd.s32 $0xFFFFD800  }
0x43: {  	[spmem:s16] =	stream.linear.scatter [tilespmem:s28], [sflag:$0x3], $0x2800, $0x38;
	[tilespmem:$0x1B180] =	vst v63  }
0x44: {  	_ =	swait.ge [sflag:s29], $0x2800  }
0x45: {  	[sflag:s29] =	ssyncset.done $0x0  }
0x46: {  	[sflag:s29] =	ssyncadd.s32 $0xFFFFD800  }
0x47: {  	[spmem:s17] =	stream.linear.scatter [tilespmem:s28], [sflag:$0x3], $0x2800, $0x38;
	[tilespmem:$0x1B180] =	vst v63  }
0x48: {  	_ =	swait.ge [sflag:s29], $0x2800  }
0x49: {  	[sflag:s29] =	ssyncset.done $0x0  }
0x4a: {  	[sflag:s29] =	ssyncadd.s32 $0xFFFFD800  }
0x4b: {  	[spmem:s18] =	stream.linear.scatter [tilespmem:s28], [sflag:$0x3], $0x2800, $0x38;
	[tilespmem:$0x1B180] =	vst v63  }
0x4c: {  	_ =	swait.ge [sflag:s29], $0x2800  }
0x4d: {  	[sflag:s29] =	ssyncset.done $0x0  }
0x4e: {  	[sflag:s29] =	ssyncadd.s32 $0xFFFFD800  }
0x4f: {  	[spmem:s19] =	stream.linear.scatter [tilespmem:s28], [sflag:$0x3], $0x2800, $0x38;
	[tilespmem:$0x1B180] =	vst v63  }
0x50: {  	_ =	swait.ge [sflag:s29], $0x2800  }
0x51: {  	[sflag:s29] =	ssyncset.done $0x0  }
0x52: {  	[sflag:s29] =	ssyncadd.s32 $0xFFFFD800  }
0x53: {  	[spmem:s20] =	stream.linear.scatter [tilespmem:s28], [sflag:$0x3], $0x2800, $0x38;
	[tilespmem:$0x1B180] =	vst v63  }
0x54: {  	_ =	swait.ge [sflag:s29], $0x2800  }
0x55: {  	[sflag:s29] =	ssyncset.done $0x0  }
0x56: {  	s7 =	simm.s32 @!p0 $0x18980;
	[sflag:s29] =	ssyncadd.s32 $0xFFFFD800  }
0x57: {  	[spmem:s21] =	stream.linear.scatter @!p0 [tilespmem:s7], [sflag:$0x3], $0x2800, $0x38;
	[tilespmem:$0x1B180] =	vst v63  }
0x58: {  	s7 =	simm.s32 @!p0 $0x3  }
0x59: {  	_ =	swait.ge @!p0 [sflag:s7], $0x2800  }
0x5a: {  	[sflag:s7] =	ssyncset.done @!p0 $0x0  }
0x5b: {  	[sflag:s7] =	ssyncadd.s32 @!p0 $0xFFFFD800  }
0x5c: {  	[bflag:$0x0] =	sbarrier.arrive $0xFFFF  }
0x5d: {  	s25 =	simm.s32 $0x0;
	s9 =	rddreg [dreg:$0x4]  }
0x5e: {  	[tilespmem:s30], [sflag:$0x1] =	stream.linear.gather [hbm4b:s9+s25], $0x2800, $0x38;
	[tilespmem:$0x1B180] =	vst v63  }
0x5f: {  	s11 =	rddreg [dreg:$0xd]  }
0x60: {  	[tilespmem:s31], [sflag:$0x1] =	stream.linear.gather [hbm4b:s11+s25], $0x50, $0x38;
	[tilespmem:$0x1B180] =	vst v63  }
0x61: {  	s12 =	sadd.s32 $0xFFFFFB00, s24  }
0x62: {  	[tilespmem:s10], [sflag:$0x2] =	stream.linear.gather [hbm4b:s12+s13], $0x2800, $0x38;
	[tilespmem:$0x1B180] =	vst v63  }
0x63: {  	s22 =	sadd.s32 $0x0, s26  }
0x64: {  	[tilespmem:s1], [sflag:$0x2] =	stream.linear.gather [hbm4b:s22+s13], $0x50, $0x38;
	[tilespmem:$0x1B180] =	vst v63  }
0x65: {  	_ =	swait.ge [sflag:s3], $0x2800  }
0x66: {  	[sflag:s3] =	ssyncset.done $0x0  }
0x67: {  	[sflag:s3] =	ssyncadd.s32 $0xFFFFD800  }
0x68: {  	_ =	swait.ge [sflag:s3], $0x50  }
0x69: {  	[sflag:s3] =	ssyncset.done $0x0  }
0x6a: {  	[sflag:s3] =	ssyncadd.s32 $0xFFFFFFB0  }
0x6b: {  	[spmem:s2] =	stream.indirect.scatter.add.f32 [tilespmem:s30], [sflag:$0x3], $0x80, s31, s4, $0xb8;
	[tilespmem:$0x1B180] =	vst v63  }
0x6c: {  	_ =	swait.ge [sflag:s29], $0x2800  }
0x6d: {  	[sflag:s29] =	ssyncset.done $0x0  }
0x6e: {  	s25 =	sshrl.u32 s8, $0x3;
	[sflag:s29] =	ssyncadd.s32 $0xFFFFD800  }
0x6f: {  	[tilespmem:s30], [sflag:$0x1] =	stream.linear.gather [hbm4b:s24+s13], $0x2800, $0x38;
	[tilespmem:$0x1B180] =	vst v63  }
0x70: {  	s7 =	sadd.s32 s0, s25  }
0x71: {  	[tilespmem:s31], [sflag:$0x1] =	stream.linear.gather [hbm4b:s7+s13], $0x50, $0x38;
	[tilespmem:$0x1B180] =	vst v63  }
0x72: {  	_ =	swait.ge [sflag:s5], $0x2800  }
0x73: {  	[sflag:s5] =	ssyncset.done $0x0  }
0x74: {  	[sflag:s5] =	ssyncadd.s32 $0xFFFFD800  }
0x75: {  	_ =	swait.ge [sflag:s5], $0x50  }
0x76: {  	[sflag:s5] =	ssyncset.done $0x0  }
0x77: {  	[sflag:s5] =	ssyncadd.s32 $0xFFFFFFB0  }
0x78: {  	[spmem:s2] =	stream.indirect.scatter.add.f32 [tilespmem:s10], [sflag:$0x3], $0x80, s1, s4, $0xb8;
	[tilespmem:$0x1B180] =	vst v63  }
0x79: {  	s9 =	simm.s32 $0x14;
	s11 =	simm.s32 $0x28;
	_ =	swait.ge [sflag:s29], $0x2800  }
0x7a: {  	s25 =	smov.u32 s8;
	s7 =	sadd.s32 $0xA00, s24;
	[sflag:s29] =	ssyncset.done $0x0  }
.LBB2_4:
0x7b: {  	s12 =	sadd.s32 $0xFFFFFB00, s7  }
0x7c: {  	[sflag:s29] =	ssyncadd.s32 $0xFFFFD800;
	s25 =	sadd.s32 $0xA0, s25;
	s22 =	smov.u32 s11  }
0x7d: {  	[tilespmem:s10], [sflag:$0x2] =	stream.linear.gather [hbm4b:s12+s13], $0x2800, $0x38;
	[tilespmem:$0x1B180] =	vst v63  }
0x7e: {  	p1 =	sne.s32 s11, $0x4C4;
	s11 =	sadd.s32 $0x14, s11;
	s9 =	sadd.s32 s9, s26  }
0x7f: {  	[tilespmem:s1], [sflag:$0x2] =	stream.linear.gather [hbm4b:s9+s13], $0x50, $0x38;
	[tilespmem:$0x1B180] =	vst v63  }
0x80: {  	s9 =	smov.u32 s22;
	_ =	swait.ge [sflag:s3], $0x2800  }
0x81: {  	[sflag:s3] =	ssyncset.done $0x0  }
0x82: {  	[sflag:s3] =	ssyncadd.s32 $0xFFFFD800  }
0x83: {  	_ =	swait.ge [sflag:s3], $0x50  }
0x84: {  	[sflag:s3] =	ssyncset.done $0x0  }
0x85: {  	[sflag:s3] =	ssyncadd.s32 $0xFFFFFFB0  }
0x86: {  	[spmem:s2] =	stream.indirect.scatter.add.f32 [tilespmem:s30], [sflag:$0x3], $0x80, s31, s4, $0xb8;
	[tilespmem:$0x1B180] =	vst v63  }
0x87: {  	_ =	swait.ge [sflag:s29], $0x2800  }
0x88: {  	[sflag:s29] =	ssyncset.done $0x0  }
0x89: {  	s12 =	sshrl.u32 s25, $0x3;
	[sflag:s29] =	ssyncadd.s32 $0xFFFFD800  }
0x8a: {  	[tilespmem:s30], [sflag:$0x1] =	stream.linear.gather [hbm4b:s7+s13], $0x2800, $0x38;
	[tilespmem:$0x1B180] =	vst v63  }
0x8b: {  	s12 =	sadd.s32 s0, s12  }
0x8c: {  	[tilespmem:s31], [sflag:$0x1] =	stream.linear.gather [hbm4b:s12+s13], $0x50, $0x38;
	[tilespmem:$0x1B180] =	vst v63  }
0x8d: {  	_ =	swait.ge [sflag:s5], $0x2800  }
0x8e: {  	[sflag:s5] =	ssyncset.done $0x0  }
0x8f: {  	[sflag:s5] =	ssyncadd.s32 $0xFFFFD800  }
0x90: {  	_ =	swait.ge [sflag:s5], $0x50  }
.Ltmp1:
0x91: {  	[sflag:s5] =	ssyncset.done $0x0;
	(pc) =	sbr.rel @p1 .LBB2_4-.Ltmp1, $4  }
0x92: {  	[sflag:s5] =	ssyncadd.s32 $0xFFFFFFB0  }
0x93: {  	[spmem:s2] =	stream.indirect.scatter.add.f32 [tilespmem:s10], [sflag:$0x3], $0x80, s1, s4, $0xb8;
	[tilespmem:$0x1B180] =	vst v63  }
0x94: {  	_ =	swait.ge [sflag:s29], $0x2800  }
0x95: {  	s7 =	sadd.s32 $0xA00, s7;
	[sflag:s29] =	ssyncset.done $0x0  }
0x96: {  	s11 =	sadd.s32 $0xFFFFFB00, s7;
	[sflag:s29] =	ssyncadd.s32 $0xFFFFD800  }
0x97: {  	[tilespmem:s10], [sflag:$0x2] =	stream.linear.gather [hbm4b:s11+s13], $0x2800, $0x38;
	[tilespmem:$0x1B180] =	vst v63  }
0x98: {  	s9 =	sadd.s32 s9, s26  }
0x99: {  	[tilespmem:s1], [sflag:$0x2] =	stream.linear.gather [hbm4b:s9+s13], $0x50, $0x38;
	[tilespmem:$0x1B180] =	vst v63  }
0x9a: {  	_ =	swait.ge [sflag:s3], $0x2800  }
0x9b: {  	[sflag:s3] =	ssyncset.done $0x0  }
0x9c: {  	[sflag:s3] =	ssyncadd.s32 $0xFFFFD800  }
0x9d: {  	_ =	swait.ge [sflag:s3], $0x50  }
0x9e: {  	[sflag:s3] =	ssyncset.done $0x0  }
0x9f: {  	[sflag:s3] =	ssyncadd.s32 $0xFFFFFFB0  }
0xa0: {  	[spmem:s2] =	stream.indirect.scatter.add.f32 [tilespmem:s30], [sflag:$0x3], $0x80, s31, s4, $0xb8;
	[tilespmem:$0x1B180] =	vst v63  }
0xa1: {  	_ =	swait.ge [sflag:s29], $0x2800  }
0xa2: {  	s11 =	sadd.s32 $0xA0, s25;
	[sflag:s29] =	ssyncset.done $0x0  }
0xa3: {  	s9 =	sshrl.u32 s11, $0x3;
	[sflag:s29] =	ssyncadd.s32 $0xFFFFD800  }
0xa4: {  	[tilespmem:s30], [sflag:$0x1] =	stream.linear.gather [hbm4b:s7+s13], $0x2800, $0x38;
	[tilespmem:$0x1B180] =	vst v63  }
0xa5: {  	s12 =	sadd.s32 s0, s9  }
0xa6: {  	[tilespmem:s31], [sflag:$0x1] =	stream.linear.gather [hbm4b:s12+s13], $0x50, $0x38;
	[tilespmem:$0x1B180] =	vst v63  }
0xa7: {  	_ =	swait.ge [sflag:s5], $0x2800  }
0xa8: {  	[sflag:s5] =	ssyncset.done $0x0  }
0xa9: {  	[sflag:s5] =	ssyncadd.s32 $0xFFFFD800  }
0xaa: {  	_ =	swait.ge [sflag:s5], $0x50  }
0xab: {  	[sflag:s5] =	ssyncset.done $0x0  }
0xac: {  	[sflag:s5] =	ssyncadd.s32 $0xFFFFFFB0  }
0xad: {  	[spmem:s2] =	stream.indirect.scatter.add.f32 [tilespmem:s10], [sflag:$0x3], $0x80, s1, s4, $0xb8;
	[tilespmem:$0x1B180] =	vst v63  }
0xae: {  	_ =	swait.ge [sflag:s29], $0x2800  }
0xaf: {  	[sflag:s29] =	ssyncset.done $0x0  }
0xb0: {  	[sflag:s29] =	ssyncadd.s32 $0xFFFFD800  }
0xb1: {  	_ =	swait.ge [sflag:s3], $0x2800  }
0xb2: {  	[sflag:s3] =	ssyncset.done $0x0  }
0xb3: {  	[sflag:s3] =	ssyncadd.s32 $0xFFFFD800  }
0xb4: {  	_ =	swait.ge [sflag:s3], $0x50  }
0xb5: {  	[sflag:s3] =	ssyncset.done $0x0  }
0xb6: {  	[sflag:s3] =	ssyncadd.s32 $0xFFFFFFB0  }
0xb7: {  	[spmem:s2] =	stream.indirect.scatter.add.f32 [tilespmem:s30], [sflag:$0x3], $0x80, s31, s4, $0xb8;
	[tilespmem:$0x1B180] =	vst v63  }
0xb8: {  	_ =	swait.ge [sflag:s29], $0x2800  }
0xb9: {  	[sflag:s29] =	ssyncset.done $0x0  }
0xba: {  	[sflag:s29] =	ssyncadd.s32 $0xFFFFD800  }
0xbb: {  	[bflag:$0x0] =	sbarrier.arrive $0xFFFF  }
0xbc: {  	[tilespmem:s28], [sflag:$0x3] =	stream.linear.gather [spmem:s14], $0x2800, $0x38;
	[tilespmem:$0x1B180] =	vst v63  }
0xbd: {  	_ =	swait.ge [sflag:s29], $0x2800  }
0xbe: {  	[sflag:s29] =	ssyncset.done $0x0  }
0xbf: {  	s22 =	rddreg [dreg:$0x5];
	[sflag:s29] =	ssyncadd.s32 $0xFFFFD800  }
0xc0: {  	[hbm4b:s22+s13] =	stream.linear.scatter [tilespmem:s28], [sflag:$0x3], $0x2800, $0x38;
	[tilespmem:$0x1B180] =	vst v63  }
0xc1: {  	_ =	swait.ge [sflag:s29], $0x2800  }
0xc2: {  	[sflag:s29] =	ssyncset.done $0x0  }
0xc3: {  	[sflag:s29] =	ssyncadd.s32 $0xFFFFD800  }
0xc4: {  	[tilespmem:s28], [sflag:$0x3] =	stream.linear.gather [spmem:s15], $0x2800, $0x38;
	[tilespmem:$0x1B180] =	vst v63  }
0xc5: {  	_ =	swait.ge [sflag:s29], $0x2800  }
0xc6: {  	[sflag:s29] =	ssyncset.done $0x0  }
0xc7: {  	s25 =	rddreg [dreg:$0x6];
	[sflag:s29] =	ssyncadd.s32 $0xFFFFD800  }
0xc8: {  	[hbm4b:s25+s13] =	stream.linear.scatter [tilespmem:s28], [sflag:$0x3], $0x2800, $0x38;
	[tilespmem:$0x1B180] =	vst v63  }
0xc9: {  	_ =	swait.ge [sflag:s29], $0x2800  }
0xca: {  	[sflag:s29] =	ssyncset.done $0x0  }
0xcb: {  	[sflag:s29] =	ssyncadd.s32 $0xFFFFD800  }
0xcc: {  	[tilespmem:s28], [sflag:$0x3] =	stream.linear.gather [spmem:s16], $0x2800, $0x38;
	[tilespmem:$0x1B180] =	vst v63  }
0xcd: {  	_ =	swait.ge [sflag:s29], $0x2800  }
0xce: {  	[sflag:s29] =	ssyncset.done $0x0  }
0xcf: {  	s9 =	rddreg [dreg:$0x7];
	[sflag:s29] =	ssyncadd.s32 $0xFFFFD800  }
0xd0: {  	[hbm4b:s9+s13] =	stream.linear.scatter [tilespmem:s28], [sflag:$0x3], $0x2800, $0x38;
	[tilespmem:$0x1B180] =	vst v63  }
0xd1: {  	_ =	swait.ge [sflag:s29], $0x2800  }
0xd2: {  	[sflag:s29] =	ssyncset.done $0x0  }
0xd3: {  	[sflag:s29] =	ssyncadd.s32 $0xFFFFD800  }
0xd4: {  	[tilespmem:s28], [sflag:$0x3] =	stream.linear.gather [spmem:s17], $0x2800, $0x38;
	[tilespmem:$0x1B180] =	vst v63  }
0xd5: {  	_ =	swait.ge [sflag:s29], $0x2800  }
0xd6: {  	[sflag:s29] =	ssyncset.done $0x0  }
0xd7: {  	s11 =	rddreg [dreg:$0x8];
	[sflag:s29] =	ssyncadd.s32 $0xFFFFD800  }
0xd8: {  	[hbm4b:s11+s13] =	stream.linear.scatter [tilespmem:s28], [sflag:$0x3], $0x2800, $0x38;
	[tilespmem:$0x1B180] =	vst v63  }
0xd9: {  	_ =	swait.ge [sflag:s29], $0x2800  }
0xda: {  	[sflag:s29] =	ssyncset.done $0x0  }
0xdb: {  	[sflag:s29] =	ssyncadd.s32 $0xFFFFD800  }
0xdc: {  	[tilespmem:s28], [sflag:$0x3] =	stream.linear.gather [spmem:s18], $0x2800, $0x38;
	[tilespmem:$0x1B180] =	vst v63  }
0xdd: {  	_ =	swait.ge [sflag:s29], $0x2800  }
0xde: {  	[sflag:s29] =	ssyncset.done $0x0  }
0xdf: {  	s12 =	rddreg [dreg:$0x9];
	[sflag:s29] =	ssyncadd.s32 $0xFFFFD800  }
0xe0: {  	[hbm4b:s12+s13] =	stream.linear.scatter [tilespmem:s28], [sflag:$0x3], $0x2800, $0x38;
	[tilespmem:$0x1B180] =	vst v63  }
0xe1: {  	_ =	swait.ge [sflag:s29], $0x2800  }
0xe2: {  	[sflag:s29] =	ssyncset.done $0x0  }
0xe3: {  	[sflag:s29] =	ssyncadd.s32 $0xFFFFD800  }
0xe4: {  	[tilespmem:s28], [sflag:$0x3] =	stream.linear.gather [spmem:s19], $0x2800, $0x38;
	[tilespmem:$0x1B180] =	vst v63  }
0xe5: {  	_ =	swait.ge [sflag:s29], $0x2800  }
0xe6: {  	[sflag:s29] =	ssyncset.done $0x0  }
0xe7: {  	s22 =	rddreg [dreg:$0xa];
	[sflag:s29] =	ssyncadd.s32 $0xFFFFD800  }
0xe8: {  	[hbm4b:s22+s13] =	stream.linear.scatter [tilespmem:s28], [sflag:$0x3], $0x2800, $0x38;
	[tilespmem:$0x1B180] =	vst v63  }
0xe9: {  	_ =	swait.ge [sflag:s29], $0x2800  }
0xea: {  	[sflag:s29] =	ssyncset.done $0x0  }
0xeb: {  	[sflag:s29] =	ssyncadd.s32 $0xFFFFD800  }
0xec: {  	[tilespmem:s28], [sflag:$0x3] =	stream.linear.gather [spmem:s20], $0x2800, $0x38;
	[tilespmem:$0x1B180] =	vst v63  }
0xed: {  	_ =	swait.ge [sflag:s29], $0x2800  }
0xee: {  	[sflag:s29] =	ssyncset.done $0x0  }
0xef: {  	s25 =	rddreg [dreg:$0xb];
	[sflag:s29] =	ssyncadd.s32 $0xFFFFD800  }
0xf0: {  	[hbm4b:s25+s13] =	stream.linear.scatter [tilespmem:s28], [sflag:$0x3], $0x2800, $0x38;
	[tilespmem:$0x1B180] =	vst v63  }
0xf1: {  	_ =	swait.ge [sflag:s29], $0x2800  }
0xf2: {  	[sflag:s29] =	ssyncset.done $0x0  }
0xf3: {  	s7 =	simm.s32 @!p0 $0x18980;
	s9 =	simm.s32 @!p0 $0x3;
	[sflag:s29] =	ssyncadd.s32 $0xFFFFD800  }
0xf4: {  	[tilespmem:s7], [sflag:$0x3] =	stream.linear.gather @!p0 [spmem:s21], $0x2800, $0x38;
	[tilespmem:$0x1B180] =	vst v63  }
0xf5: {  	s6 =	sadd.s32 $0x1, s6;
	_ =	swait.ge @!p0 [sflag:s9], $0x2800  }
0xf6: {  	p1 =	sne.s32 s6, s23;
	s11 =	simm.s32 @!p0 $0x0;
	[sflag:s9] =	ssyncset.done @!p0 $0x0  }
.Ltmp2:
0xf7: {  	s12 =	rddreg [dreg:$0xc];
	[sflag:s9] =	ssyncadd.s32 @!p0 $0xFFFFD800;
	(pc) =	sbr.rel @p1 .LBB2_1-.Ltmp2, $4  }
0xf8: {  	[hbm4b:s12+s11] =	stream.linear.scatter @!p0 [tilespmem:s7], [sflag:$0x3], $0x2800, $0x38;
	[tilespmem:$0x1B180] =	vst v63  }
0xf9: {  	_ =	swait.ge @!p0 [sflag:s9], $0x2800  }
0xfa: {  	[sflag:s9] =	ssyncset.done @!p0 $0x0  }
0xfb: {  	[sflag:s9] =	ssyncadd.s32 @!p0 $0xFFFFD800  }
0xfc: {  	_ =	sfence.sel $0x180000  }
0xfd: {  	[bflag:$0x0] =	sbarrier.arrive $0xFFFF  }
0xfe: {  	_ =	strace $0x9000004A  }
0xff: {  	s0 =	stileid.u32;
	[bflag:$0x2] =	sbarrier.arrive $0xFFFF  }
0x100: {  	p0 =	sne.s32 s0, $0x0;
	s0 =	rddreg [dreg:$0x3]  }
0x101: {  	s0 =	sadd.s32 @!p0 $0x100000, s0  }
0x102: {  	[sflag:s0] =	ssyncadd.tile.s32 @!p0 $0x1;
	_ =	shalt  }
.Lfunc_end2:
_tile_overlayer_lowered:
.L_overlay_start_2:
0x103: {  	(tag) =	ssettag $0x2  }
0x104: {  	s0 =	rddreg [dreg:$0x0];
	s2 =	stileid.u32  }
0x105: {  	s1 =	rddreg [dreg:$0x1];
	p0 =	sne.s32 s2, $0x0  }
0x106: {  	s3 =	rddreg [dreg:$0x2];
	[bflag:$0x3] =	sbarrier.arrive $0xFFFF;
	s2 =	simm.s32 @!p0 $0x1C03  }
0x107: {  	[timem:s3], [sflag:s2] =	dma.local @!p0 [hbm:s0], s1  }
0x108: {  	s0 =	simm.s32 @!p0 $0x3  }
0x109: {  	_ =	swait.ge @!p0 [sflag:s0], s1  }
0x10a: {  	s1 =	ssub.s32 @!p0 $0x0, s1;
	[sflag:s0] =	ssyncset.done @!p0 $0x0  }
0x10b: {  	[sflag:s0] =	ssyncadd.s32 @!p0 s1  }
0x10c: {  	[bflag:$0x3] =	sbarrier.arrive $0xFFFF  }
0x10d: {  	_ =	shalt  }

// kernel: kernel.8.cloned.1.call-start
scs
__scs_entry_jumppad:
0x0: {  	(pc) =	sbr.rel $0x88, $3  }
0x1: {  	(tag) =	ssettag $0x0;
	lr =	simm.s32 $0x1  }
0x2: {  	[smem:$0x3F91] =	sst lr;
	_ =	strace $0xD0000000  }
0x3: {  	_ = 	snop  }
0x4: {  	_ = 	snop  }
0x5: {  	_ = 	snop  }
0x6: {  	_ = 	snop  }
0x7: {  	_ = 	snop  }
__scs_overlays_trampoline_lowered:
0x8: {  	[smem:$0x3FA0] =	sst s0  }
0x9: {  	[smem:$0x3FA1] =	sst s1  }
0xa: {  	[smem:$0x3FA2] =	sst s2  }
0xb: {  	[smem:$0x3FA3] =	sst s3  }
0xc: {  	[smem:$0x3FA4] =	sst s4  }
0xd: {  	[smem:$0x3FA5] =	sst s5  }
0xe: {  	[smem:$0x3FA6] =	sst s6  }
0xf: {  	[smem:$0x3FA7] =	sst s7  }
0x10: {  	[smem:$0x3FA8] =	sst s8  }
0x11: {  	[smem:$0x3FA9] =	sst s9;
	s0 =	simm.s32 @!p0 $0x0  }
0x12: {  	s1 =	sld [smem:$0x3F8F];
	s0 =	simm.s32 @p0 $0x1  }
0x13: {  	[smem:$0x3FAA] =	sst s0;
	s0 =	simm.s32 @!p1 $0x0  }
0x14: {  	s2 =	sld [smem:$0x3F8E];
	s0 =	simm.s32 @p1 $0x1  }
0x15: {  	[smem:$0x3FAB] =	sst s0;
	s0 =	simm.s32 @!p2 $0x0  }
0x16: {  	s3 =	sld [smem:$0x3FDB];
	s0 =	simm.s32 @p2 $0x1  }
0x17: {  	s4 =	simm.s32 $0x1BF5;
	[smem:$0x3FAD] =	sst s0  }
0x18: {  	s0 =	sld [smem:$0x3F90];
	_ =	swait.ge [sflag:s4], $0x0  }
0x19: {  	s7 =	sld [smem:$0x3F91]  }
0x1a: {  	s8 =	sadd.s32 $0xFFFFE003, lr  }
0x1b: {  	s9 =	sadd.s32 $0xFFFFFEF7, lr;
	s5 =	simm.s32 $0xFFFFFFFF;
	p2 =	slt.u32 s8, $0xFFFFF086  }
0x1c: {  	p1 =	slt.u32 s9, $0xF7A;
	s5 =	simm.s32 @!p2 $0x0  }
0x1d: {  	s5 =	simm.s32 @p1 $0x1;
	p0 =	seq.s32 s7, s2  }
0x1e: {  	s7 =	smul.u32 @!p0 $0xF7A, s2;
	p2 =	seq.s32 @!p0 s5, $0x0  }
0x1f: {  	s9 =	smul.u32 $0xF7A, s1;
	s8 =	simm.s32 @!p0 $0x1BF5;
	p2 =	por !p2, p0  }
0x20: {  	[sflag:s8] =	ssyncset.s32 @!p0 $0xFFFFF086;
	s6 =	sadd.s32 @!p0 s3, s7;
	s7 =	simm.s32 @!p0 $0x108  }
0x21: {  	s3 =	sadd.s32 s3, s9;
	s6 =	sadd.s32 @!p0 $0x88, s6;
	s7 =	simm.s32 @p2 $0x1082  }
0x22: {  	[simem:s7], [sflag:s8] =	dma.local @!p0 [hbm:s6], $0xF7A  }
0x23: {  	s9 =	sor.u32 $0xD0000000, s2;
	s6 =	simm.s32 $0x108;
	_ =	swait.ge @!p0 [sflag:s8], $0x0  }
0x24: {  	s3 =	sadd.s32 $0x88, s3;
	s6 =	simm.s32 @!p1 $0x1082;
	[sflag:s4] =	ssyncset.s32 $0xFFFFF086  }
0x25: {  	[simem:s6], [sflag:s4] =	dma.local [hbm:s3], $0xF7A  }
0x26: {  	[smem:$0x3F91] =	sst s1;
	(tag) =	ssettag s2;
	_ =	strace s9  }
0x27: {  	s1 =	sld [smem:$0x3FA1]  }
0x28: {  	s2 =	sld [smem:$0x3FA2]  }
0x29: {  	s4 =	sld [smem:$0x3FA4]  }
0x2a: {  	p0 =	seq.s32 s5, $0x0;
	s5 =	sld [smem:$0x3FA5]  }
0x2b: {  	s6 =	sld [smem:$0x3FA6]  }
0x2c: {  	s7 =	sld [smem:$0x3FA7]  }
0x2d: {  	s3 =	simm.s32 $0x108;
	s8 =	sld [smem:$0x3FA8]  }
0x2e: {  	s3 =	simm.s32 @!p0 $0x1082;
	s9 =	sld [smem:$0x3FA9]  }
0x2f: {  	lr =	sadd.s32 s0, s3;
	s0 =	sld [smem:$0x3FA0]  }
0x30: {  	s3 =	sld [smem:$0x3FA3]  }
0x31: {  	[smem:$0x3FAC] =	sst s10  }
0x32: {  	s10 =	sld [smem:$0x3FAA];
	_ =	sdelay $0x3  }
0x33: {  	p0 =	seq.s32 s10, $0x1;
	s10 =	sld [smem:$0x3FAC];
	_ =	sdelay $0x3  }
0x34: {  	[smem:$0x3FAC] =	sst s10  }
0x35: {  	s10 =	sld [smem:$0x3FAB];
	_ =	sdelay $0x3  }
0x36: {  	p1 =	seq.s32 s10, $0x1;
	s10 =	sld [smem:$0x3FAC];
	_ =	sdelay $0x3  }
0x37: {  	[smem:$0x3FAC] =	sst s10  }
0x38: {  	s10 =	sld [smem:$0x3FAD]  }
0x39: {  	_ = 	snop;
	(pc) =	sbr.ind lr, $3  }
0x3a: {  	_ = 	snop  }
0x3b: {  	_ = 	snop  }
0x3c: {  	p2 =	seq.s32 s10, $0x1;
	s10 =	sld [smem:$0x3FAC]  }
0x3d: {  	_ =	shalt  }
0x3e: {  	_ =	shalt  }
0x3f: {  	_ =	shalt  }
0x40: {  	_ =	shalt  }
0x41: {  	_ =	shalt  }
0x42: {  	_ =	shalt  }
0x43: {  	_ =	shalt  }
0x44: {  	_ =	shalt  }
0x45: {  	_ =	shalt  }
0x46: {  	_ =	shalt  }
0x47: {  	_ =	shalt  }
0x48: {  	_ =	shalt  }
0x49: {  	_ =	shalt  }
0x4a: {  	_ =	shalt  }
0x4b: {  	_ =	shalt  }
0x4c: {  	_ =	shalt  }
0x4d: {  	_ =	shalt  }
0x4e: {  	_ =	shalt  }
0x4f: {  	_ =	shalt  }
0x50: {  	_ =	shalt  }
0x51: {  	_ =	shalt  }
0x52: {  	_ =	shalt  }
0x53: {  	_ =	shalt  }
0x54: {  	_ =	shalt  }
0x55: {  	_ =	shalt  }
0x56: {  	_ =	shalt  }
0x57: {  	_ =	shalt  }
0x58: {  	_ =	shalt  }
0x59: {  	_ =	shalt  }
0x5a: {  	_ =	shalt  }
0x5b: {  	_ =	shalt  }
0x5c: {  	_ =	shalt  }
0x5d: {  	_ =	shalt  }
0x5e: {  	_ =	shalt  }
0x5f: {  	_ =	shalt  }
0x60: {  	_ =	shalt  }
0x61: {  	_ =	shalt  }
0x62: {  	_ =	shalt  }
0x63: {  	_ =	shalt  }
0x64: {  	_ =	shalt  }
0x65: {  	_ =	shalt  }
0x66: {  	_ =	shalt  }
0x67: {  	_ =	shalt  }
0x68: {  	_ =	shalt  }
0x69: {  	_ =	shalt  }
0x6a: {  	_ =	shalt  }
0x6b: {  	_ =	shalt  }
0x6c: {  	_ =	shalt  }
0x6d: {  	_ =	shalt  }
0x6e: {  	_ =	shalt  }
0x6f: {  	_ =	shalt  }
0x70: {  	_ =	shalt  }
0x71: {  	_ =	shalt  }
0x72: {  	_ =	shalt  }
0x73: {  	_ =	shalt  }
0x74: {  	_ =	shalt  }
0x75: {  	_ =	shalt  }
0x76: {  	_ =	shalt  }
0x77: {  	_ =	shalt  }
0x78: {  	_ =	shalt  }
0x79: {  	_ =	shalt  }
0x7a: {  	_ =	shalt  }
0x7b: {  	_ =	shalt  }
0x7c: {  	_ =	shalt  }
0x7d: {  	_ =	shalt  }
0x7e: {  	_ =	shalt  }
0x7f: {  	_ =	shalt  }
0x80: {  	_ =	shalt  }
0x81: {  	_ =	shalt  }
0x82: {  	_ =	shalt  }
0x83: {  	_ =	shalt  }
0x84: {  	_ =	shalt  }
0x85: {  	_ =	shalt  }
0x86: {  	_ =	shalt  }
0x87: {  	_ =	shalt  }
.Lfunc_end0:
.L_simem_size_0:
called_computation_lowered:
.L_overlay_start_0:
0x88: {  	s2 =	sld [smem:$0x3FD9]  }
0x89: {  	s3 =	sld [smem:$0x3FFE];
	_ =	sdelay $0x1  }
0x8a: {  	s1 =	srdreg.scid  }
0x8b: {  	s0 =	sand.u32 $0x1, s1  }
0x8c: {  	s14 =	sshll.u32 s0, $0xA;
	s2 =	sadd.s32 s3, s2  }
0x8d: {  	s2 =	sadd.s32 s2, s14  }
0x8e: {  	[smem:$0x3FB8] =	sst s2  }
0x8f: {  	_ = 	snop  }
0x90: {  	s2 =	sld [smem:$0x3FD0];
	_ =	sdelay $0x2  }
0x91: {  	s15 =	simm.s32 $0xA;
	s4 =	simm.s32 $0x10  }
0x92: {  	[smem:s4], [sflag:s15] =	dma.local [hbm:s2], $0x1  }
0x93: {  	_ =	swait.eq [sflag:s15], $0x1  }
0x94: {  	[sflag:s15] =	ssyncset.done $0x0  }
0x95: {  	[sflag:s15] =	ssyncadd.s32 $0xFFFFFFFF  }
0x96: {  	s16 =	sld [smem:$0x11];
	(tm) =	ssettm $0x1  }
0x97: {  	s17 =	sld [smem:$0x3FFB];
	_ =	sdelay $0x3  }
0x98: {  	_ =	strace s17  }
0x99: {  	s3 =	sld [smem:$0x3FFC];
	_ =	sdelay $0x3  }
0x9a: {  	_ =	strace s3  }
0x9b: {  	s3 =	sld [smem:$0x3FFD];
	_ =	sdelay $0x3  }
0x9c: {  	_ =	strace s3  }
0x9d: {  	_ =	strace $0x8FFFFFFF  }
0x9e: {  	s18 =	sld [smem:$0x3FDB];
	_ =	sdelay $0x1  }
0x9f: {  	s19 =	simm.s32 $_scs_section_size  }
0xa0: {  	s5 =	simm.s32 $_size__tile_overlayer_lowered;
	s6 =	simm.s32 $_tile_overlayer_lowered  }
0xa1: {  	s22 =	simm.s32 $0x1BFF;
	s21 =	sshll.u32 s6, $0x1;
	s3 =	sadd.s32 s19, s18  }
0xa2: {  	s7 =	simm.s32 $0x0;
	s20 =	sshll.u32 s5, $0x1;
	s5 =	sadd.s32 s21, s3  }
0xa3: {  	[timem:s7], [sflag:s22] =	dma.local [hbm:s5], s20  }
0xa4: {  	_ =	swait.ge [sflag:s22], s20  }
0xa5: {  	s4 =	ssub.s32 $0x0, s20;
	[sflag:s22] =	ssyncset.done $0x0  }
0xa6: {  	[sflag:s22] =	ssyncadd.s32 s4;
	_ =	sdelay $0x1  }
0xa7: {  	s23 =	simm.s32 $0x1B8B  }
0xa8: {  	_ =	swait.ge [sflag:s23], $0x1  }
0xa9: {  	[sflag:s23] =	ssyncset.done $0x0  }
0xaa: {  	s25 =	simm.s32 $0x1B8E;
	s24 =	sld [smem:$0x3FFE];
	[sflag:s23] =	ssyncadd.s32 $0xFFFFFFFF  }
0xab: {  	s26 =	simm.s32 $execute0_lowered;
	[smem:$0x3FD2] =	sst s25  }
0xac: {  	s5 =	sshll.u32 s26, $0x1;
	_ =	strace $0x80000046;
	[dreg:$0x1] =	wrdreg $0xFFFFFFFF  }
0xad: {  	s28 =	simm.s32 $_size_execute0_lowered;
	s3 =	sadd.s32 s3, s5;
	[dreg:$0x0] =	wrdreg $0x0  }
0xae: {  	s5 =	sshll.u32 s28, $0x1;
	[dreg:$0x2] =	wrdreg s3  }
0xaf: {  	[dreg:$0x3] =	wrdreg s5  }
0xb0: {  	[dreg:$0x4] =	wrdreg $0xC0  }
0xb1: {  	_ =	task [dreg:s7], $0x5FFFF  }
0xb2: {  	[dreg:$0x1] =	wrdreg $0xFFFFFFFF  }
0xb3: {  	[dreg:$0x0] =	wrdreg $0x60  }
0xb4: {  	[dreg:$0x2] =	wrdreg s16  }
0xb5: {  	[dreg:$0x3] =	wrdreg s24  }
0xb6: {  	[dreg:$0x4] =	wrdreg $0x9  }
0xb7: {  	_ =	task.clear_ibuf [dreg:s7], $0x5FFFF;
	_ =	strace $0x90000046  }
0xb8: {  	s29 =	simm.s32 $0x9;
	_ =	strace $0x80000048  }
0xb9: {  	_ =	swait.ge [sflag:s29], $0x1  }
0xba: {  	[sflag:s29] =	ssyncadd.s32 $0xFFFFFFFF  }
0xbb: {  	_ =	strace $0x90000048  }
0xbc: {  	_ =	sfence  }
0xbd: {  	s30 =	sld [smem:$0x0];
	_ =	sdelay $0x2  }
0xbe: {  	s31 =	sshll.u32 s1, $0xD;
	s1 =	sshrl.u32 s1, $0x2  }
0xbf: {  	s3 =	sand.u32 $0x4000, s31;
	s1 =	sadd.s32 s1, s30  }
0xc0: {  	s0 =	sor.u32 s3, s0;
	s1 =	sshll.u32 s1, $0x11  }
0xc1: {  	s0 =	sor.u32 s1, s0  }
0xc2: {  	s0 =	sadd.s32 $0x8F2B, s0  }
0xc3: {  	[sflag:s0] =	ssyncadd.remote.s32 $0x1  }
0xc4: {  	_ =	sfence.sel $0xFFFF  }
0xc5: {  	[dreg:$0x0] =	wrdreg $0xFFFFFFFF;
	(pc) =	sbr.abs _section_cstart, $3  }
0xc6: {  	[dreg:$0x1] =	wrdreg $0xFFFFFFFF  }
0xc7: {  	_ =	task.clear_ibuf [dreg:s7], $0x2FFFF;
	_ =	strace $0x9FFFFFFF  }
0xc8: {  	(tm) =	ssettm $0x7FFFFFFF  }
0xc9: {  	_ =	shalt  }
tec
execute0_lowered:
.L_overlay_start_1:
0x0: {  	(tag) =	ssettag $0x1  }
0x1: {  	s0 =	srdreg.scid  }
0x2: {  	s1 =	stileid.u32;
	s2 =	rddreg [dreg:$0x0]  }
0x3: {  	s6 =	rddreg [dreg:$0x1];
	s3 =	simm.s32 $0x0;
	s12 =	simm.s32 $0x50  }
0x4: {  	s13 =	simm.s32 $0x4F00;
	s14 =	simm.s32 $0x7700;
	s15 =	simm.s32 $0xC700  }
0x5: {  	s16 =	simm.s32 $0xEF00;
	s0 =	sand.u32 $0x1, s0;
	s1 =	sshll.u32 s1, $0x1  }
0x6: {  	s17 =	simm.s32 $0x1;
	s18 =	simm.s32 $0x9F00;
	s1 =	sor.u32 s0, s1  }
0x7: {  	s19 =	simm.s32 $0x2;
	s0 =	ssub.s32 $0x2, s0;
	s4 =	smul.u32 $0x2710, s1  }
0x8: {  	[smem:$0x7FF] =	sst s3;
	s5 =	sadd.s32 $0x16C00, s6;
	s8 =	sshrl.u32 s0, $0x1  }
0x9: {  	s1 =	smul.u32 $0x138800, s1;
	s0 =	ssub.s32 s0, s8;
	s7 =	sshrl.u32 s4, $0x3  }
0xa: {  	_ =	strace $0x80000047;
	s0 =	smax.u32 s0, $0x1;
	s6 =	sadd.s32 s7, s6  }
0xb: {  	s1 =	sshrl.u32 s1, $0x3;
	[dreg:$0x6] =	wrdreg s0;
	s7 =	sadd.s32 $0x3200, s6  }
0xc: {  	s1 =	sadd.s32 s5, s1;
	s6 =	sadd.s32 $0xCE40, s6;
	[dreg:$0x3] =	wrdreg s7  }
0xd: {  	s20 =	simm.s32 $0x11700;
	s1 =	sadd.s32 $0x26C00, s1;
	[dreg:$0x4] =	wrdreg s6  }
0xe: {  	s21 =	simm.s32 $0x3;
	s23 =	simm.s32 $0x0;
	[dreg:$0x5] =	wrdreg s1  }
.LBB2_1:
0xf: {  	s0 =	rddreg [dreg:$0x3];
	s1 =	simm.s32 $0x5  }
0x10: {  	[tilespmem:s3], [sflag:$0x5] =	stream.linear.gather [hbm4b:s0+s3], $0x2710, $0x38;
	[tilespmem:$0x13F00] =	vst v63  }
0x11: {  	_ =	swait.ge [sflag:s1], $0x2710  }
0x12: {  	[sflag:s1] =	ssyncset.done $0x0  }
0x13: {  	s6 =	simm.s32 $0x2780;
	s31 =	rddreg [dreg:$0x4];
	[sflag:s1] =	ssyncadd.s32 $0xFFFFD8F0  }
0x14: {  	[tilespmem:s6], [sflag:$0x5] =	stream.linear.gather [hbm4b:s31+s3], $0x2710, $0x38;
	[tilespmem:$0x13F00] =	vst v63  }
0x15: {  	_ =	swait.ge [sflag:s1], $0x2710  }
0x16: {  	[sflag:s1] =	ssyncset.done $0x0  }
0x17: {  	[sflag:s1] =	ssyncadd.s32 $0xFFFFD8F0  }
0x18: {  	[tilespmem:s13], [sflag:$0x1] =	stream.indirect.gather [hbm4b:s2+s12], $0x80, s3, s12, $0xb8;
	[tilespmem:$0x13F00] =	vst v63  }
0x19: {  	s24 =	simm.s32 $0x0  }
0x1a: {  	[tilespmem:s14], [sflag:$0x1] =	stream.indirect.gather [hbm4b:s2+s12], $0x80, s6, s12, $0xb8;
	[tilespmem:$0x13F00] =	vst v63  }
.LBB2_2:
0x1b: {  	s26 =	smul.u32 $0xA0, s24;
	_ =	sdelay $0x1  }
0x1c: {  	s25 =	sadd.s32 $0x50, s26  }
0x1d: {  	[tilespmem:s15], [sflag:$0x2] =	stream.indirect.gather [hbm4b:s2+s12], $0x80, s25, s12, $0xb8;
	[tilespmem:$0x13F00] =	vst v63  }
0x1e: {  	s0 =	sadd.s32 $0x27D0, s26  }
0x1f: {  	[tilespmem:s16], [sflag:$0x2] =	stream.indirect.gather [hbm4b:s2+s12], $0x80, s0, s12, $0xb8;
	[tilespmem:$0x13F00] =	vst v63  }
0x20: {  	_ =	swait.ge [sflag:s17], $0x2800  }
0x21: {  	[sflag:s17] =	ssyncset.done $0x0  }
0x22: {  	[sflag:s17] =	ssyncadd.s32 $0xFFFFD800  }
0x23: {  	_ =	swait.ge [sflag:s17], $0x2800  }
0x24: {  	p0 =	seq.s32 s24, $0x0;
	[sflag:s17] =	ssyncset.done $0x0  }
0x25: {  	s0 =	simm.s32 @!p0 $0x3;
	[sflag:s17] =	ssyncadd.s32 $0xFFFFD800  }
0x26: {  	_ =	swait.ge @!p0 [sflag:s0], $0x2800  }
0x27: {  	[sflag:s0] =	ssyncset.done @!p0 $0x0  }
0x28: {  	s22 =	simm.s32 $0x4F80;
	[sflag:s0] =	ssyncadd.s32 @!p0 $0xFFFFD800  }
0x29: {  	s7 =	simm.s32 $0x7780;
	v0 =	vld [tilespmem:s22+$0x0]  }
0x2a: {  	v1 =	vld [tilespmem:s7+$0x0];
	_ =	sdelay $0x3  }
0x2b: {  	v2 =	vshll.u32 v0, $0x10  }
0x2c: {  	v0 =	vand.u32 $0xFFFF0000, v0;
	v3 =	vshll.u32 v1, $0x10;
	v1 =	vand.u32 $0xFFFF0000, v1  }
0x2d: {  	v1 =	vadd.f32 v1, v2;
	v0 =	vadd.f32 v3, v0;
	_ =	sdelay $0x1  }
0x2e: {  	v2 =	vld [tilespmem:s22+$0xFFFFFF80];
	v1 =	vmax.f32 v1, $0.0e+00;
	v0 =	vmax.f32 v0, $0.0e+00  }
0x2f: {  	v3 =	vld [tilespmem:s7+$0xFFFFFF80];
	v0 =	vadd.f32 v0, v1  }
0x30: {  	s28 =	simm.s32 $0x9F80  }
0x31: {  	[tilespmem:s28+$0x0] =	vst v0  }
0x32: {  	v0 =	vld [tilespmem:s22+$0x10]  }
0x33: {  	v1 =	vld [tilespmem:s7+$0x10]  }
0x34: {  	v4 =	vshll.u32 v2, $0x10;
	v5 =	vand.u32 $0xFFFF0000, v3  }
0x35: {  	v4 =	vadd.f32 v5, v4  }
0x36: {  	v2 =	vand.u32 $0xFFFF0000, v2;
	v3 =	vshll.u32 v3, $0x10  }
0x37: {  	v2 =	vadd.f32 v3, v2;
	v3 =	vmax.f32 v4, $0.0e+00;
	v4 =	vshll.u32 v0, $0x10  }
0x38: {  	v0 =	vand.u32 $0xFFFF0000, v0;
	v5 =	vshll.u32 v1, $0x10;
	v1 =	vand.u32 $0xFFFF0000, v1  }
0x39: {  	v2 =	vmax.f32 v2, $0.0e+00;
	v1 =	vadd.f32 v1, v4;
	v0 =	vadd.f32 v5, v0  }
0x3a: {  	v2 =	vadd.f32 v2, v3  }
0x3b: {  	v1 =	vmax.f32 v1, $0.0e+00;
	v0 =	vmax.f32 v0, $0.0e+00  }
0x3c: {  	[tilespmem:s28+$0xFFFFFF80] =	vst v2;
	v0 =	vadd.f32 v0, v1  }
0x3d: {  	v2 =	vld [tilespmem:s7+$0xFFFFFF90]  }
0x3e: {  	v1 =	vld [tilespmem:s22+$0xFFFFFF90];
	[tilespmem:s28+$0x10] =	vst v0  }
0x3f: {  	v0 =	vld [tilespmem:s22+$0x20]  }
0x40: {  	v3 =	vld [tilespmem:s7+$0x20];
	_ =	sdelay $0x1  }
0x41: {  	v5 =	vshll.u32 v2, $0x10  }
0x42: {  	v2 =	vand.u32 $0xFFFF0000, v2;
	v4 =	vshll.u32 v1, $0x10;
	v1 =	vand.u32 $0xFFFF0000, v1  }
0x43: {  	v1 =	vadd.f32 v5, v1;
	v2 =	vadd.f32 v2, v4;
	v4 =	vshll.u32 v0, $0x10  }
0x44: {  	v0 =	vand.u32 $0xFFFF0000, v0;
	v5 =	vshll.u32 v3, $0x10;
	v3 =	vand.u32 $0xFFFF0000, v3  }
0x45: {  	v3 =	vadd.f32 v3, v4;
	v0 =	vadd.f32 v5, v0  }
0x46: {  	v1 =	vmax.f32 v1, $0.0e+00;
	v2 =	vmax.f32 v2, $0.0e+00  }
0x47: {  	v1 =	vadd.f32 v1, v2;
	v2 =	vmax.f32 v3, $0.0e+00;
	v0 =	vmax.f32 v0, $0.0e+00  }
0x48: {  	v0 =	vadd.f32 v0, v2  }
0x49: {  	[tilespmem:s28+$0xFFFFFF90] =	vst v1  }
0x4a: {  	v1 =	vld [tilespmem:s22+$0xFFFFFFA0];
	[tilespmem:s28+$0x20] =	vst v0  }
0x4b: {  	v0 =	vld [tilespmem:s22+$0x30]  }
0x4c: {  	v2 =	vld [tilespmem:s7+$0x30]  }
0x4d: {  	v3 =	vld [tilespmem:s7+$0xFFFFFFA0];
	_ =	sdelay $0x2  }
0x4e: {  	v4 =	vshll.u32 v1, $0x10;
	v5 =	vshll.u32 v0, $0x10  }
0x4f: {  	s11 =	simm.s32 $0x5080;
	v0 =	vand.u32 $0xFFFF0000, v0;
	v6 =	vshll.u32 v2, $0x10;
	v2 =	vand.u32 $0xFFFF0000, v2  }
0x50: {  	s6 =	simm.s32 $0x7880;
	v7 =	vand.u32 $0xFFFF0000, v3;
	v2 =	vadd.f32 v2, v5;
	v0 =	vadd.f32 v6, v0;
	v5 =	vld [tilespmem:s11+$0x0]  }
0x51: {  	v1 =	vand.u32 $0xFFFF0000, v1;
	v3 =	vshll.u32 v3, $0x10;
	v4 =	vadd.f32 v7, v4;
	v6 =	vld [tilespmem:s6+$0x0]  }
0x52: {  	v1 =	vadd.f32 v3, v1;
	v2 =	vmax.f32 v2, $0.0e+00;
	v0 =	vmax.f32 v0, $0.0e+00  }
0x53: {  	v3 =	vld [tilespmem:s11+$0xFFFFFF80];
	v0 =	vadd.f32 v0, v2  }
0x54: {  	v1 =	vmax.f32 v1, $0.0e+00;
	v2 =	vmax.f32 v4, $0.0e+00;
	v4 =	vld [tilespmem:s6+$0xFFFFFF80]  }
0x55: {  	v1 =	vadd.f32 v1, v2;
	v2 =	vshll.u32 v5, $0x10;
	[tilespmem:s28+$0x30] =	vst v0  }
0x56: {  	v0 =	vand.u32 $0xFFFF0000, v5;
	v7 =	vshll.u32 v6, $0x10;
	v6 =	vand.u32 $0xFFFF0000, v6;
	v5 =	vld [tilespmem:s22+$0x40]  }
0x57: {  	v8 =	vld [tilespmem:s7+$0x40];
	v2 =	vadd.f32 v6, v2;
	v0 =	vadd.f32 v7, v0  }
0x58: {  	[tilespmem:s28+$0xFFFFFFA0] =	vst v1;
	v1 =	vshll.u32 v3, $0x10;
	v3 =	vand.u32 $0xFFFF0000, v3  }
0x59: {  	v6 =	vld [tilespmem:s22+$0xFFFFFFB0];
	v7 =	vand.u32 $0xFFFF0000, v4;
	v2 =	vmax.f32 v2, $0.0e+00;
	v0 =	vmax.f32 v0, $0.0e+00  }
0x5a: {  	v9 =	vld [tilespmem:s7+$0xFFFFFFB0];
	v4 =	vshll.u32 v4, $0x10;
	v1 =	vadd.f32 v7, v1;
	v0 =	vadd.f32 v0, v2  }
0x5b: {  	s29 =	simm.s32 $0xA080;
	v2 =	vadd.f32 v4, v3;
	v3 =	vshll.u32 v5, $0x10;
	v4 =	vand.u32 $0xFFFF0000, v5  }
0x5c: {  	v5 =	vshll.u32 v8, $0x10;
	v7 =	vand.u32 $0xFFFF0000, v8;
	v1 =	vmax.f32 v1, $0.0e+00;
	[tilespmem:s29+$0x0] =	vst v0  }
0x5d: {  	v2 =	vmax.f32 v2, $0.0e+00;
	v0 =	vadd.f32 v7, v3;
	v3 =	vadd.f32 v5, v4;
	v4 =	vld [tilespmem:s11+$0x10]  }
0x5e: {  	v5 =	vshll.u32 v6, $0x10;
	v1 =	vadd.f32 v2, v1;
	v2 =	vld [tilespmem:s6+$0x10]  }
0x5f: {  	v7 =	vand.u32 $0xFFFF0000, v9;
	v0 =	vmax.f32 v0, $0.0e+00;
	v3 =	vmax.f32 v3, $0.0e+00  }
0x60: {  	v0 =	vadd.f32 v3, v0;
	v3 =	vadd.f32 v7, v5  }
0x61: {  	[tilespmem:s29+$0xFFFFFF80] =	vst v1;
	v5 =	vand.u32 $0xFFFF0000, v6;
	v6 =	vshll.u32 v9, $0x10  }
0x62: {  	v1 =	vadd.f32 v6, v5;
	v5 =	vld [tilespmem:s11+$0xFFFFFF90];
	[tilespmem:s28+$0x40] =	vst v0;
	v0 =	vshll.u32 v4, $0x10;
	v3 =	vmax.f32 v3, $0.0e+00  }
0x63: {  	v4 =	vand.u32 $0xFFFF0000, v4;
	v7 =	vshll.u32 v2, $0x10;
	v2 =	vand.u32 $0xFFFF0000, v2;
	v6 =	vld [tilespmem:s22+$0x50]  }
0x64: {  	v1 =	vmax.f32 v1, $0.0e+00;
	v8 =	vld [tilespmem:s7+$0x50];
	v0 =	vadd.f32 v2, v0;
	v2 =	vadd.f32 v7, v4  }
0x65: {  	v4 =	vld [tilespmem:s6+$0xFFFFFF90];
	v1 =	vadd.f32 v1, v3  }
0x66: {  	v0 =	vmax.f32 v0, $0.0e+00;
	v2 =	vmax.f32 v2, $0.0e+00  }
0x67: {  	v0 =	vadd.f32 v2, v0;
	[tilespmem:s28+$0xFFFFFFB0] =	vst v1  }
0x68: {  	v1 =	vand.u32 $0xFFFF0000, v5;
	v3 =	vld [tilespmem:s22+$0xFFFFFFC0];
	v2 =	vshll.u32 v6, $0x10  }
0x69: {  	v6 =	vand.u32 $0xFFFF0000, v6;
	v7 =	vshll.u32 v8, $0x10;
	v8 =	vand.u32 $0xFFFF0000, v8;
	[tilespmem:s29+$0x10] =	vst v0;
	v0 =	vld [tilespmem:s7+$0xFFFFFFC0]  }
0x6a: {  	v9 =	vshll.u32 v4, $0x10;
	v2 =	vadd.f32 v8, v2;
	v6 =	vadd.f32 v7, v6;
	v7 =	vld [tilespmem:s11+$0x20]  }
0x6b: {  	v5 =	vshll.u32 v5, $0x10;
	v4 =	vand.u32 $0xFFFF0000, v4;
	v1 =	vadd.f32 v9, v1;
	v8 =	vld [tilespmem:s6+$0x20]  }
0x6c: {  	v4 =	vadd.f32 v4, v5;
	v2 =	vmax.f32 v2, $0.0e+00;
	v5 =	vmax.f32 v6, $0.0e+00  }
0x6d: {  	v1 =	vmax.f32 v1, $0.0e+00;
	v2 =	vadd.f32 v5, v2  }
0x6e: {  	v4 =	vmax.f32 v4, $0.0e+00;
	v5 =	vshll.u32 v3, $0x10;
	v3 =	vand.u32 $0xFFFF0000, v3  }
0x6f: {  	v1 =	vadd.f32 v1, v4;
	v4 =	vshll.u32 v0, $0x10;
	[tilespmem:s28+$0x50] =	vst v2;
	v2 =	vshll.u32 v7, $0x10  }
0x70: {  	v7 =	vand.u32 $0xFFFF0000, v7;
	v9 =	vshll.u32 v8, $0x10;
	v8 =	vand.u32 $0xFFFF0000, v8;
	v6 =	vld [tilespmem:s22+$0x60]  }
0x71: {  	v0 =	vand.u32 $0xFFFF0000, v0;
	v10 =	vld [tilespmem:s7+$0x60];
	v2 =	vadd.f32 v8, v2;
	v7 =	vadd.f32 v9, v7  }
0x72: {  	v0 =	vadd.f32 v0, v5;
	v3 =	vadd.f32 v4, v3  }
0x73: {  	v2 =	vmax.f32 v2, $0.0e+00;
	v4 =	vmax.f32 v7, $0.0e+00  }
0x74: {  	[tilespmem:s29+$0xFFFFFF90] =	vst v1;
	v0 =	vmax.f32 v0, $0.0e+00;
	v1 =	vmax.f32 v3, $0.0e+00;
	v2 =	vadd.f32 v4, v2  }
0x75: {  	v3 =	vld [tilespmem:s11+$0xFFFFFFA0];
	v0 =	vadd.f32 v1, v0  }
0x76: {  	v4 =	vld [tilespmem:s6+$0xFFFFFFA0];
	v1 =	vshll.u32 v6, $0x10;
	v5 =	vand.u32 $0xFFFF0000, v6;
	v6 =	vshll.u32 v10, $0x10;
	[tilespmem:s29+$0x20] =	vst v2  }
0x77: {  	v7 =	vand.u32 $0xFFFF0000, v10;
	v2 =	vadd.f32 v6, v5;
	v5 =	vld [tilespmem:s11+$0x30]  }
0x78: {  	v1 =	vadd.f32 v7, v1;
	v6 =	vld [tilespmem:s6+$0x30]  }
0x79: {  	[tilespmem:s28+$0xFFFFFFC0] =	vst v0  }
0x7a: {  	v8 =	vld [tilespmem:s7+$0xFFFFFFD0];
	v0 =	vmax.f32 v1, $0.0e+00;
	v1 =	vmax.f32 v2, $0.0e+00  }
0x7b: {  	v2 =	vld [tilespmem:s22+$0xFFFFFFD0];
	v7 =	vand.u32 $0xFFFF0000, v4;
	v0 =	vadd.f32 v1, v0;
	v1 =	vshll.u32 v3, $0x10  }
0x7c: {  	v4 =	vshll.u32 v4, $0x10;
	v3 =	vand.u32 $0xFFFF0000, v3;
	v1 =	vadd.f32 v7, v1  }
0x7d: {  	[tilespmem:s28+$0x60] =	vst v0;
	v0 =	vshll.u32 v5, $0x10;
	v9 =	vshll.u32 v6, $0x10;
	v6 =	vand.u32 $0xFFFF0000, v6  }
0x7e: {  	s30 =	simm.s32 $0x7980;
	v3 =	vadd.f32 v4, v3;
	v5 =	vand.u32 $0xFFFF0000, v5;
	v0 =	vadd.f32 v6, v0  }
0x7f: {  	v11 =	vld [tilespmem:s30+$0x0];
	v5 =	vadd.f32 v9, v5;
	v1 =	vmax.f32 v1, $0.0e+00;
	v9 =	vshll.u32 v8, $0x10  }
0x80: {  	s1 =	simm.s32 $0x5180;
	v7 =	vld [tilespmem:s22+$0x70];
	v3 =	vmax.f32 v3, $0.0e+00;
	v4 =	vand.u32 $0xFFFF0000, v2;
	v2 =	vshll.u32 v2, $0x10  }
0x81: {  	v6 =	vld [tilespmem:s1+$0x0];
	v1 =	vadd.f32 v3, v1;
	v0 =	vmax.f32 v0, $0.0e+00;
	v5 =	vmax.f32 v5, $0.0e+00  }
0x82: {  	v3 =	vand.u32 $0xFFFF0000, v8;
	v4 =	vadd.f32 v9, v4;
	v9 =	vld [tilespmem:s1+$0xFFFFFF80];
	v0 =	vadd.f32 v5, v0  }
0x83: {  	v2 =	vadd.f32 v3, v2;
	v5 =	vld [tilespmem:s30+$0xFFFFFF80]  }
0x84: {  	v13 =	vshll.u32 v11, $0x10;
	v11 =	vand.u32 $0xFFFF0000, v11;
	[tilespmem:s29+$0x30] =	vst v0  }
0x85: {  	v3 =	vmax.f32 v4, $0.0e+00;
	v2 =	vmax.f32 v2, $0.0e+00;
	v4 =	vshll.u32 v7, $0x10;
	v12 =	vld [tilespmem:s11+$0x40]  }
0x86: {  	v0 =	vand.u32 $0xFFFF0000, v7;
	v8 =	vshll.u32 v6, $0x10;
	v6 =	vand.u32 $0xFFFF0000, v6;
	v14 =	vld [tilespmem:s6+$0x40]  }
0x87: {  	v10 =	vld [tilespmem:s7+$0x70];
	v8 =	vadd.f32 v11, v8;
	v6 =	vadd.f32 v13, v6;
	v15 =	vshll.u32 v9, $0x10  }
0x88: {  	[tilespmem:s29+$0xFFFFFFA0] =	vst v1;
	v1 =	vand.u32 $0xFFFF0000, v9;
	v9 =	vshll.u32 v5, $0x10;
	v5 =	vand.u32 $0xFFFF0000, v5  }
0x89: {  	v31 =	vld [tilespmem:s6+$0xFFFFFFB0];
	v8 =	vmax.f32 v8, $0.0e+00;
	v6 =	vmax.f32 v6, $0.0e+00;
	v5 =	vadd.f32 v5, v15  }
0x8a: {  	v11 =	vld [tilespmem:s11+$0xFFFFFFB0];
	v1 =	vadd.f32 v9, v1;
	v6 =	vadd.f32 v6, v8;
	v8 =	vshll.u32 v12, $0x10  }
0x8b: {  	s31 =	simm.s32 $0xA180;
	v9 =	vand.u32 $0xFFFF0000, v12;
	v32 =	vshll.u32 v14, $0x10;
	v14 =	vand.u32 $0xFFFF0000, v14  }
0x8c: {  	v7 =	vand.u32 $0xFFFF0000, v10;
	[tilespmem:s31+$0x0] =	vst v6;
	v6 =	vadd.f32 v14, v8;
	v8 =	vadd.f32 v32, v9  }
0x8d: {  	v2 =	vadd.f32 v3, v2;
	v3 =	vmax.f32 v5, $0.0e+00;
	v1 =	vmax.f32 v1, $0.0e+00;
	v5 =	vld [tilespmem:s1+$0x10]  }
0x8e: {  	v1 =	vadd.f32 v1, v3;
	v3 =	vld [tilespmem:s30+$0x10];
	v6 =	vmax.f32 v6, $0.0e+00;
	v8 =	vmax.f32 v8, $0.0e+00  }
0x8f: {  	[tilespmem:s28+$0xFFFFFFD0] =	vst v2;
	v2 =	vshll.u32 v11, $0x10;
	v9 =	vand.u32 $0xFFFF0000, v31;
	v6 =	vadd.f32 v8, v6  }
0x90: {  	v4 =	vadd.f32 v7, v4;
	v7 =	vld [tilespmem:s22+$0xFFFFFFE0];
	[tilespmem:s31+$0xFFFFFF80] =	vst v1;
	v1 =	vadd.f32 v9, v2;
	v8 =	vshll.u32 v10, $0x10  }
0x91: {  	v2 =	vand.u32 $0xFFFF0000, v11;
	v9 =	vld [tilespmem:s1+$0xFFFFFF90];
	v0 =	vadd.f32 v8, v0;
	v8 =	vshll.u32 v31, $0x10;
	[tilespmem:s29+$0x40] =	vst v6  }
0x92: {  	v1 =	vmax.f32 v1, $0.0e+00;
	v2 =	vadd.f32 v8, v2;
	v6 =	vshll.u32 v5, $0x10;
	v8 =	vld [tilespmem:s11+$0x50]  }
0x93: {  	v5 =	vand.u32 $0xFFFF0000, v5;
	v10 =	vshll.u32 v3, $0x10;
	v3 =	vand.u32 $0xFFFF0000, v3;
	v11 =	vld [tilespmem:s6+$0x50]  }
0x94: {  	v33 =	vld [tilespmem:s30+$0xFFFFFF90];
	v3 =	vadd.f32 v3, v6;
	v5 =	vadd.f32 v10, v5;
	v2 =	vmax.f32 v2, $0.0e+00  }
0x95: {  	v4 =	vmax.f32 v4, $0.0e+00;
	v6 =	vshll.u32 v7, $0x10;
	v1 =	vadd.f32 v2, v1  }
0x96: {  	v2 =	vand.u32 $0xFFFF0000, v7;
	v3 =	vmax.f32 v3, $0.0e+00;
	v5 =	vmax.f32 v5, $0.0e+00  }
0x97: {  	v7 =	vld [tilespmem:s7+$0xFFFFFFE0];
	v10 =	vand.u32 $0xFFFF0000, v9;
	v3 =	vadd.f32 v5, v3;
	[tilespmem:s29+$0xFFFFFFB0] =	vst v1;
	v1 =	vshll.u32 v8, $0x10  }
0x98: {  	v5 =	vld [tilespmem:s11+$0xFFFFFFC0];
	v8 =	vand.u32 $0xFFFF0000, v8;
	v34 =	vshll.u32 v11, $0x10;
	v11 =	vand.u32 $0xFFFF0000, v11  }
0x99: {  	v35 =	vshll.u32 v33, $0x10;
	[tilespmem:s31+$0x10] =	vst v3;
	v3 =	vld [tilespmem:s6+$0xFFFFFFC0];
	v1 =	vadd.f32 v11, v1;
	v8 =	vadd.f32 v34, v8  }
0x9a: {  	v9 =	vshll.u32 v9, $0x10;
	v10 =	vadd.f32 v35, v10;
	v11 =	vand.u32 $0xFFFF0000, v33;
	v36 =	vld [tilespmem:s1+$0x20]  }
0x9b: {  	v9 =	vadd.f32 v11, v9;
	v11 =	vld [tilespmem:s30+$0x20];
	v1 =	vmax.f32 v1, $0.0e+00;
	v8 =	vmax.f32 v8, $0.0e+00  }
0x9c: {  	v10 =	vmax.f32 v10, $0.0e+00;
	v37 =	vshll.u32 v7, $0x10;
	v1 =	vadd.f32 v8, v1  }
0x9d: {  	v8 =	vmax.f32 v9, $0.0e+00;
	v9 =	vshll.u32 v5, $0x10;
	v5 =	vand.u32 $0xFFFF0000, v5  }
0x9e: {  	v8 =	vadd.f32 v10, v8;
	v10 =	vshll.u32 v3, $0x10;
	v3 =	vand.u32 $0xFFFF0000, v3;
	[tilespmem:s29+$0x50] =	vst v1  }
0x9f: {  	v1 =	vshll.u32 v36, $0x10;
	v3 =	vadd.f32 v3, v9;
	v5 =	vadd.f32 v10, v5;
	v9 =	vld [tilespmem:s11+$0x60]  }
0xa0: {  	[tilespmem:s31+$0xFFFFFF90] =	vst v8;
	v8 =	vand.u32 $0xFFFF0000, v36;
	v10 =	vshll.u32 v11, $0x10;
	v11 =	vand.u32 $0xFFFF0000, v11;
	v38 =	vld [tilespmem:s6+$0x60]  }
0xa1: {  	v7 =	vand.u32 $0xFFFF0000, v7;
	v39 =	vld [tilespmem:s1+$0xFFFFFFA0];
	v1 =	vadd.f32 v11, v1;
	v8 =	vadd.f32 v10, v8  }
0xa2: {  	v6 =	vadd.f32 v7, v6;
	v3 =	vmax.f32 v3, $0.0e+00;
	v7 =	vld [tilespmem:s30+$0xFFFFFFA0];
	v5 =	vmax.f32 v5, $0.0e+00  }
0xa3: {  	v3 =	vadd.f32 v5, v3;
	v1 =	vmax.f32 v1, $0.0e+00;
	v8 =	vmax.f32 v8, $0.0e+00  }
0xa4: {  	v2 =	vadd.f32 v37, v2;
	v1 =	vadd.f32 v8, v1;
	v5 =	vshll.u32 v9, $0x10  }
0xa5: {  	[tilespmem:s29+$0xFFFFFFC0] =	vst v3;
	v3 =	vand.u32 $0xFFFF0000, v9;
	v8 =	vshll.u32 v38, $0x10;
	v9 =	vand.u32 $0xFFFF0000, v38  }
0xa6: {  	v11 =	vld [tilespmem:s11+$0xFFFFFFD0];
	v10 =	vshll.u32 v39, $0x10;
	[tilespmem:s31+$0x20] =	vst v1;
	v1 =	vadd.f32 v9, v5;
	v3 =	vadd.f32 v8, v3  }
0xa7: {  	v5 =	vand.u32 $0xFFFF0000, v39;
	v8 =	vshll.u32 v7, $0x10;
	v7 =	vand.u32 $0xFFFF0000, v7;
	v9 =	vld [tilespmem:s1+$0x30]  }
0xa8: {  	v7 =	vadd.f32 v7, v10;
	v10 =	vld [tilespmem:s30+$0x30];
	v1 =	vmax.f32 v1, $0.0e+00;
	v3 =	vmax.f32 v3, $0.0e+00  }
0xa9: {  	v0 =	vmax.f32 v0, $0.0e+00;
	v5 =	vadd.f32 v8, v5;
	v8 =	vld [tilespmem:s6+$0xFFFFFFD0];
	v3 =	vadd.f32 v3, v1  }
0xaa: {  	v2 =	vmax.f32 v2, $0.0e+00;
	v1 =	vadd.f32 v0, v4;
	v0 =	vmax.f32 v6, $0.0e+00  }
0xab: {  	v4 =	vmax.f32 v5, $0.0e+00;
	v0 =	vadd.f32 v2, v0;
	v2 =	vmax.f32 v7, $0.0e+00;
	[tilespmem:s29+$0x60] =	vst v3  }
0xac: {  	v5 =	vand.u32 $0xFFFF0000, v11;
	v3 =	vshll.u32 v11, $0x10;
	v6 =	vshll.u32 v9, $0x10;
	v7 =	vld [tilespmem:s11+$0x70]  }
0xad: {  	[tilespmem:s28+$0xFFFFFFE0] =	vst v0;
	v0 =	vand.u32 $0xFFFF0000, v9;
	v9 =	vshll.u32 v10, $0x10;
	v10 =	vand.u32 $0xFFFF0000, v10;
	v11 =	vld [tilespmem:s6+$0x70]  }
0xae: {  	s0 =	simm.s32 $0x5280;
	v6 =	vadd.f32 v10, v6;
	v0 =	vadd.f32 v9, v0;
	v9 =	vshll.u32 v8, $0x10  }
0xaf: {  	v2 =	vadd.f32 v4, v2;
	v4 =	vld [tilespmem:s0+$0x0];
	v8 =	vand.u32 $0xFFFF0000, v8;
	v5 =	vadd.f32 v9, v5  }
0xb0: {  	s8 =	simm.s32 $0x7A80;
	v3 =	vadd.f32 v8, v3;
	v6 =	vmax.f32 v6, $0.0e+00;
	v0 =	vmax.f32 v0, $0.0e+00  }
0xb1: {  	v8 =	vld [tilespmem:s8+$0x0];
	v0 =	vadd.f32 v0, v6;
	v5 =	vmax.f32 v5, $0.0e+00;
	v6 =	vshll.u32 v7, $0x10  }
0xb2: {  	v9 =	vld [tilespmem:s0+$0xFFFFFF80];
	v7 =	vand.u32 $0xFFFF0000, v7;
	v10 =	vshll.u32 v11, $0x10;
	v11 =	vand.u32 $0xFFFF0000, v11  }
0xb3: {  	v41 =	vld [tilespmem:s8+$0xFFFFFF80];
	v3 =	vmax.f32 v3, $0.0e+00;
	v6 =	vadd.f32 v11, v6;
	v7 =	vadd.f32 v10, v7  }
0xb4: {  	v11 =	vshll.u32 v4, $0x10;
	[tilespmem:s31+$0x30] =	vst v0;
	v0 =	vadd.f32 v5, v3  }
0xb5: {  	v3 =	vand.u32 $0xFFFF0000, v4;
	v5 =	vld [tilespmem:s1+$0x40];
	v4 =	vmax.f32 v6, $0.0e+00;
	v6 =	vmax.f32 v7, $0.0e+00  }
0xb6: {  	v42 =	vld [tilespmem:s30+$0x40];
	v7 =	vshll.u32 v8, $0x10;
	v8 =	vand.u32 $0xFFFF0000, v8;
	v4 =	vadd.f32 v6, v4  }
0xb7: {  	[tilespmem:s31+$0xFFFFFFA0] =	vst v2;
	v2 =	vshll.u32 v9, $0x10;
	v6 =	vadd.f32 v8, v11;
	v3 =	vadd.f32 v7, v3  }
0xb8: {  	v7 =	vld [tilespmem:s1+$0xFFFFFFB0];
	v8 =	vand.u32 $0xFFFF0000, v9;
	v9 =	vshll.u32 v41, $0x10;
	v11 =	vand.u32 $0xFFFF0000, v41  }
0xb9: {  	v2 =	vadd.f32 v11, v2;
	v11 =	vld [tilespmem:s30+$0xFFFFFFB0];
	v6 =	vmax.f32 v6, $0.0e+00;
	v3 =	vmax.f32 v3, $0.0e+00  }
0xba: {  	[tilespmem:s29+$0xFFFFFFD0] =	vst v0;
	v0 =	vadd.f32 v9, v8;
	v3 =	vadd.f32 v3, v6;
	v6 =	vshll.u32 v5, $0x10  }
0xbb: {  	v40 =	vld [tilespmem:s22+$0xFFFFFFF0];
	v5 =	vand.u32 $0xFFFF0000, v5;
	v9 =	vshll.u32 v42, $0x10;
	v43 =	vand.u32 $0xFFFF0000, v42  }
0xbc: {  	s9 =	simm.s32 $0xA280;
	v44 =	vld [tilespmem:s6+$0xFFFFFFE0];
	v2 =	vmax.f32 v2, $0.0e+00;
	v0 =	vmax.f32 v0, $0.0e+00;
	v5 =	vadd.f32 v9, v5  }
0xbd: {  	v8 =	vld [tilespmem:s11+$0xFFFFFFE0];
	v0 =	vadd.f32 v0, v2;
	[tilespmem:s9+$0x0] =	vst v3;
	v3 =	vadd.f32 v43, v6;
	v9 =	vshll.u32 v7, $0x10  }
0xbe: {  	v7 =	vand.u32 $0xFFFF0000, v7;
	v6 =	vld [tilespmem:s0+$0x10];
	v45 =	vshll.u32 v11, $0x10;
	v11 =	vand.u32 $0xFFFF0000, v11  }
0xbf: {  	v2 =	vld [tilespmem:s8+$0x10];
	v5 =	vmax.f32 v5, $0.0e+00;
	[tilespmem:s9+$0xFFFFFF80] =	vst v0;
	v3 =	vmax.f32 v3, $0.0e+00;
	v0 =	vadd.f32 v11, v9  }
0xc0: {  	v7 =	vadd.f32 v45, v7;
	v3 =	vadd.f32 v5, v3  }
0xc1: {  	v10 =	vshll.u32 v40, $0x10;
	v46 =	vand.u32 $0xFFFF0000, v44;
	v11 =	vld [tilespmem:s0+$0xFFFFFF90]  }
0xc2: {  	v9 =	vshll.u32 v8, $0x10;
	v49 =	vld [tilespmem:s8+$0xFFFFFF90];
	v0 =	vmax.f32 v0, $0.0e+00;
	v7 =	vmax.f32 v7, $0.0e+00;
	[tilespmem:s31+$0x40] =	vst v3  }
0xc3: {  	v3 =	vand.u32 $0xFFFF0000, v8;
	v0 =	vadd.f32 v7, v0;
	v47 =	vshll.u32 v6, $0x10;
	v48 =	vld [tilespmem:s1+$0x50]  }
0xc4: {  	v6 =	vand.u32 $0xFFFF0000, v6;
	v16 =	vshll.u32 v2, $0x10;
	v2 =	vand.u32 $0xFFFF0000, v2;
	v17 =	vld [tilespmem:s30+$0x50]  }
0xc5: {  	v8 =	vshll.u32 v44, $0x10;
	v2 =	vadd.f32 v2, v47;
	v6 =	vadd.f32 v16, v6  }
0xc6: {  	v7 =	vadd.f32 v46, v9;
	v3 =	vadd.f32 v8, v3;
	v50 =	vshll.u32 v11, $0x10  }
0xc7: {  	v5 =	vld [tilespmem:s7+$0xFFFFFFF0];
	v11 =	vand.u32 $0xFFFF0000, v11;
	[tilespmem:s31+$0xFFFFFFB0] =	vst v0;
	v2 =	vmax.f32 v2, $0.0e+00;
	v6 =	vmax.f32 v6, $0.0e+00  }
0xc8: {  	v14 =	vand.u32 $0xFFFF0000, v49;
	v52 =	vld [tilespmem:s30+$0xFFFFFFC0];
	v2 =	vadd.f32 v6, v2;
	v0 =	vshll.u32 v48, $0x10  }
0xc9: {  	v6 =	vld [tilespmem:s1+$0xFFFFFFC0];
	v15 =	vand.u32 $0xFFFF0000, v48;
	v51 =	vshll.u32 v17, $0x10;
	v17 =	vand.u32 $0xFFFF0000, v17  }
0xca: {  	[tilespmem:s9+$0x10] =	vst v2;
	v0 =	vadd.f32 v17, v0;
	v2 =	vshll.u32 v49, $0x10;
	v15 =	vadd.f32 v51, v15  }
0xcb: {  	v12 =	vand.u32 $0xFFFF0000, v40;
	v8 =	vadd.f32 v14, v50;
	v2 =	vadd.f32 v2, v11;
	v11 =	vld [tilespmem:s0+$0x20]  }
0xcc: {  	v7 =	vmax.f32 v7, $0.0e+00;
	v53 =	vld [tilespmem:s8+$0x20];
	v0 =	vmax.f32 v0, $0.0e+00;
	v54 =	vmax.f32 v15, $0.0e+00  }
0xcd: {  	v9 =	vand.u32 $0xFFFF0000, v5;
	v8 =	vmax.f32 v8, $0.0e+00;
	v0 =	vadd.f32 v54, v0  }
0xce: {  	v56 =	vand.u32 $0xFFFF0000, v52;
	v2 =	vmax.f32 v2, $0.0e+00;
	v55 =	vshll.u32 v6, $0x10  }
0xcf: {  	v6 =	vand.u32 $0xFFFF0000, v6;
	v2 =	vadd.f32 v2, v8;
	v8 =	vshll.u32 v52, $0x10;
	[tilespmem:s31+$0x50] =	vst v0  }
0xd0: {  	v14 =	vadd.f32 v56, v55;
	v6 =	vadd.f32 v8, v6;
	v0 =	vshll.u32 v11, $0x10;
	v8 =	vld [tilespmem:s1+$0x60]  }
0xd1: {  	[tilespmem:s9+$0xFFFFFF90] =	vst v2;
	v2 =	vand.u32 $0xFFFF0000, v11;
	v11 =	vshll.u32 v53, $0x10;
	v13 =	vand.u32 $0xFFFF0000, v53;
	v57 =	vld [tilespmem:s30+$0x60]  }
0xd2: {  	v3 =	vmax.f32 v3, $0.0e+00;
	v58 =	vld [tilespmem:s0+$0xFFFFFFA0];
	v0 =	vadd.f32 v13, v0;
	v2 =	vadd.f32 v11, v2  }
0xd3: {  	v9 =	vadd.f32 v9, v10;
	v11 =	vmax.f32 v14, $0.0e+00;
	v59 =	vld [tilespmem:s8+$0xFFFFFFA0];
	v6 =	vmax.f32 v6, $0.0e+00  }
0xd4: {  	v6 =	vadd.f32 v6, v11;
	v0 =	vmax.f32 v0, $0.0e+00;
	v2 =	vmax.f32 v2, $0.0e+00  }
0xd5: {  	v3 =	vadd.f32 v3, v7;
	v0 =	vadd.f32 v2, v0;
	v2 =	vshll.u32 v8, $0x10  }
0xd6: {  	[tilespmem:s31+$0xFFFFFFC0] =	vst v6;
	v6 =	vand.u32 $0xFFFF0000, v8;
	v7 =	vshll.u32 v57, $0x10;
	v8 =	vand.u32 $0xFFFF0000, v57  }
0xd7: {  	v11 =	vld [tilespmem:s1+$0xFFFFFFD0];
	v10 =	vshll.u32 v58, $0x10;
	[tilespmem:s9+$0x20] =	vst v0;
	v0 =	vadd.f32 v8, v2;
	v2 =	vadd.f32 v7, v6  }
0xd8: {  	v6 =	vand.u32 $0xFFFF0000, v58;
	v7 =	vshll.u32 v59, $0x10;
	v8 =	vand.u32 $0xFFFF0000, v59;
	v60 =	vld [tilespmem:s0+$0x30]  }
0xd9: {  	v8 =	vadd.f32 v8, v10;
	v10 =	vld [tilespmem:s8+$0x30];
	v0 =	vmax.f32 v0, $0.0e+00;
	v2 =	vmax.f32 v2, $0.0e+00  }
0xda: {  	v61 =	vshll.u32 v5, $0x10;
	[tilespmem:s29+$0xFFFFFFE0] =	vst v3;
	v5 =	vld [tilespmem:s30+$0xFFFFFFD0];
	v6 =	vadd.f32 v7, v6;
	v2 =	vadd.f32 v2, v0  }
0xdb: {  	[tilespmem:s28+$0x70] =	vst v1;
	v12 =	vadd.f32 v61, v12;
	v3 =	vld [tilespmem:s11+$0xFFFFFFF0];
	v0 =	vmax.f32 v9, $0.0e+00;
	v9 =	vmax.f32 v8, $0.0e+00  }
0xdc: {  	v1 =	vmax.f32 v6, $0.0e+00;
	v7 =	vshll.u32 v11, $0x10;
	v8 =	vand.u32 $0xFFFF0000, v11;
	[tilespmem:s31+$0x60] =	vst v2  }
0xdd: {  	v9 =	vadd.f32 v1, v9;
	v1 =	vmax.f32 v12, $0.0e+00;
	v11 =	vshll.u32 v60, $0x10;
	v6 =	vld [tilespmem:s1+$0x70]  }
0xde: {  	s10 =	simm.s32 $0x5380;
	s22 =	simm.s32 $0x6;
	[tilespmem:s29+$0x70] =	vst v4;
	v62 =	vand.u32 $0xFFFF0000, v60;
	v63 =	vshll.u32 v10, $0x10;
	v10 =	vand.u32 $0xFFFF0000, v10;
	v4 =	vld [tilespmem:s30+$0x70]  }
0xdf: {  	s7 =	simm.s32 $0xA280;
	s11 =	simm.s32 $0x7A80;
	v2 =	vld [tilespmem:s6+$0xFFFFFFF0];
	s6 =	sadd.s32 s4, s26;
	[tilespmem:s9+$0xFFFFFFA0] =	vst v9;
	v9 =	vshll.u32 v5, $0x10;
	v10 =	vadd.f32 v10, v11;
	v11 =	vadd.f32 v63, v62  }
.LBB2_3:
0xe0: {  	v12 =	vld [tilespmem:s10+$0x0];
	v13 =	vand.u32 $0xFFFF0000, v5;
	v8 =	vadd.f32 v9, v8;
	v5 =	vshll.u32 v3, $0x10  }
0xe1: {  	s8 =	sadd.s32 $0x100, s8;
	v9 =	vld [tilespmem:s10+$0xFFFFFF80];
	v10 =	vmax.f32 v10, $0.0e+00;
	v11 =	vmax.f32 v11, $0.0e+00;
	v7 =	vadd.f32 v13, v7  }
0xe2: {  	v13 =	vld [tilespmem:s8+$0x0];
	v10 =	vadd.f32 v11, v10;
	v8 =	vmax.f32 v8, $0.0e+00;
	v11 =	vshll.u32 v6, $0x10  }
0xe3: {  	v6 =	vand.u32 $0xFFFF0000, v6;
	v14 =	vld [tilespmem:s8+$0xFFFFFF80];
	v15 =	vshll.u32 v4, $0x10;
	v4 =	vand.u32 $0xFFFF0000, v4  }
0xe4: {  	v7 =	vmax.f32 v7, $0.0e+00;
	v16 =	vld [tilespmem:s0+$0xFFFFFFB0];
	v11 =	vadd.f32 v4, v11;
	v6 =	vadd.f32 v15, v6  }
0xe5: {  	v7 =	vadd.f32 v8, v7;
	v4 =	vand.u32 $0xFFFF0000, v3;
	v15 =	vshll.u32 v12, $0x10;
	v17 =	vld [tilespmem:s11+$0xFFFFFFB0];
	[tilespmem:s9+$0x30] =	vst v10  }
0xe6: {  	v3 =	vand.u32 $0xFFFF0000, v12;
	v8 =	vld [tilespmem:s0+$0x40];
	v10 =	vmax.f32 v11, $0.0e+00;
	v6 =	vmax.f32 v6, $0.0e+00  }
0xe7: {  	v11 =	vshll.u32 v13, $0x10;
	v12 =	vand.u32 $0xFFFF0000, v13;
	v13 =	vld [tilespmem:s11+$0x40];
	[tilespmem:s31+$0xFFFFFFD0] =	vst v7;
	v6 =	vadd.f32 v6, v10  }
0xe8: {  	v7 =	vshll.u32 v9, $0x10;
	v10 =	vadd.f32 v12, v15;
	v3 =	vadd.f32 v11, v3;
	v11 =	vld [tilespmem:s1+$0xFFFFFFE0]  }
0xe9: {  	v9 =	vand.u32 $0xFFFF0000, v9;
	v12 =	vshll.u32 v14, $0x10;
	v14 =	vand.u32 $0xFFFF0000, v14;
	v15 =	vld [tilespmem:s30+$0xFFFFFFE0];
	[tilespmem:s31+$0x70] =	vst v6  }
0xea: {  	s22 =	sadd.s32 $0x2, s22;
	v6 =	vadd.f32 v14, v7;
	v7 =	vmax.f32 v10, $0.0e+00;
	v3 =	vmax.f32 v3, $0.0e+00  }
0xeb: {  	p1 =	slt.u32 s22, $0x4E;
	v9 =	vadd.f32 v12, v9;
	v3 =	vadd.f32 v3, v7;
	v7 =	vshll.u32 v8, $0x10  }
0xec: {  	s9 =	sadd.s32 $0x100, s9;
	v8 =	vand.u32 $0xFFFF0000, v8;
	v10 =	vshll.u32 v13, $0x10;
	v12 =	vand.u32 $0xFFFF0000, v13  }
0xed: {  	v6 =	vmax.f32 v6, $0.0e+00;
	[tilespmem:s9+$0x0] =	vst v3;
	v3 =	vadd.f32 v12, v7;
	v7 =	vadd.f32 v10, v8  }
0xee: {  	v8 =	vmax.f32 v9, $0.0e+00;
	v10 =	vshll.u32 v16, $0x10;
	v12 =	vand.u32 $0xFFFF0000, v16;
	v9 =	vld [tilespmem:s10+$0x10]  }
0xef: {  	v6 =	vadd.f32 v8, v6;
	v8 =	vld [tilespmem:s8+$0x10];
	v3 =	vmax.f32 v3, $0.0e+00;
	v7 =	vmax.f32 v7, $0.0e+00  }
0xf0: {  	v14 =	vand.u32 $0xFFFF0000, v17;
	v13 =	vshll.u32 v17, $0x10;
	v3 =	vadd.f32 v7, v3  }
0xf1: {  	v7 =	vadd.f32 v13, v12;
	[tilespmem:s9+$0xFFFFFF80] =	vst v6;
	v6 =	vadd.f32 v14, v10;
	v10 =	vshll.u32 v11, $0x10  }
0xf2: {  	v13 =	vand.u32 $0xFFFF0000, v15;
	v12 =	vld [tilespmem:s10+$0xFFFFFF90];
	[tilespmem:s7+$0x40] =	vst v3;
	v3 =	vand.u32 $0xFFFF0000, v11;
	v11 =	vshll.u32 v15, $0x10  }
0xf3: {  	v7 =	vmax.f32 v7, $0.0e+00;
	v14 =	vshll.u32 v9, $0x10;
	v6 =	vmax.f32 v6, $0.0e+00;
	v15 =	vld [tilespmem:s0+$0x50]  }
0xf4: {  	v9 =	vand.u32 $0xFFFF0000, v9;
	v16 =	vshll.u32 v8, $0x10;
	v8 =	vand.u32 $0xFFFF0000, v8;
	v17 =	vld [tilespmem:s11+$0x50]  }
0xf5: {  	v18 =	vld [tilespmem:s8+$0xFFFFFF90];
	v8 =	vadd.f32 v8, v14;
	v9 =	vadd.f32 v16, v9;
	v14 =	vshll.u32 v2, $0x10  }
0xf6: {  	v6 =	vadd.f32 v7, v6;
	v7 =	vadd.f32 v13, v10;
	v2 =	vand.u32 $0xFFFF0000, v2  }
0xf7: {  	v10 =	vshll.u32 v12, $0x10;
	v8 =	vmax.f32 v8, $0.0e+00;
	v9 =	vmax.f32 v9, $0.0e+00  }
0xf8: {  	v12 =	vand.u32 $0xFFFF0000, v12;
	v8 =	vadd.f32 v9, v8;
	[tilespmem:s7+$0xFFFFFFB0] =	vst v6;
	v6 =	vshll.u32 v15, $0x10  }
0xf9: {  	v13 =	vand.u32 $0xFFFF0000, v15;
	v9 =	vld [tilespmem:s0+$0xFFFFFFC0];
	v15 =	vshll.u32 v17, $0x10;
	v16 =	vand.u32 $0xFFFF0000, v17  }
0xfa: {  	v17 =	vshll.u32 v18, $0x10;
	[tilespmem:s9+$0x10] =	vst v8;
	v8 =	vld [tilespmem:s11+$0xFFFFFFC0];
	v6 =	vadd.f32 v16, v6;
	v13 =	vadd.f32 v15, v13  }
0xfb: {  	v3 =	vadd.f32 v11, v3;
	v15 =	vand.u32 $0xFFFF0000, v18;
	v12 =	vadd.f32 v17, v12;
	v16 =	vld [tilespmem:s10+$0x20]  }
0xfc: {  	v10 =	vadd.f32 v15, v10;
	v11 =	vld [tilespmem:s8+$0x20];
	v6 =	vmax.f32 v6, $0.0e+00;
	v13 =	vmax.f32 v13, $0.0e+00  }
0xfd: {  	v7 =	vmax.f32 v7, $0.0e+00;
	v12 =	vmax.f32 v12, $0.0e+00;
	v6 =	vadd.f32 v13, v6  }
0xfe: {  	v10 =	vmax.f32 v10, $0.0e+00;
	v13 =	vshll.u32 v9, $0x10;
	v9 =	vand.u32 $0xFFFF0000, v9  }
0xff: {  	v10 =	vadd.f32 v12, v10;
	v12 =	vshll.u32 v8, $0x10;
	v8 =	vand.u32 $0xFFFF0000, v8;
	[tilespmem:s7+$0x50] =	vst v6  }
0x100: {  	v6 =	vshll.u32 v16, $0x10;
	v8 =	vadd.f32 v8, v13;
	v9 =	vadd.f32 v12, v9;
	v12 =	vld [tilespmem:s0+$0x60]  }
0x101: {  	[tilespmem:s9+$0xFFFFFF90] =	vst v10;
	v10 =	vand.u32 $0xFFFF0000, v16;
	v13 =	vshll.u32 v11, $0x10;
	v11 =	vand.u32 $0xFFFF0000, v11;
	v15 =	vld [tilespmem:s11+$0x60]  }
0x102: {  	v16 =	vld [tilespmem:s10+$0xFFFFFFA0];
	v6 =	vadd.f32 v11, v6;
	v10 =	vadd.f32 v13, v10;
	v8 =	vmax.f32 v8, $0.0e+00  }
0x103: {  	v3 =	vmax.f32 v3, $0.0e+00;
	v2 =	vadd.f32 v2, v5;
	v9 =	vmax.f32 v9, $0.0e+00;
	v11 =	vld [tilespmem:s8+$0xFFFFFFA0]  }
0x104: {  	v8 =	vadd.f32 v9, v8;
	v5 =	vmax.f32 v6, $0.0e+00;
	v6 =	vmax.f32 v10, $0.0e+00  }
0x105: {  	v3 =	vadd.f32 v3, v7;
	v5 =	vadd.f32 v6, v5;
	v6 =	vshll.u32 v12, $0x10  }
0x106: {  	v7 =	vand.u32 $0xFFFF0000, v12;
	[tilespmem:s7+$0xFFFFFFC0] =	vst v8;
	v8 =	vshll.u32 v15, $0x10;
	v9 =	vand.u32 $0xFFFF0000, v15  }
0x107: {  	v10 =	vshll.u32 v16, $0x10;
	[tilespmem:s9+$0x20] =	vst v5;
	v12 =	vld [tilespmem:s0+$0xFFFFFFD0];
	v5 =	vadd.f32 v9, v6;
	v6 =	vadd.f32 v8, v7  }
0x108: {  	v7 =	vand.u32 $0xFFFF0000, v16;
	v8 =	vshll.u32 v11, $0x10;
	v9 =	vand.u32 $0xFFFF0000, v11;
	v11 =	vld [tilespmem:s10+$0x30];
	[tilespmem:s31+$0xFFFFFFE0] =	vst v3  }
0x109: {  	v3 =	vadd.f32 v9, v10;
	v9 =	vld [tilespmem:s8+$0x30];
	v10 =	vmax.f32 v5, $0.0e+00;
	v6 =	vmax.f32 v6, $0.0e+00  }
0x10a: {  	v2 =	vmax.f32 v2, $0.0e+00;
	v7 =	vadd.f32 v8, v7;
	v5 =	vld [tilespmem:s11+$0xFFFFFFD0];
	v6 =	vadd.f32 v6, v10  }
.Ltmp0:
0x10b: {  	v4 =	vadd.f32 v14, v4;
	v13 =	vadd.f32 v1, v0;
	v0 =	vmovc v2;
	v10 =	vmax.f32 v3, $0.0e+00;
	v3 =	vld [tilespmem:s1+$0xFFFFFFF0];
	s1 =	smov.u32 s0;
	s0 =	smov.u32 s10;
	(pc) =	sbr.rel @p1 .LBB2_3-.Ltmp0, $4  }
0x10c: {  	v1 =	vmax.f32 v7, $0.0e+00;
	v7 =	vshll.u32 v12, $0x10;
	v8 =	vand.u32 $0xFFFF0000, v12;
	[tilespmem:s7+$0x60] =	vst v6;
	v2 =	vld [tilespmem:s30+$0xFFFFFFF0];
	s30 =	smov.u32 s11;
	s11 =	smov.u32 s8  }
0x10d: {  	v10 =	vadd.f32 v1, v10;
	v1 =	vmax.f32 v4, $0.0e+00;
	v12 =	vshll.u32 v11, $0x10;
	v6 =	vld [tilespmem:s1+$0x70];
	[tilespmem:s28+$0xFFFFFFF0] =	vst v13;
	s28 =	smov.u32 s29;
	s29 =	smov.u32 s31;
	s31 =	smov.u32 s7  }
0x10e: {  	v11 =	vand.u32 $0xFFFF0000, v11;
	s7 =	smov.u32 s9;
	v13 =	vshll.u32 v9, $0x10;
	v9 =	vand.u32 $0xFFFF0000, v9;
	v4 =	vld [tilespmem:s30+$0x70]  }
0x10f: {  	s10 =	sadd.s32 $0x100, s10;
	[tilespmem:s9+$0xFFFFFFA0] =	vst v10;
	v10 =	vadd.f32 v9, v12;
	v11 =	vadd.f32 v13, v11;
	v9 =	vshll.u32 v5, $0x10  }
0x110: {  	v12 =	vld [tilespmem:s0+$0xFFFFFFB0]  }
0x111: {  	v13 =	vld [tilespmem:s11+$0xFFFFFFB0];
	_ =	sdelay $0x1  }
0x112: {  	v10 =	vmax.f32 v10, $0.0e+00;
	v11 =	vmax.f32 v11, $0.0e+00  }
0x113: {  	v10 =	vadd.f32 v11, v10  }
0x114: {  	v11 =	vshll.u32 v12, $0x10  }
0x115: {  	[tilespmem:s9+$0x30] =	vst v10;
	v10 =	vand.u32 $0xFFFF0000, v12;
	v59 =	vshll.u32 v13, $0x10;
	v13 =	vand.u32 $0xFFFF0000, v13  }
0x116: {  	v14 =	vld [tilespmem:s0+$0x40];
	v11 =	vadd.f32 v13, v11;
	v10 =	vadd.f32 v59, v10  }
0x117: {  	v60 =	vld [tilespmem:s11+$0x40]  }
0x118: {  	v11 =	vmax.f32 v11, $0.0e+00;
	v10 =	vmax.f32 v10, $0.0e+00  }
0x119: {  	v10 =	vadd.f32 v10, v11;
	_ =	sdelay $0x1  }
0x11a: {  	v11 =	vshll.u32 v14, $0x10;
	[tilespmem:s7+$0xFFFFFFB0] =	vst v10  }
0x11b: {  	v61 =	vshll.u32 v60, $0x10;
	v12 =	vand.u32 $0xFFFF0000, v60;
	v10 =	vand.u32 $0xFFFF0000, v14;
	v62 =	vld [tilespmem:s0+$0xFFFFFFC0]  }
0x11c: {  	v11 =	vadd.f32 v12, v11;
	v10 =	vadd.f32 v61, v10;
	v63 =	vld [tilespmem:s11+$0xFFFFFFC0];
	_ =	sdelay $0x1  }
0x11d: {  	v11 =	vmax.f32 v11, $0.0e+00;
	v10 =	vmax.f32 v10, $0.0e+00  }
0x11e: {  	v10 =	vadd.f32 v10, v11  }
0x11f: {  	v11 =	vshll.u32 v62, $0x10  }
0x120: {  	[tilespmem:s7+$0x40] =	vst v10;
	v10 =	vand.u32 $0xFFFF0000, v62;
	v16 =	vshll.u32 v63, $0x10;
	v12 =	vand.u32 $0xFFFF0000, v63  }
0x121: {  	v17 =	vld [tilespmem:s0+$0x50];
	v11 =	vadd.f32 v12, v11;
	v10 =	vadd.f32 v16, v10  }
0x122: {  	v18 =	vld [tilespmem:s11+$0x50]  }
0x123: {  	v11 =	vmax.f32 v11, $0.0e+00;
	v10 =	vmax.f32 v10, $0.0e+00  }
0x124: {  	v8 =	vadd.f32 v9, v8;
	v9 =	vadd.f32 v10, v11  }
0x125: {  	v5 =	vand.u32 $0xFFFF0000, v5  }
0x126: {  	v5 =	vadd.f32 v5, v7;
	v7 =	vmax.f32 v8, $0.0e+00;
	v8 =	vshll.u32 v17, $0x10;
	[tilespmem:s7+$0xFFFFFFC0] =	vst v9  }
0x127: {  	v9 =	vand.u32 $0xFFFF0000, v17;
	v10 =	vshll.u32 v18, $0x10;
	v11 =	vand.u32 $0xFFFF0000, v18;
	v19 =	vld [tilespmem:s0+$0xFFFFFFD0]  }
0x128: {  	v5 =	vmax.f32 v5, $0.0e+00;
	v8 =	vadd.f32 v11, v8;
	v9 =	vadd.f32 v10, v9;
	v10 =	vld [tilespmem:s11+$0xFFFFFFD0]  }
0x129: {  	v5 =	vadd.f32 v7, v5  }
0x12a: {  	v7 =	vmax.f32 v8, $0.0e+00;
	v8 =	vmax.f32 v9, $0.0e+00  }
0x12b: {  	[tilespmem:s31+$0xFFFFFFD0] =	vst v5;
	v5 =	vadd.f32 v8, v7  }
0x12c: {  	v9 =	vld [tilespmem:s30+$0xFFFFFFE0];
	v8 =	vshll.u32 v19, $0x10  }
0x12d: {  	v7 =	vld [tilespmem:s1+$0xFFFFFFE0];
	[tilespmem:s7+$0x50] =	vst v5;
	v5 =	vand.u32 $0xFFFF0000, v19;
	v11 =	vshll.u32 v10, $0x10;
	v10 =	vand.u32 $0xFFFF0000, v10  }
0x12e: {  	v20 =	vld [tilespmem:s0+$0x60];
	v5 =	vadd.f32 v11, v5;
	v8 =	vadd.f32 v10, v8  }
0x12f: {  	v10 =	vld [tilespmem:s11+$0x60]  }
0x130: {  	v5 =	vmax.f32 v5, $0.0e+00;
	v8 =	vmax.f32 v8, $0.0e+00  }
0x131: {  	v5 =	vadd.f32 v5, v8  }
0x132: {  	v11 =	vshll.u32 v9, $0x10  }
0x133: {  	v9 =	vand.u32 $0xFFFF0000, v9;
	v8 =	vshll.u32 v7, $0x10;
	v21 =	vshll.u32 v20, $0x10;
	[tilespmem:s7+$0xFFFFFFD0] =	vst v5  }
0x134: {  	v5 =	vand.u32 $0xFFFF0000, v20;
	v22 =	vshll.u32 v10, $0x10;
	v10 =	vand.u32 $0xFFFF0000, v10;
	v23 =	vld [tilespmem:s0+$0xFFFFFFE0]  }
0x135: {  	v7 =	vand.u32 $0xFFFF0000, v7;
	v10 =	vadd.f32 v10, v21;
	v5 =	vadd.f32 v22, v5;
	v24 =	vld [tilespmem:s11+$0xFFFFFFE0]  }
0x136: {  	v25 =	vshll.u32 v6, $0x10;
	v8 =	vadd.f32 v9, v8;
	v7 =	vadd.f32 v11, v7  }
0x137: {  	v6 =	vand.u32 $0xFFFF0000, v6;
	v9 =	vmax.f32 v10, $0.0e+00;
	v5 =	vmax.f32 v5, $0.0e+00  }
0x138: {  	v8 =	vmax.f32 v8, $0.0e+00;
	v7 =	vmax.f32 v7, $0.0e+00;
	v5 =	vadd.f32 v5, v9  }
0x139: {  	v7 =	vadd.f32 v7, v8;
	v9 =	vshll.u32 v4, $0x10;
	v8 =	vshll.u32 v23, $0x10  }
0x13a: {  	[tilespmem:s7+$0x60] =	vst v5;
	v5 =	vand.u32 $0xFFFF0000, v23;
	v10 =	vshll.u32 v24, $0x10;
	v11 =	vand.u32 $0xFFFF0000, v24  }
0x13b: {  	v4 =	vand.u32 $0xFFFF0000, v4;
	v26 =	vld [tilespmem:s0+$0x70];
	v8 =	vadd.f32 v11, v8;
	v5 =	vadd.f32 v10, v5  }
0x13c: {  	v4 =	vadd.f32 v4, v25;
	v6 =	vadd.f32 v9, v6;
	v9 =	vld [tilespmem:s11+$0x70]  }
0x13d: {  	v0 =	vadd.f32 v1, v0;
	[tilespmem:s31+$0xFFFFFFE0] =	vst v7;
	v7 =	vmax.f32 v8, $0.0e+00;
	v5 =	vmax.f32 v5, $0.0e+00  }
0x13e: {  	v4 =	vmax.f32 v4, $0.0e+00;
	v6 =	vmax.f32 v6, $0.0e+00;
	v8 =	vld [tilespmem:s1+$0xFFFFFFF0];
	v5 =	vadd.f32 v5, v7  }
0x13f: {  	v10 =	vshll.u32 v3, $0x10;
	v4 =	vadd.f32 v6, v4;
	v6 =	vand.u32 $0xFFFF0000, v2  }
0x140: {  	v3 =	vand.u32 $0xFFFF0000, v3;
	v6 =	vadd.f32 v6, v10;
	v7 =	vld [tilespmem:s30+$0xFFFFFFF0];
	v10 =	vshll.u32 v26, $0x10;
	[tilespmem:s7+$0xFFFFFFE0] =	vst v5  }
0x141: {  	v5 =	vand.u32 $0xFFFF0000, v26;
	v11 =	vshll.u32 v9, $0x10;
	v9 =	vand.u32 $0xFFFF0000, v9;
	v27 =	vld [tilespmem:s0+$0xFFFFFFF0]  }
0x142: {  	v2 =	vshll.u32 v2, $0x10;
	v9 =	vadd.f32 v9, v10;
	v5 =	vadd.f32 v11, v5;
	v10 =	vld [tilespmem:s11+$0xFFFFFFF0]  }
0x143: {  	v2 =	vadd.f32 v2, v3;
	v6 =	vmax.f32 v6, $0.0e+00;
	v1 =	vshll.u32 v8, $0x10  }
0x144: {  	v3 =	vand.u32 $0xFFFF0000, v8;
	v8 =	vmax.f32 v9, $0.0e+00;
	v5 =	vmax.f32 v5, $0.0e+00  }
0x145: {  	v5 =	vadd.f32 v5, v8;
	v8 =	vshll.u32 v7, $0x10;
	v7 =	vand.u32 $0xFFFF0000, v7  }
0x146: {  	v1 =	vadd.f32 v7, v1;
	v3 =	vadd.f32 v8, v3;
	v7 =	vshll.u32 v27, $0x10  }
0x147: {  	v8 =	vand.u32 $0xFFFF0000, v27;
	v9 =	vshll.u32 v10, $0x10;
	v10 =	vand.u32 $0xFFFF0000, v10  }
0x148: {  	[tilespmem:s31+$0x70] =	vst v4;
	v2 =	vmax.f32 v2, $0.0e+00;
	v4 =	vadd.f32 v10, v7;
	v7 =	vadd.f32 v9, v8  }
0x149: {  	[tilespmem:s28+$0xFFFFFFF0] =	vst v0;
	v0 =	vmax.f32 v1, $0.0e+00;
	v1 =	vadd.f32 v2, v6;
	v2 =	vmax.f32 v3, $0.0e+00  }
0x14a: {  	[tilespmem:s7+$0x70] =	vst v5;
	v0 =	vadd.f32 v2, v0;
	v3 =	vmax.f32 v4, $0.0e+00;
	v2 =	vmax.f32 v7, $0.0e+00  }
0x14b: {  	[tilespmem:s29+$0xFFFFFFF0] =	vst v1;
	v1 =	vadd.f32 v2, v3  }
0x14c: {  	s6 =	sshll.u32 s6, $0x4;
	[tilespmem:s31+$0xFFFFFFF0] =	vst v0  }
0x14d: {  	s0 =	sadd.s32 s5, s6;
	[tilespmem:s7+$0xFFFFFFF0] =	vst v1  }
0x14e: {  	[hbm4b:s0+s3] =	stream.linear.scatter [tilespmem:s18], [sflag:$0x3], $0x2800, $0x38;
	[tilespmem:$0x13F00] =	vst v63  }
0x14f: {  	s8 =	sadd.s32 $0xA0, s26  }
0x150: {  	[tilespmem:s13], [sflag:$0x1] =	stream.indirect.gather [hbm4b:s2+s12], $0x80, s8, s12, $0xb8;
	[tilespmem:$0x13F00] =	vst v63  }
0x151: {  	s9 =	sadd.s32 $0x2820, s26  }
0x152: {  	[tilespmem:s14], [sflag:$0x1] =	stream.indirect.gather [hbm4b:s2+s12], $0x80, s9, s12, $0xb8;
	[tilespmem:$0x13F00] =	vst v63  }
0x153: {  	_ =	swait.ge [sflag:s19], $0x2800  }
0x154: {  	[sflag:s19] =	ssyncset.done $0x0  }
0x155: {  	[sflag:s19] =	ssyncadd.s32 $0xFFFFD800  }
0x156: {  	_ =	swait.ge [sflag:s19], $0x2800  }
0x157: {  	[sflag:s19] =	ssyncset.done $0x0  }
0x158: {  	s0 =	simm.s32 @!p0 $0x4;
	[sflag:s19] =	ssyncadd.s32 $0xFFFFD800  }
0x159: {  	_ =	swait.ge @!p0 [sflag:s0], $0x2800  }
0x15a: {  	[sflag:s0] =	ssyncset.done @!p0 $0x0  }
0x15b: {  	s10 =	simm.s32 $0xC780;
	[sflag:s0] =	ssyncadd.s32 @!p0 $0xFFFFD800  }
0x15c: {  	s11 =	simm.s32 $0xEF80;
	v0 =	vld [tilespmem:s10+$0x0]  }
0x15d: {  	v1 =	vld [tilespmem:s11+$0x0];
	_ =	sdelay $0x3  }
0x15e: {  	v2 =	vshll.u32 v0, $0x10  }
0x15f: {  	v0 =	vand.u32 $0xFFFF0000, v0;
	v3 =	vshll.u32 v1, $0x10;
	v1 =	vand.u32 $0xFFFF0000, v1  }
0x160: {  	v1 =	vadd.f32 v1, v2;
	v0 =	vadd.f32 v3, v0;
	_ =	sdelay $0x1  }
0x161: {  	v2 =	vld [tilespmem:s10+$0xFFFFFF80];
	v1 =	vmax.f32 v1, $0.0e+00;
	v0 =	vmax.f32 v0, $0.0e+00  }
0x162: {  	v3 =	vld [tilespmem:s11+$0xFFFFFF80];
	v0 =	vadd.f32 v0, v1  }
0x163: {  	s26 =	simm.s32 $0x11780  }
0x164: {  	[tilespmem:s26+$0x0] =	vst v0  }
0x165: {  	v0 =	vld [tilespmem:s10+$0x10]  }
0x166: {  	v1 =	vld [tilespmem:s11+$0x10]  }
0x167: {  	v4 =	vshll.u32 v2, $0x10;
	v5 =	vand.u32 $0xFFFF0000, v3  }
0x168: {  	v4 =	vadd.f32 v5, v4  }
0x169: {  	v2 =	vand.u32 $0xFFFF0000, v2;
	v3 =	vshll.u32 v3, $0x10  }
0x16a: {  	v2 =	vadd.f32 v3, v2;
	v3 =	vmax.f32 v4, $0.0e+00;
	v4 =	vshll.u32 v0, $0x10  }
0x16b: {  	v0 =	vand.u32 $0xFFFF0000, v0;
	v5 =	vshll.u32 v1, $0x10;
	v1 =	vand.u32 $0xFFFF0000, v1  }
0x16c: {  	v2 =	vmax.f32 v2, $0.0e+00;
	v1 =	vadd.f32 v1, v4;
	v0 =	vadd.f32 v5, v0  }
0x16d: {  	v2 =	vadd.f32 v2, v3  }
0x16e: {  	v1 =	vmax.f32 v1, $0.0e+00;
	v0 =	vmax.f32 v0, $0.0e+00  }
0x16f: {  	[tilespmem:s26+$0xFFFFFF80] =	vst v2;
	v0 =	vadd.f32 v0, v1  }
0x170: {  	v2 =	vld [tilespmem:s11+$0xFFFFFF90]  }
0x171: {  	v1 =	vld [tilespmem:s10+$0xFFFFFF90];
	[tilespmem:s26+$0x10] =	vst v0  }
0x172: {  	v0 =	vld [tilespmem:s10+$0x20]  }
0x173: {  	v3 =	vld [tilespmem:s11+$0x20];
	_ =	sdelay $0x1  }
0x174: {  	v5 =	vshll.u32 v2, $0x10  }
0x175: {  	v2 =	vand.u32 $0xFFFF0000, v2;
	v4 =	vshll.u32 v1, $0x10;
	v1 =	vand.u32 $0xFFFF0000, v1  }
0x176: {  	v1 =	vadd.f32 v5, v1;
	v2 =	vadd.f32 v2, v4;
	v4 =	vshll.u32 v0, $0x10  }
0x177: {  	v0 =	vand.u32 $0xFFFF0000, v0;
	v5 =	vshll.u32 v3, $0x10;
	v3 =	vand.u32 $0xFFFF0000, v3  }
0x178: {  	v3 =	vadd.f32 v3, v4;
	v0 =	vadd.f32 v5, v0  }
0x179: {  	v1 =	vmax.f32 v1, $0.0e+00;
	v2 =	vmax.f32 v2, $0.0e+00  }
0x17a: {  	v1 =	vadd.f32 v1, v2;
	v2 =	vmax.f32 v3, $0.0e+00;
	v0 =	vmax.f32 v0, $0.0e+00  }
0x17b: {  	v0 =	vadd.f32 v0, v2  }
0x17c: {  	[tilespmem:s26+$0xFFFFFF90] =	vst v1  }
0x17d: {  	v1 =	vld [tilespmem:s10+$0xFFFFFFA0];
	[tilespmem:s26+$0x20] =	vst v0  }
0x17e: {  	v0 =	vld [tilespmem:s10+$0x30]  }
0x17f: {  	v2 =	vld [tilespmem:s11+$0x30]  }
0x180: {  	v3 =	vld [tilespmem:s11+$0xFFFFFFA0];
	_ =	sdelay $0x2  }
0x181: {  	v4 =	vshll.u32 v1, $0x10;
	v5 =	vshll.u32 v0, $0x10  }
0x182: {  	s22 =	simm.s32 $0xC880;
	v0 =	vand.u32 $0xFFFF0000, v0;
	v6 =	vshll.u32 v2, $0x10;
	v2 =	vand.u32 $0xFFFF0000, v2  }
0x183: {  	s31 =	simm.s32 $0xF080;
	v7 =	vand.u32 $0xFFFF0000, v3;
	v2 =	vadd.f32 v2, v5;
	v0 =	vadd.f32 v6, v0;
	v5 =	vld [tilespmem:s22+$0x0]  }
0x184: {  	v1 =	vand.u32 $0xFFFF0000, v1;
	v3 =	vshll.u32 v3, $0x10;
	v4 =	vadd.f32 v7, v4;
	v6 =	vld [tilespmem:s31+$0x0]  }
0x185: {  	v1 =	vadd.f32 v3, v1;
	v2 =	vmax.f32 v2, $0.0e+00;
	v0 =	vmax.f32 v0, $0.0e+00  }
0x186: {  	v3 =	vld [tilespmem:s22+$0xFFFFFF80];
	v0 =	vadd.f32 v0, v2  }
0x187: {  	v1 =	vmax.f32 v1, $0.0e+00;
	v2 =	vmax.f32 v4, $0.0e+00;
	v4 =	vld [tilespmem:s31+$0xFFFFFF80]  }
0x188: {  	v1 =	vadd.f32 v1, v2;
	v2 =	vshll.u32 v5, $0x10;
	[tilespmem:s26+$0x30] =	vst v0  }
0x189: {  	v0 =	vand.u32 $0xFFFF0000, v5;
	v7 =	vshll.u32 v6, $0x10;
	v6 =	vand.u32 $0xFFFF0000, v6;
	v5 =	vld [tilespmem:s10+$0x40]  }
0x18a: {  	v8 =	vld [tilespmem:s11+$0x40];
	v2 =	vadd.f32 v6, v2;
	v0 =	vadd.f32 v7, v0  }
0x18b: {  	[tilespmem:s26+$0xFFFFFFA0] =	vst v1;
	v1 =	vshll.u32 v3, $0x10;
	v3 =	vand.u32 $0xFFFF0000, v3  }
0x18c: {  	v6 =	vld [tilespmem:s10+$0xFFFFFFB0];
	v7 =	vand.u32 $0xFFFF0000, v4;
	v2 =	vmax.f32 v2, $0.0e+00;
	v0 =	vmax.f32 v0, $0.0e+00  }
0x18d: {  	v9 =	vld [tilespmem:s11+$0xFFFFFFB0];
	v4 =	vshll.u32 v4, $0x10;
	v1 =	vadd.f32 v7, v1;
	v0 =	vadd.f32 v0, v2  }
0x18e: {  	s28 =	simm.s32 $0x11880;
	v2 =	vadd.f32 v4, v3;
	v3 =	vshll.u32 v5, $0x10;
	v4 =	vand.u32 $0xFFFF0000, v5  }
0x18f: {  	v5 =	vshll.u32 v8, $0x10;
	v7 =	vand.u32 $0xFFFF0000, v8;
	v1 =	vmax.f32 v1, $0.0e+00;
	[tilespmem:s28+$0x0] =	vst v0  }
0x190: {  	v2 =	vmax.f32 v2, $0.0e+00;
	v0 =	vadd.f32 v7, v3;
	v3 =	vadd.f32 v5, v4;
	v4 =	vld [tilespmem:s22+$0x10]  }
0x191: {  	v5 =	vshll.u32 v6, $0x10;
	v1 =	vadd.f32 v2, v1;
	v2 =	vld [tilespmem:s31+$0x10]  }
0x192: {  	v7 =	vand.u32 $0xFFFF0000, v9;
	v0 =	vmax.f32 v0, $0.0e+00;
	v3 =	vmax.f32 v3, $0.0e+00  }
0x193: {  	v0 =	vadd.f32 v3, v0;
	v3 =	vadd.f32 v7, v5  }
0x194: {  	[tilespmem:s28+$0xFFFFFF80] =	vst v1;
	v5 =	vand.u32 $0xFFFF0000, v6;
	v6 =	vshll.u32 v9, $0x10  }
0x195: {  	v1 =	vadd.f32 v6, v5;
	v5 =	vld [tilespmem:s22+$0xFFFFFF90];
	[tilespmem:s26+$0x40] =	vst v0;
	v0 =	vshll.u32 v4, $0x10;
	v3 =	vmax.f32 v3, $0.0e+00  }
0x196: {  	v4 =	vand.u32 $0xFFFF0000, v4;
	v7 =	vshll.u32 v2, $0x10;
	v2 =	vand.u32 $0xFFFF0000, v2;
	v6 =	vld [tilespmem:s10+$0x50]  }
0x197: {  	v1 =	vmax.f32 v1, $0.0e+00;
	v8 =	vld [tilespmem:s11+$0x50];
	v0 =	vadd.f32 v2, v0;
	v2 =	vadd.f32 v7, v4  }
0x198: {  	v4 =	vld [tilespmem:s31+$0xFFFFFF90];
	v1 =	vadd.f32 v1, v3  }
0x199: {  	v0 =	vmax.f32 v0, $0.0e+00;
	v2 =	vmax.f32 v2, $0.0e+00  }
0x19a: {  	v0 =	vadd.f32 v2, v0;
	[tilespmem:s26+$0xFFFFFFB0] =	vst v1  }
0x19b: {  	v1 =	vand.u32 $0xFFFF0000, v5;
	v3 =	vld [tilespmem:s10+$0xFFFFFFC0];
	v2 =	vshll.u32 v6, $0x10  }
0x19c: {  	v6 =	vand.u32 $0xFFFF0000, v6;
	v7 =	vshll.u32 v8, $0x10;
	v8 =	vand.u32 $0xFFFF0000, v8;
	[tilespmem:s28+$0x10] =	vst v0;
	v0 =	vld [tilespmem:s11+$0xFFFFFFC0]  }
0x19d: {  	v9 =	vshll.u32 v4, $0x10;
	v2 =	vadd.f32 v8, v2;
	v6 =	vadd.f32 v7, v6;
	v7 =	vld [tilespmem:s22+$0x20]  }
0x19e: {  	v5 =	vshll.u32 v5, $0x10;
	v4 =	vand.u32 $0xFFFF0000, v4;
	v1 =	vadd.f32 v9, v1;
	v8 =	vld [tilespmem:s31+$0x20]  }
0x19f: {  	v4 =	vadd.f32 v4, v5;
	v2 =	vmax.f32 v2, $0.0e+00;
	v5 =	vmax.f32 v6, $0.0e+00  }
0x1a0: {  	v1 =	vmax.f32 v1, $0.0e+00;
	v2 =	vadd.f32 v5, v2  }
0x1a1: {  	v4 =	vmax.f32 v4, $0.0e+00;
	v5 =	vshll.u32 v3, $0x10;
	v3 =	vand.u32 $0xFFFF0000, v3  }
0x1a2: {  	v1 =	vadd.f32 v1, v4;
	v4 =	vshll.u32 v0, $0x10;
	[tilespmem:s26+$0x50] =	vst v2;
	v2 =	vshll.u32 v7, $0x10  }
0x1a3: {  	v7 =	vand.u32 $0xFFFF0000, v7;
	v9 =	vshll.u32 v8, $0x10;
	v8 =	vand.u32 $0xFFFF0000, v8;
	v6 =	vld [tilespmem:s10+$0x60]  }
0x1a4: {  	v0 =	vand.u32 $0xFFFF0000, v0;
	v10 =	vld [tilespmem:s11+$0x60];
	v2 =	vadd.f32 v8, v2;
	v7 =	vadd.f32 v9, v7  }
0x1a5: {  	v0 =	vadd.f32 v0, v5;
	v3 =	vadd.f32 v4, v3  }
0x1a6: {  	v2 =	vmax.f32 v2, $0.0e+00;
	v4 =	vmax.f32 v7, $0.0e+00  }
0x1a7: {  	[tilespmem:s28+$0xFFFFFF90] =	vst v1;
	v0 =	vmax.f32 v0, $0.0e+00;
	v1 =	vmax.f32 v3, $0.0e+00;
	v2 =	vadd.f32 v4, v2  }
0x1a8: {  	v3 =	vld [tilespmem:s22+$0xFFFFFFA0];
	v0 =	vadd.f32 v1, v0  }
0x1a9: {  	v4 =	vld [tilespmem:s31+$0xFFFFFFA0];
	v1 =	vshll.u32 v6, $0x10;
	v5 =	vand.u32 $0xFFFF0000, v6;
	v6 =	vshll.u32 v10, $0x10;
	[tilespmem:s28+$0x20] =	vst v2  }
0x1aa: {  	v7 =	vand.u32 $0xFFFF0000, v10;
	v2 =	vadd.f32 v6, v5;
	v5 =	vld [tilespmem:s22+$0x30]  }
0x1ab: {  	v1 =	vadd.f32 v7, v1;
	v6 =	vld [tilespmem:s31+$0x30]  }
0x1ac: {  	[tilespmem:s26+$0xFFFFFFC0] =	vst v0  }
0x1ad: {  	v8 =	vld [tilespmem:s11+$0xFFFFFFD0];
	v0 =	vmax.f32 v1, $0.0e+00;
	v1 =	vmax.f32 v2, $0.0e+00  }
0x1ae: {  	v2 =	vld [tilespmem:s10+$0xFFFFFFD0];
	v7 =	vand.u32 $0xFFFF0000, v4;
	v0 =	vadd.f32 v1, v0;
	v1 =	vshll.u32 v3, $0x10  }
0x1af: {  	v4 =	vshll.u32 v4, $0x10;
	v3 =	vand.u32 $0xFFFF0000, v3;
	v1 =	vadd.f32 v7, v1  }
0x1b0: {  	[tilespmem:s26+$0x60] =	vst v0;
	v0 =	vshll.u32 v5, $0x10;
	v9 =	vshll.u32 v6, $0x10;
	v6 =	vand.u32 $0xFFFF0000, v6  }
0x1b1: {  	s29 =	simm.s32 $0xF180;
	v3 =	vadd.f32 v4, v3;
	v5 =	vand.u32 $0xFFFF0000, v5;
	v0 =	vadd.f32 v6, v0  }
0x1b2: {  	v11 =	vld [tilespmem:s29+$0x0];
	v5 =	vadd.f32 v9, v5;
	v1 =	vmax.f32 v1, $0.0e+00;
	v9 =	vshll.u32 v8, $0x10  }
0x1b3: {  	s1 =	simm.s32 $0xC980;
	v7 =	vld [tilespmem:s10+$0x70];
	v3 =	vmax.f32 v3, $0.0e+00;
	v4 =	vand.u32 $0xFFFF0000, v2;
	v2 =	vshll.u32 v2, $0x10  }
0x1b4: {  	v6 =	vld [tilespmem:s1+$0x0];
	v1 =	vadd.f32 v3, v1;
	v0 =	vmax.f32 v0, $0.0e+00;
	v5 =	vmax.f32 v5, $0.0e+00  }
0x1b5: {  	v3 =	vand.u32 $0xFFFF0000, v8;
	v4 =	vadd.f32 v9, v4;
	v9 =	vld [tilespmem:s1+$0xFFFFFF80];
	v0 =	vadd.f32 v5, v0  }
0x1b6: {  	v2 =	vadd.f32 v3, v2;
	v5 =	vld [tilespmem:s29+$0xFFFFFF80]  }
0x1b7: {  	v29 =	vshll.u32 v11, $0x10;
	v11 =	vand.u32 $0xFFFF0000, v11;
	[tilespmem:s28+$0x30] =	vst v0  }
0x1b8: {  	v3 =	vmax.f32 v4, $0.0e+00;
	v2 =	vmax.f32 v2, $0.0e+00;
	v4 =	vshll.u32 v7, $0x10;
	v28 =	vld [tilespmem:s22+$0x40]  }
0x1b9: {  	v0 =	vand.u32 $0xFFFF0000, v7;
	v8 =	vshll.u32 v6, $0x10;
	v6 =	vand.u32 $0xFFFF0000, v6;
	v30 =	vld [tilespmem:s31+$0x40]  }
0x1ba: {  	v10 =	vld [tilespmem:s11+$0x70];
	v8 =	vadd.f32 v11, v8;
	v6 =	vadd.f32 v29, v6;
	v15 =	vshll.u32 v9, $0x10  }
0x1bb: {  	[tilespmem:s28+$0xFFFFFFA0] =	vst v1;
	v1 =	vand.u32 $0xFFFF0000, v9;
	v9 =	vshll.u32 v5, $0x10;
	v5 =	vand.u32 $0xFFFF0000, v5  }
0x1bc: {  	v31 =	vld [tilespmem:s31+$0xFFFFFFB0];
	v8 =	vmax.f32 v8, $0.0e+00;
	v6 =	vmax.f32 v6, $0.0e+00;
	v5 =	vadd.f32 v5, v15  }
0x1bd: {  	v11 =	vld [tilespmem:s22+$0xFFFFFFB0];
	v1 =	vadd.f32 v9, v1;
	v6 =	vadd.f32 v6, v8;
	v8 =	vshll.u32 v28, $0x10  }
0x1be: {  	s30 =	simm.s32 $0x11980;
	v9 =	vand.u32 $0xFFFF0000, v28;
	v32 =	vshll.u32 v30, $0x10;
	v14 =	vand.u32 $0xFFFF0000, v30  }
0x1bf: {  	v7 =	vand.u32 $0xFFFF0000, v10;
	[tilespmem:s30+$0x0] =	vst v6;
	v6 =	vadd.f32 v14, v8;
	v8 =	vadd.f32 v32, v9  }
0x1c0: {  	v2 =	vadd.f32 v3, v2;
	v3 =	vmax.f32 v5, $0.0e+00;
	v1 =	vmax.f32 v1, $0.0e+00;
	v5 =	vld [tilespmem:s1+$0x10]  }
0x1c1: {  	v1 =	vadd.f32 v1, v3;
	v3 =	vld [tilespmem:s29+$0x10];
	v6 =	vmax.f32 v6, $0.0e+00;
	v8 =	vmax.f32 v8, $0.0e+00  }
0x1c2: {  	[tilespmem:s26+$0xFFFFFFD0] =	vst v2;
	v2 =	vshll.u32 v11, $0x10;
	v9 =	vand.u32 $0xFFFF0000, v31;
	v6 =	vadd.f32 v8, v6  }
0x1c3: {  	v4 =	vadd.f32 v7, v4;
	v7 =	vld [tilespmem:s10+$0xFFFFFFE0];
	[tilespmem:s30+$0xFFFFFF80] =	vst v1;
	v1 =	vadd.f32 v9, v2;
	v8 =	vshll.u32 v10, $0x10  }
0x1c4: {  	v2 =	vand.u32 $0xFFFF0000, v11;
	v9 =	vld [tilespmem:s1+$0xFFFFFF90];
	v0 =	vadd.f32 v8, v0;
	v8 =	vshll.u32 v31, $0x10;
	[tilespmem:s28+$0x40] =	vst v6  }
0x1c5: {  	v1 =	vmax.f32 v1, $0.0e+00;
	v2 =	vadd.f32 v8, v2;
	v6 =	vshll.u32 v5, $0x10;
	v8 =	vld [tilespmem:s22+$0x50]  }
0x1c6: {  	v5 =	vand.u32 $0xFFFF0000, v5;
	v10 =	vshll.u32 v3, $0x10;
	v3 =	vand.u32 $0xFFFF0000, v3;
	v11 =	vld [tilespmem:s31+$0x50]  }
0x1c7: {  	v33 =	vld [tilespmem:s29+$0xFFFFFF90];
	v3 =	vadd.f32 v3, v6;
	v5 =	vadd.f32 v10, v5;
	v2 =	vmax.f32 v2, $0.0e+00  }
0x1c8: {  	v4 =	vmax.f32 v4, $0.0e+00;
	v6 =	vshll.u32 v7, $0x10;
	v1 =	vadd.f32 v2, v1  }
0x1c9: {  	v2 =	vand.u32 $0xFFFF0000, v7;
	v3 =	vmax.f32 v3, $0.0e+00;
	v5 =	vmax.f32 v5, $0.0e+00  }
0x1ca: {  	v7 =	vld [tilespmem:s11+$0xFFFFFFE0];
	v10 =	vand.u32 $0xFFFF0000, v9;
	v3 =	vadd.f32 v5, v3;
	[tilespmem:s28+$0xFFFFFFB0] =	vst v1;
	v1 =	vshll.u32 v8, $0x10  }
0x1cb: {  	v5 =	vld [tilespmem:s22+$0xFFFFFFC0];
	v8 =	vand.u32 $0xFFFF0000, v8;
	v34 =	vshll.u32 v11, $0x10;
	v11 =	vand.u32 $0xFFFF0000, v11  }
0x1cc: {  	v35 =	vshll.u32 v33, $0x10;
	[tilespmem:s30+$0x10] =	vst v3;
	v3 =	vld [tilespmem:s31+$0xFFFFFFC0];
	v1 =	vadd.f32 v11, v1;
	v8 =	vadd.f32 v34, v8  }
0x1cd: {  	v9 =	vshll.u32 v9, $0x10;
	v10 =	vadd.f32 v35, v10;
	v11 =	vand.u32 $0xFFFF0000, v33;
	v36 =	vld [tilespmem:s1+$0x20]  }
0x1ce: {  	v9 =	vadd.f32 v11, v9;
	v11 =	vld [tilespmem:s29+$0x20];
	v1 =	vmax.f32 v1, $0.0e+00;
	v8 =	vmax.f32 v8, $0.0e+00  }
0x1cf: {  	v10 =	vmax.f32 v10, $0.0e+00;
	v37 =	vshll.u32 v7, $0x10;
	v1 =	vadd.f32 v8, v1  }
0x1d0: {  	v8 =	vmax.f32 v9, $0.0e+00;
	v9 =	vshll.u32 v5, $0x10;
	v5 =	vand.u32 $0xFFFF0000, v5  }
0x1d1: {  	v8 =	vadd.f32 v10, v8;
	v10 =	vshll.u32 v3, $0x10;
	v3 =	vand.u32 $0xFFFF0000, v3;
	[tilespmem:s28+$0x50] =	vst v1  }
0x1d2: {  	v1 =	vshll.u32 v36, $0x10;
	v3 =	vadd.f32 v3, v9;
	v5 =	vadd.f32 v10, v5;
	v9 =	vld [tilespmem:s22+$0x60]  }
0x1d3: {  	[tilespmem:s30+$0xFFFFFF90] =	vst v8;
	v8 =	vand.u32 $0xFFFF0000, v36;
	v10 =	vshll.u32 v11, $0x10;
	v11 =	vand.u32 $0xFFFF0000, v11;
	v38 =	vld [tilespmem:s31+$0x60]  }
0x1d4: {  	v7 =	vand.u32 $0xFFFF0000, v7;
	v39 =	vld [tilespmem:s1+$0xFFFFFFA0];
	v1 =	vadd.f32 v11, v1;
	v8 =	vadd.f32 v10, v8  }
0x1d5: {  	v6 =	vadd.f32 v7, v6;
	v3 =	vmax.f32 v3, $0.0e+00;
	v7 =	vld [tilespmem:s29+$0xFFFFFFA0];
	v5 =	vmax.f32 v5, $0.0e+00  }
0x1d6: {  	v3 =	vadd.f32 v5, v3;
	v1 =	vmax.f32 v1, $0.0e+00;
	v8 =	vmax.f32 v8, $0.0e+00  }
0x1d7: {  	v2 =	vadd.f32 v37, v2;
	v1 =	vadd.f32 v8, v1;
	v5 =	vshll.u32 v9, $0x10  }
0x1d8: {  	[tilespmem:s28+$0xFFFFFFC0] =	vst v3;
	v3 =	vand.u32 $0xFFFF0000, v9;
	v8 =	vshll.u32 v38, $0x10;
	v9 =	vand.u32 $0xFFFF0000, v38  }
0x1d9: {  	v11 =	vld [tilespmem:s22+$0xFFFFFFD0];
	v10 =	vshll.u32 v39, $0x10;
	[tilespmem:s30+$0x20] =	vst v1;
	v1 =	vadd.f32 v9, v5;
	v3 =	vadd.f32 v8, v3  }
0x1da: {  	v5 =	vand.u32 $0xFFFF0000, v39;
	v8 =	vshll.u32 v7, $0x10;
	v7 =	vand.u32 $0xFFFF0000, v7;
	v9 =	vld [tilespmem:s1+$0x30]  }
0x1db: {  	v7 =	vadd.f32 v7, v10;
	v10 =	vld [tilespmem:s29+$0x30];
	v1 =	vmax.f32 v1, $0.0e+00;
	v3 =	vmax.f32 v3, $0.0e+00  }
0x1dc: {  	v0 =	vmax.f32 v0, $0.0e+00;
	v5 =	vadd.f32 v8, v5;
	v8 =	vld [tilespmem:s31+$0xFFFFFFD0];
	v3 =	vadd.f32 v3, v1  }
0x1dd: {  	v2 =	vmax.f32 v2, $0.0e+00;
	v1 =	vadd.f32 v0, v4;
	v0 =	vmax.f32 v6, $0.0e+00  }
0x1de: {  	v4 =	vmax.f32 v5, $0.0e+00;
	v0 =	vadd.f32 v2, v0;
	v2 =	vmax.f32 v7, $0.0e+00;
	[tilespmem:s28+$0x60] =	vst v3  }
0x1df: {  	v5 =	vand.u32 $0xFFFF0000, v11;
	v3 =	vshll.u32 v11, $0x10;
	v6 =	vshll.u32 v9, $0x10;
	v7 =	vld [tilespmem:s22+$0x70]  }
0x1e0: {  	[tilespmem:s26+$0xFFFFFFE0] =	vst v0;
	v0 =	vand.u32 $0xFFFF0000, v9;
	v9 =	vshll.u32 v10, $0x10;
	v10 =	vand.u32 $0xFFFF0000, v10;
	v11 =	vld [tilespmem:s31+$0x70]  }
0x1e1: {  	s0 =	simm.s32 $0xCA80;
	v6 =	vadd.f32 v10, v6;
	v0 =	vadd.f32 v9, v0;
	v9 =	vshll.u32 v8, $0x10  }
0x1e2: {  	v2 =	vadd.f32 v4, v2;
	v4 =	vld [tilespmem:s0+$0x0];
	v8 =	vand.u32 $0xFFFF0000, v8;
	v5 =	vadd.f32 v9, v5  }
0x1e3: {  	s8 =	simm.s32 $0xF280;
	v3 =	vadd.f32 v8, v3;
	v6 =	vmax.f32 v6, $0.0e+00;
	v0 =	vmax.f32 v0, $0.0e+00  }
0x1e4: {  	v8 =	vld [tilespmem:s8+$0x0];
	v0 =	vadd.f32 v0, v6;
	v5 =	vmax.f32 v5, $0.0e+00;
	v6 =	vshll.u32 v7, $0x10  }
0x1e5: {  	v9 =	vld [tilespmem:s0+$0xFFFFFF80];
	v7 =	vand.u32 $0xFFFF0000, v7;
	v10 =	vshll.u32 v11, $0x10;
	v11 =	vand.u32 $0xFFFF0000, v11  }
0x1e6: {  	v41 =	vld [tilespmem:s8+$0xFFFFFF80];
	v3 =	vmax.f32 v3, $0.0e+00;
	v6 =	vadd.f32 v11, v6;
	v7 =	vadd.f32 v10, v7  }
0x1e7: {  	v11 =	vshll.u32 v4, $0x10;
	[tilespmem:s30+$0x30] =	vst v0;
	v0 =	vadd.f32 v5, v3  }
0x1e8: {  	v3 =	vand.u32 $0xFFFF0000, v4;
	v5 =	vld [tilespmem:s1+$0x40];
	v4 =	vmax.f32 v6, $0.0e+00;
	v6 =	vmax.f32 v7, $0.0e+00  }
0x1e9: {  	v42 =	vld [tilespmem:s29+$0x40];
	v7 =	vshll.u32 v8, $0x10;
	v8 =	vand.u32 $0xFFFF0000, v8;
	v4 =	vadd.f32 v6, v4  }
0x1ea: {  	[tilespmem:s30+$0xFFFFFFA0] =	vst v2;
	v2 =	vshll.u32 v9, $0x10;
	v6 =	vadd.f32 v8, v11;
	v3 =	vadd.f32 v7, v3  }
0x1eb: {  	v7 =	vld [tilespmem:s1+$0xFFFFFFB0];
	v8 =	vand.u32 $0xFFFF0000, v9;
	v9 =	vshll.u32 v41, $0x10;
	v11 =	vand.u32 $0xFFFF0000, v41  }
0x1ec: {  	v2 =	vadd.f32 v11, v2;
	v11 =	vld [tilespmem:s29+$0xFFFFFFB0];
	v6 =	vmax.f32 v6, $0.0e+00;
	v3 =	vmax.f32 v3, $0.0e+00  }
0x1ed: {  	[tilespmem:s28+$0xFFFFFFD0] =	vst v0;
	v0 =	vadd.f32 v9, v8;
	v3 =	vadd.f32 v3, v6;
	v6 =	vshll.u32 v5, $0x10  }
0x1ee: {  	v40 =	vld [tilespmem:s10+$0xFFFFFFF0];
	v5 =	vand.u32 $0xFFFF0000, v5;
	v9 =	vshll.u32 v42, $0x10;
	v43 =	vand.u32 $0xFFFF0000, v42  }
0x1ef: {  	s9 =	simm.s32 $0x11A80;
	v44 =	vld [tilespmem:s31+$0xFFFFFFE0];
	v2 =	vmax.f32 v2, $0.0e+00;
	v0 =	vmax.f32 v0, $0.0e+00;
	v5 =	vadd.f32 v9, v5  }
0x1f0: {  	v8 =	vld [tilespmem:s22+$0xFFFFFFE0];
	v0 =	vadd.f32 v0, v2;
	[tilespmem:s9+$0x0] =	vst v3;
	v3 =	vadd.f32 v43, v6;
	v9 =	vshll.u32 v7, $0x10  }
0x1f1: {  	v7 =	vand.u32 $0xFFFF0000, v7;
	v6 =	vld [tilespmem:s0+$0x10];
	v45 =	vshll.u32 v11, $0x10;
	v11 =	vand.u32 $0xFFFF0000, v11  }
0x1f2: {  	v2 =	vld [tilespmem:s8+$0x10];
	v5 =	vmax.f32 v5, $0.0e+00;
	[tilespmem:s9+$0xFFFFFF80] =	vst v0;
	v3 =	vmax.f32 v3, $0.0e+00;
	v0 =	vadd.f32 v11, v9  }
0x1f3: {  	v7 =	vadd.f32 v45, v7;
	v3 =	vadd.f32 v5, v3  }
0x1f4: {  	v10 =	vshll.u32 v40, $0x10;
	v46 =	vand.u32 $0xFFFF0000, v44;
	v11 =	vld [tilespmem:s0+$0xFFFFFF90]  }
0x1f5: {  	v9 =	vshll.u32 v8, $0x10;
	v49 =	vld [tilespmem:s8+$0xFFFFFF90];
	v0 =	vmax.f32 v0, $0.0e+00;
	v7 =	vmax.f32 v7, $0.0e+00;
	[tilespmem:s30+$0x40] =	vst v3  }
0x1f6: {  	v3 =	vand.u32 $0xFFFF0000, v8;
	v0 =	vadd.f32 v7, v0;
	v47 =	vshll.u32 v6, $0x10;
	v48 =	vld [tilespmem:s1+$0x50]  }
0x1f7: {  	v6 =	vand.u32 $0xFFFF0000, v6;
	v16 =	vshll.u32 v2, $0x10;
	v2 =	vand.u32 $0xFFFF0000, v2;
	v17 =	vld [tilespmem:s29+$0x50]  }
0x1f8: {  	v8 =	vshll.u32 v44, $0x10;
	v2 =	vadd.f32 v2, v47;
	v6 =	vadd.f32 v16, v6  }
0x1f9: {  	v7 =	vadd.f32 v46, v9;
	v3 =	vadd.f32 v8, v3;
	v50 =	vshll.u32 v11, $0x10  }
0x1fa: {  	v5 =	vld [tilespmem:s11+$0xFFFFFFF0];
	v11 =	vand.u32 $0xFFFF0000, v11;
	[tilespmem:s30+$0xFFFFFFB0] =	vst v0;
	v2 =	vmax.f32 v2, $0.0e+00;
	v6 =	vmax.f32 v6, $0.0e+00  }
0x1fb: {  	v14 =	vand.u32 $0xFFFF0000, v49;
	v52 =	vld [tilespmem:s29+$0xFFFFFFC0];
	v2 =	vadd.f32 v6, v2;
	v0 =	vshll.u32 v48, $0x10  }
0x1fc: {  	v6 =	vld [tilespmem:s1+$0xFFFFFFC0];
	v15 =	vand.u32 $0xFFFF0000, v48;
	v51 =	vshll.u32 v17, $0x10;
	v17 =	vand.u32 $0xFFFF0000, v17  }
0x1fd: {  	[tilespmem:s9+$0x10] =	vst v2;
	v0 =	vadd.f32 v17, v0;
	v2 =	vshll.u32 v49, $0x10;
	v15 =	vadd.f32 v51, v15  }
0x1fe: {  	v12 =	vand.u32 $0xFFFF0000, v40;
	v8 =	vadd.f32 v14, v50;
	v2 =	vadd.f32 v2, v11;
	v11 =	vld [tilespmem:s0+$0x20]  }
0x1ff: {  	v7 =	vmax.f32 v7, $0.0e+00;
	v53 =	vld [tilespmem:s8+$0x20];
	v0 =	vmax.f32 v0, $0.0e+00;
	v54 =	vmax.f32 v15, $0.0e+00  }
0x200: {  	v9 =	vand.u32 $0xFFFF0000, v5;
	v8 =	vmax.f32 v8, $0.0e+00;
	v0 =	vadd.f32 v54, v0  }
0x201: {  	v56 =	vand.u32 $0xFFFF0000, v52;
	v2 =	vmax.f32 v2, $0.0e+00;
	v55 =	vshll.u32 v6, $0x10  }
0x202: {  	v6 =	vand.u32 $0xFFFF0000, v6;
	v2 =	vadd.f32 v2, v8;
	v8 =	vshll.u32 v52, $0x10;
	[tilespmem:s30+$0x50] =	vst v0  }
0x203: {  	v14 =	vadd.f32 v56, v55;
	v6 =	vadd.f32 v8, v6;
	v0 =	vshll.u32 v11, $0x10;
	v8 =	vld [tilespmem:s1+$0x60]  }
0x204: {  	[tilespmem:s9+$0xFFFFFF90] =	vst v2;
	v2 =	vand.u32 $0xFFFF0000, v11;
	v11 =	vshll.u32 v53, $0x10;
	v13 =	vand.u32 $0xFFFF0000, v53;
	v57 =	vld [tilespmem:s29+$0x60]  }
0x205: {  	v3 =	vmax.f32 v3, $0.0e+00;
	v58 =	vld [tilespmem:s0+$0xFFFFFFA0];
	v0 =	vadd.f32 v13, v0;
	v2 =	vadd.f32 v11, v2  }
0x206: {  	v9 =	vadd.f32 v9, v10;
	v11 =	vmax.f32 v14, $0.0e+00;
	v59 =	vld [tilespmem:s8+$0xFFFFFFA0];
	v6 =	vmax.f32 v6, $0.0e+00  }
0x207: {  	v6 =	vadd.f32 v6, v11;
	v0 =	vmax.f32 v0, $0.0e+00;
	v2 =	vmax.f32 v2, $0.0e+00  }
0x208: {  	v3 =	vadd.f32 v3, v7;
	v0 =	vadd.f32 v2, v0;
	v2 =	vshll.u32 v8, $0x10  }
0x209: {  	[tilespmem:s30+$0xFFFFFFC0] =	vst v6;
	v6 =	vand.u32 $0xFFFF0000, v8;
	v7 =	vshll.u32 v57, $0x10;
	v8 =	vand.u32 $0xFFFF0000, v57  }
0x20a: {  	v11 =	vld [tilespmem:s1+$0xFFFFFFD0];
	v10 =	vshll.u32 v58, $0x10;
	[tilespmem:s9+$0x20] =	vst v0;
	v0 =	vadd.f32 v8, v2;
	v2 =	vadd.f32 v7, v6  }
0x20b: {  	v6 =	vand.u32 $0xFFFF0000, v58;
	v7 =	vshll.u32 v59, $0x10;
	v8 =	vand.u32 $0xFFFF0000, v59;
	v60 =	vld [tilespmem:s0+$0x30]  }
0x20c: {  	v8 =	vadd.f32 v8, v10;
	v10 =	vld [tilespmem:s8+$0x30];
	v0 =	vmax.f32 v0, $0.0e+00;
	v2 =	vmax.f32 v2, $0.0e+00  }
0x20d: {  	v61 =	vshll.u32 v5, $0x10;
	[tilespmem:s28+$0xFFFFFFE0] =	vst v3;
	v5 =	vld [tilespmem:s29+$0xFFFFFFD0];
	v6 =	vadd.f32 v7, v6;
	v2 =	vadd.f32 v2, v0  }
0x20e: {  	[tilespmem:s26+$0x70] =	vst v1;
	v12 =	vadd.f32 v61, v12;
	v3 =	vld [tilespmem:s22+$0xFFFFFFF0];
	v0 =	vmax.f32 v9, $0.0e+00;
	v9 =	vmax.f32 v8, $0.0e+00  }
0x20f: {  	v1 =	vmax.f32 v6, $0.0e+00;
	v7 =	vshll.u32 v11, $0x10;
	v8 =	vand.u32 $0xFFFF0000, v11;
	[tilespmem:s30+$0x60] =	vst v2  }
0x210: {  	v9 =	vadd.f32 v1, v9;
	v1 =	vmax.f32 v12, $0.0e+00;
	v11 =	vshll.u32 v60, $0x10;
	v6 =	vld [tilespmem:s1+$0x70]  }
0x211: {  	s6 =	sadd.s32 s4, s25;
	s7 =	simm.s32 $0x11A80;
	[tilespmem:s28+$0x70] =	vst v4;
	v62 =	vand.u32 $0xFFFF0000, v60;
	v63 =	vshll.u32 v10, $0x10;
	v10 =	vand.u32 $0xFFFF0000, v10;
	v4 =	vld [tilespmem:s29+$0x70]  }
0x212: {  	s10 =	simm.s32 $0xCB80;
	s11 =	simm.s32 $0xF280;
	s22 =	simm.s32 $0x6;
	v2 =	vld [tilespmem:s31+$0xFFFFFFF0];
	[tilespmem:s9+$0xFFFFFFA0] =	vst v9;
	v9 =	vshll.u32 v5, $0x10;
	v10 =	vadd.f32 v10, v11;
	v11 =	vadd.f32 v63, v62  }
.LBB2_5:
0x213: {  	v12 =	vld [tilespmem:s10+$0x0];
	v13 =	vand.u32 $0xFFFF0000, v5;
	v8 =	vadd.f32 v9, v8;
	v5 =	vshll.u32 v3, $0x10  }
0x214: {  	s8 =	sadd.s32 $0x100, s8;
	v9 =	vld [tilespmem:s10+$0xFFFFFF80];
	v10 =	vmax.f32 v10, $0.0e+00;
	v11 =	vmax.f32 v11, $0.0e+00;
	v7 =	vadd.f32 v13, v7  }
0x215: {  	v13 =	vld [tilespmem:s8+$0x0];
	v10 =	vadd.f32 v11, v10;
	v8 =	vmax.f32 v8, $0.0e+00;
	v11 =	vshll.u32 v6, $0x10  }
0x216: {  	v6 =	vand.u32 $0xFFFF0000, v6;
	v14 =	vld [tilespmem:s8+$0xFFFFFF80];
	v15 =	vshll.u32 v4, $0x10;
	v4 =	vand.u32 $0xFFFF0000, v4  }
0x217: {  	v7 =	vmax.f32 v7, $0.0e+00;
	v16 =	vld [tilespmem:s0+$0xFFFFFFB0];
	v11 =	vadd.f32 v4, v11;
	v6 =	vadd.f32 v15, v6  }
0x218: {  	v7 =	vadd.f32 v8, v7;
	v4 =	vand.u32 $0xFFFF0000, v3;
	v15 =	vshll.u32 v12, $0x10;
	v17 =	vld [tilespmem:s11+$0xFFFFFFB0];
	[tilespmem:s9+$0x30] =	vst v10  }
0x219: {  	v3 =	vand.u32 $0xFFFF0000, v12;
	v8 =	vld [tilespmem:s0+$0x40];
	v10 =	vmax.f32 v11, $0.0e+00;
	v6 =	vmax.f32 v6, $0.0e+00  }
0x21a: {  	v11 =	vshll.u32 v13, $0x10;
	v12 =	vand.u32 $0xFFFF0000, v13;
	v13 =	vld [tilespmem:s11+$0x40];
	[tilespmem:s30+$0xFFFFFFD0] =	vst v7;
	v6 =	vadd.f32 v6, v10  }
0x21b: {  	v7 =	vshll.u32 v9, $0x10;
	v10 =	vadd.f32 v12, v15;
	v3 =	vadd.f32 v11, v3;
	v11 =	vld [tilespmem:s1+$0xFFFFFFE0]  }
0x21c: {  	v9 =	vand.u32 $0xFFFF0000, v9;
	v12 =	vshll.u32 v14, $0x10;
	v14 =	vand.u32 $0xFFFF0000, v14;
	v15 =	vld [tilespmem:s29+$0xFFFFFFE0];
	[tilespmem:s30+$0x70] =	vst v6  }
0x21d: {  	s22 =	sadd.s32 $0x2, s22;
	v6 =	vadd.f32 v14, v7;
	v7 =	vmax.f32 v10, $0.0e+00;
	v3 =	vmax.f32 v3, $0.0e+00  }
0x21e: {  	p0 =	slt.u32 s22, $0x4E;
	v9 =	vadd.f32 v12, v9;
	v3 =	vadd.f32 v3, v7;
	v7 =	vshll.u32 v8, $0x10  }
0x21f: {  	s9 =	sadd.s32 $0x100, s9;
	v8 =	vand.u32 $0xFFFF0000, v8;
	v10 =	vshll.u32 v13, $0x10;
	v12 =	vand.u32 $0xFFFF0000, v13  }
0x220: {  	v6 =	vmax.f32 v6, $0.0e+00;
	[tilespmem:s9+$0x0] =	vst v3;
	v3 =	vadd.f32 v12, v7;
	v7 =	vadd.f32 v10, v8  }
0x221: {  	v8 =	vmax.f32 v9, $0.0e+00;
	v10 =	vshll.u32 v16, $0x10;
	v12 =	vand.u32 $0xFFFF0000, v16;
	v9 =	vld [tilespmem:s10+$0x10]  }
0x222: {  	v6 =	vadd.f32 v8, v6;
	v8 =	vld [tilespmem:s8+$0x10];
	v3 =	vmax.f32 v3, $0.0e+00;
	v7 =	vmax.f32 v7, $0.0e+00  }
0x223: {  	v14 =	vand.u32 $0xFFFF0000, v17;
	v13 =	vshll.u32 v17, $0x10;
	v3 =	vadd.f32 v7, v3  }
0x224: {  	v7 =	vadd.f32 v13, v12;
	[tilespmem:s9+$0xFFFFFF80] =	vst v6;
	v6 =	vadd.f32 v14, v10;
	v10 =	vshll.u32 v11, $0x10  }
0x225: {  	v13 =	vand.u32 $0xFFFF0000, v15;
	v12 =	vld [tilespmem:s10+$0xFFFFFF90];
	[tilespmem:s7+$0x40] =	vst v3;
	v3 =	vand.u32 $0xFFFF0000, v11;
	v11 =	vshll.u32 v15, $0x10  }
0x226: {  	v7 =	vmax.f32 v7, $0.0e+00;
	v14 =	vshll.u32 v9, $0x10;
	v6 =	vmax.f32 v6, $0.0e+00;
	v15 =	vld [tilespmem:s0+$0x50]  }
0x227: {  	v9 =	vand.u32 $0xFFFF0000, v9;
	v16 =	vshll.u32 v8, $0x10;
	v8 =	vand.u32 $0xFFFF0000, v8;
	v17 =	vld [tilespmem:s11+$0x50]  }
0x228: {  	v18 =	vld [tilespmem:s8+$0xFFFFFF90];
	v8 =	vadd.f32 v8, v14;
	v9 =	vadd.f32 v16, v9;
	v14 =	vshll.u32 v2, $0x10  }
0x229: {  	v6 =	vadd.f32 v7, v6;
	v7 =	vadd.f32 v13, v10;
	v2 =	vand.u32 $0xFFFF0000, v2  }
0x22a: {  	v10 =	vshll.u32 v12, $0x10;
	v8 =	vmax.f32 v8, $0.0e+00;
	v9 =	vmax.f32 v9, $0.0e+00  }
0x22b: {  	v12 =	vand.u32 $0xFFFF0000, v12;
	v8 =	vadd.f32 v9, v8;
	[tilespmem:s7+$0xFFFFFFB0] =	vst v6;
	v6 =	vshll.u32 v15, $0x10  }
0x22c: {  	v13 =	vand.u32 $0xFFFF0000, v15;
	v9 =	vld [tilespmem:s0+$0xFFFFFFC0];
	v15 =	vshll.u32 v17, $0x10;
	v16 =	vand.u32 $0xFFFF0000, v17  }
0x22d: {  	v17 =	vshll.u32 v18, $0x10;
	[tilespmem:s9+$0x10] =	vst v8;
	v8 =	vld [tilespmem:s11+$0xFFFFFFC0];
	v6 =	vadd.f32 v16, v6;
	v13 =	vadd.f32 v15, v13  }
0x22e: {  	v3 =	vadd.f32 v11, v3;
	v15 =	vand.u32 $0xFFFF0000, v18;
	v12 =	vadd.f32 v17, v12;
	v16 =	vld [tilespmem:s10+$0x20]  }
0x22f: {  	v10 =	vadd.f32 v15, v10;
	v11 =	vld [tilespmem:s8+$0x20];
	v6 =	vmax.f32 v6, $0.0e+00;
	v13 =	vmax.f32 v13, $0.0e+00  }
0x230: {  	v7 =	vmax.f32 v7, $0.0e+00;
	v12 =	vmax.f32 v12, $0.0e+00;
	v6 =	vadd.f32 v13, v6  }
0x231: {  	v10 =	vmax.f32 v10, $0.0e+00;
	v13 =	vshll.u32 v9, $0x10;
	v9 =	vand.u32 $0xFFFF0000, v9  }
0x232: {  	v10 =	vadd.f32 v12, v10;
	v12 =	vshll.u32 v8, $0x10;
	v8 =	vand.u32 $0xFFFF0000, v8;
	[tilespmem:s7+$0x50] =	vst v6  }
0x233: {  	v6 =	vshll.u32 v16, $0x10;
	v8 =	vadd.f32 v8, v13;
	v9 =	vadd.f32 v12, v9;
	v12 =	vld [tilespmem:s0+$0x60]  }
0x234: {  	[tilespmem:s9+$0xFFFFFF90] =	vst v10;
	v10 =	vand.u32 $0xFFFF0000, v16;
	v13 =	vshll.u32 v11, $0x10;
	v11 =	vand.u32 $0xFFFF0000, v11;
	v15 =	vld [tilespmem:s11+$0x60]  }
0x235: {  	v16 =	vld [tilespmem:s10+$0xFFFFFFA0];
	v6 =	vadd.f32 v11, v6;
	v10 =	vadd.f32 v13, v10;
	v8 =	vmax.f32 v8, $0.0e+00  }
0x236: {  	v3 =	vmax.f32 v3, $0.0e+00;
	v2 =	vadd.f32 v2, v5;
	v9 =	vmax.f32 v9, $0.0e+00;
	v11 =	vld [tilespmem:s8+$0xFFFFFFA0]  }
0x237: {  	v8 =	vadd.f32 v9, v8;
	v5 =	vmax.f32 v6, $0.0e+00;
	v6 =	vmax.f32 v10, $0.0e+00  }
0x238: {  	v3 =	vadd.f32 v3, v7;
	v5 =	vadd.f32 v6, v5;
	v6 =	vshll.u32 v12, $0x10  }
0x239: {  	v7 =	vand.u32 $0xFFFF0000, v12;
	[tilespmem:s7+$0xFFFFFFC0] =	vst v8;
	v8 =	vshll.u32 v15, $0x10;
	v9 =	vand.u32 $0xFFFF0000, v15  }
0x23a: {  	v10 =	vshll.u32 v16, $0x10;
	[tilespmem:s9+$0x20] =	vst v5;
	v12 =	vld [tilespmem:s0+$0xFFFFFFD0];
	v5 =	vadd.f32 v9, v6;
	v6 =	vadd.f32 v8, v7  }
0x23b: {  	v7 =	vand.u32 $0xFFFF0000, v16;
	v8 =	vshll.u32 v11, $0x10;
	v9 =	vand.u32 $0xFFFF0000, v11;
	v11 =	vld [tilespmem:s10+$0x30];
	[tilespmem:s30+$0xFFFFFFE0] =	vst v3  }
0x23c: {  	v3 =	vadd.f32 v9, v10;
	v9 =	vld [tilespmem:s8+$0x30];
	v10 =	vmax.f32 v5, $0.0e+00;
	v6 =	vmax.f32 v6, $0.0e+00  }
0x23d: {  	v2 =	vmax.f32 v2, $0.0e+00;
	v7 =	vadd.f32 v8, v7;
	v5 =	vld [tilespmem:s11+$0xFFFFFFD0];
	v6 =	vadd.f32 v6, v10  }
.Ltmp1:
0x23e: {  	v4 =	vadd.f32 v14, v4;
	v13 =	vadd.f32 v1, v0;
	v0 =	vmovc v2;
	v10 =	vmax.f32 v3, $0.0e+00;
	v3 =	vld [tilespmem:s1+$0xFFFFFFF0];
	s1 =	smov.u32 s0;
	s0 =	smov.u32 s10;
	(pc) =	sbr.rel @p0 .LBB2_5-.Ltmp1, $4  }
0x23f: {  	v1 =	vmax.f32 v7, $0.0e+00;
	v7 =	vshll.u32 v12, $0x10;
	v8 =	vand.u32 $0xFFFF0000, v12;
	[tilespmem:s7+$0x60] =	vst v6;
	v2 =	vld [tilespmem:s29+$0xFFFFFFF0];
	s29 =	smov.u32 s11;
	s11 =	smov.u32 s8  }
0x240: {  	v10 =	vadd.f32 v1, v10;
	v1 =	vmax.f32 v4, $0.0e+00;
	v12 =	vshll.u32 v11, $0x10;
	v6 =	vld [tilespmem:s1+$0x70];
	[tilespmem:s26+$0xFFFFFFF0] =	vst v13;
	s26 =	smov.u32 s28;
	s28 =	smov.u32 s30;
	s30 =	smov.u32 s7  }
0x241: {  	v11 =	vand.u32 $0xFFFF0000, v11;
	s7 =	smov.u32 s9;
	v13 =	vshll.u32 v9, $0x10;
	v9 =	vand.u32 $0xFFFF0000, v9;
	v4 =	vld [tilespmem:s29+$0x70]  }
0x242: {  	s10 =	sadd.s32 $0x100, s10;
	[tilespmem:s9+$0xFFFFFFA0] =	vst v10;
	v10 =	vadd.f32 v9, v12;
	v11 =	vadd.f32 v13, v11;
	v9 =	vshll.u32 v5, $0x10  }
0x243: {  	v12 =	vld [tilespmem:s0+$0xFFFFFFB0]  }
0x244: {  	v13 =	vld [tilespmem:s11+$0xFFFFFFB0];
	_ =	sdelay $0x2  }
0x245: {  	v10 =	vmax.f32 v10, $0.0e+00;
	v11 =	vmax.f32 v11, $0.0e+00  }
0x246: {  	v10 =	vadd.f32 v11, v10;
	v35 =	vshll.u32 v12, $0x10  }
0x247: {  	v36 =	vand.u32 $0xFFFF0000, v12;
	v37 =	vshll.u32 v13, $0x10;
	v13 =	vand.u32 $0xFFFF0000, v13  }
0x248: {  	[tilespmem:s9+$0x30] =	vst v10;
	v11 =	vadd.f32 v13, v35;
	v10 =	vadd.f32 v37, v36  }
0x249: {  	v14 =	vld [tilespmem:s0+$0x40]  }
0x24a: {  	v38 =	vld [tilespmem:s11+$0x40];
	v11 =	vmax.f32 v11, $0.0e+00;
	v10 =	vmax.f32 v10, $0.0e+00  }
0x24b: {  	v10 =	vadd.f32 v10, v11;
	_ =	sdelay $0x1  }
0x24c: {  	[tilespmem:s7+$0xFFFFFFB0] =	vst v10  }
0x24d: {  	v39 =	vshll.u32 v14, $0x10;
	v42 =	vld [tilespmem:s0+$0xFFFFFFC0]  }
0x24e: {  	v40 =	vand.u32 $0xFFFF0000, v14;
	v41 =	vshll.u32 v38, $0x10;
	v12 =	vand.u32 $0xFFFF0000, v38;
	v43 =	vld [tilespmem:s11+$0xFFFFFFC0]  }
0x24f: {  	v11 =	vadd.f32 v12, v39;
	v10 =	vadd.f32 v41, v40;
	_ =	sdelay $0x1  }
0x250: {  	v11 =	vmax.f32 v11, $0.0e+00;
	v10 =	vmax.f32 v10, $0.0e+00  }
0x251: {  	v10 =	vadd.f32 v10, v11;
	v44 =	vshll.u32 v42, $0x10  }
0x252: {  	v45 =	vand.u32 $0xFFFF0000, v42;
	v46 =	vshll.u32 v43, $0x10;
	v12 =	vand.u32 $0xFFFF0000, v43  }
0x253: {  	[tilespmem:s7+$0x40] =	vst v10;
	v11 =	vadd.f32 v12, v44;
	v10 =	vadd.f32 v46, v45  }
0x254: {  	v47 =	vld [tilespmem:s0+$0x50]  }
0x255: {  	v48 =	vld [tilespmem:s11+$0x50];
	v11 =	vmax.f32 v11, $0.0e+00;
	v10 =	vmax.f32 v10, $0.0e+00  }
0x256: {  	v49 =	vadd.f32 v10, v11  }
0x257: {  	v8 =	vadd.f32 v9, v8  }
0x258: {  	v5 =	vand.u32 $0xFFFF0000, v5;
	[tilespmem:s7+$0xFFFFFFC0] =	vst v49  }
0x259: {  	v5 =	vadd.f32 v5, v7;
	v50 =	vmax.f32 v8, $0.0e+00;
	v51 =	vshll.u32 v47, $0x10;
	v55 =	vld [tilespmem:s0+$0xFFFFFFD0]  }
0x25a: {  	v52 =	vand.u32 $0xFFFF0000, v47;
	v53 =	vshll.u32 v48, $0x10;
	v54 =	vand.u32 $0xFFFF0000, v48;
	v56 =	vld [tilespmem:s11+$0xFFFFFFD0]  }
0x25b: {  	v5 =	vmax.f32 v5, $0.0e+00;
	v8 =	vadd.f32 v54, v51;
	v9 =	vadd.f32 v53, v52  }
0x25c: {  	v5 =	vadd.f32 v50, v5  }
0x25d: {  	v57 =	vmax.f32 v8, $0.0e+00;
	v58 =	vmax.f32 v9, $0.0e+00  }
0x25e: {  	[tilespmem:s30+$0xFFFFFFD0] =	vst v5;
	v59 =	vadd.f32 v58, v57;
	v61 =	vshll.u32 v55, $0x10  }
0x25f: {  	v60 =	vld [tilespmem:s1+$0xFFFFFFE0];
	v63 =	vand.u32 $0xFFFF0000, v55;
	v16 =	vshll.u32 v56, $0x10;
	v10 =	vand.u32 $0xFFFF0000, v56  }
0x260: {  	v62 =	vld [tilespmem:s29+$0xFFFFFFE0];
	[tilespmem:s7+$0x50] =	vst v59;
	v5 =	vadd.f32 v16, v63;
	v8 =	vadd.f32 v10, v61  }
0x261: {  	v17 =	vld [tilespmem:s0+$0x60]  }
0x262: {  	v18 =	vld [tilespmem:s11+$0x60];
	v5 =	vmax.f32 v5, $0.0e+00;
	v8 =	vmax.f32 v8, $0.0e+00  }
0x263: {  	v26 =	vshll.u32 v6, $0x10;
	v34 =	vand.u32 $0xFFFF0000, v4;
	v5 =	vadd.f32 v5, v8  }
0x264: {  	v29 =	vshll.u32 v4, $0x10;
	v4 =	vadd.f32 v34, v26;
	v19 =	vshll.u32 v60, $0x10  }
0x265: {  	v7 =	vand.u32 $0xFFFF0000, v60;
	v20 =	vshll.u32 v62, $0x10;
	v9 =	vand.u32 $0xFFFF0000, v62;
	[tilespmem:s7+$0xFFFFFFD0] =	vst v5  }
0x266: {  	v7 =	vadd.f32 v20, v7;
	v8 =	vadd.f32 v9, v19;
	v21 =	vshll.u32 v17, $0x10;
	v24 =	vld [tilespmem:s0+$0xFFFFFFE0]  }
0x267: {  	v22 =	vand.u32 $0xFFFF0000, v17;
	v23 =	vshll.u32 v18, $0x10;
	v10 =	vand.u32 $0xFFFF0000, v18;
	v25 =	vld [tilespmem:s11+$0xFFFFFFE0]  }
0x268: {  	v27 =	vand.u32 $0xFFFF0000, v6;
	v10 =	vadd.f32 v10, v21;
	v5 =	vadd.f32 v23, v22  }
0x269: {  	v6 =	vadd.f32 v29, v27;
	v7 =	vmax.f32 v7, $0.0e+00;
	v8 =	vmax.f32 v8, $0.0e+00  }
0x26a: {  	v7 =	vadd.f32 v7, v8;
	v28 =	vmax.f32 v10, $0.0e+00;
	v5 =	vmax.f32 v5, $0.0e+00  }
0x26b: {  	v4 =	vmax.f32 v4, $0.0e+00;
	v5 =	vadd.f32 v5, v28;
	v30 =	vshll.u32 v24, $0x10  }
0x26c: {  	[tilespmem:s30+$0xFFFFFFE0] =	vst v7;
	v31 =	vand.u32 $0xFFFF0000, v24;
	v32 =	vshll.u32 v25, $0x10;
	v33 =	vand.u32 $0xFFFF0000, v25  }
0x26d: {  	v6 =	vmax.f32 v6, $0.0e+00;
	[tilespmem:s7+$0x60] =	vst v5;
	v8 =	vadd.f32 v33, v30;
	v5 =	vadd.f32 v32, v31  }
0x26e: {  	v37 =	vshll.u32 v3, $0x10;
	v4 =	vadd.f32 v6, v4;
	v39 =	vld [tilespmem:s1+$0xFFFFFFF0]  }
0x26f: {  	v40 =	vand.u32 $0xFFFF0000, v3;
	v43 =	vld [tilespmem:s29+$0xFFFFFFF0];
	v38 =	vmax.f32 v8, $0.0e+00;
	v5 =	vmax.f32 v5, $0.0e+00  }
0x270: {  	v41 =	vand.u32 $0xFFFF0000, v2;
	v42 =	vshll.u32 v2, $0x10;
	v35 =	vld [tilespmem:s0+$0x70];
	v5 =	vadd.f32 v5, v38  }
0x271: {  	v6 =	vadd.f32 v41, v37;
	v2 =	vadd.f32 v42, v40;
	v36 =	vld [tilespmem:s11+$0x70]  }
0x272: {  	[tilespmem:s7+$0xFFFFFFE0] =	vst v5  }
0x273: {  	v0 =	vadd.f32 v1, v0;
	v6 =	vmax.f32 v6, $0.0e+00;
	v2 =	vmax.f32 v2, $0.0e+00;
	v47 =	vld [tilespmem:s0+$0xFFFFFFF0]  }
0x274: {  	v59 =	vadd.f32 v2, v6;
	v49 =	vshll.u32 v39, $0x10;
	v7 =	vand.u32 $0xFFFF0000, v43;
	v48 =	vld [tilespmem:s11+$0xFFFFFFF0]  }
0x275: {  	v50 =	vand.u32 $0xFFFF0000, v39;
	v52 =	vshll.u32 v43, $0x10;
	v1 =	vadd.f32 v7, v49  }
0x276: {  	v3 =	vadd.f32 v52, v50;
	v44 =	vshll.u32 v35, $0x10;
	v9 =	vand.u32 $0xFFFF0000, v36  }
0x277: {  	v45 =	vand.u32 $0xFFFF0000, v35;
	v46 =	vshll.u32 v36, $0x10;
	v9 =	vadd.f32 v9, v44  }
0x278: {  	v5 =	vadd.f32 v46, v45;
	v58 =	vmax.f32 v1, $0.0e+00;
	v53 =	vshll.u32 v47, $0x10  }
0x279: {  	v54 =	vand.u32 $0xFFFF0000, v47;
	v55 =	vshll.u32 v48, $0x10;
	v10 =	vand.u32 $0xFFFF0000, v48  }
0x27a: {  	s24 =	sadd.s32 $0x1, s24;
	[tilespmem:s26+$0xFFFFFFF0] =	vst v0;
	v60 =	vmax.f32 v3, $0.0e+00;
	v56 =	vadd.f32 v10, v53;
	v57 =	vadd.f32 v55, v54  }
0x27b: {  	p0 =	sne.s32 s24, $0x3E;
	[tilespmem:s30+$0x70] =	vst v4;
	v0 =	vadd.f32 v60, v58;
	v51 =	vmax.f32 v9, $0.0e+00;
	v5 =	vmax.f32 v5, $0.0e+00  }
.Ltmp2:
0x27c: {  	[tilespmem:s28+$0xFFFFFFF0] =	vst v59;
	v5 =	vadd.f32 v5, v51;
	v61 =	vmax.f32 v56, $0.0e+00;
	v62 =	vmax.f32 v57, $0.0e+00;
	(pc) =	sbr.rel @p0 .LBB2_2-.Ltmp2, $4  }
0x27d: {  	[tilespmem:s30+$0xFFFFFFF0] =	vst v0;
	v63 =	vadd.f32 v62, v61  }
0x27e: {  	s31 =	sshll.u32 s6, $0x4;
	[tilespmem:s7+$0x70] =	vst v5  }
0x27f: {  	s0 =	sadd.s32 s5, s31;
	[tilespmem:s7+$0xFFFFFFF0] =	vst v63  }
0x280: {  	[hbm4b:s0+s3] =	stream.linear.scatter [tilespmem:s20], [sflag:$0x4], $0x2800, $0x38;
	[tilespmem:$0x13F00] =	vst v63  }
0x281: {  	_ =	swait.ge [sflag:s17], $0x2800  }
0x282: {  	[sflag:s17] =	ssyncset.done $0x0  }
0x283: {  	[sflag:s17] =	ssyncadd.s32 $0xFFFFD800  }
0x284: {  	_ =	swait.ge [sflag:s17], $0x2800  }
0x285: {  	[sflag:s17] =	ssyncset.done $0x0  }
0x286: {  	[sflag:s17] =	ssyncadd.s32 $0xFFFFD800  }
0x287: {  	_ =	swait.ge [sflag:s21], $0x2800  }
0x288: {  	[sflag:s21] =	ssyncset.done $0x0  }
0x289: {  	s0 =	simm.s32 $0x4F80;
	[sflag:s21] =	ssyncadd.s32 $0xFFFFD800  }
0x28a: {  	s7 =	simm.s32 $0x7780;
	v0 =	vld [tilespmem:s0+$0x0]  }
0x28b: {  	v1 =	vld [tilespmem:s7+$0x0];
	_ =	sdelay $0x3  }
0x28c: {  	v2 =	vshll.u32 v0, $0x10  }
0x28d: {  	v0 =	vand.u32 $0xFFFF0000, v0;
	v3 =	vshll.u32 v1, $0x10;
	v1 =	vand.u32 $0xFFFF0000, v1  }
0x28e: {  	v1 =	vadd.f32 v1, v2;
	v0 =	vadd.f32 v3, v0;
	_ =	sdelay $0x1  }
0x28f: {  	v2 =	vld [tilespmem:s0+$0xFFFFFF80];
	v1 =	vmax.f32 v1, $0.0e+00;
	v0 =	vmax.f32 v0, $0.0e+00  }
0x290: {  	v3 =	vld [tilespmem:s7+$0xFFFFFF80];
	v0 =	vadd.f32 v0, v1  }
0x291: {  	s24 =	simm.s32 $0x9F80  }
0x292: {  	[tilespmem:s24+$0x0] =	vst v0  }
0x293: {  	v0 =	vld [tilespmem:s0+$0x10]  }
0x294: {  	v1 =	vld [tilespmem:s7+$0x10]  }
0x295: {  	v4 =	vshll.u32 v2, $0x10;
	v5 =	vand.u32 $0xFFFF0000, v3  }
0x296: {  	v4 =	vadd.f32 v5, v4  }
0x297: {  	v2 =	vand.u32 $0xFFFF0000, v2;
	v3 =	vshll.u32 v3, $0x10  }
0x298: {  	v2 =	vadd.f32 v3, v2;
	v3 =	vmax.f32 v4, $0.0e+00;
	v4 =	vshll.u32 v0, $0x10  }
0x299: {  	v0 =	vand.u32 $0xFFFF0000, v0;
	v5 =	vshll.u32 v1, $0x10;
	v1 =	vand.u32 $0xFFFF0000, v1  }
0x29a: {  	v2 =	vmax.f32 v2, $0.0e+00;
	v1 =	vadd.f32 v1, v4;
	v0 =	vadd.f32 v5, v0  }
0x29b: {  	v2 =	vadd.f32 v2, v3  }
0x29c: {  	v1 =	vmax.f32 v1, $0.0e+00;
	v0 =	vmax.f32 v0, $0.0e+00  }
0x29d: {  	[tilespmem:s24+$0xFFFFFF80] =	vst v2;
	v0 =	vadd.f32 v0, v1  }
0x29e: {  	v2 =	vld [tilespmem:s7+$0xFFFFFF90]  }
0x29f: {  	v1 =	vld [tilespmem:s0+$0xFFFFFF90];
	[tilespmem:s24+$0x10] =	vst v0  }
0x2a0: {  	v0 =	vld [tilespmem:s0+$0x20]  }
0x2a1: {  	v3 =	vld [tilespmem:s7+$0x20];
	_ =	sdelay $0x1  }
0x2a2: {  	v5 =	vshll.u32 v2, $0x10  }
0x2a3: {  	v2 =	vand.u32 $0xFFFF0000, v2;
	v4 =	vshll.u32 v1, $0x10;
	v1 =	vand.u32 $0xFFFF0000, v1  }
0x2a4: {  	v1 =	vadd.f32 v5, v1;
	v2 =	vadd.f32 v2, v4;
	v4 =	vshll.u32 v0, $0x10  }
0x2a5: {  	v0 =	vand.u32 $0xFFFF0000, v0;
	v5 =	vshll.u32 v3, $0x10;
	v3 =	vand.u32 $0xFFFF0000, v3  }
0x2a6: {  	v3 =	vadd.f32 v3, v4;
	v0 =	vadd.f32 v5, v0  }
0x2a7: {  	v1 =	vmax.f32 v1, $0.0e+00;
	v2 =	vmax.f32 v2, $0.0e+00  }
0x2a8: {  	v1 =	vadd.f32 v1, v2;
	v2 =	vmax.f32 v3, $0.0e+00;
	v0 =	vmax.f32 v0, $0.0e+00  }
0x2a9: {  	v0 =	vadd.f32 v0, v2  }
0x2aa: {  	[tilespmem:s24+$0xFFFFFF90] =	vst v1  }
0x2ab: {  	v1 =	vld [tilespmem:s0+$0xFFFFFFA0];
	[tilespmem:s24+$0x20] =	vst v0  }
0x2ac: {  	v0 =	vld [tilespmem:s0+$0x30]  }
0x2ad: {  	v2 =	vld [tilespmem:s7+$0x30]  }
0x2ae: {  	v3 =	vld [tilespmem:s7+$0xFFFFFFA0];
	_ =	sdelay $0x2  }
0x2af: {  	v4 =	vshll.u32 v1, $0x10;
	v5 =	vshll.u32 v0, $0x10  }
0x2b0: {  	s6 =	simm.s32 $0x5080;
	v0 =	vand.u32 $0xFFFF0000, v0;
	v6 =	vshll.u32 v2, $0x10;
	v2 =	vand.u32 $0xFFFF0000, v2  }
0x2b1: {  	s11 =	simm.s32 $0x7880;
	v7 =	vand.u32 $0xFFFF0000, v3;
	v2 =	vadd.f32 v2, v5;
	v0 =	vadd.f32 v6, v0;
	v5 =	vld [tilespmem:s6+$0x0]  }
0x2b2: {  	v1 =	vand.u32 $0xFFFF0000, v1;
	v3 =	vshll.u32 v3, $0x10;
	v4 =	vadd.f32 v7, v4;
	v6 =	vld [tilespmem:s11+$0x0]  }
0x2b3: {  	v1 =	vadd.f32 v3, v1;
	v2 =	vmax.f32 v2, $0.0e+00;
	v0 =	vmax.f32 v0, $0.0e+00  }
0x2b4: {  	v3 =	vld [tilespmem:s6+$0xFFFFFF80];
	v0 =	vadd.f32 v0, v2  }
0x2b5: {  	v1 =	vmax.f32 v1, $0.0e+00;
	v2 =	vmax.f32 v4, $0.0e+00;
	v4 =	vld [tilespmem:s11+$0xFFFFFF80]  }
0x2b6: {  	v1 =	vadd.f32 v1, v2;
	v2 =	vshll.u32 v5, $0x10;
	[tilespmem:s24+$0x30] =	vst v0  }
0x2b7: {  	v0 =	vand.u32 $0xFFFF0000, v5;
	v7 =	vshll.u32 v6, $0x10;
	v6 =	vand.u32 $0xFFFF0000, v6;
	v5 =	vld [tilespmem:s0+$0x40]  }
0x2b8: {  	v8 =	vld [tilespmem:s7+$0x40];
	v2 =	vadd.f32 v6, v2;
	v0 =	vadd.f32 v7, v0  }
0x2b9: {  	[tilespmem:s24+$0xFFFFFFA0] =	vst v1;
	v1 =	vshll.u32 v3, $0x10;
	v3 =	vand.u32 $0xFFFF0000, v3  }
0x2ba: {  	v6 =	vld [tilespmem:s0+$0xFFFFFFB0];
	v7 =	vand.u32 $0xFFFF0000, v4;
	v2 =	vmax.f32 v2, $0.0e+00;
	v0 =	vmax.f32 v0, $0.0e+00  }
0x2bb: {  	v9 =	vld [tilespmem:s7+$0xFFFFFFB0];
	v4 =	vshll.u32 v4, $0x10;
	v1 =	vadd.f32 v7, v1;
	v0 =	vadd.f32 v0, v2  }
0x2bc: {  	s25 =	simm.s32 $0xA080;
	v2 =	vadd.f32 v4, v3;
	v3 =	vshll.u32 v5, $0x10;
	v4 =	vand.u32 $0xFFFF0000, v5  }
0x2bd: {  	v5 =	vshll.u32 v8, $0x10;
	v7 =	vand.u32 $0xFFFF0000, v8;
	v1 =	vmax.f32 v1, $0.0e+00;
	[tilespmem:s25+$0x0] =	vst v0  }
0x2be: {  	v2 =	vmax.f32 v2, $0.0e+00;
	v0 =	vadd.f32 v7, v3;
	v3 =	vadd.f32 v5, v4;
	v4 =	vld [tilespmem:s6+$0x10]  }
0x2bf: {  	v5 =	vshll.u32 v6, $0x10;
	v1 =	vadd.f32 v2, v1;
	v2 =	vld [tilespmem:s11+$0x10]  }
0x2c0: {  	v7 =	vand.u32 $0xFFFF0000, v9;
	v0 =	vmax.f32 v0, $0.0e+00;
	v3 =	vmax.f32 v3, $0.0e+00  }
0x2c1: {  	v0 =	vadd.f32 v3, v0;
	v3 =	vadd.f32 v7, v5  }
0x2c2: {  	[tilespmem:s25+$0xFFFFFF80] =	vst v1;
	v5 =	vand.u32 $0xFFFF0000, v6;
	v6 =	vshll.u32 v9, $0x10  }
0x2c3: {  	v1 =	vadd.f32 v6, v5;
	v5 =	vld [tilespmem:s6+$0xFFFFFF90];
	[tilespmem:s24+$0x40] =	vst v0;
	v0 =	vshll.u32 v4, $0x10;
	v3 =	vmax.f32 v3, $0.0e+00  }
0x2c4: {  	v4 =	vand.u32 $0xFFFF0000, v4;
	v7 =	vshll.u32 v2, $0x10;
	v2 =	vand.u32 $0xFFFF0000, v2;
	v6 =	vld [tilespmem:s0+$0x50]  }
0x2c5: {  	v1 =	vmax.f32 v1, $0.0e+00;
	v8 =	vld [tilespmem:s7+$0x50];
	v0 =	vadd.f32 v2, v0;
	v2 =	vadd.f32 v7, v4  }
0x2c6: {  	v4 =	vld [tilespmem:s11+$0xFFFFFF90];
	v1 =	vadd.f32 v1, v3  }
0x2c7: {  	v0 =	vmax.f32 v0, $0.0e+00;
	v2 =	vmax.f32 v2, $0.0e+00  }
0x2c8: {  	v0 =	vadd.f32 v2, v0;
	[tilespmem:s24+$0xFFFFFFB0] =	vst v1  }
0x2c9: {  	v1 =	vand.u32 $0xFFFF0000, v5;
	v3 =	vld [tilespmem:s0+$0xFFFFFFC0];
	v2 =	vshll.u32 v6, $0x10  }
0x2ca: {  	v6 =	vand.u32 $0xFFFF0000, v6;
	v7 =	vshll.u32 v8, $0x10;
	v8 =	vand.u32 $0xFFFF0000, v8;
	[tilespmem:s25+$0x10] =	vst v0;
	v0 =	vld [tilespmem:s7+$0xFFFFFFC0]  }
0x2cb: {  	v9 =	vshll.u32 v4, $0x10;
	v2 =	vadd.f32 v8, v2;
	v6 =	vadd.f32 v7, v6;
	v7 =	vld [tilespmem:s6+$0x20]  }
0x2cc: {  	v5 =	vshll.u32 v5, $0x10;
	v4 =	vand.u32 $0xFFFF0000, v4;
	v1 =	vadd.f32 v9, v1;
	v8 =	vld [tilespmem:s11+$0x20]  }
0x2cd: {  	v4 =	vadd.f32 v4, v5;
	v2 =	vmax.f32 v2, $0.0e+00;
	v5 =	vmax.f32 v6, $0.0e+00  }
0x2ce: {  	v1 =	vmax.f32 v1, $0.0e+00;
	v2 =	vadd.f32 v5, v2  }
0x2cf: {  	v4 =	vmax.f32 v4, $0.0e+00;
	v5 =	vshll.u32 v3, $0x10;
	v3 =	vand.u32 $0xFFFF0000, v3  }
0x2d0: {  	v1 =	vadd.f32 v1, v4;
	v4 =	vshll.u32 v0, $0x10;
	[tilespmem:s24+$0x50] =	vst v2;
	v2 =	vshll.u32 v7, $0x10  }
0x2d1: {  	v7 =	vand.u32 $0xFFFF0000, v7;
	v9 =	vshll.u32 v8, $0x10;
	v8 =	vand.u32 $0xFFFF0000, v8;
	v6 =	vld [tilespmem:s0+$0x60]  }
0x2d2: {  	v0 =	vand.u32 $0xFFFF0000, v0;
	v10 =	vld [tilespmem:s7+$0x60];
	v2 =	vadd.f32 v8, v2;
	v7 =	vadd.f32 v9, v7  }
0x2d3: {  	v0 =	vadd.f32 v0, v5;
	v3 =	vadd.f32 v4, v3  }
0x2d4: {  	v2 =	vmax.f32 v2, $0.0e+00;
	v4 =	vmax.f32 v7, $0.0e+00  }
0x2d5: {  	[tilespmem:s25+$0xFFFFFF90] =	vst v1;
	v0 =	vmax.f32 v0, $0.0e+00;
	v1 =	vmax.f32 v3, $0.0e+00;
	v2 =	vadd.f32 v4, v2  }
0x2d6: {  	v3 =	vld [tilespmem:s6+$0xFFFFFFA0];
	v0 =	vadd.f32 v1, v0  }
0x2d7: {  	v4 =	vld [tilespmem:s11+$0xFFFFFFA0];
	v1 =	vshll.u32 v6, $0x10;
	v5 =	vand.u32 $0xFFFF0000, v6;
	v6 =	vshll.u32 v10, $0x10;
	[tilespmem:s25+$0x20] =	vst v2  }
0x2d8: {  	v7 =	vand.u32 $0xFFFF0000, v10;
	v2 =	vadd.f32 v6, v5;
	v5 =	vld [tilespmem:s6+$0x30]  }
0x2d9: {  	v1 =	vadd.f32 v7, v1;
	v6 =	vld [tilespmem:s11+$0x30]  }
0x2da: {  	[tilespmem:s24+$0xFFFFFFC0] =	vst v0  }
0x2db: {  	v8 =	vld [tilespmem:s7+$0xFFFFFFD0];
	v0 =	vmax.f32 v1, $0.0e+00;
	v1 =	vmax.f32 v2, $0.0e+00  }
0x2dc: {  	v2 =	vld [tilespmem:s0+$0xFFFFFFD0];
	v7 =	vand.u32 $0xFFFF0000, v4;
	v0 =	vadd.f32 v1, v0;
	v1 =	vshll.u32 v3, $0x10  }
0x2dd: {  	v4 =	vshll.u32 v4, $0x10;
	v3 =	vand.u32 $0xFFFF0000, v3;
	v1 =	vadd.f32 v7, v1  }
0x2de: {  	[tilespmem:s24+$0x60] =	vst v0;
	v0 =	vshll.u32 v5, $0x10;
	v9 =	vshll.u32 v6, $0x10;
	v6 =	vand.u32 $0xFFFF0000, v6  }
0x2df: {  	s26 =	simm.s32 $0x7980;
	v3 =	vadd.f32 v4, v3;
	v5 =	vand.u32 $0xFFFF0000, v5;
	v0 =	vadd.f32 v6, v0  }
0x2e0: {  	v11 =	vld [tilespmem:s26+$0x0];
	v5 =	vadd.f32 v9, v5;
	v1 =	vmax.f32 v1, $0.0e+00;
	v9 =	vshll.u32 v8, $0x10  }
0x2e1: {  	s1 =	simm.s32 $0x5180;
	v7 =	vld [tilespmem:s0+$0x70];
	v3 =	vmax.f32 v3, $0.0e+00;
	v4 =	vand.u32 $0xFFFF0000, v2;
	v2 =	vshll.u32 v2, $0x10  }
0x2e2: {  	v6 =	vld [tilespmem:s1+$0x0];
	v1 =	vadd.f32 v3, v1;
	v0 =	vmax.f32 v0, $0.0e+00;
	v5 =	vmax.f32 v5, $0.0e+00  }
0x2e3: {  	v3 =	vand.u32 $0xFFFF0000, v8;
	v4 =	vadd.f32 v9, v4;
	v9 =	vld [tilespmem:s1+$0xFFFFFF80];
	v0 =	vadd.f32 v5, v0  }
0x2e4: {  	v2 =	vadd.f32 v3, v2;
	v5 =	vld [tilespmem:s26+$0xFFFFFF80]  }
0x2e5: {  	v13 =	vshll.u32 v11, $0x10;
	v11 =	vand.u32 $0xFFFF0000, v11;
	[tilespmem:s25+$0x30] =	vst v0  }
0x2e6: {  	v3 =	vmax.f32 v4, $0.0e+00;
	v2 =	vmax.f32 v2, $0.0e+00;
	v4 =	vshll.u32 v7, $0x10;
	v12 =	vld [tilespmem:s6+$0x40]  }
0x2e7: {  	v0 =	vand.u32 $0xFFFF0000, v7;
	v8 =	vshll.u32 v6, $0x10;
	v6 =	vand.u32 $0xFFFF0000, v6;
	v14 =	vld [tilespmem:s11+$0x40]  }
0x2e8: {  	v10 =	vld [tilespmem:s7+$0x70];
	v8 =	vadd.f32 v11, v8;
	v6 =	vadd.f32 v13, v6;
	v15 =	vshll.u32 v9, $0x10  }
0x2e9: {  	[tilespmem:s25+$0xFFFFFFA0] =	vst v1;
	v1 =	vand.u32 $0xFFFF0000, v9;
	v9 =	vshll.u32 v5, $0x10;
	v5 =	vand.u32 $0xFFFF0000, v5  }
0x2ea: {  	v31 =	vld [tilespmem:s11+$0xFFFFFFB0];
	v8 =	vmax.f32 v8, $0.0e+00;
	v6 =	vmax.f32 v6, $0.0e+00;
	v5 =	vadd.f32 v5, v15  }
0x2eb: {  	v11 =	vld [tilespmem:s6+$0xFFFFFFB0];
	v1 =	vadd.f32 v9, v1;
	v6 =	vadd.f32 v6, v8;
	v8 =	vshll.u32 v12, $0x10  }
0x2ec: {  	s28 =	simm.s32 $0xA180;
	v9 =	vand.u32 $0xFFFF0000, v12;
	v32 =	vshll.u32 v14, $0x10;
	v14 =	vand.u32 $0xFFFF0000, v14  }
0x2ed: {  	v7 =	vand.u32 $0xFFFF0000, v10;
	[tilespmem:s28+$0x0] =	vst v6;
	v6 =	vadd.f32 v14, v8;
	v8 =	vadd.f32 v32, v9  }
0x2ee: {  	v2 =	vadd.f32 v3, v2;
	v3 =	vmax.f32 v5, $0.0e+00;
	v1 =	vmax.f32 v1, $0.0e+00;
	v5 =	vld [tilespmem:s1+$0x10]  }
0x2ef: {  	v1 =	vadd.f32 v1, v3;
	v3 =	vld [tilespmem:s26+$0x10];
	v6 =	vmax.f32 v6, $0.0e+00;
	v8 =	vmax.f32 v8, $0.0e+00  }
0x2f0: {  	[tilespmem:s24+$0xFFFFFFD0] =	vst v2;
	v2 =	vshll.u32 v11, $0x10;
	v9 =	vand.u32 $0xFFFF0000, v31;
	v6 =	vadd.f32 v8, v6  }
0x2f1: {  	v4 =	vadd.f32 v7, v4;
	v7 =	vld [tilespmem:s0+$0xFFFFFFE0];
	[tilespmem:s28+$0xFFFFFF80] =	vst v1;
	v1 =	vadd.f32 v9, v2;
	v8 =	vshll.u32 v10, $0x10  }
0x2f2: {  	v2 =	vand.u32 $0xFFFF0000, v11;
	v9 =	vld [tilespmem:s1+$0xFFFFFF90];
	v0 =	vadd.f32 v8, v0;
	v8 =	vshll.u32 v31, $0x10;
	[tilespmem:s25+$0x40] =	vst v6  }
0x2f3: {  	v1 =	vmax.f32 v1, $0.0e+00;
	v2 =	vadd.f32 v8, v2;
	v6 =	vshll.u32 v5, $0x10;
	v8 =	vld [tilespmem:s6+$0x50]  }
0x2f4: {  	v5 =	vand.u32 $0xFFFF0000, v5;
	v10 =	vshll.u32 v3, $0x10;
	v3 =	vand.u32 $0xFFFF0000, v3;
	v11 =	vld [tilespmem:s11+$0x50]  }
0x2f5: {  	v33 =	vld [tilespmem:s26+$0xFFFFFF90];
	v3 =	vadd.f32 v3, v6;
	v5 =	vadd.f32 v10, v5;
	v2 =	vmax.f32 v2, $0.0e+00  }
0x2f6: {  	v4 =	vmax.f32 v4, $0.0e+00;
	v6 =	vshll.u32 v7, $0x10;
	v1 =	vadd.f32 v2, v1  }
0x2f7: {  	v2 =	vand.u32 $0xFFFF0000, v7;
	v3 =	vmax.f32 v3, $0.0e+00;
	v5 =	vmax.f32 v5, $0.0e+00  }
0x2f8: {  	v7 =	vld [tilespmem:s7+$0xFFFFFFE0];
	v10 =	vand.u32 $0xFFFF0000, v9;
	v3 =	vadd.f32 v5, v3;
	[tilespmem:s25+$0xFFFFFFB0] =	vst v1;
	v1 =	vshll.u32 v8, $0x10  }
0x2f9: {  	v5 =	vld [tilespmem:s6+$0xFFFFFFC0];
	v8 =	vand.u32 $0xFFFF0000, v8;
	v34 =	vshll.u32 v11, $0x10;
	v11 =	vand.u32 $0xFFFF0000, v11  }
0x2fa: {  	v35 =	vshll.u32 v33, $0x10;
	[tilespmem:s28+$0x10] =	vst v3;
	v3 =	vld [tilespmem:s11+$0xFFFFFFC0];
	v1 =	vadd.f32 v11, v1;
	v8 =	vadd.f32 v34, v8  }
0x2fb: {  	v9 =	vshll.u32 v9, $0x10;
	v10 =	vadd.f32 v35, v10;
	v11 =	vand.u32 $0xFFFF0000, v33;
	v36 =	vld [tilespmem:s1+$0x20]  }
0x2fc: {  	v9 =	vadd.f32 v11, v9;
	v11 =	vld [tilespmem:s26+$0x20];
	v1 =	vmax.f32 v1, $0.0e+00;
	v8 =	vmax.f32 v8, $0.0e+00  }
0x2fd: {  	v10 =	vmax.f32 v10, $0.0e+00;
	v37 =	vshll.u32 v7, $0x10;
	v1 =	vadd.f32 v8, v1  }
0x2fe: {  	v8 =	vmax.f32 v9, $0.0e+00;
	v9 =	vshll.u32 v5, $0x10;
	v5 =	vand.u32 $0xFFFF0000, v5  }
0x2ff: {  	v8 =	vadd.f32 v10, v8;
	v10 =	vshll.u32 v3, $0x10;
	v3 =	vand.u32 $0xFFFF0000, v3;
	[tilespmem:s25+$0x50] =	vst v1  }
0x300: {  	v1 =	vshll.u32 v36, $0x10;
	v3 =	vadd.f32 v3, v9;
	v5 =	vadd.f32 v10, v5;
	v9 =	vld [tilespmem:s6+$0x60]  }
0x301: {  	[tilespmem:s28+$0xFFFFFF90] =	vst v8;
	v8 =	vand.u32 $0xFFFF0000, v36;
	v10 =	vshll.u32 v11, $0x10;
	v11 =	vand.u32 $0xFFFF0000, v11;
	v38 =	vld [tilespmem:s11+$0x60]  }
0x302: {  	v7 =	vand.u32 $0xFFFF0000, v7;
	v39 =	vld [tilespmem:s1+$0xFFFFFFA0];
	v1 =	vadd.f32 v11, v1;
	v8 =	vadd.f32 v10, v8  }
0x303: {  	v6 =	vadd.f32 v7, v6;
	v3 =	vmax.f32 v3, $0.0e+00;
	v7 =	vld [tilespmem:s26+$0xFFFFFFA0];
	v5 =	vmax.f32 v5, $0.0e+00  }
0x304: {  	v3 =	vadd.f32 v5, v3;
	v1 =	vmax.f32 v1, $0.0e+00;
	v8 =	vmax.f32 v8, $0.0e+00  }
0x305: {  	v2 =	vadd.f32 v37, v2;
	v1 =	vadd.f32 v8, v1;
	v5 =	vshll.u32 v9, $0x10  }
0x306: {  	[tilespmem:s25+$0xFFFFFFC0] =	vst v3;
	v3 =	vand.u32 $0xFFFF0000, v9;
	v8 =	vshll.u32 v38, $0x10;
	v9 =	vand.u32 $0xFFFF0000, v38  }
0x307: {  	v11 =	vld [tilespmem:s6+$0xFFFFFFD0];
	v10 =	vshll.u32 v39, $0x10;
	[tilespmem:s28+$0x20] =	vst v1;
	v1 =	vadd.f32 v9, v5;
	v3 =	vadd.f32 v8, v3  }
0x308: {  	v5 =	vand.u32 $0xFFFF0000, v39;
	v8 =	vshll.u32 v7, $0x10;
	v7 =	vand.u32 $0xFFFF0000, v7;
	v9 =	vld [tilespmem:s1+$0x30]  }
0x309: {  	v7 =	vadd.f32 v7, v10;
	v10 =	vld [tilespmem:s26+$0x30];
	v1 =	vmax.f32 v1, $0.0e+00;
	v3 =	vmax.f32 v3, $0.0e+00  }
0x30a: {  	v0 =	vmax.f32 v0, $0.0e+00;
	v5 =	vadd.f32 v8, v5;
	v8 =	vld [tilespmem:s11+$0xFFFFFFD0];
	v3 =	vadd.f32 v3, v1  }
0x30b: {  	v2 =	vmax.f32 v2, $0.0e+00;
	v1 =	vadd.f32 v0, v4;
	v0 =	vmax.f32 v6, $0.0e+00  }
0x30c: {  	v4 =	vmax.f32 v5, $0.0e+00;
	v0 =	vadd.f32 v2, v0;
	v2 =	vmax.f32 v7, $0.0e+00;
	[tilespmem:s25+$0x60] =	vst v3  }
0x30d: {  	v5 =	vand.u32 $0xFFFF0000, v11;
	v3 =	vshll.u32 v11, $0x10;
	v6 =	vshll.u32 v9, $0x10;
	v7 =	vld [tilespmem:s6+$0x70]  }
0x30e: {  	[tilespmem:s24+$0xFFFFFFE0] =	vst v0;
	v0 =	vand.u32 $0xFFFF0000, v9;
	v9 =	vshll.u32 v10, $0x10;
	v10 =	vand.u32 $0xFFFF0000, v10;
	v11 =	vld [tilespmem:s11+$0x70]  }
0x30f: {  	v40 =	vld [tilespmem:s0+$0xFFFFFFF0];
	v6 =	vadd.f32 v10, v6;
	v0 =	vadd.f32 v9, v0;
	s0 =	simm.s32 $0x5280;
	v9 =	vshll.u32 v8, $0x10  }
0x310: {  	v2 =	vadd.f32 v4, v2;
	v8 =	vand.u32 $0xFFFF0000, v8;
	v4 =	vld [tilespmem:s0+$0x0];
	v5 =	vadd.f32 v9, v5  }
0x311: {  	s8 =	simm.s32 $0x7A80;
	v3 =	vadd.f32 v8, v3;
	v6 =	vmax.f32 v6, $0.0e+00;
	v0 =	vmax.f32 v0, $0.0e+00  }
0x312: {  	v8 =	vld [tilespmem:s8+$0x0];
	v0 =	vadd.f32 v0, v6;
	v5 =	vmax.f32 v5, $0.0e+00;
	v6 =	vshll.u32 v7, $0x10  }
0x313: {  	v9 =	vld [tilespmem:s0+$0xFFFFFF80];
	v7 =	vand.u32 $0xFFFF0000, v7;
	v10 =	vshll.u32 v11, $0x10;
	v11 =	vand.u32 $0xFFFF0000, v11  }
0x314: {  	v41 =	vld [tilespmem:s8+$0xFFFFFF80];
	v3 =	vmax.f32 v3, $0.0e+00;
	v6 =	vadd.f32 v11, v6;
	v7 =	vadd.f32 v10, v7  }
0x315: {  	[tilespmem:s28+$0x30] =	vst v0;
	v0 =	vadd.f32 v5, v3;
	v11 =	vshll.u32 v4, $0x10  }
0x316: {  	v3 =	vand.u32 $0xFFFF0000, v4;
	v5 =	vld [tilespmem:s1+$0x40];
	v4 =	vmax.f32 v6, $0.0e+00;
	v6 =	vmax.f32 v7, $0.0e+00  }
0x317: {  	v42 =	vld [tilespmem:s26+$0x40];
	v7 =	vshll.u32 v8, $0x10;
	v8 =	vand.u32 $0xFFFF0000, v8;
	v4 =	vadd.f32 v6, v4  }
0x318: {  	[tilespmem:s28+$0xFFFFFFA0] =	vst v2;
	v2 =	vshll.u32 v9, $0x10;
	v6 =	vadd.f32 v8, v11;
	v3 =	vadd.f32 v7, v3  }
0x319: {  	v7 =	vld [tilespmem:s1+$0xFFFFFFB0];
	v8 =	vand.u32 $0xFFFF0000, v9;
	v9 =	vshll.u32 v41, $0x10;
	v11 =	vand.u32 $0xFFFF0000, v41  }
0x31a: {  	v2 =	vadd.f32 v11, v2;
	v11 =	vld [tilespmem:s26+$0xFFFFFFB0];
	v6 =	vmax.f32 v6, $0.0e+00;
	v3 =	vmax.f32 v3, $0.0e+00  }
0x31b: {  	[tilespmem:s25+$0xFFFFFFD0] =	vst v0;
	v0 =	vadd.f32 v9, v8;
	v3 =	vadd.f32 v3, v6;
	v6 =	vshll.u32 v5, $0x10  }
0x31c: {  	v5 =	vand.u32 $0xFFFF0000, v5;
	v9 =	vshll.u32 v42, $0x10;
	v43 =	vand.u32 $0xFFFF0000, v42  }
0x31d: {  	s9 =	simm.s32 $0xA280;
	v44 =	vld [tilespmem:s11+$0xFFFFFFE0];
	v2 =	vmax.f32 v2, $0.0e+00;
	v0 =	vmax.f32 v0, $0.0e+00;
	v5 =	vadd.f32 v9, v5  }
0x31e: {  	v8 =	vld [tilespmem:s6+$0xFFFFFFE0];
	v0 =	vadd.f32 v0, v2;
	[tilespmem:s9+$0x0] =	vst v3;
	v3 =	vadd.f32 v43, v6;
	v9 =	vshll.u32 v7, $0x10  }
0x31f: {  	v7 =	vand.u32 $0xFFFF0000, v7;
	v6 =	vld [tilespmem:s0+$0x10];
	v45 =	vshll.u32 v11, $0x10;
	v11 =	vand.u32 $0xFFFF0000, v11  }
0x320: {  	v2 =	vld [tilespmem:s8+$0x10];
	v5 =	vmax.f32 v5, $0.0e+00;
	[tilespmem:s9+$0xFFFFFF80] =	vst v0;
	v3 =	vmax.f32 v3, $0.0e+00;
	v0 =	vadd.f32 v11, v9  }
0x321: {  	v7 =	vadd.f32 v45, v7;
	v3 =	vadd.f32 v5, v3  }
0x322: {  	v10 =	vshll.u32 v40, $0x10;
	v46 =	vand.u32 $0xFFFF0000, v44;
	v11 =	vld [tilespmem:s0+$0xFFFFFF90]  }
0x323: {  	v9 =	vshll.u32 v8, $0x10;
	v49 =	vld [tilespmem:s8+$0xFFFFFF90];
	v0 =	vmax.f32 v0, $0.0e+00;
	v7 =	vmax.f32 v7, $0.0e+00;
	[tilespmem:s28+$0x40] =	vst v3  }
0x324: {  	v3 =	vand.u32 $0xFFFF0000, v8;
	v0 =	vadd.f32 v7, v0;
	v47 =	vshll.u32 v6, $0x10;
	v48 =	vld [tilespmem:s1+$0x50]  }
0x325: {  	v6 =	vand.u32 $0xFFFF0000, v6;
	v16 =	vshll.u32 v2, $0x10;
	v2 =	vand.u32 $0xFFFF0000, v2;
	v17 =	vld [tilespmem:s26+$0x50]  }
0x326: {  	v8 =	vshll.u32 v44, $0x10;
	v2 =	vadd.f32 v2, v47;
	v6 =	vadd.f32 v16, v6  }
0x327: {  	v7 =	vadd.f32 v46, v9;
	v3 =	vadd.f32 v8, v3;
	v50 =	vshll.u32 v11, $0x10  }
0x328: {  	v5 =	vld [tilespmem:s7+$0xFFFFFFF0];
	v11 =	vand.u32 $0xFFFF0000, v11;
	[tilespmem:s28+$0xFFFFFFB0] =	vst v0;
	v2 =	vmax.f32 v2, $0.0e+00;
	v6 =	vmax.f32 v6, $0.0e+00  }
0x329: {  	v14 =	vand.u32 $0xFFFF0000, v49;
	v52 =	vld [tilespmem:s26+$0xFFFFFFC0];
	v2 =	vadd.f32 v6, v2;
	v0 =	vshll.u32 v48, $0x10  }
0x32a: {  	v6 =	vld [tilespmem:s1+$0xFFFFFFC0];
	v15 =	vand.u32 $0xFFFF0000, v48;
	v51 =	vshll.u32 v17, $0x10;
	v17 =	vand.u32 $0xFFFF0000, v17  }
0x32b: {  	[tilespmem:s9+$0x10] =	vst v2;
	v0 =	vadd.f32 v17, v0;
	v2 =	vshll.u32 v49, $0x10;
	v15 =	vadd.f32 v51, v15  }
0x32c: {  	v12 =	vand.u32 $0xFFFF0000, v40;
	v8 =	vadd.f32 v14, v50;
	v2 =	vadd.f32 v2, v11;
	v11 =	vld [tilespmem:s0+$0x20]  }
0x32d: {  	v7 =	vmax.f32 v7, $0.0e+00;
	v53 =	vld [tilespmem:s8+$0x20];
	v0 =	vmax.f32 v0, $0.0e+00;
	v54 =	vmax.f32 v15, $0.0e+00  }
0x32e: {  	v9 =	vand.u32 $0xFFFF0000, v5;
	v8 =	vmax.f32 v8, $0.0e+00;
	v0 =	vadd.f32 v54, v0  }
0x32f: {  	v56 =	vand.u32 $0xFFFF0000, v52;
	v2 =	vmax.f32 v2, $0.0e+00;
	v55 =	vshll.u32 v6, $0x10  }
0x330: {  	v6 =	vand.u32 $0xFFFF0000, v6;
	v2 =	vadd.f32 v2, v8;
	v8 =	vshll.u32 v52, $0x10;
	[tilespmem:s28+$0x50] =	vst v0  }
0x331: {  	v14 =	vadd.f32 v56, v55;
	v6 =	vadd.f32 v8, v6;
	v0 =	vshll.u32 v11, $0x10;
	v8 =	vld [tilespmem:s1+$0x60]  }
0x332: {  	[tilespmem:s9+$0xFFFFFF90] =	vst v2;
	v2 =	vand.u32 $0xFFFF0000, v11;
	v11 =	vshll.u32 v53, $0x10;
	v13 =	vand.u32 $0xFFFF0000, v53;
	v57 =	vld [tilespmem:s26+$0x60]  }
0x333: {  	v3 =	vmax.f32 v3, $0.0e+00;
	v58 =	vld [tilespmem:s0+$0xFFFFFFA0];
	v0 =	vadd.f32 v13, v0;
	v2 =	vadd.f32 v11, v2  }
0x334: {  	v9 =	vadd.f32 v9, v10;
	v11 =	vmax.f32 v14, $0.0e+00;
	v59 =	vld [tilespmem:s8+$0xFFFFFFA0];
	v6 =	vmax.f32 v6, $0.0e+00  }
0x335: {  	v6 =	vadd.f32 v6, v11;
	v0 =	vmax.f32 v0, $0.0e+00;
	v2 =	vmax.f32 v2, $0.0e+00  }
0x336: {  	v3 =	vadd.f32 v3, v7;
	v0 =	vadd.f32 v2, v0;
	v2 =	vshll.u32 v8, $0x10  }
0x337: {  	[tilespmem:s28+$0xFFFFFFC0] =	vst v6;
	v6 =	vand.u32 $0xFFFF0000, v8;
	v7 =	vshll.u32 v57, $0x10;
	v8 =	vand.u32 $0xFFFF0000, v57  }
0x338: {  	v11 =	vld [tilespmem:s1+$0xFFFFFFD0];
	v10 =	vshll.u32 v58, $0x10;
	[tilespmem:s9+$0x20] =	vst v0;
	v0 =	vadd.f32 v8, v2;
	v2 =	vadd.f32 v7, v6  }
0x339: {  	v6 =	vand.u32 $0xFFFF0000, v58;
	v7 =	vshll.u32 v59, $0x10;
	v8 =	vand.u32 $0xFFFF0000, v59;
	v60 =	vld [tilespmem:s0+$0x30]  }
0x33a: {  	v8 =	vadd.f32 v8, v10;
	v10 =	vld [tilespmem:s8+$0x30];
	v0 =	vmax.f32 v0, $0.0e+00;
	v2 =	vmax.f32 v2, $0.0e+00  }
0x33b: {  	v61 =	vshll.u32 v5, $0x10;
	[tilespmem:s25+$0xFFFFFFE0] =	vst v3;
	v5 =	vld [tilespmem:s26+$0xFFFFFFD0];
	v6 =	vadd.f32 v7, v6;
	v2 =	vadd.f32 v2, v0  }
0x33c: {  	[tilespmem:s24+$0x70] =	vst v1;
	v12 =	vadd.f32 v61, v12;
	v3 =	vld [tilespmem:s6+$0xFFFFFFF0];
	v0 =	vmax.f32 v9, $0.0e+00;
	v9 =	vmax.f32 v8, $0.0e+00  }
0x33d: {  	v1 =	vmax.f32 v6, $0.0e+00;
	v7 =	vshll.u32 v11, $0x10;
	v8 =	vand.u32 $0xFFFF0000, v11;
	[tilespmem:s28+$0x60] =	vst v2  }
0x33e: {  	v9 =	vadd.f32 v1, v9;
	v1 =	vmax.f32 v12, $0.0e+00;
	v11 =	vshll.u32 v60, $0x10;
	v6 =	vld [tilespmem:s1+$0x70]  }
0x33f: {  	s10 =	simm.s32 $0x5380;
	[tilespmem:s25+$0x70] =	vst v4;
	v62 =	vand.u32 $0xFFFF0000, v60;
	v63 =	vshll.u32 v10, $0x10;
	v10 =	vand.u32 $0xFFFF0000, v10;
	v4 =	vld [tilespmem:s26+$0x70]  }
0x340: {  	s7 =	simm.s32 $0x7A80;
	s6 =	simm.s32 $0xA280;
	v2 =	vld [tilespmem:s11+$0xFFFFFFF0];
	s11 =	simm.s32 $0x6;
	[tilespmem:s9+$0xFFFFFFA0] =	vst v9;
	v9 =	vshll.u32 v5, $0x10;
	v10 =	vadd.f32 v10, v11;
	v11 =	vadd.f32 v63, v62  }
.LBB2_8:
0x341: {  	v12 =	vld [tilespmem:s10+$0x0];
	v13 =	vand.u32 $0xFFFF0000, v5;
	v8 =	vadd.f32 v9, v8;
	v5 =	vshll.u32 v3, $0x10  }
0x342: {  	s8 =	sadd.s32 $0x100, s8;
	v9 =	vld [tilespmem:s10+$0xFFFFFF80];
	v10 =	vmax.f32 v10, $0.0e+00;
	v11 =	vmax.f32 v11, $0.0e+00;
	v7 =	vadd.f32 v13, v7  }
0x343: {  	v13 =	vld [tilespmem:s8+$0x0];
	v10 =	vadd.f32 v11, v10;
	v8 =	vmax.f32 v8, $0.0e+00;
	v11 =	vshll.u32 v6, $0x10  }
0x344: {  	v6 =	vand.u32 $0xFFFF0000, v6;
	v14 =	vld [tilespmem:s8+$0xFFFFFF80];
	v15 =	vshll.u32 v4, $0x10;
	v4 =	vand.u32 $0xFFFF0000, v4  }
0x345: {  	v7 =	vmax.f32 v7, $0.0e+00;
	v16 =	vld [tilespmem:s0+$0xFFFFFFB0];
	v11 =	vadd.f32 v4, v11;
	v6 =	vadd.f32 v15, v6  }
0x346: {  	v7 =	vadd.f32 v8, v7;
	v4 =	vand.u32 $0xFFFF0000, v3;
	v15 =	vshll.u32 v12, $0x10;
	v17 =	vld [tilespmem:s7+$0xFFFFFFB0];
	[tilespmem:s9+$0x30] =	vst v10  }
0x347: {  	v3 =	vand.u32 $0xFFFF0000, v12;
	v8 =	vld [tilespmem:s0+$0x40];
	v10 =	vmax.f32 v11, $0.0e+00;
	v6 =	vmax.f32 v6, $0.0e+00  }
0x348: {  	v11 =	vshll.u32 v13, $0x10;
	v12 =	vand.u32 $0xFFFF0000, v13;
	v13 =	vld [tilespmem:s7+$0x40];
	[tilespmem:s28+$0xFFFFFFD0] =	vst v7;
	v6 =	vadd.f32 v6, v10  }
0x349: {  	v7 =	vshll.u32 v9, $0x10;
	v10 =	vadd.f32 v12, v15;
	v3 =	vadd.f32 v11, v3;
	v11 =	vld [tilespmem:s1+$0xFFFFFFE0]  }
0x34a: {  	v9 =	vand.u32 $0xFFFF0000, v9;
	v12 =	vshll.u32 v14, $0x10;
	v14 =	vand.u32 $0xFFFF0000, v14;
	v15 =	vld [tilespmem:s26+$0xFFFFFFE0];
	[tilespmem:s28+$0x70] =	vst v6  }
0x34b: {  	s11 =	sadd.s32 $0x2, s11;
	v6 =	vadd.f32 v14, v7;
	v7 =	vmax.f32 v10, $0.0e+00;
	v3 =	vmax.f32 v3, $0.0e+00  }
0x34c: {  	p0 =	slt.u32 s11, $0x4E;
	v9 =	vadd.f32 v12, v9;
	v3 =	vadd.f32 v3, v7;
	v7 =	vshll.u32 v8, $0x10  }
0x34d: {  	s9 =	sadd.s32 $0x100, s9;
	v8 =	vand.u32 $0xFFFF0000, v8;
	v10 =	vshll.u32 v13, $0x10;
	v12 =	vand.u32 $0xFFFF0000, v13  }
0x34e: {  	v6 =	vmax.f32 v6, $0.0e+00;
	[tilespmem:s9+$0x0] =	vst v3;
	v3 =	vadd.f32 v12, v7;
	v7 =	vadd.f32 v10, v8  }
0x34f: {  	v8 =	vmax.f32 v9, $0.0e+00;
	v10 =	vshll.u32 v16, $0x10;
	v12 =	vand.u32 $0xFFFF0000, v16;
	v9 =	vld [tilespmem:s10+$0x10]  }
0x350: {  	v6 =	vadd.f32 v8, v6;
	v8 =	vld [tilespmem:s8+$0x10];
	v3 =	vmax.f32 v3, $0.0e+00;
	v7 =	vmax.f32 v7, $0.0e+00  }
0x351: {  	v14 =	vand.u32 $0xFFFF0000, v17;
	v13 =	vshll.u32 v17, $0x10;
	v3 =	vadd.f32 v7, v3  }
0x352: {  	v7 =	vadd.f32 v13, v12;
	[tilespmem:s9+$0xFFFFFF80] =	vst v6;
	v6 =	vadd.f32 v14, v10;
	v10 =	vshll.u32 v11, $0x10  }
0x353: {  	v13 =	vand.u32 $0xFFFF0000, v15;
	v12 =	vld [tilespmem:s10+$0xFFFFFF90];
	[tilespmem:s6+$0x40] =	vst v3;
	v3 =	vand.u32 $0xFFFF0000, v11;
	v11 =	vshll.u32 v15, $0x10  }
0x354: {  	v7 =	vmax.f32 v7, $0.0e+00;
	v14 =	vshll.u32 v9, $0x10;
	v6 =	vmax.f32 v6, $0.0e+00;
	v15 =	vld [tilespmem:s0+$0x50]  }
0x355: {  	v9 =	vand.u32 $0xFFFF0000, v9;
	v16 =	vshll.u32 v8, $0x10;
	v8 =	vand.u32 $0xFFFF0000, v8;
	v17 =	vld [tilespmem:s7+$0x50]  }
0x356: {  	v18 =	vld [tilespmem:s8+$0xFFFFFF90];
	v8 =	vadd.f32 v8, v14;
	v9 =	vadd.f32 v16, v9;
	v14 =	vshll.u32 v2, $0x10  }
0x357: {  	v6 =	vadd.f32 v7, v6;
	v7 =	vadd.f32 v13, v10;
	v2 =	vand.u32 $0xFFFF0000, v2  }
0x358: {  	v10 =	vshll.u32 v12, $0x10;
	v8 =	vmax.f32 v8, $0.0e+00;
	v9 =	vmax.f32 v9, $0.0e+00  }
0x359: {  	v12 =	vand.u32 $0xFFFF0000, v12;
	v8 =	vadd.f32 v9, v8;
	[tilespmem:s6+$0xFFFFFFB0] =	vst v6;
	v6 =	vshll.u32 v15, $0x10  }
0x35a: {  	v13 =	vand.u32 $0xFFFF0000, v15;
	v9 =	vld [tilespmem:s0+$0xFFFFFFC0];
	v15 =	vshll.u32 v17, $0x10;
	v16 =	vand.u32 $0xFFFF0000, v17  }
0x35b: {  	v17 =	vshll.u32 v18, $0x10;
	[tilespmem:s9+$0x10] =	vst v8;
	v8 =	vld [tilespmem:s7+$0xFFFFFFC0];
	v6 =	vadd.f32 v16, v6;
	v13 =	vadd.f32 v15, v13  }
0x35c: {  	v3 =	vadd.f32 v11, v3;
	v15 =	vand.u32 $0xFFFF0000, v18;
	v12 =	vadd.f32 v17, v12;
	v16 =	vld [tilespmem:s10+$0x20]  }
0x35d: {  	v10 =	vadd.f32 v15, v10;
	v11 =	vld [tilespmem:s8+$0x20];
	v6 =	vmax.f32 v6, $0.0e+00;
	v13 =	vmax.f32 v13, $0.0e+00  }
0x35e: {  	v7 =	vmax.f32 v7, $0.0e+00;
	v12 =	vmax.f32 v12, $0.0e+00;
	v6 =	vadd.f32 v13, v6  }
0x35f: {  	v10 =	vmax.f32 v10, $0.0e+00;
	v13 =	vshll.u32 v9, $0x10;
	v9 =	vand.u32 $0xFFFF0000, v9  }
0x360: {  	v10 =	vadd.f32 v12, v10;
	v12 =	vshll.u32 v8, $0x10;
	v8 =	vand.u32 $0xFFFF0000, v8;
	[tilespmem:s6+$0x50] =	vst v6  }
0x361: {  	v6 =	vshll.u32 v16, $0x10;
	v8 =	vadd.f32 v8, v13;
	v9 =	vadd.f32 v12, v9;
	v12 =	vld [tilespmem:s0+$0x60]  }
0x362: {  	[tilespmem:s9+$0xFFFFFF90] =	vst v10;
	v10 =	vand.u32 $0xFFFF0000, v16;
	v13 =	vshll.u32 v11, $0x10;
	v11 =	vand.u32 $0xFFFF0000, v11;
	v15 =	vld [tilespmem:s7+$0x60]  }
0x363: {  	v16 =	vld [tilespmem:s10+$0xFFFFFFA0];
	v6 =	vadd.f32 v11, v6;
	v10 =	vadd.f32 v13, v10;
	v8 =	vmax.f32 v8, $0.0e+00  }
0x364: {  	v3 =	vmax.f32 v3, $0.0e+00;
	v2 =	vadd.f32 v2, v5;
	v9 =	vmax.f32 v9, $0.0e+00;
	v11 =	vld [tilespmem:s8+$0xFFFFFFA0]  }
0x365: {  	v8 =	vadd.f32 v9, v8;
	v5 =	vmax.f32 v6, $0.0e+00;
	v6 =	vmax.f32 v10, $0.0e+00  }
0x366: {  	v3 =	vadd.f32 v3, v7;
	v5 =	vadd.f32 v6, v5;
	v6 =	vshll.u32 v12, $0x10  }
0x367: {  	v7 =	vand.u32 $0xFFFF0000, v12;
	[tilespmem:s6+$0xFFFFFFC0] =	vst v8;
	v8 =	vshll.u32 v15, $0x10;
	v9 =	vand.u32 $0xFFFF0000, v15  }
0x368: {  	v10 =	vshll.u32 v16, $0x10;
	[tilespmem:s9+$0x20] =	vst v5;
	v12 =	vld [tilespmem:s0+$0xFFFFFFD0];
	v5 =	vadd.f32 v9, v6;
	v6 =	vadd.f32 v8, v7  }
0x369: {  	v7 =	vand.u32 $0xFFFF0000, v16;
	v8 =	vshll.u32 v11, $0x10;
	v9 =	vand.u32 $0xFFFF0000, v11;
	v11 =	vld [tilespmem:s10+$0x30];
	[tilespmem:s28+$0xFFFFFFE0] =	vst v3  }
0x36a: {  	v3 =	vadd.f32 v9, v10;
	v9 =	vld [tilespmem:s8+$0x30];
	v10 =	vmax.f32 v5, $0.0e+00;
	v6 =	vmax.f32 v6, $0.0e+00  }
0x36b: {  	v2 =	vmax.f32 v2, $0.0e+00;
	v7 =	vadd.f32 v8, v7;
	v5 =	vld [tilespmem:s7+$0xFFFFFFD0];
	v6 =	vadd.f32 v6, v10  }
.Ltmp3:
0x36c: {  	v4 =	vadd.f32 v14, v4;
	v13 =	vadd.f32 v1, v0;
	v0 =	vmovc v2;
	v10 =	vmax.f32 v3, $0.0e+00;
	v3 =	vld [tilespmem:s1+$0xFFFFFFF0];
	s1 =	smov.u32 s0;
	s0 =	smov.u32 s10;
	(pc) =	sbr.rel @p0 .LBB2_8-.Ltmp3, $4  }
0x36d: {  	v1 =	vmax.f32 v7, $0.0e+00;
	v7 =	vshll.u32 v12, $0x10;
	v8 =	vand.u32 $0xFFFF0000, v12;
	[tilespmem:s6+$0x60] =	vst v6;
	v2 =	vld [tilespmem:s26+$0xFFFFFFF0];
	s26 =	smov.u32 s7;
	s7 =	smov.u32 s8  }
0x36e: {  	v10 =	vadd.f32 v1, v10;
	v1 =	vmax.f32 v4, $0.0e+00;
	v12 =	vshll.u32 v11, $0x10;
	v6 =	vld [tilespmem:s1+$0x70];
	[tilespmem:s24+$0xFFFFFFF0] =	vst v13;
	s24 =	smov.u32 s25;
	s25 =	smov.u32 s28;
	s28 =	smov.u32 s6  }
0x36f: {  	v11 =	vand.u32 $0xFFFF0000, v11;
	s6 =	smov.u32 s9;
	v13 =	vshll.u32 v9, $0x10;
	v9 =	vand.u32 $0xFFFF0000, v9;
	v4 =	vld [tilespmem:s26+$0x70]  }
0x370: {  	s10 =	sadd.s32 $0x100, s10;
	[tilespmem:s9+$0xFFFFFFA0] =	vst v10;
	v10 =	vadd.f32 v9, v12;
	v11 =	vadd.f32 v13, v11;
	v9 =	vshll.u32 v5, $0x10  }
0x371: {  	v12 =	vld [tilespmem:s0+$0xFFFFFFB0]  }
0x372: {  	v13 =	vld [tilespmem:s7+$0xFFFFFFB0];
	_ =	sdelay $0x2  }
0x373: {  	v10 =	vmax.f32 v10, $0.0e+00;
	v11 =	vmax.f32 v11, $0.0e+00  }
0x374: {  	v10 =	vadd.f32 v11, v10;
	v35 =	vshll.u32 v12, $0x10  }
0x375: {  	v36 =	vand.u32 $0xFFFF0000, v12;
	v37 =	vshll.u32 v13, $0x10;
	v13 =	vand.u32 $0xFFFF0000, v13  }
0x376: {  	[tilespmem:s9+$0x30] =	vst v10;
	v11 =	vadd.f32 v13, v35;
	v10 =	vadd.f32 v37, v36  }
0x377: {  	v14 =	vld [tilespmem:s0+$0x40]  }
0x378: {  	v38 =	vld [tilespmem:s7+$0x40];
	v11 =	vmax.f32 v11, $0.0e+00;
	v10 =	vmax.f32 v10, $0.0e+00  }
0x379: {  	v10 =	vadd.f32 v10, v11;
	_ =	sdelay $0x1  }
0x37a: {  	[tilespmem:s6+$0xFFFFFFB0] =	vst v10  }
0x37b: {  	v39 =	vshll.u32 v14, $0x10;
	v42 =	vld [tilespmem:s0+$0xFFFFFFC0]  }
0x37c: {  	v40 =	vand.u32 $0xFFFF0000, v14;
	v41 =	vshll.u32 v38, $0x10;
	v12 =	vand.u32 $0xFFFF0000, v38;
	v43 =	vld [tilespmem:s7+$0xFFFFFFC0]  }
0x37d: {  	v11 =	vadd.f32 v12, v39;
	v10 =	vadd.f32 v41, v40;
	_ =	sdelay $0x1  }
0x37e: {  	v11 =	vmax.f32 v11, $0.0e+00;
	v10 =	vmax.f32 v10, $0.0e+00  }
0x37f: {  	v10 =	vadd.f32 v10, v11;
	v44 =	vshll.u32 v42, $0x10  }
0x380: {  	v45 =	vand.u32 $0xFFFF0000, v42;
	v46 =	vshll.u32 v43, $0x10;
	v12 =	vand.u32 $0xFFFF0000, v43  }
0x381: {  	[tilespmem:s6+$0x40] =	vst v10;
	v11 =	vadd.f32 v12, v44;
	v10 =	vadd.f32 v46, v45  }
0x382: {  	v47 =	vld [tilespmem:s0+$0x50]  }
0x383: {  	v48 =	vld [tilespmem:s7+$0x50];
	v11 =	vmax.f32 v11, $0.0e+00;
	v10 =	vmax.f32 v10, $0.0e+00  }
0x384: {  	v49 =	vadd.f32 v10, v11  }
0x385: {  	v8 =	vadd.f32 v9, v8  }
0x386: {  	v5 =	vand.u32 $0xFFFF0000, v5;
	[tilespmem:s6+$0xFFFFFFC0] =	vst v49  }
0x387: {  	v5 =	vadd.f32 v5, v7;
	v50 =	vmax.f32 v8, $0.0e+00;
	v51 =	vshll.u32 v47, $0x10;
	v55 =	vld [tilespmem:s0+$0xFFFFFFD0]  }
0x388: {  	v52 =	vand.u32 $0xFFFF0000, v47;
	v53 =	vshll.u32 v48, $0x10;
	v54 =	vand.u32 $0xFFFF0000, v48;
	v56 =	vld [tilespmem:s7+$0xFFFFFFD0]  }
0x389: {  	v5 =	vmax.f32 v5, $0.0e+00;
	v8 =	vadd.f32 v54, v51;
	v9 =	vadd.f32 v53, v52  }
0x38a: {  	v5 =	vadd.f32 v50, v5  }
0x38b: {  	v57 =	vmax.f32 v8, $0.0e+00;
	v58 =	vmax.f32 v9, $0.0e+00  }
0x38c: {  	[tilespmem:s28+$0xFFFFFFD0] =	vst v5;
	v59 =	vadd.f32 v58, v57;
	v61 =	vshll.u32 v55, $0x10  }
0x38d: {  	v60 =	vld [tilespmem:s1+$0xFFFFFFE0];
	v63 =	vand.u32 $0xFFFF0000, v55;
	v16 =	vshll.u32 v56, $0x10;
	v10 =	vand.u32 $0xFFFF0000, v56  }
0x38e: {  	v62 =	vld [tilespmem:s26+$0xFFFFFFE0];
	[tilespmem:s6+$0x50] =	vst v59;
	v5 =	vadd.f32 v16, v63;
	v8 =	vadd.f32 v10, v61  }
0x38f: {  	v17 =	vld [tilespmem:s0+$0x60]  }
0x390: {  	v18 =	vld [tilespmem:s7+$0x60];
	v5 =	vmax.f32 v5, $0.0e+00;
	v8 =	vmax.f32 v8, $0.0e+00  }
0x391: {  	v26 =	vshll.u32 v6, $0x10;
	v34 =	vand.u32 $0xFFFF0000, v4;
	v5 =	vadd.f32 v5, v8  }
0x392: {  	v29 =	vshll.u32 v4, $0x10;
	v4 =	vadd.f32 v34, v26;
	v19 =	vshll.u32 v60, $0x10  }
0x393: {  	v7 =	vand.u32 $0xFFFF0000, v60;
	v20 =	vshll.u32 v62, $0x10;
	v9 =	vand.u32 $0xFFFF0000, v62;
	[tilespmem:s6+$0xFFFFFFD0] =	vst v5  }
0x394: {  	v7 =	vadd.f32 v20, v7;
	v8 =	vadd.f32 v9, v19;
	v21 =	vshll.u32 v17, $0x10;
	v24 =	vld [tilespmem:s0+$0xFFFFFFE0]  }
0x395: {  	v22 =	vand.u32 $0xFFFF0000, v17;
	v23 =	vshll.u32 v18, $0x10;
	v10 =	vand.u32 $0xFFFF0000, v18;
	v25 =	vld [tilespmem:s7+$0xFFFFFFE0]  }
0x396: {  	v27 =	vand.u32 $0xFFFF0000, v6;
	v10 =	vadd.f32 v10, v21;
	v5 =	vadd.f32 v23, v22  }
0x397: {  	v6 =	vadd.f32 v29, v27;
	v7 =	vmax.f32 v7, $0.0e+00;
	v8 =	vmax.f32 v8, $0.0e+00  }
0x398: {  	v7 =	vadd.f32 v7, v8;
	v28 =	vmax.f32 v10, $0.0e+00;
	v5 =	vmax.f32 v5, $0.0e+00  }
0x399: {  	v4 =	vmax.f32 v4, $0.0e+00;
	v5 =	vadd.f32 v5, v28;
	v30 =	vshll.u32 v24, $0x10  }
0x39a: {  	[tilespmem:s28+$0xFFFFFFE0] =	vst v7;
	v31 =	vand.u32 $0xFFFF0000, v24;
	v32 =	vshll.u32 v25, $0x10;
	v33 =	vand.u32 $0xFFFF0000, v25  }
0x39b: {  	v6 =	vmax.f32 v6, $0.0e+00;
	[tilespmem:s6+$0x60] =	vst v5;
	v8 =	vadd.f32 v33, v30;
	v5 =	vadd.f32 v32, v31  }
0x39c: {  	v37 =	vshll.u32 v3, $0x10;
	v4 =	vadd.f32 v6, v4;
	v39 =	vld [tilespmem:s1+$0xFFFFFFF0]  }
0x39d: {  	v40 =	vand.u32 $0xFFFF0000, v3;
	v43 =	vld [tilespmem:s26+$0xFFFFFFF0];
	v38 =	vmax.f32 v8, $0.0e+00;
	v5 =	vmax.f32 v5, $0.0e+00  }
0x39e: {  	v41 =	vand.u32 $0xFFFF0000, v2;
	v42 =	vshll.u32 v2, $0x10;
	v35 =	vld [tilespmem:s0+$0x70];
	v5 =	vadd.f32 v5, v38  }
0x39f: {  	v6 =	vadd.f32 v41, v37;
	v2 =	vadd.f32 v42, v40;
	v36 =	vld [tilespmem:s7+$0x70]  }
0x3a0: {  	[tilespmem:s6+$0xFFFFFFE0] =	vst v5  }
0x3a1: {  	v0 =	vadd.f32 v1, v0;
	v6 =	vmax.f32 v6, $0.0e+00;
	v2 =	vmax.f32 v2, $0.0e+00;
	v47 =	vld [tilespmem:s0+$0xFFFFFFF0]  }
0x3a2: {  	v59 =	vadd.f32 v2, v6;
	v49 =	vshll.u32 v39, $0x10;
	v7 =	vand.u32 $0xFFFF0000, v43;
	v48 =	vld [tilespmem:s7+$0xFFFFFFF0]  }
0x3a3: {  	v50 =	vand.u32 $0xFFFF0000, v39;
	v52 =	vshll.u32 v43, $0x10;
	v1 =	vadd.f32 v7, v49  }
0x3a4: {  	v3 =	vadd.f32 v52, v50;
	v44 =	vshll.u32 v35, $0x10;
	v9 =	vand.u32 $0xFFFF0000, v36  }
0x3a5: {  	v45 =	vand.u32 $0xFFFF0000, v35;
	v46 =	vshll.u32 v36, $0x10;
	v9 =	vadd.f32 v9, v44  }
0x3a6: {  	v5 =	vadd.f32 v46, v45;
	v58 =	vmax.f32 v1, $0.0e+00;
	v53 =	vshll.u32 v47, $0x10  }
0x3a7: {  	v54 =	vand.u32 $0xFFFF0000, v47;
	v55 =	vshll.u32 v48, $0x10;
	v10 =	vand.u32 $0xFFFF0000, v48  }
0x3a8: {  	[tilespmem:s24+$0xFFFFFFF0] =	vst v0;
	v60 =	vmax.f32 v3, $0.0e+00;
	v56 =	vadd.f32 v10, v53;
	v57 =	vadd.f32 v55, v54  }
0x3a9: {  	[tilespmem:s28+$0x70] =	vst v4;
	v0 =	vadd.f32 v60, v58;
	v51 =	vmax.f32 v9, $0.0e+00;
	v5 =	vmax.f32 v5, $0.0e+00  }
0x3aa: {  	[tilespmem:s25+$0xFFFFFFF0] =	vst v59;
	v5 =	vadd.f32 v5, v51;
	v61 =	vmax.f32 v56, $0.0e+00;
	v62 =	vmax.f32 v57, $0.0e+00  }
0x3ab: {  	[tilespmem:s28+$0xFFFFFFF0] =	vst v0;
	v63 =	vadd.f32 v62, v61  }
0x3ac: {  	[tilespmem:s6+$0x70] =	vst v5  }
0x3ad: {  	[tilespmem:s6+$0xFFFFFFF0] =	vst v63  }
0x3ae: {  	s29 =	rddreg [dreg:$0x5]  }
0x3af: {  	[hbm4b:s29+s3] =	stream.linear.scatter [tilespmem:s18], [sflag:$0x3], $0x2800, $0x38;
	[tilespmem:$0x13F00] =	vst v63  }
0x3b0: {  	_ =	swait.ge [sflag:s21], $0x2800  }
0x3b1: {  	[sflag:s21] =	ssyncset.done $0x0  }
0x3b2: {  	s30 =	simm.s32 $0x4;
	[sflag:s21] =	ssyncadd.s32 $0xFFFFD800  }
0x3b3: {  	_ =	swait.ge [sflag:s30], $0x2800  }
0x3b4: {  	s23 =	sadd.s32 $0x1, s23;
	s31 =	rddreg [dreg:$0x6]  }
0x3b5: {  	p0 =	sne.s32 s23, s31  }
.Ltmp4:
0x3b6: {  	_ = 	snop;
	(pc) =	sbr.rel @p0 .LBB2_1-.Ltmp4, $3  }
0x3b7: {  	_ =	sdelay $0x1  }
0x3b8: {  	[sflag:s30] =	ssyncset.done $0x0  }
0x3b9: {  	[sflag:s30] =	ssyncadd.s32 $0xFFFFD800  }
0x3ba: {  	_ =	sfence.sel $0x180000  }
0x3bb: {  	[bflag:$0x0] =	sbarrier.arrive $0xFFFF  }
0x3bc: {  	_ =	strace $0x90000047  }
0x3bd: {  	s0 =	stileid.u32;
	[bflag:$0x2] =	sbarrier.arrive $0xFFFF  }
0x3be: {  	p0 =	sne.s32 s0, $0x0;
	s0 =	rddreg [dreg:$0x2]  }
0x3bf: {  	s0 =	sadd.s32 @!p0 $0x100000, s0  }
0x3c0: {  	[sflag:s0] =	ssyncadd.tile.s32 @!p0 $0x1;
	_ =	shalt  }
.Lfunc_end2:
_tile_overlayer_lowered:
.L_overlay_start_2:
0x3c1: {  	(tag) =	ssettag $0x2  }
0x3c2: {  	s0 =	rddreg [dreg:$0x0];
	s2 =	stileid.u32  }
0x3c3: {  	s1 =	rddreg [dreg:$0x1];
	p0 =	sne.s32 s2, $0x0  }
0x3c4: {  	s3 =	rddreg [dreg:$0x2];
	[bflag:$0x3] =	sbarrier.arrive $0xFFFF;
	s2 =	simm.s32 @!p0 $0x1C05  }
0x3c5: {  	[timem:s3], [sflag:s2] =	dma.local @!p0 [hbm:s0], s1  }
0x3c6: {  	s0 =	simm.s32 @!p0 $0x5  }
0x3c7: {  	_ =	swait.ge @!p0 [sflag:s0], s1  }
0x3c8: {  	s1 =	ssub.s32 @!p0 $0x0, s1;
	[sflag:s0] =	ssyncset.done @!p0 $0x0  }
0x3c9: {  	[sflag:s0] =	ssyncadd.s32 @!p0 s1  }
0x3ca: {  	[bflag:$0x3] =	sbarrier.arrive $0xFFFF  }
0x3cb: {  	_ =	shalt  }

</sc_bundles>
